<compile_context>
chip_gen: v7x
topology: tpu7x:2x2x1
jax: 0.10.2.dev20260603
libtpu: 0.0.44.dev20260713+nightly
codegen_flags: <defaults>
</compile_context>

<pallas_src>
import functools

import jax
import jax.numpy as jnp
from jax import lax
from jax.experimental import pallas as pl
from jax.experimental.pallas import tpu as pltpu
from jax.experimental.pallas import tpu_sc as plsc

N = 10000
E = 320000
D = 128
K = 4
H = 128

NC = 2
NS = 16
NW = NC * NS
L = 16

EC = 128
EPT = -(-(E // NW) // EC)
EPAD = NW * EPT * EC
GC = 128
GPT = -(-(N * K // NW) // GC)
GPAD = NW * GPT * GC
DEPT = 96
DEC = 112
DPAD = NW * DEPT * DEC

NPAD = 10240
RPS = NPAD // NS

_mesh = plsc.VectorSubcoreMesh(core_axis_name="c", subcore_axis_name="s")
_sc_params = pltpu.CompilerParams(needs_layout_passes=False)


@functools.partial(
    pl.kernel,
    out_type=(
        jax.ShapeDtypeStruct((GPAD, D), jnp.float32),
        jax.ShapeDtypeStruct((NC, NPAD), jnp.float32),
    ),
    mesh=_mesh,
    scratch_types=[
        pltpu.VMEM((N,), jnp.int32),
        pltpu.VMEM((GPT, GC), jnp.int32),
        pltpu.VMEM((GPT, GC), jnp.int32),
        pltpu.VMEM((GC, D), jnp.float32),
        pltpu.VMEM((GC, D), jnp.float32),
        pltpu.VMEM((DEPT, DEC), jnp.int32),
        pltpu.VMEM((DEPT, DEC), jnp.float32),
        pltpu.VMEM_SHARED((NPAD,), jnp.float32),
        pltpu.SemaphoreType.DMA,
        pltpu.SemaphoreType.DMA,
        pltpu.SemaphoreType.DMA,
    ],
    compiler_params=_sc_params,
)
def _sc_gather_deg(nodes_hbm, nbr_hbm, dst_hbm, w_hbm, zeros1_hbm, emb_hbm,
                   comb_hbm, degp_hbm,
                   nodes_v, nb_v, idx_v, rows_a, rows_b, dst_v, w_v, deg_sh,
                   gsem_a, gsem_b, dsem):
    c = lax.axis_index("c")
    s = lax.axis_index("s")
    wid = s * NC + c

    pltpu.sync_copy(zeros1_hbm.at[pl.ds(s * RPS, RPS)],
                    deg_sh.at[pl.ds(s * RPS, RPS)])

    pltpu.sync_copy(nodes_hbm, nodes_v)
    pltpu.sync_copy(nbr_hbm.at[wid], nb_v)
    pltpu.sync_copy(dst_hbm.at[wid], dst_v)
    pltpu.sync_copy(w_hbm.at[wid], w_v)
    plsc.subcore_barrier()

    def _deg(j, _):
        pltpu.async_copy(w_v.at[j], deg_sh.at[dst_v.at[j]], dsem, add=True)
        return 0
    lax.fori_loop(0, DEPT, _deg, 0)

    def _xlate(j, _):
        def _grp(g, _):
            nb16 = nb_v[j, pl.ds(g * L, L)]
            idx_v[j, pl.ds(g * L, L)] = plsc.load_gather(nodes_v, [nb16])
            return 0
        lax.fori_loop(0, GC // L, _grp, 0)
        return 0
    lax.fori_loop(0, GPT, _xlate, 0)

    rows = (rows_a, rows_b)
    gsems = (gsem_a, gsem_b)
    pltpu.async_copy(emb_hbm.at[idx_v.at[0]], rows_a, gsem_a)
    pltpu.async_copy(emb_hbm.at[idx_v.at[1]], rows_b, gsem_b)

    def _rows(p, _):
        for b in range(2):
            j = 2 * p + b
            pltpu.make_async_copy(emb_hbm.at[idx_v.at[j]], rows[b],
                                  gsems[b]).wait()
            pltpu.sync_copy(rows[b],
                            comb_hbm.at[pl.ds((wid * GPT + j) * GC, GC)])

            @pl.when(p < GPT // 2 - 1)
            def _():
                pltpu.async_copy(emb_hbm.at[idx_v.at[j + 2]], rows[b],
                                 gsems[b])
        return 0
    lax.fori_loop(0, GPT // 2, _rows, 0)

    def _drain(j, _):
        pltpu.make_async_copy(w_v.at[j], deg_sh.at[dst_v.at[j]], dsem).wait()
        return 0
    lax.fori_loop(0, DEPT, _drain, 0)
    plsc.subcore_barrier()
    pltpu.sync_copy(deg_sh.at[pl.ds(s * RPS, RPS)],
                    degp_hbm.at[c, pl.ds(s * RPS, RPS)])


@functools.partial(
    pl.kernel,
    out_type=jax.ShapeDtypeStruct((NC, NPAD, D), jnp.float32),
    mesh=_mesh,
    scratch_types=[
        pltpu.VMEM((EPT, EC), jnp.int32),
        pltpu.VMEM((EPT, EC), jnp.int32),
        pltpu.VMEM((EPT, EC), jnp.float32),
        pltpu.VMEM((EC, D), jnp.float32),
        pltpu.VMEM_SHARED((NPAD, D), jnp.float32),
        pltpu.SemaphoreType.DMA,
    ],
    compiler_params=_sc_params,
)
def _sc_mp(hs_hbm, src_hbm, dst_hbm, w_hbm, zeros2_hbm, part_hbm,
           src_v, dst_v, w_v, rows_v, agg_sh, sem):
    c = lax.axis_index("c")
    s = lax.axis_index("s")
    wid = s * NC + c

    pltpu.sync_copy(zeros2_hbm.at[pl.ds(s * RPS, RPS)],
                    agg_sh.at[pl.ds(s * RPS, RPS)])
    pltpu.sync_copy(src_hbm.at[wid], src_v)
    pltpu.sync_copy(dst_hbm.at[wid], dst_v)
    pltpu.sync_copy(w_hbm.at[wid], w_v)
    plsc.subcore_barrier()

    def _chunk(j, _):
        pltpu.async_copy(hs_hbm.at[src_v.at[j]], rows_v, sem).wait()

        def _grp(g, _):
            w16 = w_v[j, pl.ds(g * L, L)]
            for i in range(L):
                spl = lax.broadcast(w16[i], (L,))
                e = g * L + i
                for cb in range(D // L):
                    rows_v[e, pl.ds(cb * L, L)] = (
                        rows_v[e, pl.ds(cb * L, L)] * spl)
            return 0
        lax.fori_loop(0, EC // L, _grp, 0)

        pltpu.sync_copy(rows_v, agg_sh.at[dst_v.at[j]], add=True)
        return 0
    lax.fori_loop(0, EPT, _chunk, 0)

    plsc.subcore_barrier()
    pltpu.sync_copy(agg_sh.at[pl.ds(s * RPS, RPS)],
                    part_hbm.at[c, pl.ds(s * RPS, RPS)])


_R = 1024


def _tc1_body(comb_ref, degp_ref, w1_ref, out_ref):
    deg = degp_ref[0, :] + degp_ref[1, :] + 1.0
    dinv = lax.rsqrt(deg)
    h = jnp.dot(comb_ref[...], w1_ref[...], preferred_element_type=jnp.float32)
    out_ref[...] = h * dinv[:, None]


def _tc1(comb, degp, w1):
    return pl.pallas_call(
        _tc1_body,
        grid=(NPAD // _R,),
        in_specs=[
            pl.BlockSpec((_R, K * D), lambda i: (i, 0)),
            pl.BlockSpec((NC, _R), lambda i: (0, i)),
            pl.BlockSpec((K * D, H), lambda i: (0, 0)),
        ],
        out_specs=pl.BlockSpec((_R, H), lambda i: (i, 0)),
        out_shape=jax.ShapeDtypeStruct((NPAD, H), jnp.float32),
    )(comb, degp, w1)


def _tc2_body(part_ref, hs_ref, degp_ref, b1_ref, w2_ref, out_ref):
    deg = degp_ref[0, :] + degp_ref[1, :] + 1.0
    dinv = lax.rsqrt(deg)
    p = part_ref[0] + part_ref[1] + hs_ref[...]
    x2 = jnp.maximum(p * dinv[:, None] + b1_ref[...], 0.0)
    h = jnp.dot(x2, w2_ref[...], preferred_element_type=jnp.float32)
    out_ref[...] = h * dinv[:, None]


def _tc2(part, hs, degp, b1, w2):
    return pl.pallas_call(
        _tc2_body,
        grid=(NPAD // _R,),
        in_specs=[
            pl.BlockSpec((NC, _R, H), lambda i: (0, i, 0)),
            pl.BlockSpec((_R, H), lambda i: (i, 0)),
            pl.BlockSpec((NC, _R), lambda i: (0, i)),
            pl.BlockSpec((1, H), lambda i: (0, 0)),
            pl.BlockSpec((H, D), lambda i: (0, 0)),
        ],
        out_specs=pl.BlockSpec((_R, D), lambda i: (i, 0)),
        out_shape=jax.ShapeDtypeStruct((NPAD, D), jnp.float32),
    )(part, hs, degp, b1, w2)


def _tc3_body(part_ref, hs_ref, degp_ref, b2_ref, out_ref):
    deg = degp_ref[0, :] + degp_ref[1, :] + 1.0
    dinv = lax.rsqrt(deg)
    p = part_ref[0] + part_ref[1] + hs_ref[...]
    out_ref[...] = p * dinv[:, None] + b2_ref[...]


def _tc3(part, hs, degp, b2):
    return pl.pallas_call(
        _tc3_body,
        grid=(NPAD // _R,),
        in_specs=[
            pl.BlockSpec((NC, _R, D), lambda i: (0, i, 0)),
            pl.BlockSpec((_R, D), lambda i: (i, 0)),
            pl.BlockSpec((NC, _R), lambda i: (0, i)),
            pl.BlockSpec((1, D), lambda i: (0, 0)),
        ],
        out_specs=pl.BlockSpec((_R, D), lambda i: (i, 0)),
        out_shape=jax.ShapeDtypeStruct((NPAD, D), jnp.float32),
    )(part, hs, degp, b2)


def kernel(nodes, edge_index, edge_weights, neighbor_idx, emb_table,
           W1, b1, W2, b2):
    i32 = jnp.int32
    src = jnp.concatenate(
        [edge_index[0], jnp.zeros((EPAD - E,), i32)]).reshape(NW, EPT, EC)
    dst = jnp.concatenate(
        [edge_index[1], jnp.zeros((EPAD - E,), i32)]).reshape(NW, EPT, EC)
    w = jnp.concatenate(
        [edge_weights, jnp.zeros((EPAD - E,), jnp.float32)]
    ).reshape(NW, EPT, EC)
    dstd = jnp.concatenate(
        [edge_index[1], jnp.zeros((DPAD - E,), i32)]).reshape(NW, DEPT, DEC)
    wd = jnp.concatenate(
        [edge_weights, jnp.zeros((DPAD - E,), jnp.float32)]
    ).reshape(NW, DEPT, DEC)
    nbr = jnp.concatenate(
        [neighbor_idx.reshape(-1), jnp.zeros((GPAD - N * K,), i32)]
    ).reshape(NW, GPT, GC)
    zeros1 = jnp.zeros((NPAD,), jnp.float32)
    zeros2 = jnp.zeros((NPAD, D), jnp.float32)

    comb_rows, degp = _sc_gather_deg(nodes, nbr, dstd, wd, zeros1, emb_table)
    comb = comb_rows.reshape(NPAD, K * D)

    hs1 = _tc1(comb, degp, W1)
    part1 = _sc_mp(hs1, src, dst, w, zeros2)
    hs2 = _tc2(part1, hs1, degp, b1.reshape(1, H), W2)
    part2 = _sc_mp(hs2, src, dst, w, zeros2)
    out = _tc3(part2, hs2, degp, b2.reshape(1, D))
    return out[:N]

# --- scband reference (transcript-rebuilt; emitter-appended) ---
"""Pipeline reference for scband-gcn-76527727280272 (READ-ONLY COPY).

The authoritative reference and input builder live on the scoring server;
editing this copy changes nothing except your own understanding.
"""

import jax, jax.numpy as jnp
import numpy as np

N = 10000
E = 320000
D = 128
K = 4
H = 128

def setup_inputs(seed: int = 0) -> dict:
    key = jax.random.key(seed)
    ks = jax.random.split(key, 8)
    nodes = jnp.arange(N, dtype=jnp.int32)
    edge_index = jax.random.randint(ks[0], (2, E), 0, N, dtype=jnp.int32)
    edge_weights = jax.random.uniform(ks[1], (E,), dtype=jnp.float32)
    neighbor_idx = jax.random.randint(ks[2], (N, K), 0, N, dtype=jnp.int32)
    emb_table = jax.random.normal(ks[3], (N, D), dtype=jnp.float32) * 0.02
    W1 = jax.random.normal(ks[4], (D * K, H), dtype=jnp.float32) * (1.0 / np.sqrt(D * K))
    b1 = jnp.zeros((H,), jnp.float32)
    W2 = jax.random.normal(ks[5], (H, D), dtype=jnp.float32) * (1.0 / np.sqrt(H))
    b2 = jnp.zeros((D,), jnp.float32)
    return {"nodes": nodes, "edge_index": edge_index, "edge_weights": edge_weights,
            "neighbor_idx": neighbor_idx, "emb_table": emb_table,
            "W1": W1, "b1": b1, "W2": W2, "b2": b2}

def _gcn_conv(x, edge_index, edge_weight, W, b):
    # PyG-style GCNConv with edge weights: add self-loops, symmetric normalization,
    # linear transform, weighted scatter-add aggregation.
    n = x.shape[0]
    loop = jnp.arange(n, dtype=edge_index.dtype)
    src = jnp.concatenate([edge_index[0], loop])
    dst = jnp.concatenate([edge_index[1], loop])
    w = jnp.concatenate([edge_weight, jnp.ones((n,), edge_weight.dtype)])
    deg = jax.ops.segment_sum(w, dst, num_segments=n)
    dinv = jnp.where(deg > 0, jax.lax.rsqrt(deg), 0.0)
    norm = dinv[src] * w * dinv[dst]
    h = x @ W
    msg = h[src] * norm[:, None]
    agg = jax.ops.segment_sum(msg, dst, num_segments=n)
    return agg + b

def reference(nodes, edge_index, edge_weights, neighbor_idx, emb_table, W1, b1, W2, b2):
    # embedding lookup over node ids
    emb = jnp.take(emb_table, nodes, axis=0)
    # combine_neighbour_embeddings: gather K neighbor embeddings per node and concat
    combined = jnp.take(emb, neighbor_idx, axis=0).reshape(emb.shape[0], K * D)
    h = jax.nn.relu(_gcn_conv(combined, edge_index, edge_weights, W1, b1))
    out = _gcn_conv(h, edge_index, edge_weights, W2, b2)
    return out

if __name__ == "__main__":
    import jax
    _d = setup_inputs()
    print(jax.jit(kernel)(*tuple(_d.values())))

</pallas_src>

<mosaic_0001>
#map = affine_map<(d0, d1) -> (0)>
#map1 = affine_map<(d0, d1) -> (0, 0, 0)>
#map2 = affine_map<(d0, d1) -> (0, 0)>
module attributes {stable_mosaic.version = 14 : i64} {
  func.func @_sc_gather_deg(%arg0: i32, %arg1: i32, %arg2: memref<10000xi32, #tpu.memory_space<hbm>>, %arg3: memref<32x10x128xi32, #tpu.memory_space<hbm>>, %arg4: memref<32x96x112xi32, #tpu.memory_space<hbm>>, %arg5: memref<32x96x112xf32, #tpu.memory_space<hbm>>, %arg6: memref<10240xf32, #tpu.memory_space<hbm>>, %arg7: memref<10000x128xf32, #tpu.memory_space<hbm>>, %arg8: memref<40960x128xf32, #tpu.memory_space<hbm>>, %arg9: memref<2x10240xf32, #tpu.memory_space<hbm>>, %arg10: memref<10000xi32, #tpu.memory_space<vmem>>, %arg11: memref<10x128xi32, #tpu.memory_space<vmem>>, %arg12: memref<10x128xi32, #tpu.memory_space<vmem>>, %arg13: memref<128x128xf32, #tpu.memory_space<vmem>>, %arg14: memref<128x128xf32, #tpu.memory_space<vmem>>, %arg15: memref<96x112xi32, #tpu.memory_space<vmem>>, %arg16: memref<96x112xf32, #tpu.memory_space<vmem>>, %arg17: memref<10240xf32, #tpu.memory_space<vmem_shared>>, %arg18: memref<!tpu.dma_semaphore, #tpu.memory_space<semaphore_mem>>, %arg19: memref<!tpu.dma_semaphore, #tpu.memory_space<semaphore_mem>>, %arg20: memref<!tpu.dma_semaphore, #tpu.memory_space<semaphore_mem>>) attributes {dimension_semantics = [#tpu.dimension_semantics<core_parallel>, #tpu.dimension_semantics<subcore_parallel>], iteration_bounds = array<i64: 2, 16>, scalar_prefetch = 0 : i64, scratch_operands = 11 : i64, tpu.core_type = #tpu.core_type<sc_vector_subcore>, window_params = [{transform_indices = #map}, {transform_indices = #map1}, {transform_indices = #map1}, {transform_indices = #map1}, {transform_indices = #map}, {transform_indices = #map2}, {transform_indices = #map2}, {transform_indices = #map2}]} {
    %mul3A = arith.constant 2 : i32
    %mul3A_0 = arith.muli %arg1, %mul3A : i32
    %add3A = arith.addi %mul3A_0, %arg0 : i32
    %mul3A_1 = arith.constant 640 : i32
    %mul3A_2 = arith.muli %arg1, %mul3A_1 : i32
    %mul3A_3 = arith.constant 640 : i32
    %mul3A_4 = arith.muli %arg1, %mul3A_3 : i32
    "tpu.region"() ({
      %run_scoped3A = tpu.sem_alloc : memref<!tpu.dma_semaphore, #tpu.memory_space<semaphore_mem>>
      %dma_start3A_50 = tpu.memref_slice %arg17[%mul3A_4] : memref<10240xf32, #tpu.memory_space<vmem_shared>> -> memref<640xf32, #tpu.memory_space<vmem_shared>>
      %dma_start3A_51 = tpu.memref_slice %arg6[%mul3A_2] : memref<10240xf32, #tpu.memory_space<hbm>> -> memref<640xf32, #tpu.memory_space<hbm>>
      tpu.enqueue_dma source(%dma_start3A_51 : memref<640xf32, #tpu.memory_space<hbm>>) target(%dma_start3A_50 : memref<640xf32, #tpu.memory_space<vmem_shared>>) target_semaphore(%run_scoped3A : memref<!tpu.dma_semaphore, #tpu.memory_space<semaphore_mem>>)
      %dma_wait3A = tpu.memref_slice %arg17[%mul3A_4] : memref<10240xf32, #tpu.memory_space<vmem_shared>> -> memref<640xf32, #tpu.memory_space<vmem_shared>>
      %dma_wait3A_52 = tpu.memref_slice %arg6[%mul3A_2] : memref<10240xf32, #tpu.memory_space<hbm>> -> memref<640xf32, #tpu.memory_space<hbm>>
      tpu.wait_dma2 semaphore(%run_scoped3A : memref<!tpu.dma_semaphore, #tpu.memory_space<semaphore_mem>>) src(%dma_wait3A_52 : memref<640xf32, #tpu.memory_space<hbm>>) dst(%dma_wait3A : memref<640xf32, #tpu.memory_space<vmem_shared>>)
      tpu.yield
    }) : () -> ()
    "tpu.region"() ({
      %run_scoped3A = tpu.sem_alloc : memref<!tpu.dma_semaphore, #tpu.memory_space<semaphore_mem>>
      tpu.enqueue_dma source(%arg2 : memref<10000xi32, #tpu.memory_space<hbm>>) target(%arg10 : memref<10000xi32, #tpu.memory_space<vmem>>) target_semaphore(%run_scoped3A : memref<!tpu.dma_semaphore, #tpu.memory_space<semaphore_mem>>)
      tpu.wait_dma2 semaphore(%run_scoped3A : memref<!tpu.dma_semaphore, #tpu.memory_space<semaphore_mem>>) src(%arg2 : memref<10000xi32, #tpu.memory_space<hbm>>) dst(%arg10 : memref<10000xi32, #tpu.memory_space<vmem>>)
      tpu.yield
    }) : () -> ()
    "tpu.region"() ({
      %run_scoped3A = tpu.sem_alloc : memref<!tpu.dma_semaphore, #tpu.memory_space<semaphore_mem>>
      %dma_start3A_50 = arith.constant 0 : i32
      %dma_start3A_51 = arith.constant 0 : i32
      %dma_start3A_52 = tpu.memref_slice %arg3[%add3A, %dma_start3A_50, %dma_start3A_51] : memref<32x10x128xi32, #tpu.memory_space<hbm>> -> memref<1x10x128xi32, #tpu.memory_space<hbm>>
      %dma_start3A_53 = tpu.memref_squeeze %dma_start3A_52 : memref<1x10x128xi32, #tpu.memory_space<hbm>> -> memref<10x128xi32, #tpu.memory_space<hbm>>
      %dma_start3A_54 = arith.constant 0 : i32
      %dma_start3A_55 = arith.constant 0 : i32
      %dma_start3A_56 = tpu.memref_slice %arg3[%add3A, %dma_start3A_54, %dma_start3A_55] : memref<32x10x128xi32, #tpu.memory_space<hbm>> -> memref<1x10x128xi32, #tpu.memory_space<hbm>>
      %dma_start3A_57 = tpu.memref_squeeze %dma_start3A_56 : memref<1x10x128xi32, #tpu.memory_space<hbm>> -> memref<10x128xi32, #tpu.memory_space<hbm>>
      tpu.enqueue_dma source(%dma_start3A_57 : memref<10x128xi32, #tpu.memory_space<hbm>>) target(%arg11 : memref<10x128xi32, #tpu.memory_space<vmem>>) target_semaphore(%run_scoped3A : memref<!tpu.dma_semaphore, #tpu.memory_space<semaphore_mem>>)
      %dma_wait3A = arith.constant 0 : i32
      %dma_wait3A_58 = arith.constant 0 : i32
      %dma_wait3A_59 = tpu.memref_slice %arg3[%add3A, %dma_wait3A, %dma_wait3A_58] : memref<32x10x128xi32, #tpu.memory_space<hbm>> -> memref<1x10x128xi32, #tpu.memory_space<hbm>>
      %dma_wait3A_60 = tpu.memref_squeeze %dma_wait3A_59 : memref<1x10x128xi32, #tpu.memory_space<hbm>> -> memref<10x128xi32, #tpu.memory_space<hbm>>
      %dma_wait3A_61 = arith.constant 0 : i32
      %dma_wait3A_62 = arith.constant 0 : i32
      %dma_wait3A_63 = tpu.memref_slice %arg3[%add3A, %dma_wait3A_61, %dma_wait3A_62] : memref<32x10x128xi32, #tpu.memory_space<hbm>> -> memref<1x10x128xi32, #tpu.memory_space<hbm>>
      %dma_wait3A_64 = tpu.memref_squeeze %dma_wait3A_63 : memref<1x10x128xi32, #tpu.memory_space<hbm>> -> memref<10x128xi32, #tpu.memory_space<hbm>>
      tpu.wait_dma2 semaphore(%run_scoped3A : memref<!tpu.dma_semaphore, #tpu.memory_space<semaphore_mem>>) src(%dma_wait3A_64 : memref<10x128xi32, #tpu.memory_space<hbm>>) dst(%arg11 : memref<10x128xi32, #tpu.memory_space<vmem>>)
      tpu.yield
    }) : () -> ()
    "tpu.region"() ({
      %run_scoped3A = tpu.sem_alloc : memref<!tpu.dma_semaphore, #tpu.memory_space<semaphore_mem>>
      %dma_start3A_50 = arith.constant 0 : i32
      %dma_start3A_51 = arith.constant 0 : i32
      %dma_start3A_52 = tpu.memref_slice %arg4[%add3A, %dma_start3A_50, %dma_start3A_51] : memref<32x96x112xi32, #tpu.memory_space<hbm>> -> memref<1x96x112xi32, #tpu.memory_space<hbm>>
      %dma_start3A_53 = tpu.memref_squeeze %dma_start3A_52 : memref<1x96x112xi32, #tpu.memory_space<hbm>> -> memref<96x112xi32, #tpu.memory_space<hbm>>
      %dma_start3A_54 = arith.constant 0 : i32
      %dma_start3A_55 = arith.constant 0 : i32
      %dma_start3A_56 = tpu.memref_slice %arg4[%add3A, %dma_start3A_54, %dma_start3A_55] : memref<32x96x112xi32, #tpu.memory_space<hbm>> -> memref<1x96x112xi32, #tpu.memory_space<hbm>>
      %dma_start3A_57 = tpu.memref_squeeze %dma_start3A_56 : memref<1x96x112xi32, #tpu.memory_space<hbm>> -> memref<96x112xi32, #tpu.memory_space<hbm>>
      tpu.enqueue_dma source(%dma_start3A_57 : memref<96x112xi32, #tpu.memory_space<hbm>>) target(%arg15 : memref<96x112xi32, #tpu.memory_space<vmem>>) target_semaphore(%run_scoped3A : memref<!tpu.dma_semaphore, #tpu.memory_space<semaphore_mem>>)
      %dma_wait3A = arith.constant 0 : i32
      %dma_wait3A_58 = arith.constant 0 : i32
      %dma_wait3A_59 = tpu.memref_slice %arg4[%add3A, %dma_wait3A, %dma_wait3A_58] : memref<32x96x112xi32, #tpu.memory_space<hbm>> -> memref<1x96x112xi32, #tpu.memory_space<hbm>>
      %dma_wait3A_60 = tpu.memref_squeeze %dma_wait3A_59 : memref<1x96x112xi32, #tpu.memory_space<hbm>> -> memref<96x112xi32, #tpu.memory_space<hbm>>
      %dma_wait3A_61 = arith.constant 0 : i32
      %dma_wait3A_62 = arith.constant 0 : i32
      %dma_wait3A_63 = tpu.memref_slice %arg4[%add3A, %dma_wait3A_61, %dma_wait3A_62] : memref<32x96x112xi32, #tpu.memory_space<hbm>> -> memref<1x96x112xi32, #tpu.memory_space<hbm>>
      %dma_wait3A_64 = tpu.memref_squeeze %dma_wait3A_63 : memref<1x96x112xi32, #tpu.memory_space<hbm>> -> memref<96x112xi32, #tpu.memory_space<hbm>>
      tpu.wait_dma2 semaphore(%run_scoped3A : memref<!tpu.dma_semaphore, #tpu.memory_space<semaphore_mem>>) src(%dma_wait3A_64 : memref<96x112xi32, #tpu.memory_space<hbm>>) dst(%arg15 : memref<96x112xi32, #tpu.memory_space<vmem>>)
      tpu.yield
    }) : () -> ()
    "tpu.region"() ({
      %run_scoped3A = tpu.sem_alloc : memref<!tpu.dma_semaphore, #tpu.memory_space<semaphore_mem>>
      %dma_start3A_50 = arith.constant 0 : i32
      %dma_start3A_51 = arith.constant 0 : i32
      %dma_start3A_52 = tpu.memref_slice %arg5[%add3A, %dma_start3A_50, %dma_start3A_51] : memref<32x96x112xf32, #tpu.memory_space<hbm>> -> memref<1x96x112xf32, #tpu.memory_space<hbm>>
      %dma_start3A_53 = tpu.memref_squeeze %dma_start3A_52 : memref<1x96x112xf32, #tpu.memory_space<hbm>> -> memref<96x112xf32, #tpu.memory_space<hbm>>
      %dma_start3A_54 = arith.constant 0 : i32
      %dma_start3A_55 = arith.constant 0 : i32
      %dma_start3A_56 = tpu.memref_slice %arg5[%add3A, %dma_start3A_54, %dma_start3A_55] : memref<32x96x112xf32, #tpu.memory_space<hbm>> -> memref<1x96x112xf32, #tpu.memory_space<hbm>>
      %dma_start3A_57 = tpu.memref_squeeze %dma_start3A_56 : memref<1x96x112xf32, #tpu.memory_space<hbm>> -> memref<96x112xf32, #tpu.memory_space<hbm>>
      tpu.enqueue_dma source(%dma_start3A_57 : memref<96x112xf32, #tpu.memory_space<hbm>>) target(%arg16 : memref<96x112xf32, #tpu.memory_space<vmem>>) target_semaphore(%run_scoped3A : memref<!tpu.dma_semaphore, #tpu.memory_space<semaphore_mem>>)
      %dma_wait3A = arith.constant 0 : i32
      %dma_wait3A_58 = arith.constant 0 : i32
      %dma_wait3A_59 = tpu.memref_slice %arg5[%add3A, %dma_wait3A, %dma_wait3A_58] : memref<32x96x112xf32, #tpu.memory_space<hbm>> -> memref<1x96x112xf32, #tpu.memory_space<hbm>>
      %dma_wait3A_60 = tpu.memref_squeeze %dma_wait3A_59 : memref<1x96x112xf32, #tpu.memory_space<hbm>> -> memref<96x112xf32, #tpu.memory_space<hbm>>
      %dma_wait3A_61 = arith.constant 0 : i32
      %dma_wait3A_62 = arith.constant 0 : i32
      %dma_wait3A_63 = tpu.memref_slice %arg5[%add3A, %dma_wait3A_61, %dma_wait3A_62] : memref<32x96x112xf32, #tpu.memory_space<hbm>> -> memref<1x96x112xf32, #tpu.memory_space<hbm>>
      %dma_wait3A_64 = tpu.memref_squeeze %dma_wait3A_63 : memref<1x96x112xf32, #tpu.memory_space<hbm>> -> memref<96x112xf32, #tpu.memory_space<hbm>>
      tpu.wait_dma2 semaphore(%run_scoped3A : memref<!tpu.dma_semaphore, #tpu.memory_space<semaphore_mem>>) src(%dma_wait3A_64 : memref<96x112xf32, #tpu.memory_space<hbm>>) dst(%arg16 : memref<96x112xf32, #tpu.memory_space<vmem>>)
      tpu.yield
    }) : () -> ()
    %barrier3A = arith.constant 0 : index
    tpu.barrier barrier_id(%barrier3A)
    %scan3A = arith.constant 0 : i32
    %scan3A_5 = arith.constant 0 : i32
    %scan3A_6 = arith.constant 96 : i32
    %scan3A_7 = arith.addi %scan3A_5, %scan3A_6 : i32
    %scan3A_8 = arith.constant 1 : i32
    %scan3A_9 = scf.for %scan3A_50 = %scan3A_5 to %scan3A_7 step %scan3A_8 iter_args(%scan3A_51 = %scan3A) -> (i32)  : i32 {
      %dma_start3A_52 = arith.constant 0 : i32
      %dma_start3A_53 = tpu.memref_slice %arg16[%scan3A_50, %dma_start3A_52] : memref<96x112xf32, #tpu.memory_space<vmem>> -> memref<1x112xf32, #tpu.memory_space<vmem>>
      %dma_start3A_54 = tpu.memref_squeeze %dma_start3A_53 : memref<1x112xf32, #tpu.memory_space<vmem>> -> memref<112xf32, #tpu.memory_space<vmem>>
      %dma_start3A_55 = arith.constant 0 : i32
      %dma_start3A_56 = tpu.memref_slice %arg15[%scan3A_50, %dma_start3A_55] : memref<96x112xi32, #tpu.memory_space<vmem>> -> memref<1x112xi32, #tpu.memory_space<vmem>>
      %dma_start3A_57 = tpu.memref_squeeze %dma_start3A_56 : memref<1x112xi32, #tpu.memory_space<vmem>> -> memref<112xi32, #tpu.memory_space<vmem>>
      %dma_start3A_58 = arith.constant 0 : i32
      %dma_start3A_59 = tpu.memref_slice %arg17[%dma_start3A_58] : memref<10240xf32, #tpu.memory_space<vmem_shared>> -> memref<10240xf32, #tpu.memory_space<vmem_shared>>
      tpu.enqueue_indirect_dma source(%dma_start3A_54 : memref<112xf32, #tpu.memory_space<vmem>>) target(%dma_start3A_59 : memref<10240xf32, #tpu.memory_space<vmem_shared>>) offsets(%dma_start3A_57 : memref<112xi32, #tpu.memory_space<vmem>>) semaphore(%arg20 : memref<!tpu.dma_semaphore, #tpu.memory_space<semaphore_mem>>) {add = true}
      %scan3A_60 = arith.constant 0 : i32
      scf.yield %scan3A_60 : i32
    }
    %scan3A_10 = arith.constant 96 : i32
    %scan3A_11 = arith.constant 0 : i32
    %scan3A_12 = arith.constant 0 : i32
    %scan3A_13 = arith.constant 10 : i32
    %scan3A_14 = arith.addi %scan3A_12, %scan3A_13 : i32
    %scan3A_15 = arith.constant 1 : i32
    %scan3A_16 = scf.for %scan3A_50 = %scan3A_12 to %scan3A_14 step %scan3A_15 iter_args(%scan3A_51 = %scan3A_11) -> (i32)  : i32 {
      %scan3A_52 = arith.constant 0 : i32
      %scan3A_53 = arith.constant 0 : i32
      %scan3A_54 = arith.constant 8 : i32
      %scan3A_55 = arith.addi %scan3A_53, %scan3A_54 : i32
      %scan3A_56 = arith.constant 1 : i32
      %scan3A_57 = scf.for %scan3A_60 = %scan3A_53 to %scan3A_55 step %scan3A_56 iter_args(%scan3A_61 = %scan3A_52) -> (i32)  : i32 {
        %mul3A_62 = arith.constant 16 : i32
        %mul3A_63 = arith.muli %scan3A_60, %mul3A_62 : i32
        %get3A = arith.index_cast %scan3A_50 : i32 to index
        %get3A_64 = arith.index_cast %mul3A_63 : i32 to index
        %get3A_65 = tpu.vector_load %arg11[%get3A, %get3A_64] {strides = array<i32>} : memref<10x128xi32, #tpu.memory_space<vmem>>, vector<16xi32>,
        %gather3A = tpu.vector_load_idx %arg10[%get3A_65] : memref<10000xi32, #tpu.memory_space<vmem>>[vector<16xi32>], vector<16xi32>,
        %mul3A_66 = arith.constant 16 : i32
        %mul3A_67 = arith.muli %scan3A_60, %mul3A_66 : i32
        %swap3A = arith.index_cast %scan3A_50 : i32 to index
        %swap3A_68 = arith.index_cast %mul3A_67 : i32 to index
        %swap3A_69 = tpu.vector_load %arg12[%swap3A, %swap3A_68] {strides = array<i32>} : memref<10x128xi32, #tpu.memory_space<vmem>>, vector<16xi32>,
        tpu.vector_store %arg12[%swap3A, %swap3A_68], %gather3A {strides = array<i32>} : memref<10x128xi32, #tpu.memory_space<vmem>>, vector<16xi32>,
        %scan3A_70 = arith.constant 0 : i32
        scf.yield %scan3A_70 : i32
      }
      %scan3A_58 = arith.constant 8 : i32
      %scan3A_59 = arith.constant 0 : i32
      scf.yield %scan3A_59 : i32
    }
    %scan3A_17 = arith.constant 10 : i32
    %dma_start3A = arith.constant 0 : i32
    %dma_start3A_18 = arith.constant 0 : i32
    %dma_start3A_19 = tpu.memref_slice %arg12[%dma_start3A, %dma_start3A_18] : memref<10x128xi32, #tpu.memory_space<vmem>> -> memref<1x128xi32, #tpu.memory_space<vmem>>
    %dma_start3A_20 = tpu.memref_squeeze %dma_start3A_19 : memref<1x128xi32, #tpu.memory_space<vmem>> -> memref<128xi32, #tpu.memory_space<vmem>>
    %dma_start3A_21 = arith.constant 0 : i32
    %dma_start3A_22 = arith.constant 0 : i32
    %dma_start3A_23 = tpu.memref_slice %arg7[%dma_start3A_21, %dma_start3A_22] : memref<10000x128xf32, #tpu.memory_space<hbm>> -> memref<10000x128xf32, #tpu.memory_space<hbm>>
    tpu.enqueue_indirect_dma source(%dma_start3A_23 : memref<10000x128xf32, #tpu.memory_space<hbm>>) target(%arg13 : memref<128x128xf32, #tpu.memory_space<vmem>>) offsets(%dma_start3A_20 : memref<128xi32, #tpu.memory_space<vmem>>) semaphore(%arg18 : memref<!tpu.dma_semaphore, #tpu.memory_space<semaphore_mem>>)
    %dma_start3A_24 = arith.constant 1 : i32
    %dma_start3A_25 = arith.constant 0 : i32
    %dma_start3A_26 = tpu.memref_slice %arg12[%dma_start3A_24, %dma_start3A_25] : memref<10x128xi32, #tpu.memory_space<vmem>> -> memref<1x128xi32, #tpu.memory_space<vmem>>
    %dma_start3A_27 = tpu.memref_squeeze %dma_start3A_26 : memref<1x128xi32, #tpu.memory_space<vmem>> -> memref<128xi32, #tpu.memory_space<vmem>>
    %dma_start3A_28 = arith.constant 0 : i32
    %dma_start3A_29 = arith.constant 0 : i32
    %dma_start3A_30 = tpu.memref_slice %arg7[%dma_start3A_28, %dma_start3A_29] : memref<10000x128xf32, #tpu.memory_space<hbm>> -> memref<10000x128xf32, #tpu.memory_space<hbm>>
    tpu.enqueue_indirect_dma source(%dma_start3A_30 : memref<10000x128xf32, #tpu.memory_space<hbm>>) target(%arg14 : memref<128x128xf32, #tpu.memory_space<vmem>>) offsets(%dma_start3A_27 : memref<128xi32, #tpu.memory_space<vmem>>) semaphore(%arg19 : memref<!tpu.dma_semaphore, #tpu.memory_space<semaphore_mem>>)
    %scan3A_31 = arith.constant 0 : i32
    %scan3A_32 = arith.constant 0 : i32
    %scan3A_33 = arith.constant 5 : i32
    %scan3A_34 = arith.addi %scan3A_32, %scan3A_33 : i32
    %scan3A_35 = arith.constant 1 : i32
    %scan3A_36 = scf.for %scan3A_50 = %scan3A_32 to %scan3A_34 step %scan3A_35 iter_args(%scan3A_51 = %scan3A_31) -> (i32)  : i32 {
      %mul3A_52 = arith.constant 2 : i32
      %mul3A_53 = arith.muli %mul3A_52, %scan3A_50 : i32
      %add3A_54 = arith.constant 0 : i32
      %add3A_55 = arith.addi %mul3A_53, %add3A_54 : i32
      %dma_wait3A = arith.constant 0 : i32
      %dma_wait3A_56 = tpu.memref_slice %arg12[%add3A_55, %dma_wait3A] : memref<10x128xi32, #tpu.memory_space<vmem>> -> memref<1x128xi32, #tpu.memory_space<vmem>>
      %dma_wait3A_57 = tpu.memref_squeeze %dma_wait3A_56 : memref<1x128xi32, #tpu.memory_space<vmem>> -> memref<128xi32, #tpu.memory_space<vmem>>
      %dma_wait3A_58 = arith.constant 0 : i32
      %dma_wait3A_59 = arith.constant 0 : i32
      %dma_wait3A_60 = tpu.memref_slice %arg7[%dma_wait3A_58, %dma_wait3A_59] : memref<10000x128xf32, #tpu.memory_space<hbm>> -> memref<10000x128xf32, #tpu.memory_space<hbm>>
      tpu.wait_indirect_dma semaphore(%arg18 : memref<!tpu.dma_semaphore, #tpu.memory_space<semaphore_mem>>) src(%dma_wait3A_60 : memref<10000x128xf32, #tpu.memory_space<hbm>>) dst(%arg13 : memref<128x128xf32, #tpu.memory_space<vmem>>)
      %mul3A_61 = arith.constant 10 : i32
      %mul3A_62 = arith.muli %add3A, %mul3A_61 : i32
      %add3A_63 = arith.addi %mul3A_62, %add3A_55 : i32
      %mul3A_64 = arith.constant 128 : i32
      %mul3A_65 = arith.muli %add3A_63, %mul3A_64 : i32
      "tpu.region"() ({
        %run_scoped3A = tpu.sem_alloc : memref<!tpu.dma_semaphore, #tpu.memory_space<semaphore_mem>>
        %dma_start3A_89 = arith.constant 0 : i32
        %dma_start3A_90 = tpu.memref_slice %arg8[%mul3A_65, %dma_start3A_89] : memref<40960x128xf32, #tpu.memory_space<hbm>> -> memref<128x128xf32, #tpu.memory_space<hbm>>
        %dma_start3A_91 = arith.constant 0 : i32
        %dma_start3A_92 = tpu.memref_slice %arg8[%mul3A_65, %dma_start3A_91] : memref<40960x128xf32, #tpu.memory_space<hbm>> -> memref<128x128xf32, #tpu.memory_space<hbm>>
        tpu.enqueue_dma source(%arg13 : memref<128x128xf32, #tpu.memory_space<vmem>>) target(%dma_start3A_92 : memref<128x128xf32, #tpu.memory_space<hbm>>) target_semaphore(%run_scoped3A : memref<!tpu.dma_semaphore, #tpu.memory_space<semaphore_mem>>)
        %dma_wait3A_93 = arith.constant 0 : i32
        %dma_wait3A_94 = tpu.memref_slice %arg8[%mul3A_65, %dma_wait3A_93] : memref<40960x128xf32, #tpu.memory_space<hbm>> -> memref<128x128xf32, #tpu.memory_space<hbm>>
        %dma_wait3A_95 = arith.constant 0 : i32
        %dma_wait3A_96 = tpu.memref_slice %arg8[%mul3A_65, %dma_wait3A_95] : memref<40960x128xf32, #tpu.memory_space<hbm>> -> memref<128x128xf32, #tpu.memory_space<hbm>>
        tpu.wait_dma2 semaphore(%run_scoped3A : memref<!tpu.dma_semaphore, #tpu.memory_space<semaphore_mem>>) src(%arg13 : memref<128x128xf32, #tpu.memory_space<vmem>>) dst(%dma_wait3A_96 : memref<128x128xf32, #tpu.memory_space<hbm>>)
        tpu.yield
      }) : () -> ()
      %lt3A = arith.constant 4 : i32
      %lt3A_66 = arith.cmpi slt, %scan3A_50, %lt3A : i32
      %convert_element_type3A = arith.extui %lt3A_66 : i1 to i32
      %cond3A = arith.constant 0 : i32
      %cond3A_67 = arith.cmpi ne, %convert_element_type3A, %cond3A : i32
      scf.if %cond3A_67 {
        %add3A_89 = arith.constant 2 : i32
        %add3A_90 = arith.addi %add3A_55, %add3A_89 : i32
        %dma_start3A_91 = arith.constant 0 : i32
        %dma_start3A_92 = tpu.memref_slice %arg12[%add3A_90, %dma_start3A_91] : memref<10x128xi32, #tpu.memory_space<vmem>> -> memref<1x128xi32, #tpu.memory_space<vmem>>
        %dma_start3A_93 = tpu.memref_squeeze %dma_start3A_92 : memref<1x128xi32, #tpu.memory_space<vmem>> -> memref<128xi32, #tpu.memory_space<vmem>>
        %dma_start3A_94 = arith.constant 0 : i32
        %dma_start3A_95 = arith.constant 0 : i32
        %dma_start3A_96 = tpu.memref_slice %arg7[%dma_start3A_94, %dma_start3A_95] : memref<10000x128xf32, #tpu.memory_space<hbm>> -> memref<10000x128xf32, #tpu.memory_space<hbm>>
        tpu.enqueue_indirect_dma source(%dma_start3A_96 : memref<10000x128xf32, #tpu.memory_space<hbm>>) target(%arg13 : memref<128x128xf32, #tpu.memory_space<vmem>>) offsets(%dma_start3A_93 : memref<128xi32, #tpu.memory_space<vmem>>) semaphore(%arg18 : memref<!tpu.dma_semaphore, #tpu.memory_space<semaphore_mem>>)
      } else {
      }
      %mul3A_68 = arith.constant 2 : i32
      %mul3A_69 = arith.muli %mul3A_68, %scan3A_50 : i32
      %add3A_70 = arith.constant 1 : i32
      %add3A_71 = arith.addi %mul3A_69, %add3A_70 : i32
      %dma_wait3A_72 = arith.constant 0 : i32
      %dma_wait3A_73 = tpu.memref_slice %arg12[%add3A_71, %dma_wait3A_72] : memref<10x128xi32, #tpu.memory_space<vmem>> -> memref<1x128xi32, #tpu.memory_space<vmem>>
      %dma_wait3A_74 = tpu.memref_squeeze %dma_wait3A_73 : memref<1x128xi32, #tpu.memory_space<vmem>> -> memref<128xi32, #tpu.memory_space<vmem>>
      %dma_wait3A_75 = arith.constant 0 : i32
      %dma_wait3A_76 = arith.constant 0 : i32
      %dma_wait3A_77 = tpu.memref_slice %arg7[%dma_wait3A_75, %dma_wait3A_76] : memref<10000x128xf32, #tpu.memory_space<hbm>> -> memref<10000x128xf32, #tpu.memory_space<hbm>>
      tpu.wait_indirect_dma semaphore(%arg19 : memref<!tpu.dma_semaphore, #tpu.memory_space<semaphore_mem>>) src(%dma_wait3A_77 : memref<10000x128xf32, #tpu.memory_space<hbm>>) dst(%arg14 : memref<128x128xf32, #tpu.memory_space<vmem>>)
      %mul3A_78 = arith.constant 10 : i32
      %mul3A_79 = arith.muli %add3A, %mul3A_78 : i32
      %add3A_80 = arith.addi %mul3A_79, %add3A_71 : i32
      %mul3A_81 = arith.constant 128 : i32
      %mul3A_82 = arith.muli %add3A_80, %mul3A_81 : i32
      "tpu.region"() ({
        %run_scoped3A = tpu.sem_alloc : memref<!tpu.dma_semaphore, #tpu.memory_space<semaphore_mem>>
        %dma_start3A_89 = arith.constant 0 : i32
        %dma_start3A_90 = tpu.memref_slice %arg8[%mul3A_82, %dma_start3A_89] : memref<40960x128xf32, #tpu.memory_space<hbm>> -> memref<128x128xf32, #tpu.memory_space<hbm>>
        %dma_start3A_91 = arith.constant 0 : i32
        %dma_start3A_92 = tpu.memref_slice %arg8[%mul3A_82, %dma_start3A_91] : memref<40960x128xf32, #tpu.memory_space<hbm>> -> memref<128x128xf32, #tpu.memory_space<hbm>>
        tpu.enqueue_dma source(%arg14 : memref<128x128xf32, #tpu.memory_space<vmem>>) target(%dma_start3A_92 : memref<128x128xf32, #tpu.memory_space<hbm>>) target_semaphore(%run_scoped3A : memref<!tpu.dma_semaphore, #tpu.memory_space<semaphore_mem>>)
        %dma_wait3A_93 = arith.constant 0 : i32
        %dma_wait3A_94 = tpu.memref_slice %arg8[%mul3A_82, %dma_wait3A_93] : memref<40960x128xf32, #tpu.memory_space<hbm>> -> memref<128x128xf32, #tpu.memory_space<hbm>>
        %dma_wait3A_95 = arith.constant 0 : i32
        %dma_wait3A_96 = tpu.memref_slice %arg8[%mul3A_82, %dma_wait3A_95] : memref<40960x128xf32, #tpu.memory_space<hbm>> -> memref<128x128xf32, #tpu.memory_space<hbm>>
        tpu.wait_dma2 semaphore(%run_scoped3A : memref<!tpu.dma_semaphore, #tpu.memory_space<semaphore_mem>>) src(%arg14 : memref<128x128xf32, #tpu.memory_space<vmem>>) dst(%dma_wait3A_96 : memref<128x128xf32, #tpu.memory_space<hbm>>)
        tpu.yield
      }) : () -> ()
      %lt3A_83 = arith.constant 4 : i32
      %lt3A_84 = arith.cmpi slt, %scan3A_50, %lt3A_83 : i32
      %convert_element_type3A_85 = arith.extui %lt3A_84 : i1 to i32
      %cond3A_86 = arith.constant 0 : i32
      %cond3A_87 = arith.cmpi ne, %convert_element_type3A_85, %cond3A_86 : i32
      scf.if %cond3A_87 {
        %add3A_89 = arith.constant 2 : i32
        %add3A_90 = arith.addi %add3A_71, %add3A_89 : i32
        %dma_start3A_91 = arith.constant 0 : i32
        %dma_start3A_92 = tpu.memref_slice %arg12[%add3A_90, %dma_start3A_91] : memref<10x128xi32, #tpu.memory_space<vmem>> -> memref<1x128xi32, #tpu.memory_space<vmem>>
        %dma_start3A_93 = tpu.memref_squeeze %dma_start3A_92 : memref<1x128xi32, #tpu.memory_space<vmem>> -> memref<128xi32, #tpu.memory_space<vmem>>
        %dma_start3A_94 = arith.constant 0 : i32
        %dma_start3A_95 = arith.constant 0 : i32
        %dma_start3A_96 = tpu.memref_slice %arg7[%dma_start3A_94, %dma_start3A_95] : memref<10000x128xf32, #tpu.memory_space<hbm>> -> memref<10000x128xf32, #tpu.memory_space<hbm>>
        tpu.enqueue_indirect_dma source(%dma_start3A_96 : memref<10000x128xf32, #tpu.memory_space<hbm>>) target(%arg14 : memref<128x128xf32, #tpu.memory_space<vmem>>) offsets(%dma_start3A_93 : memref<128xi32, #tpu.memory_space<vmem>>) semaphore(%arg19 : memref<!tpu.dma_semaphore, #tpu.memory_space<semaphore_mem>>)
      } else {
      }
      %scan3A_88 = arith.constant 0 : i32
      scf.yield %scan3A_88 : i32
    }
    %scan3A_37 = arith.constant 5 : i32
    %scan3A_38 = arith.constant 0 : i32
    %scan3A_39 = arith.constant 0 : i32
    %scan3A_40 = arith.constant 96 : i32
    %scan3A_41 = arith.addi %scan3A_39, %scan3A_40 : i32
    %scan3A_42 = arith.constant 1 : i32
    %scan3A_43 = scf.for %scan3A_50 = %scan3A_39 to %scan3A_41 step %scan3A_42 iter_args(%scan3A_51 = %scan3A_38) -> (i32)  : i32 {
      %dma_wait3A = arith.constant 0 : i32
      %dma_wait3A_52 = tpu.memref_slice %arg16[%scan3A_50, %dma_wait3A] : memref<96x112xf32, #tpu.memory_space<vmem>> -> memref<1x112xf32, #tpu.memory_space<vmem>>
      %dma_wait3A_53 = tpu.memref_squeeze %dma_wait3A_52 : memref<1x112xf32, #tpu.memory_space<vmem>> -> memref<112xf32, #tpu.memory_space<vmem>>
      %dma_wait3A_54 = arith.constant 0 : i32
      %dma_wait3A_55 = tpu.memref_slice %arg15[%scan3A_50, %dma_wait3A_54] : memref<96x112xi32, #tpu.memory_space<vmem>> -> memref<1x112xi32, #tpu.memory_space<vmem>>
      %dma_wait3A_56 = tpu.memref_squeeze %dma_wait3A_55 : memref<1x112xi32, #tpu.memory_space<vmem>> -> memref<112xi32, #tpu.memory_space<vmem>>
      %dma_wait3A_57 = arith.constant 0 : i32
      %dma_wait3A_58 = tpu.memref_slice %arg17[%dma_wait3A_57] : memref<10240xf32, #tpu.memory_space<vmem_shared>> -> memref<10240xf32, #tpu.memory_space<vmem_shared>>
      tpu.wait_indirect_dma semaphore(%arg20 : memref<!tpu.dma_semaphore, #tpu.memory_space<semaphore_mem>>) src(%dma_wait3A_53 : memref<112xf32, #tpu.memory_space<vmem>>) dst(%dma_wait3A_58 : memref<10240xf32, #tpu.memory_space<vmem_shared>>)
      %scan3A_59 = arith.constant 0 : i32
      scf.yield %scan3A_59 : i32
    }
    %scan3A_44 = arith.constant 96 : i32
    %barrier3A_45 = arith.constant 0 : index
    tpu.barrier barrier_id(%barrier3A_45)
    %mul3A_46 = arith.constant 640 : i32
    %mul3A_47 = arith.muli %arg1, %mul3A_46 : i32
    %mul3A_48 = arith.constant 640 : i32
    %mul3A_49 = arith.muli %arg1, %mul3A_48 : i32
    "tpu.region"() ({
      %run_scoped3A = tpu.sem_alloc : memref<!tpu.dma_semaphore, #tpu.memory_space<semaphore_mem>>
      %dma_start3A_50 = tpu.memref_slice %arg9[%arg0, %mul3A_49] : memref<2x10240xf32, #tpu.memory_space<hbm>> -> memref<1x640xf32, #tpu.memory_space<hbm>>
      %dma_start3A_51 = tpu.memref_squeeze %dma_start3A_50 : memref<1x640xf32, #tpu.memory_space<hbm>> -> memref<640xf32, #tpu.memory_space<hbm>>
      %dma_start3A_52 = tpu.memref_slice %arg17[%mul3A_47] : memref<10240xf32, #tpu.memory_space<vmem_shared>> -> memref<640xf32, #tpu.memory_space<vmem_shared>>
      tpu.enqueue_dma source(%dma_start3A_52 : memref<640xf32, #tpu.memory_space<vmem_shared>>) target(%dma_start3A_51 : memref<640xf32, #tpu.memory_space<hbm>>) target_semaphore(%run_scoped3A : memref<!tpu.dma_semaphore, #tpu.memory_space<semaphore_mem>>)
      %dma_wait3A = tpu.memref_slice %arg9[%arg0, %mul3A_49] : memref<2x10240xf32, #tpu.memory_space<hbm>> -> memref<1x640xf32, #tpu.memory_space<hbm>>
      %dma_wait3A_53 = tpu.memref_squeeze %dma_wait3A : memref<1x640xf32, #tpu.memory_space<hbm>> -> memref<640xf32, #tpu.memory_space<hbm>>
      %dma_wait3A_54 = tpu.memref_slice %arg17[%mul3A_47] : memref<10240xf32, #tpu.memory_space<vmem_shared>> -> memref<640xf32, #tpu.memory_space<vmem_shared>>
      tpu.wait_dma2 semaphore(%run_scoped3A : memref<!tpu.dma_semaphore, #tpu.memory_space<semaphore_mem>>) src(%dma_wait3A_54 : memref<640xf32, #tpu.memory_space<vmem_shared>>) dst(%dma_wait3A_53 : memref<640xf32, #tpu.memory_space<hbm>>)
      tpu.yield
    }) : () -> ()
    return
  }
}

#map = affine_map<(d0, d1) -> (0, 0)>
#map1 = affine_map<(d0, d1) -> (0, 0, 0)>
module attributes {stable_mosaic.version = 14 : i64} {
  func.func @_sc_mp(%arg0: i32, %arg1: i32, %arg2: memref<10240x128xf32, #tpu.memory_space<hbm>>, %arg3: memref<32x79x128xi32, #tpu.memory_space<hbm>>, %arg4: memref<32x79x128xi32, #tpu.memory_space<hbm>>, %arg5: memref<32x79x128xf32, #tpu.memory_space<hbm>>, %arg6: memref<10240x128xf32, #tpu.memory_space<hbm>>, %arg7: memref<2x10240x128xf32, #tpu.memory_space<hbm>>, %arg8: memref<79x128xi32, #tpu.memory_space<vmem>>, %arg9: memref<79x128xi32, #tpu.memory_space<vmem>>, %arg10: memref<79x128xf32, #tpu.memory_space<vmem>>, %arg11: memref<128x128xf32, #tpu.memory_space<vmem>>, %arg12: memref<10240x128xf32, #tpu.memory_space<vmem_shared>>, %arg13: memref<!tpu.dma_semaphore, #tpu.memory_space<semaphore_mem>>) attributes {dimension_semantics = [#tpu.dimension_semantics<core_parallel>, #tpu.dimension_semantics<subcore_parallel>], iteration_bounds = array<i64: 2, 16>, scalar_prefetch = 0 : i64, scratch_operands = 6 : i64, tpu.core_type = #tpu.core_type<sc_vector_subcore>, window_params = [{transform_indices = #map}, {transform_indices = #map1}, {transform_indices = #map1}, {transform_indices = #map1}, {transform_indices = #map}, {transform_indices = #map1}]} {
    %mul3A = arith.constant 2 : i32
    %mul3A_0 = arith.muli %arg1, %mul3A : i32
    %add3A = arith.addi %mul3A_0, %arg0 : i32
    %mul3A_1 = arith.constant 640 : i32
    %mul3A_2 = arith.muli %arg1, %mul3A_1 : i32
    %mul3A_3 = arith.constant 640 : i32
    %mul3A_4 = arith.muli %arg1, %mul3A_3 : i32
    "tpu.region"() ({
      %run_scoped3A = tpu.sem_alloc : memref<!tpu.dma_semaphore, #tpu.memory_space<semaphore_mem>>
      %dma_start3A = arith.constant 0 : i32
      %dma_start3A_16 = tpu.memref_slice %arg12[%mul3A_4, %dma_start3A] : memref<10240x128xf32, #tpu.memory_space<vmem_shared>> -> memref<640x128xf32, #tpu.memory_space<vmem_shared>>
      %dma_start3A_17 = arith.constant 0 : i32
      %dma_start3A_18 = tpu.memref_slice %arg6[%mul3A_2, %dma_start3A_17] : memref<10240x128xf32, #tpu.memory_space<hbm>> -> memref<640x128xf32, #tpu.memory_space<hbm>>
      tpu.enqueue_dma source(%dma_start3A_18 : memref<640x128xf32, #tpu.memory_space<hbm>>) target(%dma_start3A_16 : memref<640x128xf32, #tpu.memory_space<vmem_shared>>) target_semaphore(%run_scoped3A : memref<!tpu.dma_semaphore, #tpu.memory_space<semaphore_mem>>)
      %dma_wait3A = arith.constant 0 : i32
      %dma_wait3A_19 = tpu.memref_slice %arg12[%mul3A_4, %dma_wait3A] : memref<10240x128xf32, #tpu.memory_space<vmem_shared>> -> memref<640x128xf32, #tpu.memory_space<vmem_shared>>
      %dma_wait3A_20 = arith.constant 0 : i32
      %dma_wait3A_21 = tpu.memref_slice %arg6[%mul3A_2, %dma_wait3A_20] : memref<10240x128xf32, #tpu.memory_space<hbm>> -> memref<640x128xf32, #tpu.memory_space<hbm>>
      tpu.wait_dma2 semaphore(%run_scoped3A : memref<!tpu.dma_semaphore, #tpu.memory_space<semaphore_mem>>) src(%dma_wait3A_21 : memref<640x128xf32, #tpu.memory_space<hbm>>) dst(%dma_wait3A_19 : memref<640x128xf32, #tpu.memory_space<vmem_shared>>)
      tpu.yield
    }) : () -> ()
    "tpu.region"() ({
      %run_scoped3A = tpu.sem_alloc : memref<!tpu.dma_semaphore, #tpu.memory_space<semaphore_mem>>
      %dma_start3A = arith.constant 0 : i32
      %dma_start3A_16 = arith.constant 0 : i32
      %dma_start3A_17 = tpu.memref_slice %arg3[%add3A, %dma_start3A, %dma_start3A_16] : memref<32x79x128xi32, #tpu.memory_space<hbm>> -> memref<1x79x128xi32, #tpu.memory_space<hbm>>
      %dma_start3A_18 = tpu.memref_squeeze %dma_start3A_17 : memref<1x79x128xi32, #tpu.memory_space<hbm>> -> memref<79x128xi32, #tpu.memory_space<hbm>>
      %dma_start3A_19 = arith.constant 0 : i32
      %dma_start3A_20 = arith.constant 0 : i32
      %dma_start3A_21 = tpu.memref_slice %arg3[%add3A, %dma_start3A_19, %dma_start3A_20] : memref<32x79x128xi32, #tpu.memory_space<hbm>> -> memref<1x79x128xi32, #tpu.memory_space<hbm>>
      %dma_start3A_22 = tpu.memref_squeeze %dma_start3A_21 : memref<1x79x128xi32, #tpu.memory_space<hbm>> -> memref<79x128xi32, #tpu.memory_space<hbm>>
      tpu.enqueue_dma source(%dma_start3A_22 : memref<79x128xi32, #tpu.memory_space<hbm>>) target(%arg8 : memref<79x128xi32, #tpu.memory_space<vmem>>) target_semaphore(%run_scoped3A : memref<!tpu.dma_semaphore, #tpu.memory_space<semaphore_mem>>)
      %dma_wait3A = arith.constant 0 : i32
      %dma_wait3A_23 = arith.constant 0 : i32
      %dma_wait3A_24 = tpu.memref_slice %arg3[%add3A, %dma_wait3A, %dma_wait3A_23] : memref<32x79x128xi32, #tpu.memory_space<hbm>> -> memref<1x79x128xi32, #tpu.memory_space<hbm>>
      %dma_wait3A_25 = tpu.memref_squeeze %dma_wait3A_24 : memref<1x79x128xi32, #tpu.memory_space<hbm>> -> memref<79x128xi32, #tpu.memory_space<hbm>>
      %dma_wait3A_26 = arith.constant 0 : i32
      %dma_wait3A_27 = arith.constant 0 : i32
      %dma_wait3A_28 = tpu.memref_slice %arg3[%add3A, %dma_wait3A_26, %dma_wait3A_27] : memref<32x79x128xi32, #tpu.memory_space<hbm>> -> memref<1x79x128xi32, #tpu.memory_space<hbm>>
      %dma_wait3A_29 = tpu.memref_squeeze %dma_wait3A_28 : memref<1x79x128xi32, #tpu.memory_space<hbm>> -> memref<79x128xi32, #tpu.memory_space<hbm>>
      tpu.wait_dma2 semaphore(%run_scoped3A : memref<!tpu.dma_semaphore, #tpu.memory_space<semaphore_mem>>) src(%dma_wait3A_29 : memref<79x128xi32, #tpu.memory_space<hbm>>) dst(%arg8 : memref<79x128xi32, #tpu.memory_space<vmem>>)
      tpu.yield
    }) : () -> ()
    "tpu.region"() ({
      %run_scoped3A = tpu.sem_alloc : memref<!tpu.dma_semaphore, #tpu.memory_space<semaphore_mem>>
      %dma_start3A = arith.constant 0 : i32
      %dma_start3A_16 = arith.constant 0 : i32
      %dma_start3A_17 = tpu.memref_slice %arg4[%add3A, %dma_start3A, %dma_start3A_16] : memref<32x79x128xi32, #tpu.memory_space<hbm>> -> memref<1x79x128xi32, #tpu.memory_space<hbm>>
      %dma_start3A_18 = tpu.memref_squeeze %dma_start3A_17 : memref<1x79x128xi32, #tpu.memory_space<hbm>> -> memref<79x128xi32, #tpu.memory_space<hbm>>
      %dma_start3A_19 = arith.constant 0 : i32
      %dma_start3A_20 = arith.constant 0 : i32
      %dma_start3A_21 = tpu.memref_slice %arg4[%add3A, %dma_start3A_19, %dma_start3A_20] : memref<32x79x128xi32, #tpu.memory_space<hbm>> -> memref<1x79x128xi32, #tpu.memory_space<hbm>>
      %dma_start3A_22 = tpu.memref_squeeze %dma_start3A_21 : memref<1x79x128xi32, #tpu.memory_space<hbm>> -> memref<79x128xi32, #tpu.memory_space<hbm>>
      tpu.enqueue_dma source(%dma_start3A_22 : memref<79x128xi32, #tpu.memory_space<hbm>>) target(%arg9 : memref<79x128xi32, #tpu.memory_space<vmem>>) target_semaphore(%run_scoped3A : memref<!tpu.dma_semaphore, #tpu.memory_space<semaphore_mem>>)
      %dma_wait3A = arith.constant 0 : i32
      %dma_wait3A_23 = arith.constant 0 : i32
      %dma_wait3A_24 = tpu.memref_slice %arg4[%add3A, %dma_wait3A, %dma_wait3A_23] : memref<32x79x128xi32, #tpu.memory_space<hbm>> -> memref<1x79x128xi32, #tpu.memory_space<hbm>>
      %dma_wait3A_25 = tpu.memref_squeeze %dma_wait3A_24 : memref<1x79x128xi32, #tpu.memory_space<hbm>> -> memref<79x128xi32, #tpu.memory_space<hbm>>
      %dma_wait3A_26 = arith.constant 0 : i32
      %dma_wait3A_27 = arith.constant 0 : i32
      %dma_wait3A_28 = tpu.memref_slice %arg4[%add3A, %dma_wait3A_26, %dma_wait3A_27] : memref<32x79x128xi32, #tpu.memory_space<hbm>> -> memref<1x79x128xi32, #tpu.memory_space<hbm>>
      %dma_wait3A_29 = tpu.memref_squeeze %dma_wait3A_28 : memref<1x79x128xi32, #tpu.memory_space<hbm>> -> memref<79x128xi32, #tpu.memory_space<hbm>>
      tpu.wait_dma2 semaphore(%run_scoped3A : memref<!tpu.dma_semaphore, #tpu.memory_space<semaphore_mem>>) src(%dma_wait3A_29 : memref<79x128xi32, #tpu.memory_space<hbm>>) dst(%arg9 : memref<79x128xi32, #tpu.memory_space<vmem>>)
      tpu.yield
    }) : () -> ()
    "tpu.region"() ({
      %run_scoped3A = tpu.sem_alloc : memref<!tpu.dma_semaphore, #tpu.memory_space<semaphore_mem>>
      %dma_start3A = arith.constant 0 : i32
      %dma_start3A_16 = arith.constant 0 : i32
      %dma_start3A_17 = tpu.memref_slice %arg5[%add3A, %dma_start3A, %dma_start3A_16] : memref<32x79x128xf32, #tpu.memory_space<hbm>> -> memref<1x79x128xf32, #tpu.memory_space<hbm>>
      %dma_start3A_18 = tpu.memref_squeeze %dma_start3A_17 : memref<1x79x128xf32, #tpu.memory_space<hbm>> -> memref<79x128xf32, #tpu.memory_space<hbm>>
      %dma_start3A_19 = arith.constant 0 : i32
      %dma_start3A_20 = arith.constant 0 : i32
      %dma_start3A_21 = tpu.memref_slice %arg5[%add3A, %dma_start3A_19, %dma_start3A_20] : memref<32x79x128xf32, #tpu.memory_space<hbm>> -> memref<1x79x128xf32, #tpu.memory_space<hbm>>
      %dma_start3A_22 = tpu.memref_squeeze %dma_start3A_21 : memref<1x79x128xf32, #tpu.memory_space<hbm>> -> memref<79x128xf32, #tpu.memory_space<hbm>>
      tpu.enqueue_dma source(%dma_start3A_22 : memref<79x128xf32, #tpu.memory_space<hbm>>) target(%arg10 : memref<79x128xf32, #tpu.memory_space<vmem>>) target_semaphore(%run_scoped3A : memref<!tpu.dma_semaphore, #tpu.memory_space<semaphore_mem>>)
      %dma_wait3A = arith.constant 0 : i32
      %dma_wait3A_23 = arith.constant 0 : i32
      %dma_wait3A_24 = tpu.memref_slice %arg5[%add3A, %dma_wait3A, %dma_wait3A_23] : memref<32x79x128xf32, #tpu.memory_space<hbm>> -> memref<1x79x128xf32, #tpu.memory_space<hbm>>
      %dma_wait3A_25 = tpu.memref_squeeze %dma_wait3A_24 : memref<1x79x128xf32, #tpu.memory_space<hbm>> -> memref<79x128xf32, #tpu.memory_space<hbm>>
      %dma_wait3A_26 = arith.constant 0 : i32
      %dma_wait3A_27 = arith.constant 0 : i32
      %dma_wait3A_28 = tpu.memref_slice %arg5[%add3A, %dma_wait3A_26, %dma_wait3A_27] : memref<32x79x128xf32, #tpu.memory_space<hbm>> -> memref<1x79x128xf32, #tpu.memory_space<hbm>>
      %dma_wait3A_29 = tpu.memref_squeeze %dma_wait3A_28 : memref<1x79x128xf32, #tpu.memory_space<hbm>> -> memref<79x128xf32, #tpu.memory_space<hbm>>
      tpu.wait_dma2 semaphore(%run_scoped3A : memref<!tpu.dma_semaphore, #tpu.memory_space<semaphore_mem>>) src(%dma_wait3A_29 : memref<79x128xf32, #tpu.memory_space<hbm>>) dst(%arg10 : memref<79x128xf32, #tpu.memory_space<vmem>>)
      tpu.yield
    }) : () -> ()
    %barrier3A = arith.constant 0 : index
    tpu.barrier barrier_id(%barrier3A)
    %scan3A = arith.constant 0 : i32
    %scan3A_5 = arith.constant 0 : i32
    %scan3A_6 = arith.constant 79 : i32
    %scan3A_7 = arith.addi %scan3A_5, %scan3A_6 : i32
    %scan3A_8 = arith.constant 1 : i32
    %scan3A_9 = scf.for %scan3A_16 = %scan3A_5 to %scan3A_7 step %scan3A_8 iter_args(%scan3A_17 = %scan3A) -> (i32)  : i32 {
      %dma_start3A = arith.constant 0 : i32
      %dma_start3A_18 = tpu.memref_slice %arg8[%scan3A_16, %dma_start3A] : memref<79x128xi32, #tpu.memory_space<vmem>> -> memref<1x128xi32, #tpu.memory_space<vmem>>
      %dma_start3A_19 = tpu.memref_squeeze %dma_start3A_18 : memref<1x128xi32, #tpu.memory_space<vmem>> -> memref<128xi32, #tpu.memory_space<vmem>>
      %dma_start3A_20 = arith.constant 0 : i32
      %dma_start3A_21 = arith.constant 0 : i32
      %dma_start3A_22 = tpu.memref_slice %arg2[%dma_start3A_20, %dma_start3A_21] : memref<10240x128xf32, #tpu.memory_space<hbm>> -> memref<10240x128xf32, #tpu.memory_space<hbm>>
      tpu.enqueue_indirect_dma source(%dma_start3A_22 : memref<10240x128xf32, #tpu.memory_space<hbm>>) target(%arg11 : memref<128x128xf32, #tpu.memory_space<vmem>>) offsets(%dma_start3A_19 : memref<128xi32, #tpu.memory_space<vmem>>) semaphore(%arg13 : memref<!tpu.dma_semaphore, #tpu.memory_space<semaphore_mem>>)
      %dma_wait3A = arith.constant 0 : i32
      %dma_wait3A_23 = tpu.memref_slice %arg8[%scan3A_16, %dma_wait3A] : memref<79x128xi32, #tpu.memory_space<vmem>> -> memref<1x128xi32, #tpu.memory_space<vmem>>
      %dma_wait3A_24 = tpu.memref_squeeze %dma_wait3A_23 : memref<1x128xi32, #tpu.memory_space<vmem>> -> memref<128xi32, #tpu.memory_space<vmem>>
      %dma_wait3A_25 = arith.constant 0 : i32
      %dma_wait3A_26 = arith.constant 0 : i32
      %dma_wait3A_27 = tpu.memref_slice %arg2[%dma_wait3A_25, %dma_wait3A_26] : memref<10240x128xf32, #tpu.memory_space<hbm>> -> memref<10240x128xf32, #tpu.memory_space<hbm>>
      tpu.wait_indirect_dma semaphore(%arg13 : memref<!tpu.dma_semaphore, #tpu.memory_space<semaphore_mem>>) src(%dma_wait3A_27 : memref<10240x128xf32, #tpu.memory_space<hbm>>) dst(%arg11 : memref<128x128xf32, #tpu.memory_space<vmem>>)
      %scan3A_28 = arith.constant 0 : i32
      %scan3A_29 = arith.constant 0 : i32
      %scan3A_30 = arith.constant 8 : i32
      %scan3A_31 = arith.addi %scan3A_29, %scan3A_30 : i32
      %scan3A_32 = arith.constant 1 : i32
      %scan3A_33 = scf.for %scan3A_36 = %scan3A_29 to %scan3A_31 step %scan3A_32 iter_args(%scan3A_37 = %scan3A_28) -> (i32)  : i32 {
        %mul3A_38 = arith.constant 16 : i32
        %mul3A_39 = arith.muli %scan3A_36, %mul3A_38 : i32
        %get3A = arith.index_cast %scan3A_16 : i32 to index
        %get3A_40 = arith.index_cast %mul3A_39 : i32 to index
        %get3A_41 = tpu.vector_load %arg10[%get3A, %get3A_40] {strides = array<i32>} : memref<79x128xf32, #tpu.memory_space<vmem>>, vector<16xf32>,
        %slice3A = vector.extract_strided_slice %get3A_41 {offsets = [0], sizes = [1], strides = [1]} : vector<16xf32> to vector<1xf32>
        %squeeze3A = vector.extract %slice3A[0] : f32 from vector<1xf32>
        %broadcast_in_dim3A = vector.broadcast %squeeze3A : f32 to vector<16xf32>
        %mul3A_42 = arith.constant 16 : i32
        %mul3A_43 = arith.muli %scan3A_36, %mul3A_42 : i32
        %add3A_44 = arith.constant 0 : i32
        %add3A_45 = arith.addi %mul3A_43, %add3A_44 : i32
        %get3A_46 = arith.index_cast %add3A_45 : i32 to index
        %get3A_47 = arith.constant 0 : index
        %get3A_48 = tpu.vector_load %arg11[%get3A_46, %get3A_47] {strides = array<i32>} : memref<128x128xf32, #tpu.memory_space<vmem>>, vector<16xf32>,
        %mul3A_49 = arith.mulf %get3A_48, %broadcast_in_dim3A : vector<16xf32>
        %swap3A = arith.index_cast %add3A_45 : i32 to index
        %swap3A_50 = arith.constant 0 : index
        %swap3A_51 = tpu.vector_load %arg11[%swap3A, %swap3A_50] {strides = array<i32>} : memref<128x128xf32, #tpu.memory_space<vmem>>, vector<16xf32>,
        tpu.vector_store %arg11[%swap3A, %swap3A_50], %mul3A_49 {strides = array<i32>} : memref<128x128xf32, #tpu.memory_space<vmem>>, vector<16xf32>,
        %get3A_52 = arith.index_cast %add3A_45 : i32 to index
        %get3A_53 = arith.constant 16 : index
        %get3A_54 = tpu.vector_load %arg11[%get3A_52, %get3A_53] {strides = array<i32>} : memref<128x128xf32, #tpu.memory_space<vmem>>, vector<16xf32>,
        %mul3A_55 = arith.mulf %get3A_54, %broadcast_in_dim3A : vector<16xf32>
        %swap3A_56 = arith.index_cast %add3A_45 : i32 to index
        %swap3A_57 = arith.constant 16 : index
        %swap3A_58 = tpu.vector_load %arg11[%swap3A_56, %swap3A_57] {strides = array<i32>} : memref<128x128xf32, #tpu.memory_space<vmem>>, vector<16xf32>,
        tpu.vector_store %arg11[%swap3A_56, %swap3A_57], %mul3A_55 {strides = array<i32>} : memref<128x128xf32, #tpu.memory_space<vmem>>, vector<16xf32>,
        %get3A_59 = arith.index_cast %add3A_45 : i32 to index
        %get3A_60 = arith.constant 32 : index
        %get3A_61 = tpu.vector_load %arg11[%get3A_59, %get3A_60] {strides = array<i32>} : memref<128x128xf32, #tpu.memory_space<vmem>>, vector<16xf32>,
        %mul3A_62 = arith.mulf %get3A_61, %broadcast_in_dim3A : vector<16xf32>
        %swap3A_63 = arith.index_cast %add3A_45 : i32 to index
        %swap3A_64 = arith.constant 32 : index
        %swap3A_65 = tpu.vector_load %arg11[%swap3A_63, %swap3A_64] {strides = array<i32>} : memref<128x128xf32, #tpu.memory_space<vmem>>, vector<16xf32>,
        tpu.vector_store %arg11[%swap3A_63, %swap3A_64], %mul3A_62 {strides = array<i32>} : memref<128x128xf32, #tpu.memory_space<vmem>>, vector<16xf32>,
        %get3A_66 = arith.index_cast %add3A_45 : i32 to index
        %get3A_67 = arith.constant 48 : index
        %get3A_68 = tpu.vector_load %arg11[%get3A_66, %get3A_67] {strides = array<i32>} : memref<128x128xf32, #tpu.memory_space<vmem>>, vector<16xf32>,
        %mul3A_69 = arith.mulf %get3A_68, %broadcast_in_dim3A : vector<16xf32>
        %swap3A_70 = arith.index_cast %add3A_45 : i32 to index
        %swap3A_71 = arith.constant 48 : index
        %swap3A_72 = tpu.vector_load %arg11[%swap3A_70, %swap3A_71] {strides = array<i32>} : memref<128x128xf32, #tpu.memory_space<vmem>>, vector<16xf32>,
        tpu.vector_store %arg11[%swap3A_70, %swap3A_71], %mul3A_69 {strides = array<i32>} : memref<128x128xf32, #tpu.memory_space<vmem>>, vector<16xf32>,
        %get3A_73 = arith.index_cast %add3A_45 : i32 to index
        %get3A_74 = arith.constant 64 : index
        %get3A_75 = tpu.vector_load %arg11[%get3A_73, %get3A_74] {strides = array<i32>} : memref<128x128xf32, #tpu.memory_space<vmem>>, vector<16xf32>,
        %mul3A_76 = arith.mulf %get3A_75, %broadcast_in_dim3A : vector<16xf32>
        %swap3A_77 = arith.index_cast %add3A_45 : i32 to index
        %swap3A_78 = arith.constant 64 : index
        %swap3A_79 = tpu.vector_load %arg11[%swap3A_77, %swap3A_78] {strides = array<i32>} : memref<128x128xf32, #tpu.memory_space<vmem>>, vector<16xf32>,
        tpu.vector_store %arg11[%swap3A_77, %swap3A_78], %mul3A_76 {strides = array<i32>} : memref<128x128xf32, #tpu.memory_space<vmem>>, vector<16xf32>,
        %get3A_80 = arith.index_cast %add3A_45 : i32 to index
        %get3A_81 = arith.constant 80 : index
        %get3A_82 = tpu.vector_load %arg11[%get3A_80, %get3A_81] {strides = array<i32>} : memref<128x128xf32, #tpu.memory_space<vmem>>, vector<16xf32>,
        %mul3A_83 = arith.mulf %get3A_82, %broadcast_in_dim3A : vector<16xf32>
        %swap3A_84 = arith.index_cast %add3A_45 : i32 to index
        %swap3A_85 = arith.constant 80 : index
        %swap3A_86 = tpu.vector_load %arg11[%swap3A_84, %swap3A_85] {strides = array<i32>} : memref<128x128xf32, #tpu.memory_space<vmem>>, vector<16xf32>,
        tpu.vector_store %arg11[%swap3A_84, %swap3A_85], %mul3A_83 {strides = array<i32>} : memref<128x128xf32, #tpu.memory_space<vmem>>, vector<16xf32>,
        %get3A_87 = arith.index_cast %add3A_45 : i32 to index
        %get3A_88 = arith.constant 96 : index
        %get3A_89 = tpu.vector_load %arg11[%get3A_87, %get3A_88] {strides = array<i32>} : memref<128x128xf32, #tpu.memory_space<vmem>>, vector<16xf32>,
        %mul3A_90 = arith.mulf %get3A_89, %broadcast_in_dim3A : vector<16xf32>
        %swap3A_91 = arith.index_cast %add3A_45 : i32 to index
        %swap3A_92 = arith.constant 96 : index
        %swap3A_93 = tpu.vector_load %arg11[%swap3A_91, %swap3A_92] {strides = array<i32>} : memref<128x128xf32, #tpu.memory_space<vmem>>, vector<16xf32>,
        tpu.vector_store %arg11[%swap3A_91, %swap3A_92], %mul3A_90 {strides = array<i32>} : memref<128x128xf32, #tpu.memory_space<vmem>>, vector<16xf32>,
        %get3A_94 = arith.index_cast %add3A_45 : i32 to index
        %get3A_95 = arith.constant 112 : index
        %get3A_96 = tpu.vector_load %arg11[%get3A_94, %get3A_95] {strides = array<i32>} : memref<128x128xf32, #tpu.memory_space<vmem>>, vector<16xf32>,
        %mul3A_97 = arith.mulf %get3A_96, %broadcast_in_dim3A : vector<16xf32>
        %swap3A_98 = arith.index_cast %add3A_45 : i32 to index
        %swap3A_99 = arith.constant 112 : index
        %swap3A_100 = tpu.vector_load %arg11[%swap3A_98, %swap3A_99] {strides = array<i32>} : memref<128x128xf32, #tpu.memory_space<vmem>>, vector<16xf32>,
        tpu.vector_store %arg11[%swap3A_98, %swap3A_99], %mul3A_97 {strides = array<i32>} : memref<128x128xf32, #tpu.memory_space<vmem>>, vector<16xf32>,
        %slice3A_101 = vector.extract_strided_slice %get3A_41 {offsets = [1], sizes = [1], strides = [1]} : vector<16xf32> to vector<1xf32>
        %squeeze3A_102 = vector.extract %slice3A_101[0] : f32 from vector<1xf32>
        %broadcast_in_dim3A_103 = vector.broadcast %squeeze3A_102 : f32 to vector<16xf32>
        %mul3A_104 = arith.constant 16 : i32
        %mul3A_105 = arith.muli %scan3A_36, %mul3A_104 : i32
        %add3A_106 = arith.constant 1 : i32
        %add3A_107 = arith.addi %mul3A_105, %add3A_106 : i32
        %get3A_108 = arith.index_cast %add3A_107 : i32 to index
        %get3A_109 = arith.constant 0 : index
        %get3A_110 = tpu.vector_load %arg11[%get3A_108, %get3A_109] {strides = array<i32>} : memref<128x128xf32, #tpu.memory_space<vmem>>, vector<16xf32>,
        %mul3A_111 = arith.mulf %get3A_110, %broadcast_in_dim3A_103 : vector<16xf32>
        %swap3A_112 = arith.index_cast %add3A_107 : i32 to index
        %swap3A_113 = arith.constant 0 : index
        %swap3A_114 = tpu.vector_load %arg11[%swap3A_112, %swap3A_113] {strides = array<i32>} : memref<128x128xf32, #tpu.memory_space<vmem>>, vector<16xf32>,
        tpu.vector_store %arg11[%swap3A_112, %swap3A_113], %mul3A_111 {strides = array<i32>} : memref<128x128xf32, #tpu.memory_space<vmem>>, vector<16xf32>,
        %get3A_115 = arith.index_cast %add3A_107 : i32 to index
        %get3A_116 = arith.constant 16 : index
        %get3A_117 = tpu.vector_load %arg11[%get3A_115, %get3A_116] {strides = array<i32>} : memref<128x128xf32, #tpu.memory_space<vmem>>, vector<16xf32>,
        %mul3A_118 = arith.mulf %get3A_117, %broadcast_in_dim3A_103 : vector<16xf32>
        %swap3A_119 = arith.index_cast %add3A_107 : i32 to index
        %swap3A_120 = arith.constant 16 : index
        %swap3A_121 = tpu.vector_load %arg11[%swap3A_119, %swap3A_120] {strides = array<i32>} : memref<128x128xf32, #tpu.memory_space<vmem>>, vector<16xf32>,
        tpu.vector_store %arg11[%swap3A_119, %swap3A_120], %mul3A_118 {strides = array<i32>} : memref<128x128xf32, #tpu.memory_space<vmem>>, vector<16xf32>,
        %get3A_122 = arith.index_cast %add3A_107 : i32 to index
        %get3A_123 = arith.constant 32 : index
        %get3A_124 = tpu.vector_load %arg11[%get3A_122, %get3A_123] {strides = array<i32>} : memref<128x128xf32, #tpu.memory_space<vmem>>, vector<16xf32>,
        %mul3A_125 = arith.mulf %get3A_124, %broadcast_in_dim3A_103 : vector<16xf32>
        %swap3A_126 = arith.index_cast %add3A_107 : i32 to index
        %swap3A_127 = arith.constant 32 : index
        %swap3A_128 = tpu.vector_load %arg11[%swap3A_126, %swap3A_127] {strides = array<i32>} : memref<128x128xf32, #tpu.memory_space<vmem>>, vector<16xf32>,
        tpu.vector_store %arg11[%swap3A_126, %swap3A_127], %mul3A_125 {strides = array<i32>} : memref<128x128xf32, #tpu.memory_space<vmem>>, vector<16xf32>,
        %get3A_129 = arith.index_cast %add3A_107 : i32 to index
        %get3A_130 = arith.constant 48 : index
        %get3A_131 = tpu.vector_load %arg11[%get3A_129, %get3A_130] {strides = array<i32>} : memref<128x128xf32, #tpu.memory_space<vmem>>, vector<16xf32>,
        %mul3A_132 = arith.mulf %get3A_131, %broadcast_in_dim3A_103 : vector<16xf32>
        %swap3A_133 = arith.index_cast %add3A_107 : i32 to index
        %swap3A_134 = arith.constant 48 : index
        %swap3A_135 = tpu.vector_load %arg11[%swap3A_133, %swap3A_134] {strides = array<i32>} : memref<128x128xf32, #tpu.memory_space<vmem>>, vector<16xf32>,
        tpu.vector_store %arg11[%swap3A_133, %swap3A_134], %mul3A_132 {strides = array<i32>} : memref<128x128xf32, #tpu.memory_space<vmem>>, vector<16xf32>,
        %get3A_136 = arith.index_cast %add3A_107 : i32 to index
        %get3A_137 = arith.constant 64 : index
        %get3A_138 = tpu.vector_load %arg11[%get3A_136, %get3A_137] {strides = array<i32>} : memref<128x128xf32, #tpu.memory_space<vmem>>, vector<16xf32>,
        %mul3A_139 = arith.mulf %get3A_138, %broadcast_in_dim3A_103 : vector<16xf32>
        %swap3A_140 = arith.index_cast %add3A_107 : i32 to index
        %swap3A_141 = arith.constant 64 : index
        %swap3A_142 = tpu.vector_load %arg11[%swap3A_140, %swap3A_141] {strides = array<i32>} : memref<128x128xf32, #tpu.memory_space<vmem>>, vector<16xf32>,
        tpu.vector_store %arg11[%swap3A_140, %swap3A_141], %mul3A_139 {strides = array<i32>} : memref<128x128xf32, #tpu.memory_space<vmem>>, vector<16xf32>,
        %get3A_143 = arith.index_cast %add3A_107 : i32 to index
        %get3A_144 = arith.constant 80 : index
        %get3A_145 = tpu.vector_load %arg11[%get3A_143, %get3A_144] {strides = array<i32>} : memref<128x128xf32, #tpu.memory_space<vmem>>, vector<16xf32>,
        %mul3A_146 = arith.mulf %get3A_145, %broadcast_in_dim3A_103 : vector<16xf32>
        %swap3A_147 = arith.index_cast %add3A_107 : i32 to index
        %swap3A_148 = arith.constant 80 : index
        %swap3A_149 = tpu.vector_load %arg11[%swap3A_147, %swap3A_148] {strides = array<i32>} : memref<128x128xf32, #tpu.memory_space<vmem>>, vector<16xf32>,
        tpu.vector_store %arg11[%swap3A_147, %swap3A_148], %mul3A_146 {strides = array<i32>} : memref<128x128xf32, #tpu.memory_space<vmem>>, vector<16xf32>,
        %get3A_150 = arith.index_cast %add3A_107 : i32 to index
        %get3A_151 = arith.constant 96 : index
        %get3A_152 = tpu.vector_load %arg11[%get3A_150, %get3A_151] {strides = array<i32>} : memref<128x128xf32, #tpu.memory_space<vmem>>, vector<16xf32>,
        %mul3A_153 = arith.mulf %get3A_152, %broadcast_in_dim3A_103 : vector<16xf32>
        %swap3A_154 = arith.index_cast %add3A_107 : i32 to index
        %swap3A_155 = arith.constant 96 : index
        %swap3A_156 = tpu.vector_load %arg11[%swap3A_154, %swap3A_155] {strides = array<i32>} : memref<128x128xf32, #tpu.memory_space<vmem>>, vector<16xf32>,
        tpu.vector_store %arg11[%swap3A_154, %swap3A_155], %mul3A_153 {strides = array<i32>} : memref<128x128xf32, #tpu.memory_space<vmem>>, vector<16xf32>,
        %get3A_157 = arith.index_cast %add3A_107 : i32 to index
        %get3A_158 = arith.constant 112 : index
        %get3A_159 = tpu.vector_load %arg11[%get3A_157, %get3A_158] {strides = array<i32>} : memref<128x128xf32, #tpu.memory_space<vmem>>, vector<16xf32>,
        %mul3A_160 = arith.mulf %get3A_159, %broadcast_in_dim3A_103 : vector<16xf32>
        %swap3A_161 = arith.index_cast %add3A_107 : i32 to index
        %swap3A_162 = arith.constant 112 : index
        %swap3A_163 = tpu.vector_load %arg11[%swap3A_161, %swap3A_162] {strides = array<i32>} : memref<128x128xf32, #tpu.memory_space<vmem>>, vector<16xf32>,
        tpu.vector_store %arg11[%swap3A_161, %swap3A_162], %mul3A_160 {strides = array<i32>} : memref<128x128xf32, #tpu.memory_space<vmem>>, vector<16xf32>,
        %slice3A_164 = vector.extract_strided_slice %get3A_41 {offsets = [2], sizes = [1], strides = [1]} : vector<16xf32> to vector<1xf32>
        %squeeze3A_165 = vector.extract %slice3A_164[0] : f32 from vector<1xf32>
        %broadcast_in_dim3A_166 = vector.broadcast %squeeze3A_165 : f32 to vector<16xf32>
        %mul3A_167 = arith.constant 16 : i32
        %mul3A_168 = arith.muli %scan3A_36, %mul3A_167 : i32
        %add3A_169 = arith.constant 2 : i32
        %add3A_170 = arith.addi %mul3A_168, %add3A_169 : i32
        %get3A_171 = arith.index_cast %add3A_170 : i32 to index
        %get3A_172 = arith.constant 0 : index
        %get3A_173 = tpu.vector_load %arg11[%get3A_171, %get3A_172] {strides = array<i32>} : memref<128x128xf32, #tpu.memory_space<vmem>>, vector<16xf32>,
        %mul3A_174 = arith.mulf %get3A_173, %broadcast_in_dim3A_166 : vector<16xf32>
        %swap3A_175 = arith.index_cast %add3A_170 : i32 to index
        %swap3A_176 = arith.constant 0 : index
        %swap3A_177 = tpu.vector_load %arg11[%swap3A_175, %swap3A_176] {strides = array<i32>} : memref<128x128xf32, #tpu.memory_space<vmem>>, vector<16xf32>,
        tpu.vector_store %arg11[%swap3A_175, %swap3A_176], %mul3A_174 {strides = array<i32>} : memref<128x128xf32, #tpu.memory_space<vmem>>, vector<16xf32>,
        %get3A_178 = arith.index_cast %add3A_170 : i32 to index
        %get3A_179 = arith.constant 16 : index
        %get3A_180 = tpu.vector_load %arg11[%get3A_178, %get3A_179] {strides = array<i32>} : memref<128x128xf32, #tpu.memory_space<vmem>>, vector<16xf32>,
        %mul3A_181 = arith.mulf %get3A_180, %broadcast_in_dim3A_166 : vector<16xf32>
        %swap3A_182 = arith.index_cast %add3A_170 : i32 to index
        %swap3A_183 = arith.constant 16 : index
        %swap3A_184 = tpu.vector_load %arg11[%swap3A_182, %swap3A_183] {strides = array<i32>} : memref<128x128xf32, #tpu.memory_space<vmem>>, vector<16xf32>,
        tpu.vector_store %arg11[%swap3A_182, %swap3A_183], %mul3A_181 {strides = array<i32>} : memref<128x128xf32, #tpu.memory_space<vmem>>, vector<16xf32>,
        %get3A_185 = arith.index_cast %add3A_170 : i32 to index
        %get3A_186 = arith.constant 32 : index
        %get3A_187 = tpu.vector_load %arg11[%get3A_185, %get3A_186] {strides = array<i32>} : memref<128x128xf32, #tpu.memory_space<vmem>>, vector<16xf32>,
        %mul3A_188 = arith.mulf %get3A_187, %broadcast_in_dim3A_166 : vector<16xf32>
        %swap3A_189 = arith.index_cast %add3A_170 : i32 to index
        %swap3A_190 = arith.constant 32 : index
        %swap3A_191 = tpu.vector_load %arg11[%swap3A_189, %swap3A_190] {strides = array<i32>} : memref<128x128xf32, #tpu.memory_space<vmem>>, vector<16xf32>,
        tpu.vector_store %arg11[%swap3A_189, %swap3A_190], %mul3A_188 {strides = array<i32>} : memref<128x128xf32, #tpu.memory_space<vmem>>, vector<16xf32>,
        %get3A_192 = arith.index_cast %add3A_170 : i32 to index
        %get3A_193 = arith.constant 48 : index
        %get3A_194 = tpu.vector_load %arg11[%get3A_192, %get3A_193] {strides = array<i32>} : memref<128x128xf32, #tpu.memory_space<vmem>>, vector<16xf32>,
        %mul3A_195 = arith.mulf %get3A_194, %broadcast_in_dim3A_166 : vector<16xf32>
        %swap3A_196 = arith.index_cast %add3A_170 : i32 to index
        %swap3A_197 = arith.constant 48 : index
        %swap3A_198 = tpu.vector_load %arg11[%swap3A_196, %swap3A_197] {strides = array<i32>} : memref<128x128xf32, #tpu.memory_space<vmem>>, vector<16xf32>,
        tpu.vector_store %arg11[%swap3A_196, %swap3A_197], %mul3A_195 {strides = array<i32>} : memref<128x128xf32, #tpu.memory_space<vmem>>, vector<16xf32>,
        %get3A_199 = arith.index_cast %add3A_170 : i32 to index
        %get3A_200 = arith.constant 64 : index
        %get3A_201 = tpu.vector_load %arg11[%get3A_199, %get3A_200] {strides = array<i32>} : memref<128x128xf32, #tpu.memory_space<vmem>>, vector<16xf32>,
        %mul3A_202 = arith.mulf %get3A_201, %broadcast_in_dim3A_166 : vector<16xf32>
        %swap3A_203 = arith.index_cast %add3A_170 : i32 to index
        %swap3A_204 = arith.constant 64 : index
        %swap3A_205 = tpu.vector_load %arg11[%swap3A_203, %swap3A_204] {strides = array<i32>} : memref<128x128xf32, #tpu.memory_space<vmem>>, vector<16xf32>,
        tpu.vector_store %arg11[%swap3A_203, %swap3A_204], %mul3A_202 {strides = array<i32>} : memref<128x128xf32, #tpu.memory_space<vmem>>, vector<16xf32>,
        %get3A_206 = arith.index_cast %add3A_170 : i32 to index
        %get3A_207 = arith.constant 80 : index
        %get3A_208 = tpu.vector_load %arg11[%get3A_206, %get3A_207] {strides = array<i32>} : memref<128x128xf32, #tpu.memory_space<vmem>>, vector<16xf32>,
        %mul3A_209 = arith.mulf %get3A_208, %broadcast_in_dim3A_166 : vector<16xf32>
        %swap3A_210 = arith.index_cast %add3A_170 : i32 to index
        %swap3A_211 = arith.constant 80 : index
        %swap3A_212 = tpu.vector_load %arg11[%swap3A_210, %swap3A_211] {strides = array<i32>} : memref<128x128xf32, #tpu.memory_space<vmem>>, vector<16xf32>,
        tpu.vector_store %arg11[%swap3A_210, %swap3A_211], %mul3A_209 {strides = array<i32>} : memref<128x128xf32, #tpu.memory_space<vmem>>, vector<16xf32>,
        %get3A_213 = arith.index_cast %add3A_170 : i32 to index
        %get3A_214 = arith.constant 96 : index
        %get3A_215 = tpu.vector_load %arg11[%get3A_213, %get3A_214] {strides = array<i32>} : memref<128x128xf32, #tpu.memory_space<vmem>>, vector<16xf32>,
        %mul3A_216 = arith.mulf %get3A_215, %broadcast_in_dim3A_166 : vector<16xf32>
        %swap3A_217 = arith.index_cast %add3A_170 : i32 to index
        %swap3A_218 = arith.constant 96 : index
        %swap3A_219 = tpu.vector_load %arg11[%swap3A_217, %swap3A_218] {strides = array<i32>} : memref<128x128xf32, #tpu.memory_space<vmem>>, vector<16xf32>,
        tpu.vector_store %arg11[%swap3A_217, %swap3A_218], %mul3A_216 {strides = array<i32>} : memref<128x128xf32, #tpu.memory_space<vmem>>, vector<16xf32>,
        %get3A_220 = arith.index_cast %add3A_170 : i32 to index
        %get3A_221 = arith.constant 112 : index
        %get3A_222 = tpu.vector_load %arg11[%get3A_220, %get3A_221] {strides = array<i32>} : memref<128x128xf32, #tpu.memory_space<vmem>>, vector<16xf32>,
        %mul3A_223 = arith.mulf %get3A_222, %broadcast_in_dim3A_166 : vector<16xf32>
        %swap3A_224 = arith.index_cast %add3A_170 : i32 to index
        %swap3A_225 = arith.constant 112 : index
        %swap3A_226 = tpu.vector_load %arg11[%swap3A_224, %swap3A_225] {strides = array<i32>} : memref<128x128xf32, #tpu.memory_space<vmem>>, vector<16xf32>,
        tpu.vector_store %arg11[%swap3A_224, %swap3A_225], %mul3A_223 {strides = array<i32>} : memref<128x128xf32, #tpu.memory_space<vmem>>, vector<16xf32>,
        %slice3A_227 = vector.extract_strided_slice %get3A_41 {offsets = [3], sizes = [1], strides = [1]} : vector<16xf32> to vector<1xf32>
        %squeeze3A_228 = vector.extract %slice3A_227[0] : f32 from vector<1xf32>
        %broadcast_in_dim3A_229 = vector.broadcast %squeeze3A_228 : f32 to vector<16xf32>
        %mul3A_230 = arith.constant 16 : i32
        %mul3A_231 = arith.muli %scan3A_36, %mul3A_230 : i32
        %add3A_232 = arith.constant 3 : i32
        %add3A_233 = arith.addi %mul3A_231, %add3A_232 : i32
        %get3A_234 = arith.index_cast %add3A_233 : i32 to index
        %get3A_235 = arith.constant 0 : index
        %get3A_236 = tpu.vector_load %arg11[%get3A_234, %get3A_235] {strides = array<i32>} : memref<128x128xf32, #tpu.memory_space<vmem>>, vector<16xf32>,
        %mul3A_237 = arith.mulf %get3A_236, %broadcast_in_dim3A_229 : vector<16xf32>
        %swap3A_238 = arith.index_cast %add3A_233 : i32 to index
        %swap3A_239 = arith.constant 0 : index
        %swap3A_240 = tpu.vector_load %arg11[%swap3A_238, %swap3A_239] {strides = array<i32>} : memref<128x128xf32, #tpu.memory_space<vmem>>, vector<16xf32>,
        tpu.vector_store %arg11[%swap3A_238, %swap3A_239], %mul3A_237 {strides = array<i32>} : memref<128x128xf32, #tpu.memory_space<vmem>>, vector<16xf32>,
        %get3A_241 = arith.index_cast %add3A_233 : i32 to index
        %get3A_242 = arith.constant 16 : index
        %get3A_243 = tpu.vector_load %arg11[%get3A_241, %get3A_242] {strides = array<i32>} : memref<128x128xf32, #tpu.memory_space<vmem>>, vector<16xf32>,
        %mul3A_244 = arith.mulf %get3A_243, %broadcast_in_dim3A_229 : vector<16xf32>
        %swap3A_245 = arith.index_cast %add3A_233 : i32 to index
        %swap3A_246 = arith.constant 16 : index
        %swap3A_247 = tpu.vector_load %arg11[%swap3A_245, %swap3A_246] {strides = array<i32>} : memref<128x128xf32, #tpu.memory_space<vmem>>, vector<16xf32>,
        tpu.vector_store %arg11[%swap3A_245, %swap3A_246], %mul3A_244 {strides = array<i32>} : memref<128x128xf32, #tpu.memory_space<vmem>>, vector<16xf32>,
        %get3A_248 = arith.index_cast %add3A_233 : i32 to index
        %get3A_249 = arith.constant 32 : index
        %get3A_250 = tpu.vector_load %arg11[%get3A_248, %get3A_249] {strides = array<i32>} : memref<128x128xf32, #tpu.memory_space<vmem>>, vector<16xf32>,
        %mul3A_251 = arith.mulf %get3A_250, %broadcast_in_dim3A_229 : vector<16xf32>
        %swap3A_252 = arith.index_cast %add3A_233 : i32 to index
        %swap3A_253 = arith.constant 32 : index
        %swap3A_254 = tpu.vector_load %arg11[%swap3A_252, %swap3A_253] {strides = array<i32>} : memref<128x128xf32, #tpu.memory_space<vmem>>, vector<16xf32>,
        tpu.vector_store %arg11[%swap3A_252, %swap3A_253], %mul3A_251 {strides = array<i32>} : memref<128x128xf32, #tpu.memory_space<vmem>>, vector<16xf32>,
        %get3A_255 = arith.index_cast %add3A_233 : i32 to index
        %get3A_256 = arith.constant 48 : index
        %get3A_257 = tpu.vector_load %arg11[%get3A_255, %get3A_256] {strides = array<i32>} : memref<128x128xf32, #tpu.memory_space<vmem>>, vector<16xf32>,
        %mul3A_258 = arith.mulf %get3A_257, %broadcast_in_dim3A_229 : vector<16xf32>
        %swap3A_259 = arith.index_cast %add3A_233 : i32 to index
        %swap3A_260 = arith.constant 48 : index
        %swap3A_261 = tpu.vector_load %arg11[%swap3A_259, %swap3A_260] {strides = array<i32>} : memref<128x128xf32, #tpu.memory_space<vmem>>, vector<16xf32>,
        tpu.vector_store %arg11[%swap3A_259, %swap3A_260], %mul3A_258 {strides = array<i32>} : memref<128x128xf32, #tpu.memory_space<vmem>>, vector<16xf32>,
        %get3A_262 = arith.index_cast %add3A_233 : i32 to index
        %get3A_263 = arith.constant 64 : index
        %get3A_264 = tpu.vector_load %arg11[%get3A_262, %get3A_263] {strides = array<i32>} : memref<128x128xf32, #tpu.memory_space<vmem>>, vector<16xf32>,
        %mul3A_265 = arith.mulf %get3A_264, %broadcast_in_dim3A_229 : vector<16xf32>
        %swap3A_266 = arith.index_cast %add3A_233 : i32 to index
        %swap3A_267 = arith.constant 64 : index
        %swap3A_268 = tpu.vector_load %arg11[%swap3A_266, %swap3A_267] {strides = array<i32>} : memref<128x128xf32, #tpu.memory_space<vmem>>, vector<16xf32>,
        tpu.vector_store %arg11[%swap3A_266, %swap3A_267], %mul3A_265 {strides = array<i32>} : memref<128x128xf32, #tpu.memory_space<vmem>>, vector<16xf32>,
        %get3A_269 = arith.index_cast %add3A_233 : i32 to index
        %get3A_270 = arith.constant 80 : index
        %get3A_271 = tpu.vector_load %arg11[%get3A_269, %get3A_270] {strides = array<i32>} : memref<128x128xf32, #tpu.memory_space<vmem>>, vector<16xf32>,
        %mul3A_272 = arith.mulf %get3A_271, %broadcast_in_dim3A_229 : vector<16xf32>
        %swap3A_273 = arith.index_cast %add3A_233 : i32 to index
        %swap3A_274 = arith.constant 80 : index
        %swap3A_275 = tpu.vector_load %arg11[%swap3A_273, %swap3A_274] {strides = array<i32>} : memref<128x128xf32, #tpu.memory_space<vmem>>, vector<16xf32>,
        tpu.vector_store %arg11[%swap3A_273, %swap3A_274], %mul3A_272 {strides = array<i32>} : memref<128x128xf32, #tpu.memory_space<vmem>>, vector<16xf32>,
        %get3A_276 = arith.index_cast %add3A_233 : i32 to index
        %get3A_277 = arith.constant 96 : index
        %get3A_278 = tpu.vector_load %arg11[%get3A_276, %get3A_277] {strides = array<i32>} : memref<128x128xf32, #tpu.memory_space<vmem>>, vector<16xf32>,
        %mul3A_279 = arith.mulf %get3A_278, %broadcast_in_dim3A_229 : vector<16xf32>
        %swap3A_280 = arith.index_cast %add3A_233 : i32 to index
        %swap3A_281 = arith.constant 96 : index
        %swap3A_282 = tpu.vector_load %arg11[%swap3A_280, %swap3A_281] {strides = array<i32>} : memref<128x128xf32, #tpu.memory_space<vmem>>, vector<16xf32>,
        tpu.vector_store %arg11[%swap3A_280, %swap3A_281], %mul3A_279 {strides = array<i32>} : memref<128x128xf32, #tpu.memory_space<vmem>>, vector<16xf32>,
        %get3A_283 = arith.index_cast %add3A_233 : i32 to index
        %get3A_284 = arith.constant 112 : index
        %get3A_285 = tpu.vector_load %arg11[%get3A_283, %get3A_284] {strides = array<i32>} : memref<128x128xf32, #tpu.memory_space<vmem>>, vector<16xf32>,
        %mul3A_286 = arith.mulf %get3A_285, %broadcast_in_dim3A_229 : vector<16xf32>
        %swap3A_287 = arith.index_cast %add3A_233 : i32 to index
        %swap3A_288 = arith.constant 112 : index
        %swap3A_289 = tpu.vector_load %arg11[%swap3A_287, %swap3A_288] {strides = array<i32>} : memref<128x128xf32, #tpu.memory_space<vmem>>, vector<16xf32>,
        tpu.vector_store %arg11[%swap3A_287, %swap3A_288], %mul3A_286 {strides = array<i32>} : memref<128x128xf32, #tpu.memory_space<vmem>>, vector<16xf32>,
        %slice3A_290 = vector.extract_strided_slice %get3A_41 {offsets = [4], sizes = [1], strides = [1]} : vector<16xf32> to vector<1xf32>
        %squeeze3A_291 = vector.extract %slice3A_290[0] : f32 from vector<1xf32>
        %broadcast_in_dim3A_292 = vector.broadcast %squeeze3A_291 : f32 to vector<16xf32>
        %mul3A_293 = arith.constant 16 : i32
        %mul3A_294 = arith.muli %scan3A_36, %mul3A_293 : i32
        %add3A_295 = arith.constant 4 : i32
        %add3A_296 = arith.addi %mul3A_294, %add3A_295 : i32
        %get3A_297 = arith.index_cast %add3A_296 : i32 to index
        %get3A_298 = arith.constant 0 : index
        %get3A_299 = tpu.vector_load %arg11[%get3A_297, %get3A_298] {strides = array<i32>} : memref<128x128xf32, #tpu.memory_space<vmem>>, vector<16xf32>,
        %mul3A_300 = arith.mulf %get3A_299, %broadcast_in_dim3A_292 : vector<16xf32>
        %swap3A_301 = arith.index_cast %add3A_296 : i32 to index
        %swap3A_302 = arith.constant 0 : index
        %swap3A_303 = tpu.vector_load %arg11[%swap3A_301, %swap3A_302] {strides = array<i32>} : memref<128x128xf32, #tpu.memory_space<vmem>>, vector<16xf32>,
        tpu.vector_store %arg11[%swap3A_301, %swap3A_302], %mul3A_300 {strides = array<i32>} : memref<128x128xf32, #tpu.memory_space<vmem>>, vector<16xf32>,
        %get3A_304 = arith.index_cast %add3A_296 : i32 to index
        %get3A_305 = arith.constant 16 : index
        %get3A_306 = tpu.vector_load %arg11[%get3A_304, %get3A_305] {strides = array<i32>} : memref<128x128xf32, #tpu.memory_space<vmem>>, vector<16xf32>,
        %mul3A_307 = arith.mulf %get3A_306, %broadcast_in_dim3A_292 : vector<16xf32>
        %swap3A_308 = arith.index_cast %add3A_296 : i32 to index
        %swap3A_309 = arith.constant 16 : index
        %swap3A_310 = tpu.vector_load %arg11[%swap3A_308, %swap3A_309] {strides = array<i32>} : memref<128x128xf32, #tpu.memory_space<vmem>>, vector<16xf32>,
        tpu.vector_store %arg11[%swap3A_308, %swap3A_309], %mul3A_307 {strides = array<i32>} : memref<128x128xf32, #tpu.memory_space<vmem>>, vector<16xf32>,
        %get3A_311 = arith.index_cast %add3A_296 : i32 to index
        %get3A_312 = arith.constant 32 : index
        %get3A_313 = tpu.vector_load %arg11[%get3A_311, %get3A_312] {strides = array<i32>} : memref<128x128xf32, #tpu.memory_space<vmem>>, vector<16xf32>,
        %mul3A_314 = arith.mulf %get3A_313, %broadcast_in_dim3A_292 : vector<16xf32>
        %swap3A_315 = arith.index_cast %add3A_296 : i32 to index
        %swap3A_316 = arith.constant 32 : index
        %swap3A_317 = tpu.vector_load %arg11[%swap3A_315, %swap3A_316] {strides = array<i32>} : memref<128x128xf32, #tpu.memory_space<vmem>>, vector<16xf32>,
        tpu.vector_store %arg11[%swap3A_315, %swap3A_316], %mul3A_314 {strides = array<i32>} : memref<128x128xf32, #tpu.memory_space<vmem>>, vector<16xf32>,
        %get3A_318 = arith.index_cast %add3A_296 : i32 to index
        %get3A_319 = arith.constant 48 : index
        %get3A_320 = tpu.vector_load %arg11[%get3A_318, %get3A_319] {strides = array<i32>} : memref<128x128xf32, #tpu.memory_space<vmem>>, vector<16xf32>,
        %mul3A_321 = arith.mulf %get3A_320, %broadcast_in_dim3A_292 : vector<16xf32>
        %swap3A_322 = arith.index_cast %add3A_296 : i32 to index
        %swap3A_323 = arith.constant 48 : index
        %swap3A_324 = tpu.vector_load %arg11[%swap3A_322, %swap3A_323] {strides = array<i32>} : memref<128x128xf32, #tpu.memory_space<vmem>>, vector<16xf32>,
        tpu.vector_store %arg11[%swap3A_322, %swap3A_323], %mul3A_321 {strides = array<i32>} : memref<128x128xf32, #tpu.memory_space<vmem>>, vector<16xf32>,
        %get3A_325 = arith.index_cast %add3A_296 : i32 to index
        %get3A_326 = arith.constant 64 : index
        %get3A_327 = tpu.vector_load %arg11[%get3A_325, %get3A_326] {strides = array<i32>} : memref<128x128xf32, #tpu.memory_space<vmem>>, vector<16xf32>,
        %mul3A_328 = arith.mulf %get3A_327, %broadcast_in_dim3A_292 : vector<16xf32>
        %swap3A_329 = arith.index_cast %add3A_296 : i32 to index
        %swap3A_330 = arith.constant 64 : index
        %swap3A_331 = tpu.vector_load %arg11[%swap3A_329, %swap3A_330] {strides = array<i32>} : memref<128x128xf32, #tpu.memory_space<vmem>>, vector<16xf32>,
        tpu.vector_store %arg11[%swap3A_329, %swap3A_330], %mul3A_328 {strides = array<i32>} : memref<128x128xf32, #tpu.memory_space<vmem>>, vector<16xf32>,
        %get3A_332 = arith.index_cast %add3A_296 : i32 to index
        %get3A_333 = arith.constant 80 : index
        %get3A_334 = tpu.vector_load %arg11[%get3A_332, %get3A_333] {strides = array<i32>} : memref<128x128xf32, #tpu.memory_space<vmem>>, vector<16xf32>,
        %mul3A_335 = arith.mulf %get3A_334, %broadcast_in_dim3A_292 : vector<16xf32>
        %swap3A_336 = arith.index_cast %add3A_296 : i32 to index
        %swap3A_337 = arith.constant 80 : index
        %swap3A_338 = tpu.vector_load %arg11[%swap3A_336, %swap3A_337] {strides = array<i32>} : memref<128x128xf32, #tpu.memory_space<vmem>>, vector<16xf32>,
        tpu.vector_store %arg11[%swap3A_336, %swap3A_337], %mul3A_335 {strides = array<i32>} : memref<128x128xf32, #tpu.memory_space<vmem>>, vector<16xf32>,
        %get3A_339 = arith.index_cast %add3A_296 : i32 to index
        %get3A_340 = arith.constant 96 : index
        %get3A_341 = tpu.vector_load %arg11[%get3A_339, %get3A_340] {strides = array<i32>} : memref<128x128xf32, #tpu.memory_space<vmem>>, vector<16xf32>,
        %mul3A_342 = arith.mulf %get3A_341, %broadcast_in_dim3A_292 : vector<16xf32>
        %swap3A_343 = arith.index_cast %add3A_296 : i32 to index
        %swap3A_344 = arith.constant 96 : index
        %swap3A_345 = tpu.vector_load %arg11[%swap3A_343, %swap3A_344] {strides = array<i32>} : memref<128x128xf32, #tpu.memory_space<vmem>>, vector<16xf32>,
        tpu.vector_store %arg11[%swap3A_343, %swap3A_344], %mul3A_342 {strides = array<i32>} : memref<128x128xf32, #tpu.memory_space<vmem>>, vector<16xf32>,
        %get3A_346 = arith.index_cast %add3A_296 : i32 to index
        %get3A_347 = arith.constant 112 : index
        %get3A_348 = tpu.vector_load %arg11[%get3A_346, %get3A_347] {strides = array<i32>} : memref<128x128xf32, #tpu.memory_space<vmem>>, vector<16xf32>,
        %mul3A_349 = arith.mulf %get3A_348, %broadcast_in_dim3A_292 : vector<16xf32>
        %swap3A_350 = arith.index_cast %add3A_296 : i32 to index
        %swap3A_351 = arith.constant 112 : index
        %swap3A_352 = tpu.vector_load %arg11[%swap3A_350, %swap3A_351] {strides = array<i32>} : memref<128x128xf32, #tpu.memory_space<vmem>>, vector<16xf32>,
        tpu.vector_store %arg11[%swap3A_350, %swap3A_351], %mul3A_349 {strides = array<i32>} : memref<128x128xf32, #tpu.memory_space<vmem>>, vector<16xf32>,
        %slice3A_353 = vector.extract_strided_slice %get3A_41 {offsets = [5], sizes = [1], strides = [1]} : vector<16xf32> to vector<1xf32>
        %squeeze3A_354 = vector.extract %slice3A_353[0] : f32 from vector<1xf32>
        %broadcast_in_dim3A_355 = vector.broadcast %squeeze3A_354 : f32 to vector<16xf32>
        %mul3A_356 = arith.constant 16 : i32
        %mul3A_357 = arith.muli %scan3A_36, %mul3A_356 : i32
        %add3A_358 = arith.constant 5 : i32
        %add3A_359 = arith.addi %mul3A_357, %add3A_358 : i32
        %get3A_360 = arith.index_cast %add3A_359 : i32 to index
        %get3A_361 = arith.constant 0 : index
        %get3A_362 = tpu.vector_load %arg11[%get3A_360, %get3A_361] {strides = array<i32>} : memref<128x128xf32, #tpu.memory_space<vmem>>, vector<16xf32>,
        %mul3A_363 = arith.mulf %get3A_362, %broadcast_in_dim3A_355 : vector<16xf32>
        %swap3A_364 = arith.index_cast %add3A_359 : i32 to index
        %swap3A_365 = arith.constant 0 : index
        %swap3A_366 = tpu.vector_load %arg11[%swap3A_364, %swap3A_365] {strides = array<i32>} : memref<128x128xf32, #tpu.memory_space<vmem>>, vector<16xf32>,
        tpu.vector_store %arg11[%swap3A_364, %swap3A_365], %mul3A_363 {strides = array<i32>} : memref<128x128xf32, #tpu.memory_space<vmem>>, vector<16xf32>,
        %get3A_367 = arith.index_cast %add3A_359 : i32 to index
        %get3A_368 = arith.constant 16 : index
        %get3A_369 = tpu.vector_load %arg11[%get3A_367, %get3A_368] {strides = array<i32>} : memref<128x128xf32, #tpu.memory_space<vmem>>, vector<16xf32>,
        %mul3A_370 = arith.mulf %get3A_369, %broadcast_in_dim3A_355 : vector<16xf32>
        %swap3A_371 = arith.index_cast %add3A_359 : i32 to index
        %swap3A_372 = arith.constant 16 : index
        %swap3A_373 = tpu.vector_load %arg11[%swap3A_371, %swap3A_372] {strides = array<i32>} : memref<128x128xf32, #tpu.memory_space<vmem>>, vector<16xf32>,
        tpu.vector_store %arg11[%swap3A_371, %swap3A_372], %mul3A_370 {strides = array<i32>} : memref<128x128xf32, #tpu.memory_space<vmem>>, vector<16xf32>,
        %get3A_374 = arith.index_cast %add3A_359 : i32 to index
        %get3A_375 = arith.constant 32 : index
        %get3A_376 = tpu.vector_load %arg11[%get3A_374, %get3A_375] {strides = array<i32>} : memref<128x128xf32, #tpu.memory_space<vmem>>, vector<16xf32>,
        %mul3A_377 = arith.mulf %get3A_376, %broadcast_in_dim3A_355 : vector<16xf32>
        %swap3A_378 = arith.index_cast %add3A_359 : i32 to index
        %swap3A_379 = arith.constant 32 : index
        %swap3A_380 = tpu.vector_load %arg11[%swap3A_378, %swap3A_379] {strides = array<i32>} : memref<128x128xf32, #tpu.memory_space<vmem>>, vector<16xf32>,
        tpu.vector_store %arg11[%swap3A_378, %swap3A_379], %mul3A_377 {strides = array<i32>} : memref<128x128xf32, #tpu.memory_space<vmem>>, vector<16xf32>,
        %get3A_381 = arith.index_cast %add3A_359 : i32 to index
        %get3A_382 = arith.constant 48 : index
        %get3A_383 = tpu.vector_load %arg11[%get3A_381, %get3A_382] {strides = array<i32>} : memref<128x128xf32, #tpu.memory_space<vmem>>, vector<16xf32>,
        %mul3A_384 = arith.mulf %get3A_383, %broadcast_in_dim3A_355 : vector<16xf32>
        %swap3A_385 = arith.index_cast %add3A_359 : i32 to index
        %swap3A_386 = arith.constant 48 : index
        %swap3A_387 = tpu.vector_load %arg11[%swap3A_385, %swap3A_386] {strides = array<i32>} : memref<128x128xf32, #tpu.memory_space<vmem>>, vector<16xf32>,
        tpu.vector_store %arg11[%swap3A_385, %swap3A_386], %mul3A_384 {strides = array<i32>} : memref<128x128xf32, #tpu.memory_space<vmem>>, vector<16xf32>,
        %get3A_388 = arith.index_cast %add3A_359 : i32 to index
        %get3A_389 = arith.constant 64 : index
        %get3A_390 = tpu.vector_load %arg11[%get3A_388, %get3A_389] {strides = array<i32>} : memref<128x128xf32, #tpu.memory_space<vmem>>, vector<16xf32>,
        %mul3A_391 = arith.mulf %get3A_390, %broadcast_in_dim3A_355 : vector<16xf32>
        %swap3A_392 = arith.index_cast %add3A_359 : i32 to index
        %swap3A_393 = arith.constant 64 : index
        %swap3A_394 = tpu.vector_load %arg11[%swap3A_392, %swap3A_393] {strides = array<i32>} : memref<128x128xf32, #tpu.memory_space<vmem>>, vector<16xf32>,
        tpu.vector_store %arg11[%swap3A_392, %swap3A_393], %mul3A_391 {strides = array<i32>} : memref<128x128xf32, #tpu.memory_space<vmem>>, vector<16xf32>,
        %get3A_395 = arith.index_cast %add3A_359 : i32 to index
        %get3A_396 = arith.constant 80 : index
        %get3A_397 = tpu.vector_load %arg11[%get3A_395, %get3A_396] {strides = array<i32>} : memref<128x128xf32, #tpu.memory_space<vmem>>, vector<16xf32>,
        %mul3A_398 = arith.mulf %get3A_397, %broadcast_in_dim3A_355 : vector<16xf32>
        %swap3A_399 = arith.index_cast %add3A_359 : i32 to index
        %swap3A_400 = arith.constant 80 : index
        %swap3A_401 = tpu.vector_load %arg11[%swap3A_399, %swap3A_400] {strides = array<i32>} : memref<128x128xf32, #tpu.memory_space<vmem>>, vector<16xf32>,
        tpu.vector_store %arg11[%swap3A_399, %swap3A_400], %mul3A_398 {strides = array<i32>} : memref<128x128xf32, #tpu.memory_space<vmem>>, vector<16xf32>,
        %get3A_402 = arith.index_cast %add3A_359 : i32 to index
        %get3A_403 = arith.constant 96 : index
        %get3A_404 = tpu.vector_load %arg11[%get3A_402, %get3A_403] {strides = array<i32>} : memref<128x128xf32, #tpu.memory_space<vmem>>, vector<16xf32>,
        %mul3A_405 = arith.mulf %get3A_404, %broadcast_in_dim3A_355 : vector<16xf32>
        %swap3A_406 = arith.index_cast %add3A_359 : i32 to index
        %swap3A_407 = arith.constant 96 : index
        %swap3A_408 = tpu.vector_load %arg11[%swap3A_406, %swap3A_407] {strides = array<i32>} : memref<128x128xf32, #tpu.memory_space<vmem>>, vector<16xf32>,
        tpu.vector_store %arg11[%swap3A_406, %swap3A_407], %mul3A_405 {strides = array<i32>} : memref<128x128xf32, #tpu.memory_space<vmem>>, vector<16xf32>,
        %get3A_409 = arith.index_cast %add3A_359 : i32 to index
        %get3A_410 = arith.constant 112 : index
        %get3A_411 = tpu.vector_load %arg11[%get3A_409, %get3A_410] {strides = array<i32>} : memref<128x128xf32, #tpu.memory_space<vmem>>, vector<16xf32>,
        %mul3A_412 = arith.mulf %get3A_411, %broadcast_in_dim3A_355 : vector<16xf32>
        %swap3A_413 = arith.index_cast %add3A_359 : i32 to index
        %swap3A_414 = arith.constant 112 : index
        %swap3A_415 = tpu.vector_load %arg11[%swap3A_413, %swap3A_414] {strides = array<i32>} : memref<128x128xf32, #tpu.memory_space<vmem>>, vector<16xf32>,
        tpu.vector_store %arg11[%swap3A_413, %swap3A_414], %mul3A_412 {strides = array<i32>} : memref<128x128xf32, #tpu.memory_space<vmem>>, vector<16xf32>,
        %slice3A_416 = vector.extract_strided_slice %get3A_41 {offsets = [6], sizes = [1], strides = [1]} : vector<16xf32> to vector<1xf32>
        %squeeze3A_417 = vector.extract %slice3A_416[0] : f32 from vector<1xf32>
        %broadcast_in_dim3A_418 = vector.broadcast %squeeze3A_417 : f32 to vector<16xf32>
        %mul3A_419 = arith.constant 16 : i32
        %mul3A_420 = arith.muli %scan3A_36, %mul3A_419 : i32
        %add3A_421 = arith.constant 6 : i32
        %add3A_422 = arith.addi %mul3A_420, %add3A_421 : i32
        %get3A_423 = arith.index_cast %add3A_422 : i32 to index
        %get3A_424 = arith.constant 0 : index
        %get3A_425 = tpu.vector_load %arg11[%get3A_423, %get3A_424] {strides = array<i32>} : memref<128x128xf32, #tpu.memory_space<vmem>>, vector<16xf32>,
        %mul3A_426 = arith.mulf %get3A_425, %broadcast_in_dim3A_418 : vector<16xf32>
        %swap3A_427 = arith.index_cast %add3A_422 : i32 to index
        %swap3A_428 = arith.constant 0 : index
        %swap3A_429 = tpu.vector_load %arg11[%swap3A_427, %swap3A_428] {strides = array<i32>} : memref<128x128xf32, #tpu.memory_space<vmem>>, vector<16xf32>,
        tpu.vector_store %arg11[%swap3A_427, %swap3A_428], %mul3A_426 {strides = array<i32>} : memref<128x128xf32, #tpu.memory_space<vmem>>, vector<16xf32>,
        %get3A_430 = arith.index_cast %add3A_422 : i32 to index
        %get3A_431 = arith.constant 16 : index
        %get3A_432 = tpu.vector_load %arg11[%get3A_430, %get3A_431] {strides = array<i32>} : memref<128x128xf32, #tpu.memory_space<vmem>>, vector<16xf32>,
        %mul3A_433 = arith.mulf %get3A_432, %broadcast_in_dim3A_418 : vector<16xf32>
        %swap3A_434 = arith.index_cast %add3A_422 : i32 to index
        %swap3A_435 = arith.constant 16 : index
        %swap3A_436 = tpu.vector_load %arg11[%swap3A_434, %swap3A_435] {strides = array<i32>} : memref<128x128xf32, #tpu.memory_space<vmem>>, vector<16xf32>,
        tpu.vector_store %arg11[%swap3A_434, %swap3A_435], %mul3A_433 {strides = array<i32>} : memref<128x128xf32, #tpu.memory_space<vmem>>, vector<16xf32>,
        %get3A_437 = arith.index_cast %add3A_422 : i32 to index
        %get3A_438 = arith.constant 32 : index
        %get3A_439 = tpu.vector_load %arg11[%get3A_437, %get3A_438] {strides = array<i32>} : memref<128x128xf32, #tpu.memory_space<vmem>>, vector<16xf32>,
        %mul3A_440 = arith.mulf %get3A_439, %broadcast_in_dim3A_418 : vector<16xf32>
        %swap3A_441 = arith.index_cast %add3A_422 : i32 to index
        %swap3A_442 = arith.constant 32 : index
        %swap3A_443 = tpu.vector_load %arg11[%swap3A_441, %swap3A_442] {strides = array<i32>} : memref<128x128xf32, #tpu.memory_space<vmem>>, vector<16xf32>,
        tpu.vector_store %arg11[%swap3A_441, %swap3A_442], %mul3A_440 {strides = array<i32>} : memref<128x128xf32, #tpu.memory_space<vmem>>, vector<16xf32>,
        %get3A_444 = arith.index_cast %add3A_422 : i32 to index
        %get3A_445 = arith.constant 48 : index
        %get3A_446 = tpu.vector_load %arg11[%get3A_444, %get3A_445] {strides = array<i32>} : memref<128x128xf32, #tpu.memory_space<vmem>>, vector<16xf32>,
        %mul3A_447 = arith.mulf %get3A_446, %broadcast_in_dim3A_418 : vector<16xf32>
        %swap3A_448 = arith.index_cast %add3A_422 : i32 to index
        %swap3A_449 = arith.constant 48 : index
        %swap3A_450 = tpu.vector_load %arg11[%swap3A_448, %swap3A_449] {strides = array<i32>} : memref<128x128xf32, #tpu.memory_space<vmem>>, vector<16xf32>,
        tpu.vector_store %arg11[%swap3A_448, %swap3A_449], %mul3A_447 {strides = array<i32>} : memref<128x128xf32, #tpu.memory_space<vmem>>, vector<16xf32>,
        %get3A_451 = arith.index_cast %add3A_422 : i32 to index
        %get3A_452 = arith.constant 64 : index
        %get3A_453 = tpu.vector_load %arg11[%get3A_451, %get3A_452] {strides = array<i32>} : memref<128x128xf32, #tpu.memory_space<vmem>>, vector<16xf32>,
        %mul3A_454 = arith.mulf %get3A_453, %broadcast_in_dim3A_418 : vector<16xf32>
        %swap3A_455 = arith.index_cast %add3A_422 : i32 to index
        %swap3A_456 = arith.constant 64 : index
        %swap3A_457 = tpu.vector_load %arg11[%swap3A_455, %swap3A_456] {strides = array<i32>} : memref<128x128xf32, #tpu.memory_space<vmem>>, vector<16xf32>,
        tpu.vector_store %arg11[%swap3A_455, %swap3A_456], %mul3A_454 {strides = array<i32>} : memref<128x128xf32, #tpu.memory_space<vmem>>, vector<16xf32>,
        %get3A_458 = arith.index_cast %add3A_422 : i32 to index
        %get3A_459 = arith.constant 80 : index
        %get3A_460 = tpu.vector_load %arg11[%get3A_458, %get3A_459] {strides = array<i32>} : memref<128x128xf32, #tpu.memory_space<vmem>>, vector<16xf32>,
        %mul3A_461 = arith.mulf %get3A_460, %broadcast_in_dim3A_418 : vector<16xf32>
        %swap3A_462 = arith.index_cast %add3A_422 : i32 to index
        %swap3A_463 = arith.constant 80 : index
        %swap3A_464 = tpu.vector_load %arg11[%swap3A_462, %swap3A_463] {strides = array<i32>} : memref<128x128xf32, #tpu.memory_space<vmem>>, vector<16xf32>,
        tpu.vector_store %arg11[%swap3A_462, %swap3A_463], %mul3A_461 {strides = array<i32>} : memref<128x128xf32, #tpu.memory_space<vmem>>, vector<16xf32>,
        %get3A_465 = arith.index_cast %add3A_422 : i32 to index
        %get3A_466 = arith.constant 96 : index
        %get3A_467 = tpu.vector_load %arg11[%get3A_465, %get3A_466] {strides = array<i32>} : memref<128x128xf32, #tpu.memory_space<vmem>>, vector<16xf32>,
        %mul3A_468 = arith.mulf %get3A_467, %broadcast_in_dim3A_418 : vector<16xf32>
        %swap3A_469 = arith.index_cast %add3A_422 : i32 to index
        %swap3A_470 = arith.constant 96 : index
        %swap3A_471 = tpu.vector_load %arg11[%swap3A_469, %swap3A_470] {strides = array<i32>} : memref<128x128xf32, #tpu.memory_space<vmem>>, vector<16xf32>,
        tpu.vector_store %arg11[%swap3A_469, %swap3A_470], %mul3A_468 {strides = array<i32>} : memref<128x128xf32, #tpu.memory_space<vmem>>, vector<16xf32>,
        %get3A_472 = arith.index_cast %add3A_422 : i32 to index
        %get3A_473 = arith.constant 112 : index
        %get3A_474 = tpu.vector_load %arg11[%get3A_472, %get3A_473] {strides = array<i32>} : memref<128x128xf32, #tpu.memory_space<vmem>>, vector<16xf32>,
        %mul3A_475 = arith.mulf %get3A_474, %broadcast_in_dim3A_418 : vector<16xf32>
        %swap3A_476 = arith.index_cast %add3A_422 : i32 to index
        %swap3A_477 = arith.constant 112 : index
        %swap3A_478 = tpu.vector_load %arg11[%swap3A_476, %swap3A_477] {strides = array<i32>} : memref<128x128xf32, #tpu.memory_space<vmem>>, vector<16xf32>,
        tpu.vector_store %arg11[%swap3A_476, %swap3A_477], %mul3A_475 {strides = array<i32>} : memref<128x128xf32, #tpu.memory_space<vmem>>, vector<16xf32>,
        %slice3A_479 = vector.extract_strided_slice %get3A_41 {offsets = [7], sizes = [1], strides = [1]} : vector<16xf32> to vector<1xf32>
        %squeeze3A_480 = vector.extract %slice3A_479[0] : f32 from vector<1xf32>
        %broadcast_in_dim3A_481 = vector.broadcast %squeeze3A_480 : f32 to vector<16xf32>
        %mul3A_482 = arith.constant 16 : i32
        %mul3A_483 = arith.muli %scan3A_36, %mul3A_482 : i32
        %add3A_484 = arith.constant 7 : i32
        %add3A_485 = arith.addi %mul3A_483, %add3A_484 : i32
        %get3A_486 = arith.index_cast %add3A_485 : i32 to index
        %get3A_487 = arith.constant 0 : index
        %get3A_488 = tpu.vector_load %arg11[%get3A_486, %get3A_487] {strides = array<i32>} : memref<128x128xf32, #tpu.memory_space<vmem>>, vector<16xf32>,
        %mul3A_489 = arith.mulf %get3A_488, %broadcast_in_dim3A_481 : vector<16xf32>
        %swap3A_490 = arith.index_cast %add3A_485 : i32 to index
        %swap3A_491 = arith.constant 0 : index
        %swap3A_492 = tpu.vector_load %arg11[%swap3A_490, %swap3A_491] {strides = array<i32>} : memref<128x128xf32, #tpu.memory_space<vmem>>, vector<16xf32>,
        tpu.vector_store %arg11[%swap3A_490, %swap3A_491], %mul3A_489 {strides = array<i32>} : memref<128x128xf32, #tpu.memory_space<vmem>>, vector<16xf32>,
        %get3A_493 = arith.index_cast %add3A_485 : i32 to index
        %get3A_494 = arith.constant 16 : index
        %get3A_495 = tpu.vector_load %arg11[%get3A_493, %get3A_494] {strides = array<i32>} : memref<128x128xf32, #tpu.memory_space<vmem>>, vector<16xf32>,
        %mul3A_496 = arith.mulf %get3A_495, %broadcast_in_dim3A_481 : vector<16xf32>
        %swap3A_497 = arith.index_cast %add3A_485 : i32 to index
        %swap3A_498 = arith.constant 16 : index
        %swap3A_499 = tpu.vector_load %arg11[%swap3A_497, %swap3A_498] {strides = array<i32>} : memref<128x128xf32, #tpu.memory_space<vmem>>, vector<16xf32>,
        tpu.vector_store %arg11[%swap3A_497, %swap3A_498], %mul3A_496 {strides = array<i32>} : memref<128x128xf32, #tpu.memory_space<vmem>>, vector<16xf32>,
        %get3A_500 = arith.index_cast %add3A_485 : i32 to index
        %get3A_501 = arith.constant 32 : index
        %get3A_502 = tpu.vector_load %arg11[%get3A_500, %get3A_501] {strides = array<i32>} : memref<128x128xf32, #tpu.memory_space<vmem>>, vector<16xf32>,
        %mul3A_503 = arith.mulf %get3A_502, %broadcast_in_dim3A_481 : vector<16xf32>
        %swap3A_504 = arith.index_cast %add3A_485 : i32 to index
        %swap3A_505 = arith.constant 32 : index
        %swap3A_506 = tpu.vector_load %arg11[%swap3A_504, %swap3A_505] {strides = array<i32>} : memref<128x128xf32, #tpu.memory_space<vmem>>, vector<16xf32>,
        tpu.vector_store %arg11[%swap3A_504, %swap3A_505], %mul3A_503 {strides = array<i32>} : memref<128x128xf32, #tpu.memory_space<vmem>>, vector<16xf32>,
        %get3A_507 = arith.index_cast %add3A_485 : i32 to index
        %get3A_508 = arith.constant 48 : index
        %get3A_509 = tpu.vector_load %arg11[%get3A_507, %get3A_508] {strides = array<i32>} : memref<128x128xf32, #tpu.memory_space<vmem>>, vector<16xf32>,
        %mul3A_510 = arith.mulf %get3A_509, %broadcast_in_dim3A_481 : vector<16xf32>
        %swap3A_511 = arith.index_cast %add3A_485 : i32 to index
        %swap3A_512 = arith.constant 48 : index
        %swap3A_513 = tpu.vector_load %arg11[%swap3A_511, %swap3A_512] {strides = array<i32>} : memref<128x128xf32, #tpu.memory_space<vmem>>, vector<16xf32>,
        tpu.vector_store %arg11[%swap3A_511, %swap3A_512], %mul3A_510 {strides = array<i32>} : memref<128x128xf32, #tpu.memory_space<vmem>>, vector<16xf32>,
        %get3A_514 = arith.index_cast %add3A_485 : i32 to index
        %get3A_515 = arith.constant 64 : index
        %get3A_516 = tpu.vector_load %arg11[%get3A_514, %get3A_515] {strides = array<i32>} : memref<128x128xf32, #tpu.memory_space<vmem>>, vector<16xf32>,
        %mul3A_517 = arith.mulf %get3A_516, %broadcast_in_dim3A_481 : vector<16xf32>
        %swap3A_518 = arith.index_cast %add3A_485 : i32 to index
        %swap3A_519 = arith.constant 64 : index
        %swap3A_520 = tpu.vector_load %arg11[%swap3A_518, %swap3A_519] {strides = array<i32>} : memref<128x128xf32, #tpu.memory_space<vmem>>, vector<16xf32>,
        tpu.vector_store %arg11[%swap3A_518, %swap3A_519], %mul3A_517 {strides = array<i32>} : memref<128x128xf32, #tpu.memory_space<vmem>>, vector<16xf32>,
        %get3A_521 = arith.index_cast %add3A_485 : i32 to index
        %get3A_522 = arith.constant 80 : index
        %get3A_523 = tpu.vector_load %arg11[%get3A_521, %get3A_522] {strides = array<i32>} : memref<128x128xf32, #tpu.memory_space<vmem>>, vector<16xf32>,
        %mul3A_524 = arith.mulf %get3A_523, %broadcast_in_dim3A_481 : vector<16xf32>
        %swap3A_525 = arith.index_cast %add3A_485 : i32 to index
        %swap3A_526 = arith.constant 80 : index
        %swap3A_527 = tpu.vector_load %arg11[%swap3A_525, %swap3A_526] {strides = array<i32>} : memref<128x128xf32, #tpu.memory_space<vmem>>, vector<16xf32>,
        tpu.vector_store %arg11[%swap3A_525, %swap3A_526], %mul3A_524 {strides = array<i32>} : memref<128x128xf32, #tpu.memory_space<vmem>>, vector<16xf32>,
        %get3A_528 = arith.index_cast %add3A_485 : i32 to index
        %get3A_529 = arith.constant 96 : index
        %get3A_530 = tpu.vector_load %arg11[%get3A_528, %get3A_529] {strides = array<i32>} : memref<128x128xf32, #tpu.memory_space<vmem>>, vector<16xf32>,
        %mul3A_531 = arith.mulf %get3A_530, %broadcast_in_dim3A_481 : vector<16xf32>
        %swap3A_532 = arith.index_cast %add3A_485 : i32 to index
        %swap3A_533 = arith.constant 96 : index
        %swap3A_534 = tpu.vector_load %arg11[%swap3A_532, %swap3A_533] {strides = array<i32>} : memref<128x128xf32, #tpu.memory_space<vmem>>, vector<16xf32>,
        tpu.vector_store %arg11[%swap3A_532, %swap3A_533], %mul3A_531 {strides = array<i32>} : memref<128x128xf32, #tpu.memory_space<vmem>>, vector<16xf32>,
        %get3A_535 = arith.index_cast %add3A_485 : i32 to index
        %get3A_536 = arith.constant 112 : index
        %get3A_537 = tpu.vector_load %arg11[%get3A_535, %get3A_536] {strides = array<i32>} : memref<128x128xf32, #tpu.memory_space<vmem>>, vector<16xf32>,
        %mul3A_538 = arith.mulf %get3A_537, %broadcast_in_dim3A_481 : vector<16xf32>
        %swap3A_539 = arith.index_cast %add3A_485 : i32 to index
        %swap3A_540 = arith.constant 112 : index
        %swap3A_541 = tpu.vector_load %arg11[%swap3A_539, %swap3A_540] {strides = array<i32>} : memref<128x128xf32, #tpu.memory_space<vmem>>, vector<16xf32>,
        tpu.vector_store %arg11[%swap3A_539, %swap3A_540], %mul3A_538 {strides = array<i32>} : memref<128x128xf32, #tpu.memory_space<vmem>>, vector<16xf32>,
        %slice3A_542 = vector.extract_strided_slice %get3A_41 {offsets = [8], sizes = [1], strides = [1]} : vector<16xf32> to vector<1xf32>
        %squeeze3A_543 = vector.extract %slice3A_542[0] : f32 from vector<1xf32>
        %broadcast_in_dim3A_544 = vector.broadcast %squeeze3A_543 : f32 to vector<16xf32>
        %mul3A_545 = arith.constant 16 : i32
        %mul3A_546 = arith.muli %scan3A_36, %mul3A_545 : i32
        %add3A_547 = arith.constant 8 : i32
        %add3A_548 = arith.addi %mul3A_546, %add3A_547 : i32
        %get3A_549 = arith.index_cast %add3A_548 : i32 to index
        %get3A_550 = arith.constant 0 : index
        %get3A_551 = tpu.vector_load %arg11[%get3A_549, %get3A_550] {strides = array<i32>} : memref<128x128xf32, #tpu.memory_space<vmem>>, vector<16xf32>,
        %mul3A_552 = arith.mulf %get3A_551, %broadcast_in_dim3A_544 : vector<16xf32>
        %swap3A_553 = arith.index_cast %add3A_548 : i32 to index
        %swap3A_554 = arith.constant 0 : index
        %swap3A_555 = tpu.vector_load %arg11[%swap3A_553, %swap3A_554] {strides = array<i32>} : memref<128x128xf32, #tpu.memory_space<vmem>>, vector<16xf32>,
        tpu.vector_store %arg11[%swap3A_553, %swap3A_554], %mul3A_552 {strides = array<i32>} : memref<128x128xf32, #tpu.memory_space<vmem>>, vector<16xf32>,
        %get3A_556 = arith.index_cast %add3A_548 : i32 to index
        %get3A_557 = arith.constant 16 : index
        %get3A_558 = tpu.vector_load %arg11[%get3A_556, %get3A_557] {strides = array<i32>} : memref<128x128xf32, #tpu.memory_space<vmem>>, vector<16xf32>,
        %mul3A_559 = arith.mulf %get3A_558, %broadcast_in_dim3A_544 : vector<16xf32>
        %swap3A_560 = arith.index_cast %add3A_548 : i32 to index
        %swap3A_561 = arith.constant 16 : index
        %swap3A_562 = tpu.vector_load %arg11[%swap3A_560, %swap3A_561] {strides = array<i32>} : memref<128x128xf32, #tpu.memory_space<vmem>>, vector<16xf32>,
        tpu.vector_store %arg11[%swap3A_560, %swap3A_561], %mul3A_559 {strides = array<i32>} : memref<128x128xf32, #tpu.memory_space<vmem>>, vector<16xf32>,
        %get3A_563 = arith.index_cast %add3A_548 : i32 to index
        %get3A_564 = arith.constant 32 : index
        %get3A_565 = tpu.vector_load %arg11[%get3A_563, %get3A_564] {strides = array<i32>} : memref<128x128xf32, #tpu.memory_space<vmem>>, vector<16xf32>,
        %mul3A_566 = arith.mulf %get3A_565, %broadcast_in_dim3A_544 : vector<16xf32>
        %swap3A_567 = arith.index_cast %add3A_548 : i32 to index
        %swap3A_568 = arith.constant 32 : index
        %swap3A_569 = tpu.vector_load %arg11[%swap3A_567, %swap3A_568] {strides = array<i32>} : memref<128x128xf32, #tpu.memory_space<vmem>>, vector<16xf32>,
        tpu.vector_store %arg11[%swap3A_567, %swap3A_568], %mul3A_566 {strides = array<i32>} : memref<128x128xf32, #tpu.memory_space<vmem>>, vector<16xf32>,
        %get3A_570 = arith.index_cast %add3A_548 : i32 to index
        %get3A_571 = arith.constant 48 : index
        %get3A_572 = tpu.vector_load %arg11[%get3A_570, %get3A_571] {strides = array<i32>} : memref<128x128xf32, #tpu.memory_space<vmem>>, vector<16xf32>,
        %mul3A_573 = arith.mulf %get3A_572, %broadcast_in_dim3A_544 : vector<16xf32>
        %swap3A_574 = arith.index_cast %add3A_548 : i32 to index
        %swap3A_575 = arith.constant 48 : index
        %swap3A_576 = tpu.vector_load %arg11[%swap3A_574, %swap3A_575] {strides = array<i32>} : memref<128x128xf32, #tpu.memory_space<vmem>>, vector<16xf32>,
        tpu.vector_store %arg11[%swap3A_574, %swap3A_575], %mul3A_573 {strides = array<i32>} : memref<128x128xf32, #tpu.memory_space<vmem>>, vector<16xf32>,
        %get3A_577 = arith.index_cast %add3A_548 : i32 to index
        %get3A_578 = arith.constant 64 : index
        %get3A_579 = tpu.vector_load %arg11[%get3A_577, %get3A_578] {strides = array<i32>} : memref<128x128xf32, #tpu.memory_space<vmem>>, vector<16xf32>,
        %mul3A_580 = arith.mulf %get3A_579, %broadcast_in_dim3A_544 : vector<16xf32>
        %swap3A_581 = arith.index_cast %add3A_548 : i32 to index
        %swap3A_582 = arith.constant 64 : index
        %swap3A_583 = tpu.vector_load %arg11[%swap3A_581, %swap3A_582] {strides = array<i32>} : memref<128x128xf32, #tpu.memory_space<vmem>>, vector<16xf32>,
        tpu.vector_store %arg11[%swap3A_581, %swap3A_582], %mul3A_580 {strides = array<i32>} : memref<128x128xf32, #tpu.memory_space<vmem>>, vector<16xf32>,
        %get3A_584 = arith.index_cast %add3A_548 : i32 to index
        %get3A_585 = arith.constant 80 : index
        %get3A_586 = tpu.vector_load %arg11[%get3A_584, %get3A_585] {strides = array<i32>} : memref<128x128xf32, #tpu.memory_space<vmem>>, vector<16xf32>,
        %mul3A_587 = arith.mulf %get3A_586, %broadcast_in_dim3A_544 : vector<16xf32>
        %swap3A_588 = arith.index_cast %add3A_548 : i32 to index
        %swap3A_589 = arith.constant 80 : index
        %swap3A_590 = tpu.vector_load %arg11[%swap3A_588, %swap3A_589] {strides = array<i32>} : memref<128x128xf32, #tpu.memory_space<vmem>>, vector<16xf32>,
        tpu.vector_store %arg11[%swap3A_588, %swap3A_589], %mul3A_587 {strides = array<i32>} : memref<128x128xf32, #tpu.memory_space<vmem>>, vector<16xf32>,
        %get3A_591 = arith.index_cast %add3A_548 : i32 to index
        %get3A_592 = arith.constant 96 : index
        %get3A_593 = tpu.vector_load %arg11[%get3A_591, %get3A_592] {strides = array<i32>} : memref<128x128xf32, #tpu.memory_space<vmem>>, vector<16xf32>,
        %mul3A_594 = arith.mulf %get3A_593, %broadcast_in_dim3A_544 : vector<16xf32>
        %swap3A_595 = arith.index_cast %add3A_548 : i32 to index
        %swap3A_596 = arith.constant 96 : index
        %swap3A_597 = tpu.vector_load %arg11[%swap3A_595, %swap3A_596] {strides = array<i32>} : memref<128x128xf32, #tpu.memory_space<vmem>>, vector<16xf32>,
        tpu.vector_store %arg11[%swap3A_595, %swap3A_596], %mul3A_594 {strides = array<i32>} : memref<128x128xf32, #tpu.memory_space<vmem>>, vector<16xf32>,
        %get3A_598 = arith.index_cast %add3A_548 : i32 to index
        %get3A_599 = arith.constant 112 : index
        %get3A_600 = tpu.vector_load %arg11[%get3A_598, %get3A_599] {strides = array<i32>} : memref<128x128xf32, #tpu.memory_space<vmem>>, vector<16xf32>,
        %mul3A_601 = arith.mulf %get3A_600, %broadcast_in_dim3A_544 : vector<16xf32>
        %swap3A_602 = arith.index_cast %add3A_548 : i32 to index
        %swap3A_603 = arith.constant 112 : index
        %swap3A_604 = tpu.vector_load %arg11[%swap3A_602, %swap3A_603] {strides = array<i32>} : memref<128x128xf32, #tpu.memory_space<vmem>>, vector<16xf32>,
        tpu.vector_store %arg11[%swap3A_602, %swap3A_603], %mul3A_601 {strides = array<i32>} : memref<128x128xf32, #tpu.memory_space<vmem>>, vector<16xf32>,
        %slice3A_605 = vector.extract_strided_slice %get3A_41 {offsets = [9], sizes = [1], strides = [1]} : vector<16xf32> to vector<1xf32>
        %squeeze3A_606 = vector.extract %slice3A_605[0] : f32 from vector<1xf32>
        %broadcast_in_dim3A_607 = vector.broadcast %squeeze3A_606 : f32 to vector<16xf32>
        %mul3A_608 = arith.constant 16 : i32
        %mul3A_609 = arith.muli %scan3A_36, %mul3A_608 : i32
        %add3A_610 = arith.constant 9 : i32
        %add3A_611 = arith.addi %mul3A_609, %add3A_610 : i32
        %get3A_612 = arith.index_cast %add3A_611 : i32 to index
        %get3A_613 = arith.constant 0 : index
        %get3A_614 = tpu.vector_load %arg11[%get3A_612, %get3A_613] {strides = array<i32>} : memref<128x128xf32, #tpu.memory_space<vmem>>, vector<16xf32>,
        %mul3A_615 = arith.mulf %get3A_614, %broadcast_in_dim3A_607 : vector<16xf32>
        %swap3A_616 = arith.index_cast %add3A_611 : i32 to index
        %swap3A_617 = arith.constant 0 : index
        %swap3A_618 = tpu.vector_load %arg11[%swap3A_616, %swap3A_617] {strides = array<i32>} : memref<128x128xf32, #tpu.memory_space<vmem>>, vector<16xf32>,
        tpu.vector_store %arg11[%swap3A_616, %swap3A_617], %mul3A_615 {strides = array<i32>} : memref<128x128xf32, #tpu.memory_space<vmem>>, vector<16xf32>,
        %get3A_619 = arith.index_cast %add3A_611 : i32 to index
        %get3A_620 = arith.constant 16 : index
        %get3A_621 = tpu.vector_load %arg11[%get3A_619, %get3A_620] {strides = array<i32>} : memref<128x128xf32, #tpu.memory_space<vmem>>, vector<16xf32>,
        %mul3A_622 = arith.mulf %get3A_621, %broadcast_in_dim3A_607 : vector<16xf32>
        %swap3A_623 = arith.index_cast %add3A_611 : i32 to index
        %swap3A_624 = arith.constant 16 : index
        %swap3A_625 = tpu.vector_load %arg11[%swap3A_623, %swap3A_624] {strides = array<i32>} : memref<128x128xf32, #tpu.memory_space<vmem>>, vector<16xf32>,
        tpu.vector_store %arg11[%swap3A_623, %swap3A_624], %mul3A_622 {strides = array<i32>} : memref<128x128xf32, #tpu.memory_space<vmem>>, vector<16xf32>,
        %get3A_626 = arith.index_cast %add3A_611 : i32 to index
        %get3A_627 = arith.constant 32 : index
        %get3A_628 = tpu.vector_load %arg11[%get3A_626, %get3A_627] {strides = array<i32>} : memref<128x128xf32, #tpu.memory_space<vmem>>, vector<16xf32>,
        %mul3A_629 = arith.mulf %get3A_628, %broadcast_in_dim3A_607 : vector<16xf32>
        %swap3A_630 = arith.index_cast %add3A_611 : i32 to index
        %swap3A_631 = arith.constant 32 : index
        %swap3A_632 = tpu.vector_load %arg11[%swap3A_630, %swap3A_631] {strides = array<i32>} : memref<128x128xf32, #tpu.memory_space<vmem>>, vector<16xf32>,
        tpu.vector_store %arg11[%swap3A_630, %swap3A_631], %mul3A_629 {strides = array<i32>} : memref<128x128xf32, #tpu.memory_space<vmem>>, vector<16xf32>,
        %get3A_633 = arith.index_cast %add3A_611 : i32 to index
        %get3A_634 = arith.constant 48 : index
        %get3A_635 = tpu.vector_load %arg11[%get3A_633, %get3A_634] {strides = array<i32>} : memref<128x128xf32, #tpu.memory_space<vmem>>, vector<16xf32>,
        %mul3A_636 = arith.mulf %get3A_635, %broadcast_in_dim3A_607 : vector<16xf32>
        %swap3A_637 = arith.index_cast %add3A_611 : i32 to index
        %swap3A_638 = arith.constant 48 : index
        %swap3A_639 = tpu.vector_load %arg11[%swap3A_637, %swap3A_638] {strides = array<i32>} : memref<128x128xf32, #tpu.memory_space<vmem>>, vector<16xf32>,
        tpu.vector_store %arg11[%swap3A_637, %swap3A_638], %mul3A_636 {strides = array<i32>} : memref<128x128xf32, #tpu.memory_space<vmem>>, vector<16xf32>,
        %get3A_640 = arith.index_cast %add3A_611 : i32 to index
        %get3A_641 = arith.constant 64 : index
        %get3A_642 = tpu.vector_load %arg11[%get3A_640, %get3A_641] {strides = array<i32>} : memref<128x128xf32, #tpu.memory_space<vmem>>, vector<16xf32>,
        %mul3A_643 = arith.mulf %get3A_642, %broadcast_in_dim3A_607 : vector<16xf32>
        %swap3A_644 = arith.index_cast %add3A_611 : i32 to index
        %swap3A_645 = arith.constant 64 : index
        %swap3A_646 = tpu.vector_load %arg11[%swap3A_644, %swap3A_645] {strides = array<i32>} : memref<128x128xf32, #tpu.memory_space<vmem>>, vector<16xf32>,
        tpu.vector_store %arg11[%swap3A_644, %swap3A_645], %mul3A_643 {strides = array<i32>} : memref<128x128xf32, #tpu.memory_space<vmem>>, vector<16xf32>,
        %get3A_647 = arith.index_cast %add3A_611 : i32 to index
        %get3A_648 = arith.constant 80 : index
        %get3A_649 = tpu.vector_load %arg11[%get3A_647, %get3A_648] {strides = array<i32>} : memref<128x128xf32, #tpu.memory_space<vmem>>, vector<16xf32>,
        %mul3A_650 = arith.mulf %get3A_649, %broadcast_in_dim3A_607 : vector<16xf32>
        %swap3A_651 = arith.index_cast %add3A_611 : i32 to index
        %swap3A_652 = arith.constant 80 : index
        %swap3A_653 = tpu.vector_load %arg11[%swap3A_651, %swap3A_652] {strides = array<i32>} : memref<128x128xf32, #tpu.memory_space<vmem>>, vector<16xf32>,
        tpu.vector_store %arg11[%swap3A_651, %swap3A_652], %mul3A_650 {strides = array<i32>} : memref<128x128xf32, #tpu.memory_space<vmem>>, vector<16xf32>,
        %get3A_654 = arith.index_cast %add3A_611 : i32 to index
        %get3A_655 = arith.constant 96 : index
        %get3A_656 = tpu.vector_load %arg11[%get3A_654, %get3A_655] {strides = array<i32>} : memref<128x128xf32, #tpu.memory_space<vmem>>, vector<16xf32>,
        %mul3A_657 = arith.mulf %get3A_656, %broadcast_in_dim3A_607 : vector<16xf32>
        %swap3A_658 = arith.index_cast %add3A_611 : i32 to index
        %swap3A_659 = arith.constant 96 : index
        %swap3A_660 = tpu.vector_load %arg11[%swap3A_658, %swap3A_659] {strides = array<i32>} : memref<128x128xf32, #tpu.memory_space<vmem>>, vector<16xf32>,
        tpu.vector_store %arg11[%swap3A_658, %swap3A_659], %mul3A_657 {strides = array<i32>} : memref<128x128xf32, #tpu.memory_space<vmem>>, vector<16xf32>,
        %get3A_661 = arith.index_cast %add3A_611 : i32 to index
        %get3A_662 = arith.constant 112 : index
        %get3A_663 = tpu.vector_load %arg11[%get3A_661, %get3A_662] {strides = array<i32>} : memref<128x128xf32, #tpu.memory_space<vmem>>, vector<16xf32>,
        %mul3A_664 = arith.mulf %get3A_663, %broadcast_in_dim3A_607 : vector<16xf32>
        %swap3A_665 = arith.index_cast %add3A_611 : i32 to index
        %swap3A_666 = arith.constant 112 : index
        %swap3A_667 = tpu.vector_load %arg11[%swap3A_665, %swap3A_666] {strides = array<i32>} : memref<128x128xf32, #tpu.memory_space<vmem>>, vector<16xf32>,
        tpu.vector_store %arg11[%swap3A_665, %swap3A_666], %mul3A_664 {strides = array<i32>} : memref<128x128xf32, #tpu.memory_space<vmem>>, vector<16xf32>,
        %slice3A_668 = vector.extract_strided_slice %get3A_41 {offsets = [10], sizes = [1], strides = [1]} : vector<16xf32> to vector<1xf32>
        %squeeze3A_669 = vector.extract %slice3A_668[0] : f32 from vector<1xf32>
        %broadcast_in_dim3A_670 = vector.broadcast %squeeze3A_669 : f32 to vector<16xf32>
        %mul3A_671 = arith.constant 16 : i32
        %mul3A_672 = arith.muli %scan3A_36, %mul3A_671 : i32
        %add3A_673 = arith.constant 10 : i32
        %add3A_674 = arith.addi %mul3A_672, %add3A_673 : i32
        %get3A_675 = arith.index_cast %add3A_674 : i32 to index
        %get3A_676 = arith.constant 0 : index
        %get3A_677 = tpu.vector_load %arg11[%get3A_675, %get3A_676] {strides = array<i32>} : memref<128x128xf32, #tpu.memory_space<vmem>>, vector<16xf32>,
        %mul3A_678 = arith.mulf %get3A_677, %broadcast_in_dim3A_670 : vector<16xf32>
        %swap3A_679 = arith.index_cast %add3A_674 : i32 to index
        %swap3A_680 = arith.constant 0 : index
        %swap3A_681 = tpu.vector_load %arg11[%swap3A_679, %swap3A_680] {strides = array<i32>} : memref<128x128xf32, #tpu.memory_space<vmem>>, vector<16xf32>,
        tpu.vector_store %arg11[%swap3A_679, %swap3A_680], %mul3A_678 {strides = array<i32>} : memref<128x128xf32, #tpu.memory_space<vmem>>, vector<16xf32>,
        %get3A_682 = arith.index_cast %add3A_674 : i32 to index
        %get3A_683 = arith.constant 16 : index
        %get3A_684 = tpu.vector_load %arg11[%get3A_682, %get3A_683] {strides = array<i32>} : memref<128x128xf32, #tpu.memory_space<vmem>>, vector<16xf32>,
        %mul3A_685 = arith.mulf %get3A_684, %broadcast_in_dim3A_670 : vector<16xf32>
        %swap3A_686 = arith.index_cast %add3A_674 : i32 to index
        %swap3A_687 = arith.constant 16 : index
        %swap3A_688 = tpu.vector_load %arg11[%swap3A_686, %swap3A_687] {strides = array<i32>} : memref<128x128xf32, #tpu.memory_space<vmem>>, vector<16xf32>,
        tpu.vector_store %arg11[%swap3A_686, %swap3A_687], %mul3A_685 {strides = array<i32>} : memref<128x128xf32, #tpu.memory_space<vmem>>, vector<16xf32>,
        %get3A_689 = arith.index_cast %add3A_674 : i32 to index
        %get3A_690 = arith.constant 32 : index
        %get3A_691 = tpu.vector_load %arg11[%get3A_689, %get3A_690] {strides = array<i32>} : memref<128x128xf32, #tpu.memory_space<vmem>>, vector<16xf32>,
        %mul3A_692 = arith.mulf %get3A_691, %broadcast_in_dim3A_670 : vector<16xf32>
        %swap3A_693 = arith.index_cast %add3A_674 : i32 to index
        %swap3A_694 = arith.constant 32 : index
        %swap3A_695 = tpu.vector_load %arg11[%swap3A_693, %swap3A_694] {strides = array<i32>} : memref<128x128xf32, #tpu.memory_space<vmem>>, vector<16xf32>,
        tpu.vector_store %arg11[%swap3A_693, %swap3A_694], %mul3A_692 {strides = array<i32>} : memref<128x128xf32, #tpu.memory_space<vmem>>, vector<16xf32>,
        %get3A_696 = arith.index_cast %add3A_674 : i32 to index
        %get3A_697 = arith.constant 48 : index
        %get3A_698 = tpu.vector_load %arg11[%get3A_696, %get3A_697] {strides = array<i32>} : memref<128x128xf32, #tpu.memory_space<vmem>>, vector<16xf32>,
        %mul3A_699 = arith.mulf %get3A_698, %broadcast_in_dim3A_670 : vector<16xf32>
        %swap3A_700 = arith.index_cast %add3A_674 : i32 to index
        %swap3A_701 = arith.constant 48 : index
        %swap3A_702 = tpu.vector_load %arg11[%swap3A_700, %swap3A_701] {strides = array<i32>} : memref<128x128xf32, #tpu.memory_space<vmem>>, vector<16xf32>,
        tpu.vector_store %arg11[%swap3A_700, %swap3A_701], %mul3A_699 {strides = array<i32>} : memref<128x128xf32, #tpu.memory_space<vmem>>, vector<16xf32>,
        %get3A_703 = arith.index_cast %add3A_674 : i32 to index
        %get3A_704 = arith.constant 64 : index
        %get3A_705 = tpu.vector_load %arg11[%get3A_703, %get3A_704] {strides = array<i32>} : memref<128x128xf32, #tpu.memory_space<vmem>>, vector<16xf32>,
        %mul3A_706 = arith.mulf %get3A_705, %broadcast_in_dim3A_670 : vector<16xf32>
        %swap3A_707 = arith.index_cast %add3A_674 : i32 to index
        %swap3A_708 = arith.constant 64 : index
        %swap3A_709 = tpu.vector_load %arg11[%swap3A_707, %swap3A_708] {strides = array<i32>} : memref<128x128xf32, #tpu.memory_space<vmem>>, vector<16xf32>,
        tpu.vector_store %arg11[%swap3A_707, %swap3A_708], %mul3A_706 {strides = array<i32>} : memref<128x128xf32, #tpu.memory_space<vmem>>, vector<16xf32>,
        %get3A_710 = arith.index_cast %add3A_674 : i32 to index
        %get3A_711 = arith.constant 80 : index
        %get3A_712 = tpu.vector_load %arg11[%get3A_710, %get3A_711] {strides = array<i32>} : memref<128x128xf32, #tpu.memory_space<vmem>>, vector<16xf32>,
        %mul3A_713 = arith.mulf %get3A_712, %broadcast_in_dim3A_670 : vector<16xf32>
        %swap3A_714 = arith.index_cast %add3A_674 : i32 to index
        %swap3A_715 = arith.constant 80 : index
        %swap3A_716 = tpu.vector_load %arg11[%swap3A_714, %swap3A_715] {strides = array<i32>} : memref<128x128xf32, #tpu.memory_space<vmem>>, vector<16xf32>,
        tpu.vector_store %arg11[%swap3A_714, %swap3A_715], %mul3A_713 {strides = array<i32>} : memref<128x128xf32, #tpu.memory_space<vmem>>, vector<16xf32>,
        %get3A_717 = arith.index_cast %add3A_674 : i32 to index
        %get3A_718 = arith.constant 96 : index
        %get3A_719 = tpu.vector_load %arg11[%get3A_717, %get3A_718] {strides = array<i32>} : memref<128x128xf32, #tpu.memory_space<vmem>>, vector<16xf32>,
        %mul3A_720 = arith.mulf %get3A_719, %broadcast_in_dim3A_670 : vector<16xf32>
        %swap3A_721 = arith.index_cast %add3A_674 : i32 to index
        %swap3A_722 = arith.constant 96 : index
        %swap3A_723 = tpu.vector_load %arg11[%swap3A_721, %swap3A_722] {strides = array<i32>} : memref<128x128xf32, #tpu.memory_space<vmem>>, vector<16xf32>,
        tpu.vector_store %arg11[%swap3A_721, %swap3A_722], %mul3A_720 {strides = array<i32>} : memref<128x128xf32, #tpu.memory_space<vmem>>, vector<16xf32>,
        %get3A_724 = arith.index_cast %add3A_674 : i32 to index
        %get3A_725 = arith.constant 112 : index
        %get3A_726 = tpu.vector_load %arg11[%get3A_724, %get3A_725] {strides = array<i32>} : memref<128x128xf32, #tpu.memory_space<vmem>>, vector<16xf32>,
        %mul3A_727 = arith.mulf %get3A_726, %broadcast_in_dim3A_670 : vector<16xf32>
        %swap3A_728 = arith.index_cast %add3A_674 : i32 to index
        %swap3A_729 = arith.constant 112 : index
        %swap3A_730 = tpu.vector_load %arg11[%swap3A_728, %swap3A_729] {strides = array<i32>} : memref<128x128xf32, #tpu.memory_space<vmem>>, vector<16xf32>,
        tpu.vector_store %arg11[%swap3A_728, %swap3A_729], %mul3A_727 {strides = array<i32>} : memref<128x128xf32, #tpu.memory_space<vmem>>, vector<16xf32>,
        %slice3A_731 = vector.extract_strided_slice %get3A_41 {offsets = [11], sizes = [1], strides = [1]} : vector<16xf32> to vector<1xf32>
        %squeeze3A_732 = vector.extract %slice3A_731[0] : f32 from vector<1xf32>
        %broadcast_in_dim3A_733 = vector.broadcast %squeeze3A_732 : f32 to vector<16xf32>
        %mul3A_734 = arith.constant 16 : i32
        %mul3A_735 = arith.muli %scan3A_36, %mul3A_734 : i32
        %add3A_736 = arith.constant 11 : i32
        %add3A_737 = arith.addi %mul3A_735, %add3A_736 : i32
        %get3A_738 = arith.index_cast %add3A_737 : i32 to index
        %get3A_739 = arith.constant 0 : index
        %get3A_740 = tpu.vector_load %arg11[%get3A_738, %get3A_739] {strides = array<i32>} : memref<128x128xf32, #tpu.memory_space<vmem>>, vector<16xf32>,
        %mul3A_741 = arith.mulf %get3A_740, %broadcast_in_dim3A_733 : vector<16xf32>
        %swap3A_742 = arith.index_cast %add3A_737 : i32 to index
        %swap3A_743 = arith.constant 0 : index
        %swap3A_744 = tpu.vector_load %arg11[%swap3A_742, %swap3A_743] {strides = array<i32>} : memref<128x128xf32, #tpu.memory_space<vmem>>, vector<16xf32>,
        tpu.vector_store %arg11[%swap3A_742, %swap3A_743], %mul3A_741 {strides = array<i32>} : memref<128x128xf32, #tpu.memory_space<vmem>>, vector<16xf32>,
        %get3A_745 = arith.index_cast %add3A_737 : i32 to index
        %get3A_746 = arith.constant 16 : index
        %get3A_747 = tpu.vector_load %arg11[%get3A_745, %get3A_746] {strides = array<i32>} : memref<128x128xf32, #tpu.memory_space<vmem>>, vector<16xf32>,
        %mul3A_748 = arith.mulf %get3A_747, %broadcast_in_dim3A_733 : vector<16xf32>
        %swap3A_749 = arith.index_cast %add3A_737 : i32 to index
        %swap3A_750 = arith.constant 16 : index
        %swap3A_751 = tpu.vector_load %arg11[%swap3A_749, %swap3A_750] {strides = array<i32>} : memref<128x128xf32, #tpu.memory_space<vmem>>, vector<16xf32>,
        tpu.vector_store %arg11[%swap3A_749, %swap3A_750], %mul3A_748 {strides = array<i32>} : memref<128x128xf32, #tpu.memory_space<vmem>>, vector<16xf32>,
        %get3A_752 = arith.index_cast %add3A_737 : i32 to index
        %get3A_753 = arith.constant 32 : index
        %get3A_754 = tpu.vector_load %arg11[%get3A_752, %get3A_753] {strides = array<i32>} : memref<128x128xf32, #tpu.memory_space<vmem>>, vector<16xf32>,
        %mul3A_755 = arith.mulf %get3A_754, %broadcast_in_dim3A_733 : vector<16xf32>
        %swap3A_756 = arith.index_cast %add3A_737 : i32 to index
        %swap3A_757 = arith.constant 32 : index
        %swap3A_758 = tpu.vector_load %arg11[%swap3A_756, %swap3A_757] {strides = array<i32>} : memref<128x128xf32, #tpu.memory_space<vmem>>, vector<16xf32>,
        tpu.vector_store %arg11[%swap3A_756, %swap3A_757], %mul3A_755 {strides = array<i32>} : memref<128x128xf32, #tpu.memory_space<vmem>>, vector<16xf32>,
        %get3A_759 = arith.index_cast %add3A_737 : i32 to index
        %get3A_760 = arith.constant 48 : index
        %get3A_761 = tpu.vector_load %arg11[%get3A_759, %get3A_760] {strides = array<i32>} : memref<128x128xf32, #tpu.memory_space<vmem>>, vector<16xf32>,
        %mul3A_762 = arith.mulf %get3A_761, %broadcast_in_dim3A_733 : vector<16xf32>
        %swap3A_763 = arith.index_cast %add3A_737 : i32 to index
        %swap3A_764 = arith.constant 48 : index
        %swap3A_765 = tpu.vector_load %arg11[%swap3A_763, %swap3A_764] {strides = array<i32>} : memref<128x128xf32, #tpu.memory_space<vmem>>, vector<16xf32>,
        tpu.vector_store %arg11[%swap3A_763, %swap3A_764], %mul3A_762 {strides = array<i32>} : memref<128x128xf32, #tpu.memory_space<vmem>>, vector<16xf32>,
        %get3A_766 = arith.index_cast %add3A_737 : i32 to index
        %get3A_767 = arith.constant 64 : index
        %get3A_768 = tpu.vector_load %arg11[%get3A_766, %get3A_767] {strides = array<i32>} : memref<128x128xf32, #tpu.memory_space<vmem>>, vector<16xf32>,
        %mul3A_769 = arith.mulf %get3A_768, %broadcast_in_dim3A_733 : vector<16xf32>
        %swap3A_770 = arith.index_cast %add3A_737 : i32 to index
        %swap3A_771 = arith.constant 64 : index
        %swap3A_772 = tpu.vector_load %arg11[%swap3A_770, %swap3A_771] {strides = array<i32>} : memref<128x128xf32, #tpu.memory_space<vmem>>, vector<16xf32>,
        tpu.vector_store %arg11[%swap3A_770, %swap3A_771], %mul3A_769 {strides = array<i32>} : memref<128x128xf32, #tpu.memory_space<vmem>>, vector<16xf32>,
        %get3A_773 = arith.index_cast %add3A_737 : i32 to index
        %get3A_774 = arith.constant 80 : index
        %get3A_775 = tpu.vector_load %arg11[%get3A_773, %get3A_774] {strides = array<i32>} : memref<128x128xf32, #tpu.memory_space<vmem>>, vector<16xf32>,
        %mul3A_776 = arith.mulf %get3A_775, %broadcast_in_dim3A_733 : vector<16xf32>
        %swap3A_777 = arith.index_cast %add3A_737 : i32 to index
        %swap3A_778 = arith.constant 80 : index
        %swap3A_779 = tpu.vector_load %arg11[%swap3A_777, %swap3A_778] {strides = array<i32>} : memref<128x128xf32, #tpu.memory_space<vmem>>, vector<16xf32>,
        tpu.vector_store %arg11[%swap3A_777, %swap3A_778], %mul3A_776 {strides = array<i32>} : memref<128x128xf32, #tpu.memory_space<vmem>>, vector<16xf32>,
        %get3A_780 = arith.index_cast %add3A_737 : i32 to index
        %get3A_781 = arith.constant 96 : index
        %get3A_782 = tpu.vector_load %arg11[%get3A_780, %get3A_781] {strides = array<i32>} : memref<128x128xf32, #tpu.memory_space<vmem>>, vector<16xf32>,
        %mul3A_783 = arith.mulf %get3A_782, %broadcast_in_dim3A_733 : vector<16xf32>
        %swap3A_784 = arith.index_cast %add3A_737 : i32 to index
        %swap3A_785 = arith.constant 96 : index
        %swap3A_786 = tpu.vector_load %arg11[%swap3A_784, %swap3A_785] {strides = array<i32>} : memref<128x128xf32, #tpu.memory_space<vmem>>, vector<16xf32>,
        tpu.vector_store %arg11[%swap3A_784, %swap3A_785], %mul3A_783 {strides = array<i32>} : memref<128x128xf32, #tpu.memory_space<vmem>>, vector<16xf32>,
        %get3A_787 = arith.index_cast %add3A_737 : i32 to index
        %get3A_788 = arith.constant 112 : index
        %get3A_789 = tpu.vector_load %arg11[%get3A_787, %get3A_788] {strides = array<i32>} : memref<128x128xf32, #tpu.memory_space<vmem>>, vector<16xf32>,
        %mul3A_790 = arith.mulf %get3A_789, %broadcast_in_dim3A_733 : vector<16xf32>
        %swap3A_791 = arith.index_cast %add3A_737 : i32 to index
        %swap3A_792 = arith.constant 112 : index
        %swap3A_793 = tpu.vector_load %arg11[%swap3A_791, %swap3A_792] {strides = array<i32>} : memref<128x128xf32, #tpu.memory_space<vmem>>, vector<16xf32>,
        tpu.vector_store %arg11[%swap3A_791, %swap3A_792], %mul3A_790 {strides = array<i32>} : memref<128x128xf32, #tpu.memory_space<vmem>>, vector<16xf32>,
        %slice3A_794 = vector.extract_strided_slice %get3A_41 {offsets = [12], sizes = [1], strides = [1]} : vector<16xf32> to vector<1xf32>
        %squeeze3A_795 = vector.extract %slice3A_794[0] : f32 from vector<1xf32>
        %broadcast_in_dim3A_796 = vector.broadcast %squeeze3A_795 : f32 to vector<16xf32>
        %mul3A_797 = arith.constant 16 : i32
        %mul3A_798 = arith.muli %scan3A_36, %mul3A_797 : i32
        %add3A_799 = arith.constant 12 : i32
        %add3A_800 = arith.addi %mul3A_798, %add3A_799 : i32
        %get3A_801 = arith.index_cast %add3A_800 : i32 to index
        %get3A_802 = arith.constant 0 : index
        %get3A_803 = tpu.vector_load %arg11[%get3A_801, %get3A_802] {strides = array<i32>} : memref<128x128xf32, #tpu.memory_space<vmem>>, vector<16xf32>,
        %mul3A_804 = arith.mulf %get3A_803, %broadcast_in_dim3A_796 : vector<16xf32>
        %swap3A_805 = arith.index_cast %add3A_800 : i32 to index
        %swap3A_806 = arith.constant 0 : index
        %swap3A_807 = tpu.vector_load %arg11[%swap3A_805, %swap3A_806] {strides = array<i32>} : memref<128x128xf32, #tpu.memory_space<vmem>>, vector<16xf32>,
        tpu.vector_store %arg11[%swap3A_805, %swap3A_806], %mul3A_804 {strides = array<i32>} : memref<128x128xf32, #tpu.memory_space<vmem>>, vector<16xf32>,
        %get3A_808 = arith.index_cast %add3A_800 : i32 to index
        %get3A_809 = arith.constant 16 : index
        %get3A_810 = tpu.vector_load %arg11[%get3A_808, %get3A_809] {strides = array<i32>} : memref<128x128xf32, #tpu.memory_space<vmem>>, vector<16xf32>,
        %mul3A_811 = arith.mulf %get3A_810, %broadcast_in_dim3A_796 : vector<16xf32>
        %swap3A_812 = arith.index_cast %add3A_800 : i32 to index
        %swap3A_813 = arith.constant 16 : index
        %swap3A_814 = tpu.vector_load %arg11[%swap3A_812, %swap3A_813] {strides = array<i32>} : memref<128x128xf32, #tpu.memory_space<vmem>>, vector<16xf32>,
        tpu.vector_store %arg11[%swap3A_812, %swap3A_813], %mul3A_811 {strides = array<i32>} : memref<128x128xf32, #tpu.memory_space<vmem>>, vector<16xf32>,
        %get3A_815 = arith.index_cast %add3A_800 : i32 to index
        %get3A_816 = arith.constant 32 : index
        %get3A_817 = tpu.vector_load %arg11[%get3A_815, %get3A_816] {strides = array<i32>} : memref<128x128xf32, #tpu.memory_space<vmem>>, vector<16xf32>,
        %mul3A_818 = arith.mulf %get3A_817, %broadcast_in_dim3A_796 : vector<16xf32>
        %swap3A_819 = arith.index_cast %add3A_800 : i32 to index
        %swap3A_820 = arith.constant 32 : index
        %swap3A_821 = tpu.vector_load %arg11[%swap3A_819, %swap3A_820] {strides = array<i32>} : memref<128x128xf32, #tpu.memory_space<vmem>>, vector<16xf32>,
        tpu.vector_store %arg11[%swap3A_819, %swap3A_820], %mul3A_818 {strides = array<i32>} : memref<128x128xf32, #tpu.memory_space<vmem>>, vector<16xf32>,
        %get3A_822 = arith.index_cast %add3A_800 : i32 to index
        %get3A_823 = arith.constant 48 : index
        %get3A_824 = tpu.vector_load %arg11[%get3A_822, %get3A_823] {strides = array<i32>} : memref<128x128xf32, #tpu.memory_space<vmem>>, vector<16xf32>,
        %mul3A_825 = arith.mulf %get3A_824, %broadcast_in_dim3A_796 : vector<16xf32>
        %swap3A_826 = arith.index_cast %add3A_800 : i32 to index
        %swap3A_827 = arith.constant 48 : index
        %swap3A_828 = tpu.vector_load %arg11[%swap3A_826, %swap3A_827] {strides = array<i32>} : memref<128x128xf32, #tpu.memory_space<vmem>>, vector<16xf32>,
        tpu.vector_store %arg11[%swap3A_826, %swap3A_827], %mul3A_825 {strides = array<i32>} : memref<128x128xf32, #tpu.memory_space<vmem>>, vector<16xf32>,
        %get3A_829 = arith.index_cast %add3A_800 : i32 to index
        %get3A_830 = arith.constant 64 : index
        %get3A_831 = tpu.vector_load %arg11[%get3A_829, %get3A_830] {strides = array<i32>} : memref<128x128xf32, #tpu.memory_space<vmem>>, vector<16xf32>,
        %mul3A_832 = arith.mulf %get3A_831, %broadcast_in_dim3A_796 : vector<16xf32>
        %swap3A_833 = arith.index_cast %add3A_800 : i32 to index
        %swap3A_834 = arith.constant 64 : index
        %swap3A_835 = tpu.vector_load %arg11[%swap3A_833, %swap3A_834] {strides = array<i32>} : memref<128x128xf32, #tpu.memory_space<vmem>>, vector<16xf32>,
        tpu.vector_store %arg11[%swap3A_833, %swap3A_834], %mul3A_832 {strides = array<i32>} : memref<128x128xf32, #tpu.memory_space<vmem>>, vector<16xf32>,
        %get3A_836 = arith.index_cast %add3A_800 : i32 to index
        %get3A_837 = arith.constant 80 : index
        %get3A_838 = tpu.vector_load %arg11[%get3A_836, %get3A_837] {strides = array<i32>} : memref<128x128xf32, #tpu.memory_space<vmem>>, vector<16xf32>,
        %mul3A_839 = arith.mulf %get3A_838, %broadcast_in_dim3A_796 : vector<16xf32>
        %swap3A_840 = arith.index_cast %add3A_800 : i32 to index
        %swap3A_841 = arith.constant 80 : index
        %swap3A_842 = tpu.vector_load %arg11[%swap3A_840, %swap3A_841] {strides = array<i32>} : memref<128x128xf32, #tpu.memory_space<vmem>>, vector<16xf32>,
        tpu.vector_store %arg11[%swap3A_840, %swap3A_841], %mul3A_839 {strides = array<i32>} : memref<128x128xf32, #tpu.memory_space<vmem>>, vector<16xf32>,
        %get3A_843 = arith.index_cast %add3A_800 : i32 to index
        %get3A_844 = arith.constant 96 : index
        %get3A_845 = tpu.vector_load %arg11[%get3A_843, %get3A_844] {strides = array<i32>} : memref<128x128xf32, #tpu.memory_space<vmem>>, vector<16xf32>,
        %mul3A_846 = arith.mulf %get3A_845, %broadcast_in_dim3A_796 : vector<16xf32>
        %swap3A_847 = arith.index_cast %add3A_800 : i32 to index
        %swap3A_848 = arith.constant 96 : index
        %swap3A_849 = tpu.vector_load %arg11[%swap3A_847, %swap3A_848] {strides = array<i32>} : memref<128x128xf32, #tpu.memory_space<vmem>>, vector<16xf32>,
        tpu.vector_store %arg11[%swap3A_847, %swap3A_848], %mul3A_846 {strides = array<i32>} : memref<128x128xf32, #tpu.memory_space<vmem>>, vector<16xf32>,
        %get3A_850 = arith.index_cast %add3A_800 : i32 to index
        %get3A_851 = arith.constant 112 : index
        %get3A_852 = tpu.vector_load %arg11[%get3A_850, %get3A_851] {strides = array<i32>} : memref<128x128xf32, #tpu.memory_space<vmem>>, vector<16xf32>,
        %mul3A_853 = arith.mulf %get3A_852, %broadcast_in_dim3A_796 : vector<16xf32>
        %swap3A_854 = arith.index_cast %add3A_800 : i32 to index
        %swap3A_855 = arith.constant 112 : index
        %swap3A_856 = tpu.vector_load %arg11[%swap3A_854, %swap3A_855] {strides = array<i32>} : memref<128x128xf32, #tpu.memory_space<vmem>>, vector<16xf32>,
        tpu.vector_store %arg11[%swap3A_854, %swap3A_855], %mul3A_853 {strides = array<i32>} : memref<128x128xf32, #tpu.memory_space<vmem>>, vector<16xf32>,
        %slice3A_857 = vector.extract_strided_slice %get3A_41 {offsets = [13], sizes = [1], strides = [1]} : vector<16xf32> to vector<1xf32>
        %squeeze3A_858 = vector.extract %slice3A_857[0] : f32 from vector<1xf32>
        %broadcast_in_dim3A_859 = vector.broadcast %squeeze3A_858 : f32 to vector<16xf32>
        %mul3A_860 = arith.constant 16 : i32
        %mul3A_861 = arith.muli %scan3A_36, %mul3A_860 : i32
        %add3A_862 = arith.constant 13 : i32
        %add3A_863 = arith.addi %mul3A_861, %add3A_862 : i32
        %get3A_864 = arith.index_cast %add3A_863 : i32 to index
        %get3A_865 = arith.constant 0 : index
        %get3A_866 = tpu.vector_load %arg11[%get3A_864, %get3A_865] {strides = array<i32>} : memref<128x128xf32, #tpu.memory_space<vmem>>, vector<16xf32>,
        %mul3A_867 = arith.mulf %get3A_866, %broadcast_in_dim3A_859 : vector<16xf32>
        %swap3A_868 = arith.index_cast %add3A_863 : i32 to index
        %swap3A_869 = arith.constant 0 : index
        %swap3A_870 = tpu.vector_load %arg11[%swap3A_868, %swap3A_869] {strides = array<i32>} : memref<128x128xf32, #tpu.memory_space<vmem>>, vector<16xf32>,
        tpu.vector_store %arg11[%swap3A_868, %swap3A_869], %mul3A_867 {strides = array<i32>} : memref<128x128xf32, #tpu.memory_space<vmem>>, vector<16xf32>,
        %get3A_871 = arith.index_cast %add3A_863 : i32 to index
        %get3A_872 = arith.constant 16 : index
        %get3A_873 = tpu.vector_load %arg11[%get3A_871, %get3A_872] {strides = array<i32>} : memref<128x128xf32, #tpu.memory_space<vmem>>, vector<16xf32>,
        %mul3A_874 = arith.mulf %get3A_873, %broadcast_in_dim3A_859 : vector<16xf32>
        %swap3A_875 = arith.index_cast %add3A_863 : i32 to index
        %swap3A_876 = arith.constant 16 : index
        %swap3A_877 = tpu.vector_load %arg11[%swap3A_875, %swap3A_876] {strides = array<i32>} : memref<128x128xf32, #tpu.memory_space<vmem>>, vector<16xf32>,
        tpu.vector_store %arg11[%swap3A_875, %swap3A_876], %mul3A_874 {strides = array<i32>} : memref<128x128xf32, #tpu.memory_space<vmem>>, vector<16xf32>,
        %get3A_878 = arith.index_cast %add3A_863 : i32 to index
        %get3A_879 = arith.constant 32 : index
        %get3A_880 = tpu.vector_load %arg11[%get3A_878, %get3A_879] {strides = array<i32>} : memref<128x128xf32, #tpu.memory_space<vmem>>, vector<16xf32>,
        %mul3A_881 = arith.mulf %get3A_880, %broadcast_in_dim3A_859 : vector<16xf32>
        %swap3A_882 = arith.index_cast %add3A_863 : i32 to index
        %swap3A_883 = arith.constant 32 : index
        %swap3A_884 = tpu.vector_load %arg11[%swap3A_882, %swap3A_883] {strides = array<i32>} : memref<128x128xf32, #tpu.memory_space<vmem>>, vector<16xf32>,
        tpu.vector_store %arg11[%swap3A_882, %swap3A_883], %mul3A_881 {strides = array<i32>} : memref<128x128xf32, #tpu.memory_space<vmem>>, vector<16xf32>,
        %get3A_885 = arith.index_cast %add3A_863 : i32 to index
        %get3A_886 = arith.constant 48 : index
        %get3A_887 = tpu.vector_load %arg11[%get3A_885, %get3A_886] {strides = array<i32>} : memref<128x128xf32, #tpu.memory_space<vmem>>, vector<16xf32>,
        %mul3A_888 = arith.mulf %get3A_887, %broadcast_in_dim3A_859 : vector<16xf32>
        %swap3A_889 = arith.index_cast %add3A_863 : i32 to index
        %swap3A_890 = arith.constant 48 : index
        %swap3A_891 = tpu.vector_load %arg11[%swap3A_889, %swap3A_890] {strides = array<i32>} : memref<128x128xf32, #tpu.memory_space<vmem>>, vector<16xf32>,
        tpu.vector_store %arg11[%swap3A_889, %swap3A_890], %mul3A_888 {strides = array<i32>} : memref<128x128xf32, #tpu.memory_space<vmem>>, vector<16xf32>,
        %get3A_892 = arith.index_cast %add3A_863 : i32 to index
        %get3A_893 = arith.constant 64 : index
        %get3A_894 = tpu.vector_load %arg11[%get3A_892, %get3A_893] {strides = array<i32>} : memref<128x128xf32, #tpu.memory_space<vmem>>, vector<16xf32>,
        %mul3A_895 = arith.mulf %get3A_894, %broadcast_in_dim3A_859 : vector<16xf32>
        %swap3A_896 = arith.index_cast %add3A_863 : i32 to index
        %swap3A_897 = arith.constant 64 : index
        %swap3A_898 = tpu.vector_load %arg11[%swap3A_896, %swap3A_897] {strides = array<i32>} : memref<128x128xf32, #tpu.memory_space<vmem>>, vector<16xf32>,
        tpu.vector_store %arg11[%swap3A_896, %swap3A_897], %mul3A_895 {strides = array<i32>} : memref<128x128xf32, #tpu.memory_space<vmem>>, vector<16xf32>,
        %get3A_899 = arith.index_cast %add3A_863 : i32 to index
        %get3A_900 = arith.constant 80 : index
        %get3A_901 = tpu.vector_load %arg11[%get3A_899, %get3A_900] {strides = array<i32>} : memref<128x128xf32, #tpu.memory_space<vmem>>, vector<16xf32>,
        %mul3A_902 = arith.mulf %get3A_901, %broadcast_in_dim3A_859 : vector<16xf32>
        %swap3A_903 = arith.index_cast %add3A_863 : i32 to index
        %swap3A_904 = arith.constant 80 : index
        %swap3A_905 = tpu.vector_load %arg11[%swap3A_903, %swap3A_904] {strides = array<i32>} : memref<128x128xf32, #tpu.memory_space<vmem>>, vector<16xf32>,
        tpu.vector_store %arg11[%swap3A_903, %swap3A_904], %mul3A_902 {strides = array<i32>} : memref<128x128xf32, #tpu.memory_space<vmem>>, vector<16xf32>,
        %get3A_906 = arith.index_cast %add3A_863 : i32 to index
        %get3A_907 = arith.constant 96 : index
        %get3A_908 = tpu.vector_load %arg11[%get3A_906, %get3A_907] {strides = array<i32>} : memref<128x128xf32, #tpu.memory_space<vmem>>, vector<16xf32>,
        %mul3A_909 = arith.mulf %get3A_908, %broadcast_in_dim3A_859 : vector<16xf32>
        %swap3A_910 = arith.index_cast %add3A_863 : i32 to index
        %swap3A_911 = arith.constant 96 : index
        %swap3A_912 = tpu.vector_load %arg11[%swap3A_910, %swap3A_911] {strides = array<i32>} : memref<128x128xf32, #tpu.memory_space<vmem>>, vector<16xf32>,
        tpu.vector_store %arg11[%swap3A_910, %swap3A_911], %mul3A_909 {strides = array<i32>} : memref<128x128xf32, #tpu.memory_space<vmem>>, vector<16xf32>,
        %get3A_913 = arith.index_cast %add3A_863 : i32 to index
        %get3A_914 = arith.constant 112 : index
        %get3A_915 = tpu.vector_load %arg11[%get3A_913, %get3A_914] {strides = array<i32>} : memref<128x128xf32, #tpu.memory_space<vmem>>, vector<16xf32>,
        %mul3A_916 = arith.mulf %get3A_915, %broadcast_in_dim3A_859 : vector<16xf32>
        %swap3A_917 = arith.index_cast %add3A_863 : i32 to index
        %swap3A_918 = arith.constant 112 : index
        %swap3A_919 = tpu.vector_load %arg11[%swap3A_917, %swap3A_918] {strides = array<i32>} : memref<128x128xf32, #tpu.memory_space<vmem>>, vector<16xf32>,
        tpu.vector_store %arg11[%swap3A_917, %swap3A_918], %mul3A_916 {strides = array<i32>} : memref<128x128xf32, #tpu.memory_space<vmem>>, vector<16xf32>,
        %slice3A_920 = vector.extract_strided_slice %get3A_41 {offsets = [14], sizes = [1], strides = [1]} : vector<16xf32> to vector<1xf32>
        %squeeze3A_921 = vector.extract %slice3A_920[0] : f32 from vector<1xf32>
        %broadcast_in_dim3A_922 = vector.broadcast %squeeze3A_921 : f32 to vector<16xf32>
        %mul3A_923 = arith.constant 16 : i32
        %mul3A_924 = arith.muli %scan3A_36, %mul3A_923 : i32
        %add3A_925 = arith.constant 14 : i32
        %add3A_926 = arith.addi %mul3A_924, %add3A_925 : i32
        %get3A_927 = arith.index_cast %add3A_926 : i32 to index
        %get3A_928 = arith.constant 0 : index
        %get3A_929 = tpu.vector_load %arg11[%get3A_927, %get3A_928] {strides = array<i32>} : memref<128x128xf32, #tpu.memory_space<vmem>>, vector<16xf32>,
        %mul3A_930 = arith.mulf %get3A_929, %broadcast_in_dim3A_922 : vector<16xf32>
        %swap3A_931 = arith.index_cast %add3A_926 : i32 to index
        %swap3A_932 = arith.constant 0 : index
        %swap3A_933 = tpu.vector_load %arg11[%swap3A_931, %swap3A_932] {strides = array<i32>} : memref<128x128xf32, #tpu.memory_space<vmem>>, vector<16xf32>,
        tpu.vector_store %arg11[%swap3A_931, %swap3A_932], %mul3A_930 {strides = array<i32>} : memref<128x128xf32, #tpu.memory_space<vmem>>, vector<16xf32>,
        %get3A_934 = arith.index_cast %add3A_926 : i32 to index
        %get3A_935 = arith.constant 16 : index
        %get3A_936 = tpu.vector_load %arg11[%get3A_934, %get3A_935] {strides = array<i32>} : memref<128x128xf32, #tpu.memory_space<vmem>>, vector<16xf32>,
        %mul3A_937 = arith.mulf %get3A_936, %broadcast_in_dim3A_922 : vector<16xf32>
        %swap3A_938 = arith.index_cast %add3A_926 : i32 to index
        %swap3A_939 = arith.constant 16 : index
        %swap3A_940 = tpu.vector_load %arg11[%swap3A_938, %swap3A_939] {strides = array<i32>} : memref<128x128xf32, #tpu.memory_space<vmem>>, vector<16xf32>,
        tpu.vector_store %arg11[%swap3A_938, %swap3A_939], %mul3A_937 {strides = array<i32>} : memref<128x128xf32, #tpu.memory_space<vmem>>, vector<16xf32>,
        %get3A_941 = arith.index_cast %add3A_926 : i32 to index
        %get3A_942 = arith.constant 32 : index
        %get3A_943 = tpu.vector_load %arg11[%get3A_941, %get3A_942] {strides = array<i32>} : memref<128x128xf32, #tpu.memory_space<vmem>>, vector<16xf32>,
        %mul3A_944 = arith.mulf %get3A_943, %broadcast_in_dim3A_922 : vector<16xf32>
        %swap3A_945 = arith.index_cast %add3A_926 : i32 to index
        %swap3A_946 = arith.constant 32 : index
        %swap3A_947 = tpu.vector_load %arg11[%swap3A_945, %swap3A_946] {strides = array<i32>} : memref<128x128xf32, #tpu.memory_space<vmem>>, vector<16xf32>,
        tpu.vector_store %arg11[%swap3A_945, %swap3A_946], %mul3A_944 {strides = array<i32>} : memref<128x128xf32, #tpu.memory_space<vmem>>, vector<16xf32>,
        %get3A_948 = arith.index_cast %add3A_926 : i32 to index
        %get3A_949 = arith.constant 48 : index
        %get3A_950 = tpu.vector_load %arg11[%get3A_948, %get3A_949] {strides = array<i32>} : memref<128x128xf32, #tpu.memory_space<vmem>>, vector<16xf32>,
        %mul3A_951 = arith.mulf %get3A_950, %broadcast_in_dim3A_922 : vector<16xf32>
        %swap3A_952 = arith.index_cast %add3A_926 : i32 to index
        %swap3A_953 = arith.constant 48 : index
        %swap3A_954 = tpu.vector_load %arg11[%swap3A_952, %swap3A_953] {strides = array<i32>} : memref<128x128xf32, #tpu.memory_space<vmem>>, vector<16xf32>,
        tpu.vector_store %arg11[%swap3A_952, %swap3A_953], %mul3A_951 {strides = array<i32>} : memref<128x128xf32, #tpu.memory_space<vmem>>, vector<16xf32>,
        %get3A_955 = arith.index_cast %add3A_926 : i32 to index
        %get3A_956 = arith.constant 64 : index
        %get3A_957 = tpu.vector_load %arg11[%get3A_955, %get3A_956] {strides = array<i32>} : memref<128x128xf32, #tpu.memory_space<vmem>>, vector<16xf32>,
        %mul3A_958 = arith.mulf %get3A_957, %broadcast_in_dim3A_922 : vector<16xf32>
        %swap3A_959 = arith.index_cast %add3A_926 : i32 to index
        %swap3A_960 = arith.constant 64 : index
        %swap3A_961 = tpu.vector_load %arg11[%swap3A_959, %swap3A_960] {strides = array<i32>} : memref<128x128xf32, #tpu.memory_space<vmem>>, vector<16xf32>,
        tpu.vector_store %arg11[%swap3A_959, %swap3A_960], %mul3A_958 {strides = array<i32>} : memref<128x128xf32, #tpu.memory_space<vmem>>, vector<16xf32>,
        %get3A_962 = arith.index_cast %add3A_926 : i32 to index
        %get3A_963 = arith.constant 80 : index
        %get3A_964 = tpu.vector_load %arg11[%get3A_962, %get3A_963] {strides = array<i32>} : memref<128x128xf32, #tpu.memory_space<vmem>>, vector<16xf32>,
        %mul3A_965 = arith.mulf %get3A_964, %broadcast_in_dim3A_922 : vector<16xf32>
        %swap3A_966 = arith.index_cast %add3A_926 : i32 to index
        %swap3A_967 = arith.constant 80 : index
        %swap3A_968 = tpu.vector_load %arg11[%swap3A_966, %swap3A_967] {strides = array<i32>} : memref<128x128xf32, #tpu.memory_space<vmem>>, vector<16xf32>,
        tpu.vector_store %arg11[%swap3A_966, %swap3A_967], %mul3A_965 {strides = array<i32>} : memref<128x128xf32, #tpu.memory_space<vmem>>, vector<16xf32>,
        %get3A_969 = arith.index_cast %add3A_926 : i32 to index
        %get3A_970 = arith.constant 96 : index
        %get3A_971 = tpu.vector_load %arg11[%get3A_969, %get3A_970] {strides = array<i32>} : memref<128x128xf32, #tpu.memory_space<vmem>>, vector<16xf32>,
        %mul3A_972 = arith.mulf %get3A_971, %broadcast_in_dim3A_922 : vector<16xf32>
        %swap3A_973 = arith.index_cast %add3A_926 : i32 to index
        %swap3A_974 = arith.constant 96 : index
        %swap3A_975 = tpu.vector_load %arg11[%swap3A_973, %swap3A_974] {strides = array<i32>} : memref<128x128xf32, #tpu.memory_space<vmem>>, vector<16xf32>,
        tpu.vector_store %arg11[%swap3A_973, %swap3A_974], %mul3A_972 {strides = array<i32>} : memref<128x128xf32, #tpu.memory_space<vmem>>, vector<16xf32>,
        %get3A_976 = arith.index_cast %add3A_926 : i32 to index
        %get3A_977 = arith.constant 112 : index
        %get3A_978 = tpu.vector_load %arg11[%get3A_976, %get3A_977] {strides = array<i32>} : memref<128x128xf32, #tpu.memory_space<vmem>>, vector<16xf32>,
        %mul3A_979 = arith.mulf %get3A_978, %broadcast_in_dim3A_922 : vector<16xf32>
        %swap3A_980 = arith.index_cast %add3A_926 : i32 to index
        %swap3A_981 = arith.constant 112 : index
        %swap3A_982 = tpu.vector_load %arg11[%swap3A_980, %swap3A_981] {strides = array<i32>} : memref<128x128xf32, #tpu.memory_space<vmem>>, vector<16xf32>,
        tpu.vector_store %arg11[%swap3A_980, %swap3A_981], %mul3A_979 {strides = array<i32>} : memref<128x128xf32, #tpu.memory_space<vmem>>, vector<16xf32>,
        %slice3A_983 = vector.extract_strided_slice %get3A_41 {offsets = [15], sizes = [1], strides = [1]} : vector<16xf32> to vector<1xf32>
        %squeeze3A_984 = vector.extract %slice3A_983[0] : f32 from vector<1xf32>
        %broadcast_in_dim3A_985 = vector.broadcast %squeeze3A_984 : f32 to vector<16xf32>
        %mul3A_986 = arith.constant 16 : i32
        %mul3A_987 = arith.muli %scan3A_36, %mul3A_986 : i32
        %add3A_988 = arith.constant 15 : i32
        %add3A_989 = arith.addi %mul3A_987, %add3A_988 : i32
        %get3A_990 = arith.index_cast %add3A_989 : i32 to index
        %get3A_991 = arith.constant 0 : index
        %get3A_992 = tpu.vector_load %arg11[%get3A_990, %get3A_991] {strides = array<i32>} : memref<128x128xf32, #tpu.memory_space<vmem>>, vector<16xf32>,
        %mul3A_993 = arith.mulf %get3A_992, %broadcast_in_dim3A_985 : vector<16xf32>
        %swap3A_994 = arith.index_cast %add3A_989 : i32 to index
        %swap3A_995 = arith.constant 0 : index
        %swap3A_996 = tpu.vector_load %arg11[%swap3A_994, %swap3A_995] {strides = array<i32>} : memref<128x128xf32, #tpu.memory_space<vmem>>, vector<16xf32>,
        tpu.vector_store %arg11[%swap3A_994, %swap3A_995], %mul3A_993 {strides = array<i32>} : memref<128x128xf32, #tpu.memory_space<vmem>>, vector<16xf32>,
        %get3A_997 = arith.index_cast %add3A_989 : i32 to index
        %get3A_998 = arith.constant 16 : index
        %get3A_999 = tpu.vector_load %arg11[%get3A_997, %get3A_998] {strides = array<i32>} : memref<128x128xf32, #tpu.memory_space<vmem>>, vector<16xf32>,
        %mul3A_1000 = arith.mulf %get3A_999, %broadcast_in_dim3A_985 : vector<16xf32>
        %swap3A_1001 = arith.index_cast %add3A_989 : i32 to index
        %swap3A_1002 = arith.constant 16 : index
        %swap3A_1003 = tpu.vector_load %arg11[%swap3A_1001, %swap3A_1002] {strides = array<i32>} : memref<128x128xf32, #tpu.memory_space<vmem>>, vector<16xf32>,
        tpu.vector_store %arg11[%swap3A_1001, %swap3A_1002], %mul3A_1000 {strides = array<i32>} : memref<128x128xf32, #tpu.memory_space<vmem>>, vector<16xf32>,
        %get3A_1004 = arith.index_cast %add3A_989 : i32 to index
        %get3A_1005 = arith.constant 32 : index
        %get3A_1006 = tpu.vector_load %arg11[%get3A_1004, %get3A_1005] {strides = array<i32>} : memref<128x128xf32, #tpu.memory_space<vmem>>, vector<16xf32>,
        %mul3A_1007 = arith.mulf %get3A_1006, %broadcast_in_dim3A_985 : vector<16xf32>
        %swap3A_1008 = arith.index_cast %add3A_989 : i32 to index
        %swap3A_1009 = arith.constant 32 : index
        %swap3A_1010 = tpu.vector_load %arg11[%swap3A_1008, %swap3A_1009] {strides = array<i32>} : memref<128x128xf32, #tpu.memory_space<vmem>>, vector<16xf32>,
        tpu.vector_store %arg11[%swap3A_1008, %swap3A_1009], %mul3A_1007 {strides = array<i32>} : memref<128x128xf32, #tpu.memory_space<vmem>>, vector<16xf32>,
        %get3A_1011 = arith.index_cast %add3A_989 : i32 to index
        %get3A_1012 = arith.constant 48 : index
        %get3A_1013 = tpu.vector_load %arg11[%get3A_1011, %get3A_1012] {strides = array<i32>} : memref<128x128xf32, #tpu.memory_space<vmem>>, vector<16xf32>,
        %mul3A_1014 = arith.mulf %get3A_1013, %broadcast_in_dim3A_985 : vector<16xf32>
        %swap3A_1015 = arith.index_cast %add3A_989 : i32 to index
        %swap3A_1016 = arith.constant 48 : index
        %swap3A_1017 = tpu.vector_load %arg11[%swap3A_1015, %swap3A_1016] {strides = array<i32>} : memref<128x128xf32, #tpu.memory_space<vmem>>, vector<16xf32>,
        tpu.vector_store %arg11[%swap3A_1015, %swap3A_1016], %mul3A_1014 {strides = array<i32>} : memref<128x128xf32, #tpu.memory_space<vmem>>, vector<16xf32>,
        %get3A_1018 = arith.index_cast %add3A_989 : i32 to index
        %get3A_1019 = arith.constant 64 : index
        %get3A_1020 = tpu.vector_load %arg11[%get3A_1018, %get3A_1019] {strides = array<i32>} : memref<128x128xf32, #tpu.memory_space<vmem>>, vector<16xf32>,
        %mul3A_1021 = arith.mulf %get3A_1020, %broadcast_in_dim3A_985 : vector<16xf32>
        %swap3A_1022 = arith.index_cast %add3A_989 : i32 to index
        %swap3A_1023 = arith.constant 64 : index
        %swap3A_1024 = tpu.vector_load %arg11[%swap3A_1022, %swap3A_1023] {strides = array<i32>} : memref<128x128xf32, #tpu.memory_space<vmem>>, vector<16xf32>,
        tpu.vector_store %arg11[%swap3A_1022, %swap3A_1023], %mul3A_1021 {strides = array<i32>} : memref<128x128xf32, #tpu.memory_space<vmem>>, vector<16xf32>,
        %get3A_1025 = arith.index_cast %add3A_989 : i32 to index
        %get3A_1026 = arith.constant 80 : index
        %get3A_1027 = tpu.vector_load %arg11[%get3A_1025, %get3A_1026] {strides = array<i32>} : memref<128x128xf32, #tpu.memory_space<vmem>>, vector<16xf32>,
        %mul3A_1028 = arith.mulf %get3A_1027, %broadcast_in_dim3A_985 : vector<16xf32>
        %swap3A_1029 = arith.index_cast %add3A_989 : i32 to index
        %swap3A_1030 = arith.constant 80 : index
        %swap3A_1031 = tpu.vector_load %arg11[%swap3A_1029, %swap3A_1030] {strides = array<i32>} : memref<128x128xf32, #tpu.memory_space<vmem>>, vector<16xf32>,
        tpu.vector_store %arg11[%swap3A_1029, %swap3A_1030], %mul3A_1028 {strides = array<i32>} : memref<128x128xf32, #tpu.memory_space<vmem>>, vector<16xf32>,
        %get3A_1032 = arith.index_cast %add3A_989 : i32 to index
        %get3A_1033 = arith.constant 96 : index
        %get3A_1034 = tpu.vector_load %arg11[%get3A_1032, %get3A_1033] {strides = array<i32>} : memref<128x128xf32, #tpu.memory_space<vmem>>, vector<16xf32>,
        %mul3A_1035 = arith.mulf %get3A_1034, %broadcast_in_dim3A_985 : vector<16xf32>
        %swap3A_1036 = arith.index_cast %add3A_989 : i32 to index
        %swap3A_1037 = arith.constant 96 : index
        %swap3A_1038 = tpu.vector_load %arg11[%swap3A_1036, %swap3A_1037] {strides = array<i32>} : memref<128x128xf32, #tpu.memory_space<vmem>>, vector<16xf32>,
        tpu.vector_store %arg11[%swap3A_1036, %swap3A_1037], %mul3A_1035 {strides = array<i32>} : memref<128x128xf32, #tpu.memory_space<vmem>>, vector<16xf32>,
        %get3A_1039 = arith.index_cast %add3A_989 : i32 to index
        %get3A_1040 = arith.constant 112 : index
        %get3A_1041 = tpu.vector_load %arg11[%get3A_1039, %get3A_1040] {strides = array<i32>} : memref<128x128xf32, #tpu.memory_space<vmem>>, vector<16xf32>,
        %mul3A_1042 = arith.mulf %get3A_1041, %broadcast_in_dim3A_985 : vector<16xf32>
        %swap3A_1043 = arith.index_cast %add3A_989 : i32 to index
        %swap3A_1044 = arith.constant 112 : index
        %swap3A_1045 = tpu.vector_load %arg11[%swap3A_1043, %swap3A_1044] {strides = array<i32>} : memref<128x128xf32, #tpu.memory_space<vmem>>, vector<16xf32>,
        tpu.vector_store %arg11[%swap3A_1043, %swap3A_1044], %mul3A_1042 {strides = array<i32>} : memref<128x128xf32, #tpu.memory_space<vmem>>, vector<16xf32>,
        %scan3A_1046 = arith.constant 0 : i32
        scf.yield %scan3A_1046 : i32
      }
      %scan3A_34 = arith.constant 8 : i32
      "tpu.region"() ({
        %run_scoped3A = tpu.sem_alloc : memref<!tpu.dma_semaphore, #tpu.memory_space<semaphore_mem>>
        %dma_start3A_36 = arith.constant 0 : i32
        %dma_start3A_37 = tpu.memref_slice %arg9[%scan3A_16, %dma_start3A_36] : memref<79x128xi32, #tpu.memory_space<vmem>> -> memref<1x128xi32, #tpu.memory_space<vmem>>
        %dma_start3A_38 = tpu.memref_squeeze %dma_start3A_37 : memref<1x128xi32, #tpu.memory_space<vmem>> -> memref<128xi32, #tpu.memory_space<vmem>>
        %dma_start3A_39 = arith.constant 0 : i32
        %dma_start3A_40 = arith.constant 0 : i32
        %dma_start3A_41 = tpu.memref_slice %arg12[%dma_start3A_39, %dma_start3A_40] : memref<10240x128xf32, #tpu.memory_space<vmem_shared>> -> memref<10240x128xf32, #tpu.memory_space<vmem_shared>>
        tpu.enqueue_indirect_dma source(%arg11 : memref<128x128xf32, #tpu.memory_space<vmem>>) target(%dma_start3A_41 : memref<10240x128xf32, #tpu.memory_space<vmem_shared>>) offsets(%dma_start3A_38 : memref<128xi32, #tpu.memory_space<vmem>>) semaphore(%run_scoped3A : memref<!tpu.dma_semaphore, #tpu.memory_space<semaphore_mem>>) {add = true}
        %dma_wait3A_42 = arith.constant 0 : i32
        %dma_wait3A_43 = tpu.memref_slice %arg9[%scan3A_16, %dma_wait3A_42] : memref<79x128xi32, #tpu.memory_space<vmem>> -> memref<1x128xi32, #tpu.memory_space<vmem>>
        %dma_wait3A_44 = tpu.memref_squeeze %dma_wait3A_43 : memref<1x128xi32, #tpu.memory_space<vmem>> -> memref<128xi32, #tpu.memory_space<vmem>>
        %dma_wait3A_45 = arith.constant 0 : i32
        %dma_wait3A_46 = arith.constant 0 : i32
        %dma_wait3A_47 = tpu.memref_slice %arg12[%dma_wait3A_45, %dma_wait3A_46] : memref<10240x128xf32, #tpu.memory_space<vmem_shared>> -> memref<10240x128xf32, #tpu.memory_space<vmem_shared>>
        tpu.wait_indirect_dma semaphore(%run_scoped3A : memref<!tpu.dma_semaphore, #tpu.memory_space<semaphore_mem>>) src(%arg11 : memref<128x128xf32, #tpu.memory_space<vmem>>) dst(%dma_wait3A_47 : memref<10240x128xf32, #tpu.memory_space<vmem_shared>>)
        tpu.yield
      }) : () -> ()
      %scan3A_35 = arith.constant 0 : i32
      scf.yield %scan3A_35 : i32
    }
    %scan3A_10 = arith.constant 79 : i32
    %barrier3A_11 = arith.constant 0 : index
    tpu.barrier barrier_id(%barrier3A_11)
    %mul3A_12 = arith.constant 640 : i32
    %mul3A_13 = arith.muli %arg1, %mul3A_12 : i32
    %mul3A_14 = arith.constant 640 : i32
    %mul3A_15 = arith.muli %arg1, %mul3A_14 : i32
    "tpu.region"() ({
      %run_scoped3A = tpu.sem_alloc : memref<!tpu.dma_semaphore, #tpu.memory_space<semaphore_mem>>
      %dma_start3A = arith.constant 0 : i32
      %dma_start3A_16 = tpu.memref_slice %arg7[%arg0, %mul3A_15, %dma_start3A] : memref<2x10240x128xf32, #tpu.memory_space<hbm>> -> memref<1x640x128xf32, #tpu.memory_space<hbm>>
      %dma_start3A_17 = tpu.memref_squeeze %dma_start3A_16 : memref<1x640x128xf32, #tpu.memory_space<hbm>> -> memref<640x128xf32, #tpu.memory_space<hbm>>
      %dma_start3A_18 = arith.constant 0 : i32
      %dma_start3A_19 = tpu.memref_slice %arg12[%mul3A_13, %dma_start3A_18] : memref<10240x128xf32, #tpu.memory_space<vmem_shared>> -> memref<640x128xf32, #tpu.memory_space<vmem_shared>>
      tpu.enqueue_dma source(%dma_start3A_19 : memref<640x128xf32, #tpu.memory_space<vmem_shared>>) target(%dma_start3A_17 : memref<640x128xf32, #tpu.memory_space<hbm>>) target_semaphore(%run_scoped3A : memref<!tpu.dma_semaphore, #tpu.memory_space<semaphore_mem>>)
      %dma_wait3A = arith.constant 0 : i32
      %dma_wait3A_20 = tpu.memref_slice %arg7[%arg0, %mul3A_15, %dma_wait3A] : memref<2x10240x128xf32, #tpu.memory_space<hbm>> -> memref<1x640x128xf32, #tpu.memory_space<hbm>>
      %dma_wait3A_21 = tpu.memref_squeeze %dma_wait3A_20 : memref<1x640x128xf32, #tpu.memory_space<hbm>> -> memref<640x128xf32, #tpu.memory_space<hbm>>
      %dma_wait3A_22 = arith.constant 0 : i32
      %dma_wait3A_23 = tpu.memref_slice %arg12[%mul3A_13, %dma_wait3A_22] : memref<10240x128xf32, #tpu.memory_space<vmem_shared>> -> memref<640x128xf32, #tpu.memory_space<vmem_shared>>
      tpu.wait_dma2 semaphore(%run_scoped3A : memref<!tpu.dma_semaphore, #tpu.memory_space<semaphore_mem>>) src(%dma_wait3A_23 : memref<640x128xf32, #tpu.memory_space<vmem_shared>>) dst(%dma_wait3A_21 : memref<640x128xf32, #tpu.memory_space<hbm>>)
      tpu.yield
    }) : () -> ()
    return
  }
}

#map = affine_map<(d0, d1) -> (0, 0)>
#map1 = affine_map<(d0, d1) -> (0, 0, 0)>
module attributes {stable_mosaic.version = 14 : i64} {
  func.func @_sc_mp(%arg0: i32, %arg1: i32, %arg2: memref<10240x128xf32, #tpu.memory_space<hbm>>, %arg3: memref<32x79x128xi32, #tpu.memory_space<hbm>>, %arg4: memref<32x79x128xi32, #tpu.memory_space<hbm>>, %arg5: memref<32x79x128xf32, #tpu.memory_space<hbm>>, %arg6: memref<10240x128xf32, #tpu.memory_space<hbm>>, %arg7: memref<2x10240x128xf32, #tpu.memory_space<hbm>>, %arg8: memref<79x128xi32, #tpu.memory_space<vmem>>, %arg9: memref<79x128xi32, #tpu.memory_space<vmem>>, %arg10: memref<79x128xf32, #tpu.memory_space<vmem>>, %arg11: memref<128x128xf32, #tpu.memory_space<vmem>>, %arg12: memref<10240x128xf32, #tpu.memory_space<vmem_shared>>, %arg13: memref<!tpu.dma_semaphore, #tpu.memory_space<semaphore_mem>>) attributes {dimension_semantics = [#tpu.dimension_semantics<core_parallel>, #tpu.dimension_semantics<subcore_parallel>], iteration_bounds = array<i64: 2, 16>, scalar_prefetch = 0 : i64, scratch_operands = 6 : i64, tpu.core_type = #tpu.core_type<sc_vector_subcore>, window_params = [{transform_indices = #map}, {transform_indices = #map1}, {transform_indices = #map1}, {transform_indices = #map1}, {transform_indices = #map}, {transform_indices = #map1}]} {
    %mul3A = arith.constant 2 : i32
    %mul3A_0 = arith.muli %arg1, %mul3A : i32
    %add3A = arith.addi %mul3A_0, %arg0 : i32
    %mul3A_1 = arith.constant 640 : i32
    %mul3A_2 = arith.muli %arg1, %mul3A_1 : i32
    %mul3A_3 = arith.constant 640 : i32
    %mul3A_4 = arith.muli %arg1, %mul3A_3 : i32
    "tpu.region"() ({
      %run_scoped3A = tpu.sem_alloc : memref<!tpu.dma_semaphore, #tpu.memory_space<semaphore_mem>>
      %dma_start3A = arith.constant 0 : i32
      %dma_start3A_16 = tpu.memref_slice %arg12[%mul3A_4, %dma_start3A] : memref<10240x128xf32, #tpu.memory_space<vmem_shared>> -> memref<640x128xf32, #tpu.memory_space<vmem_shared>>
      %dma_start3A_17 = arith.constant 0 : i32
      %dma_start3A_18 = tpu.memref_slice %arg6[%mul3A_2, %dma_start3A_17] : memref<10240x128xf32, #tpu.memory_space<hbm>> -> memref<640x128xf32, #tpu.memory_space<hbm>>
      tpu.enqueue_dma source(%dma_start3A_18 : memref<640x128xf32, #tpu.memory_space<hbm>>) target(%dma_start3A_16 : memref<640x128xf32, #tpu.memory_space<vmem_shared>>) target_semaphore(%run_scoped3A : memref<!tpu.dma_semaphore, #tpu.memory_space<semaphore_mem>>)
      %dma_wait3A = arith.constant 0 : i32
      %dma_wait3A_19 = tpu.memref_slice %arg12[%mul3A_4, %dma_wait3A] : memref<10240x128xf32, #tpu.memory_space<vmem_shared>> -> memref<640x128xf32, #tpu.memory_space<vmem_shared>>
      %dma_wait3A_20 = arith.constant 0 : i32
      %dma_wait3A_21 = tpu.memref_slice %arg6[%mul3A_2, %dma_wait3A_20] : memref<10240x128xf32, #tpu.memory_space<hbm>> -> memref<640x128xf32, #tpu.memory_space<hbm>>
      tpu.wait_dma2 semaphore(%run_scoped3A : memref<!tpu.dma_semaphore, #tpu.memory_space<semaphore_mem>>) src(%dma_wait3A_21 : memref<640x128xf32, #tpu.memory_space<hbm>>) dst(%dma_wait3A_19 : memref<640x128xf32, #tpu.memory_space<vmem_shared>>)
      tpu.yield
    }) : () -> ()
    "tpu.region"() ({
      %run_scoped3A = tpu.sem_alloc : memref<!tpu.dma_semaphore, #tpu.memory_space<semaphore_mem>>
      %dma_start3A = arith.constant 0 : i32
      %dma_start3A_16 = arith.constant 0 : i32
      %dma_start3A_17 = tpu.memref_slice %arg3[%add3A, %dma_start3A, %dma_start3A_16] : memref<32x79x128xi32, #tpu.memory_space<hbm>> -> memref<1x79x128xi32, #tpu.memory_space<hbm>>
      %dma_start3A_18 = tpu.memref_squeeze %dma_start3A_17 : memref<1x79x128xi32, #tpu.memory_space<hbm>> -> memref<79x128xi32, #tpu.memory_space<hbm>>
      %dma_start3A_19 = arith.constant 0 : i32
      %dma_start3A_20 = arith.constant 0 : i32
      %dma_start3A_21 = tpu.memref_slice %arg3[%add3A, %dma_start3A_19, %dma_start3A_20] : memref<32x79x128xi32, #tpu.memory_space<hbm>> -> memref<1x79x128xi32, #tpu.memory_space<hbm>>
      %dma_start3A_22 = tpu.memref_squeeze %dma_start3A_21 : memref<1x79x128xi32, #tpu.memory_space<hbm>> -> memref<79x128xi32, #tpu.memory_space<hbm>>
      tpu.enqueue_dma source(%dma_start3A_22 : memref<79x128xi32, #tpu.memory_space<hbm>>) target(%arg8 : memref<79x128xi32, #tpu.memory_space<vmem>>) target_semaphore(%run_scoped3A : memref<!tpu.dma_semaphore, #tpu.memory_space<semaphore_mem>>)
      %dma_wait3A = arith.constant 0 : i32
      %dma_wait3A_23 = arith.constant 0 : i32
      %dma_wait3A_24 = tpu.memref_slice %arg3[%add3A, %dma_wait3A, %dma_wait3A_23] : memref<32x79x128xi32, #tpu.memory_space<hbm>> -> memref<1x79x128xi32, #tpu.memory_space<hbm>>
      %dma_wait3A_25 = tpu.memref_squeeze %dma_wait3A_24 : memref<1x79x128xi32, #tpu.memory_space<hbm>> -> memref<79x128xi32, #tpu.memory_space<hbm>>
      %dma_wait3A_26 = arith.constant 0 : i32
      %dma_wait3A_27 = arith.constant 0 : i32
      %dma_wait3A_28 = tpu.memref_slice %arg3[%add3A, %dma_wait3A_26, %dma_wait3A_27] : memref<32x79x128xi32, #tpu.memory_space<hbm>> -> memref<1x79x128xi32, #tpu.memory_space<hbm>>
      %dma_wait3A_29 = tpu.memref_squeeze %dma_wait3A_28 : memref<1x79x128xi32, #tpu.memory_space<hbm>> -> memref<79x128xi32, #tpu.memory_space<hbm>>
      tpu.wait_dma2 semaphore(%run_scoped3A : memref<!tpu.dma_semaphore, #tpu.memory_space<semaphore_mem>>) src(%dma_wait3A_29 : memref<79x128xi32, #tpu.memory_space<hbm>>) dst(%arg8 : memref<79x128xi32, #tpu.memory_space<vmem>>)
      tpu.yield
    }) : () -> ()
    "tpu.region"() ({
      %run_scoped3A = tpu.sem_alloc : memref<!tpu.dma_semaphore, #tpu.memory_space<semaphore_mem>>
      %dma_start3A = arith.constant 0 : i32
      %dma_start3A_16 = arith.constant 0 : i32
      %dma_start3A_17 = tpu.memref_slice %arg4[%add3A, %dma_start3A, %dma_start3A_16] : memref<32x79x128xi32, #tpu.memory_space<hbm>> -> memref<1x79x128xi32, #tpu.memory_space<hbm>>
      %dma_start3A_18 = tpu.memref_squeeze %dma_start3A_17 : memref<1x79x128xi32, #tpu.memory_space<hbm>> -> memref<79x128xi32, #tpu.memory_space<hbm>>
      %dma_start3A_19 = arith.constant 0 : i32
      %dma_start3A_20 = arith.constant 0 : i32
      %dma_start3A_21 = tpu.memref_slice %arg4[%add3A, %dma_start3A_19, %dma_start3A_20] : memref<32x79x128xi32, #tpu.memory_space<hbm>> -> memref<1x79x128xi32, #tpu.memory_space<hbm>>
      %dma_start3A_22 = tpu.memref_squeeze %dma_start3A_21 : memref<1x79x128xi32, #tpu.memory_space<hbm>> -> memref<79x128xi32, #tpu.memory_space<hbm>>
      tpu.enqueue_dma source(%dma_start3A_22 : memref<79x128xi32, #tpu.memory_space<hbm>>) target(%arg9 : memref<79x128xi32, #tpu.memory_space<vmem>>) target_semaphore(%run_scoped3A : memref<!tpu.dma_semaphore, #tpu.memory_space<semaphore_mem>>)
      %dma_wait3A = arith.constant 0 : i32
      %dma_wait3A_23 = arith.constant 0 : i32
      %dma_wait3A_24 = tpu.memref_slice %arg4[%add3A, %dma_wait3A, %dma_wait3A_23] : memref<32x79x128xi32, #tpu.memory_space<hbm>> -> memref<1x79x128xi32, #tpu.memory_space<hbm>>
      %dma_wait3A_25 = tpu.memref_squeeze %dma_wait3A_24 : memref<1x79x128xi32, #tpu.memory_space<hbm>> -> memref<79x128xi32, #tpu.memory_space<hbm>>
      %dma_wait3A_26 = arith.constant 0 : i32
      %dma_wait3A_27 = arith.constant 0 : i32
      %dma_wait3A_28 = tpu.memref_slice %arg4[%add3A, %dma_wait3A_26, %dma_wait3A_27] : memref<32x79x128xi32, #tpu.memory_space<hbm>> -> memref<1x79x128xi32, #tpu.memory_space<hbm>>
      %dma_wait3A_29 = tpu.memref_squeeze %dma_wait3A_28 : memref<1x79x128xi32, #tpu.memory_space<hbm>> -> memref<79x128xi32, #tpu.memory_space<hbm>>
      tpu.wait_dma2 semaphore(%run_scoped3A : memref<!tpu.dma_semaphore, #tpu.memory_space<semaphore_mem>>) src(%dma_wait3A_29 : memref<79x128xi32, #tpu.memory_space<hbm>>) dst(%arg9 : memref<79x128xi32, #tpu.memory_space<vmem>>)
      tpu.yield
    }) : () -> ()
    "tpu.region"() ({
      %run_scoped3A = tpu.sem_alloc : memref<!tpu.dma_semaphore, #tpu.memory_space<semaphore_mem>>
      %dma_start3A = arith.constant 0 : i32
      %dma_start3A_16 = arith.constant 0 : i32
      %dma_start3A_17 = tpu.memref_slice %arg5[%add3A, %dma_start3A, %dma_start3A_16] : memref<32x79x128xf32, #tpu.memory_space<hbm>> -> memref<1x79x128xf32, #tpu.memory_space<hbm>>
      %dma_start3A_18 = tpu.memref_squeeze %dma_start3A_17 : memref<1x79x128xf32, #tpu.memory_space<hbm>> -> memref<79x128xf32, #tpu.memory_space<hbm>>
      %dma_start3A_19 = arith.constant 0 : i32
      %dma_start3A_20 = arith.constant 0 : i32
      %dma_start3A_21 = tpu.memref_slice %arg5[%add3A, %dma_start3A_19, %dma_start3A_20] : memref<32x79x128xf32, #tpu.memory_space<hbm>> -> memref<1x79x128xf32, #tpu.memory_space<hbm>>
      %dma_start3A_22 = tpu.memref_squeeze %dma_start3A_21 : memref<1x79x128xf32, #tpu.memory_space<hbm>> -> memref<79x128xf32, #tpu.memory_space<hbm>>
      tpu.enqueue_dma source(%dma_start3A_22 : memref<79x128xf32, #tpu.memory_space<hbm>>) target(%arg10 : memref<79x128xf32, #tpu.memory_space<vmem>>) target_semaphore(%run_scoped3A : memref<!tpu.dma_semaphore, #tpu.memory_space<semaphore_mem>>)
      %dma_wait3A = arith.constant 0 : i32
      %dma_wait3A_23 = arith.constant 0 : i32
      %dma_wait3A_24 = tpu.memref_slice %arg5[%add3A, %dma_wait3A, %dma_wait3A_23] : memref<32x79x128xf32, #tpu.memory_space<hbm>> -> memref<1x79x128xf32, #tpu.memory_space<hbm>>
      %dma_wait3A_25 = tpu.memref_squeeze %dma_wait3A_24 : memref<1x79x128xf32, #tpu.memory_space<hbm>> -> memref<79x128xf32, #tpu.memory_space<hbm>>
      %dma_wait3A_26 = arith.constant 0 : i32
      %dma_wait3A_27 = arith.constant 0 : i32
      %dma_wait3A_28 = tpu.memref_slice %arg5[%add3A, %dma_wait3A_26, %dma_wait3A_27] : memref<32x79x128xf32, #tpu.memory_space<hbm>> -> memref<1x79x128xf32, #tpu.memory_space<hbm>>
      %dma_wait3A_29 = tpu.memref_squeeze %dma_wait3A_28 : memref<1x79x128xf32, #tpu.memory_space<hbm>> -> memref<79x128xf32, #tpu.memory_space<hbm>>
      tpu.wait_dma2 semaphore(%run_scoped3A : memref<!tpu.dma_semaphore, #tpu.memory_space<semaphore_mem>>) src(%dma_wait3A_29 : memref<79x128xf32, #tpu.memory_space<hbm>>) dst(%arg10 : memref<79x128xf32, #tpu.memory_space<vmem>>)
      tpu.yield
    }) : () -> ()
    %barrier3A = arith.constant 0 : index
    tpu.barrier barrier_id(%barrier3A)
    %scan3A = arith.constant 0 : i32
    %scan3A_5 = arith.constant 0 : i32
    %scan3A_6 = arith.constant 79 : i32
    %scan3A_7 = arith.addi %scan3A_5, %scan3A_6 : i32
    %scan3A_8 = arith.constant 1 : i32
    %scan3A_9 = scf.for %scan3A_16 = %scan3A_5 to %scan3A_7 step %scan3A_8 iter_args(%scan3A_17 = %scan3A) -> (i32)  : i32 {
      %dma_start3A = arith.constant 0 : i32
      %dma_start3A_18 = tpu.memref_slice %arg8[%scan3A_16, %dma_start3A] : memref<79x128xi32, #tpu.memory_space<vmem>> -> memref<1x128xi32, #tpu.memory_space<vmem>>
      %dma_start3A_19 = tpu.memref_squeeze %dma_start3A_18 : memref<1x128xi32, #tpu.memory_space<vmem>> -> memref<128xi32, #tpu.memory_space<vmem>>
      %dma_start3A_20 = arith.constant 0 : i32
      %dma_start3A_21 = arith.constant 0 : i32
      %dma_start3A_22 = tpu.memref_slice %arg2[%dma_start3A_20, %dma_start3A_21] : memref<10240x128xf32, #tpu.memory_space<hbm>> -> memref<10240x128xf32, #tpu.memory_space<hbm>>
      tpu.enqueue_indirect_dma source(%dma_start3A_22 : memref<10240x128xf32, #tpu.memory_space<hbm>>) target(%arg11 : memref<128x128xf32, #tpu.memory_space<vmem>>) offsets(%dma_start3A_19 : memref<128xi32, #tpu.memory_space<vmem>>) semaphore(%arg13 : memref<!tpu.dma_semaphore, #tpu.memory_space<semaphore_mem>>)
      %dma_wait3A = arith.constant 0 : i32
      %dma_wait3A_23 = tpu.memref_slice %arg8[%scan3A_16, %dma_wait3A] : memref<79x128xi32, #tpu.memory_space<vmem>> -> memref<1x128xi32, #tpu.memory_space<vmem>>
      %dma_wait3A_24 = tpu.memref_squeeze %dma_wait3A_23 : memref<1x128xi32, #tpu.memory_space<vmem>> -> memref<128xi32, #tpu.memory_space<vmem>>
      %dma_wait3A_25 = arith.constant 0 : i32
      %dma_wait3A_26 = arith.constant 0 : i32
      %dma_wait3A_27 = tpu.memref_slice %arg2[%dma_wait3A_25, %dma_wait3A_26] : memref<10240x128xf32, #tpu.memory_space<hbm>> -> memref<10240x128xf32, #tpu.memory_space<hbm>>
      tpu.wait_indirect_dma semaphore(%arg13 : memref<!tpu.dma_semaphore, #tpu.memory_space<semaphore_mem>>) src(%dma_wait3A_27 : memref<10240x128xf32, #tpu.memory_space<hbm>>) dst(%arg11 : memref<128x128xf32, #tpu.memory_space<vmem>>)
      %scan3A_28 = arith.constant 0 : i32
      %scan3A_29 = arith.constant 0 : i32
      %scan3A_30 = arith.constant 8 : i32
      %scan3A_31 = arith.addi %scan3A_29, %scan3A_30 : i32
      %scan3A_32 = arith.constant 1 : i32
      %scan3A_33 = scf.for %scan3A_36 = %scan3A_29 to %scan3A_31 step %scan3A_32 iter_args(%scan3A_37 = %scan3A_28) -> (i32)  : i32 {
        %mul3A_38 = arith.constant 16 : i32
        %mul3A_39 = arith.muli %scan3A_36, %mul3A_38 : i32
        %get3A = arith.index_cast %scan3A_16 : i32 to index
        %get3A_40 = arith.index_cast %mul3A_39 : i32 to index
        %get3A_41 = tpu.vector_load %arg10[%get3A, %get3A_40] {strides = array<i32>} : memref<79x128xf32, #tpu.memory_space<vmem>>, vector<16xf32>,
        %slice3A = vector.extract_strided_slice %get3A_41 {offsets = [0], sizes = [1], strides = [1]} : vector<16xf32> to vector<1xf32>
        %squeeze3A = vector.extract %slice3A[0] : f32 from vector<1xf32>
        %broadcast_in_dim3A = vector.broadcast %squeeze3A : f32 to vector<16xf32>
        %mul3A_42 = arith.constant 16 : i32
        %mul3A_43 = arith.muli %scan3A_36, %mul3A_42 : i32
        %add3A_44 = arith.constant 0 : i32
        %add3A_45 = arith.addi %mul3A_43, %add3A_44 : i32
        %get3A_46 = arith.index_cast %add3A_45 : i32 to index
        %get3A_47 = arith.constant 0 : index
        %get3A_48 = tpu.vector_load %arg11[%get3A_46, %get3A_47] {strides = array<i32>} : memref<128x128xf32, #tpu.memory_space<vmem>>, vector<16xf32>,
        %mul3A_49 = arith.mulf %get3A_48, %broadcast_in_dim3A : vector<16xf32>
        %swap3A = arith.index_cast %add3A_45 : i32 to index
        %swap3A_50 = arith.constant 0 : index
        %swap3A_51 = tpu.vector_load %arg11[%swap3A, %swap3A_50] {strides = array<i32>} : memref<128x128xf32, #tpu.memory_space<vmem>>, vector<16xf32>,
        tpu.vector_store %arg11[%swap3A, %swap3A_50], %mul3A_49 {strides = array<i32>} : memref<128x128xf32, #tpu.memory_space<vmem>>, vector<16xf32>,
        %get3A_52 = arith.index_cast %add3A_45 : i32 to index
        %get3A_53 = arith.constant 16 : index
        %get3A_54 = tpu.vector_load %arg11[%get3A_52, %get3A_53] {strides = array<i32>} : memref<128x128xf32, #tpu.memory_space<vmem>>, vector<16xf32>,
        %mul3A_55 = arith.mulf %get3A_54, %broadcast_in_dim3A : vector<16xf32>
        %swap3A_56 = arith.index_cast %add3A_45 : i32 to index
        %swap3A_57 = arith.constant 16 : index
        %swap3A_58 = tpu.vector_load %arg11[%swap3A_56, %swap3A_57] {strides = array<i32>} : memref<128x128xf32, #tpu.memory_space<vmem>>, vector<16xf32>,
        tpu.vector_store %arg11[%swap3A_56, %swap3A_57], %mul3A_55 {strides = array<i32>} : memref<128x128xf32, #tpu.memory_space<vmem>>, vector<16xf32>,
        %get3A_59 = arith.index_cast %add3A_45 : i32 to index
        %get3A_60 = arith.constant 32 : index
        %get3A_61 = tpu.vector_load %arg11[%get3A_59, %get3A_60] {strides = array<i32>} : memref<128x128xf32, #tpu.memory_space<vmem>>, vector<16xf32>,
        %mul3A_62 = arith.mulf %get3A_61, %broadcast_in_dim3A : vector<16xf32>
        %swap3A_63 = arith.index_cast %add3A_45 : i32 to index
        %swap3A_64 = arith.constant 32 : index
        %swap3A_65 = tpu.vector_load %arg11[%swap3A_63, %swap3A_64] {strides = array<i32>} : memref<128x128xf32, #tpu.memory_space<vmem>>, vector<16xf32>,
        tpu.vector_store %arg11[%swap3A_63, %swap3A_64], %mul3A_62 {strides = array<i32>} : memref<128x128xf32, #tpu.memory_space<vmem>>, vector<16xf32>,
        %get3A_66 = arith.index_cast %add3A_45 : i32 to index
        %get3A_67 = arith.constant 48 : index
        %get3A_68 = tpu.vector_load %arg11[%get3A_66, %get3A_67] {strides = array<i32>} : memref<128x128xf32, #tpu.memory_space<vmem>>, vector<16xf32>,
        %mul3A_69 = arith.mulf %get3A_68, %broadcast_in_dim3A : vector<16xf32>
        %swap3A_70 = arith.index_cast %add3A_45 : i32 to index
        %swap3A_71 = arith.constant 48 : index
        %swap3A_72 = tpu.vector_load %arg11[%swap3A_70, %swap3A_71] {strides = array<i32>} : memref<128x128xf32, #tpu.memory_space<vmem>>, vector<16xf32>,
        tpu.vector_store %arg11[%swap3A_70, %swap3A_71], %mul3A_69 {strides = array<i32>} : memref<128x128xf32, #tpu.memory_space<vmem>>, vector<16xf32>,
        %get3A_73 = arith.index_cast %add3A_45 : i32 to index
        %get3A_74 = arith.constant 64 : index
        %get3A_75 = tpu.vector_load %arg11[%get3A_73, %get3A_74] {strides = array<i32>} : memref<128x128xf32, #tpu.memory_space<vmem>>, vector<16xf32>,
        %mul3A_76 = arith.mulf %get3A_75, %broadcast_in_dim3A : vector<16xf32>
        %swap3A_77 = arith.index_cast %add3A_45 : i32 to index
        %swap3A_78 = arith.constant 64 : index
        %swap3A_79 = tpu.vector_load %arg11[%swap3A_77, %swap3A_78] {strides = array<i32>} : memref<128x128xf32, #tpu.memory_space<vmem>>, vector<16xf32>,
        tpu.vector_store %arg11[%swap3A_77, %swap3A_78], %mul3A_76 {strides = array<i32>} : memref<128x128xf32, #tpu.memory_space<vmem>>, vector<16xf32>,
        %get3A_80 = arith.index_cast %add3A_45 : i32 to index
        %get3A_81 = arith.constant 80 : index
        %get3A_82 = tpu.vector_load %arg11[%get3A_80, %get3A_81] {strides = array<i32>} : memref<128x128xf32, #tpu.memory_space<vmem>>, vector<16xf32>,
        %mul3A_83 = arith.mulf %get3A_82, %broadcast_in_dim3A : vector<16xf32>
        %swap3A_84 = arith.index_cast %add3A_45 : i32 to index
        %swap3A_85 = arith.constant 80 : index
        %swap3A_86 = tpu.vector_load %arg11[%swap3A_84, %swap3A_85] {strides = array<i32>} : memref<128x128xf32, #tpu.memory_space<vmem>>, vector<16xf32>,
        tpu.vector_store %arg11[%swap3A_84, %swap3A_85], %mul3A_83 {strides = array<i32>} : memref<128x128xf32, #tpu.memory_space<vmem>>, vector<16xf32>,
        %get3A_87 = arith.index_cast %add3A_45 : i32 to index
        %get3A_88 = arith.constant 96 : index
        %get3A_89 = tpu.vector_load %arg11[%get3A_87, %get3A_88] {strides = array<i32>} : memref<128x128xf32, #tpu.memory_space<vmem>>, vector<16xf32>,
        %mul3A_90 = arith.mulf %get3A_89, %broadcast_in_dim3A : vector<16xf32>
        %swap3A_91 = arith.index_cast %add3A_45 : i32 to index
        %swap3A_92 = arith.constant 96 : index
        %swap3A_93 = tpu.vector_load %arg11[%swap3A_91, %swap3A_92] {strides = array<i32>} : memref<128x128xf32, #tpu.memory_space<vmem>>, vector<16xf32>,
        tpu.vector_store %arg11[%swap3A_91, %swap3A_92], %mul3A_90 {strides = array<i32>} : memref<128x128xf32, #tpu.memory_space<vmem>>, vector<16xf32>,
        %get3A_94 = arith.index_cast %add3A_45 : i32 to index
        %get3A_95 = arith.constant 112 : index
        %get3A_96 = tpu.vector_load %arg11[%get3A_94, %get3A_95] {strides = array<i32>} : memref<128x128xf32, #tpu.memory_space<vmem>>, vector<16xf32>,
        %mul3A_97 = arith.mulf %get3A_96, %broadcast_in_dim3A : vector<16xf32>
        %swap3A_98 = arith.index_cast %add3A_45 : i32 to index
        %swap3A_99 = arith.constant 112 : index
        %swap3A_100 = tpu.vector_load %arg11[%swap3A_98, %swap3A_99] {strides = array<i32>} : memref<128x128xf32, #tpu.memory_space<vmem>>, vector<16xf32>,
        tpu.vector_store %arg11[%swap3A_98, %swap3A_99], %mul3A_97 {strides = array<i32>} : memref<128x128xf32, #tpu.memory_space<vmem>>, vector<16xf32>,
        %slice3A_101 = vector.extract_strided_slice %get3A_41 {offsets = [1], sizes = [1], strides = [1]} : vector<16xf32> to vector<1xf32>
        %squeeze3A_102 = vector.extract %slice3A_101[0] : f32 from vector<1xf32>
        %broadcast_in_dim3A_103 = vector.broadcast %squeeze3A_102 : f32 to vector<16xf32>
        %mul3A_104 = arith.constant 16 : i32
        %mul3A_105 = arith.muli %scan3A_36, %mul3A_104 : i32
        %add3A_106 = arith.constant 1 : i32
        %add3A_107 = arith.addi %mul3A_105, %add3A_106 : i32
        %get3A_108 = arith.index_cast %add3A_107 : i32 to index
        %get3A_109 = arith.constant 0 : index
        %get3A_110 = tpu.vector_load %arg11[%get3A_108, %get3A_109] {strides = array<i32>} : memref<128x128xf32, #tpu.memory_space<vmem>>, vector<16xf32>,
        %mul3A_111 = arith.mulf %get3A_110, %broadcast_in_dim3A_103 : vector<16xf32>
        %swap3A_112 = arith.index_cast %add3A_107 : i32 to index
        %swap3A_113 = arith.constant 0 : index
        %swap3A_114 = tpu.vector_load %arg11[%swap3A_112, %swap3A_113] {strides = array<i32>} : memref<128x128xf32, #tpu.memory_space<vmem>>, vector<16xf32>,
        tpu.vector_store %arg11[%swap3A_112, %swap3A_113], %mul3A_111 {strides = array<i32>} : memref<128x128xf32, #tpu.memory_space<vmem>>, vector<16xf32>,
        %get3A_115 = arith.index_cast %add3A_107 : i32 to index
        %get3A_116 = arith.constant 16 : index
        %get3A_117 = tpu.vector_load %arg11[%get3A_115, %get3A_116] {strides = array<i32>} : memref<128x128xf32, #tpu.memory_space<vmem>>, vector<16xf32>,
        %mul3A_118 = arith.mulf %get3A_117, %broadcast_in_dim3A_103 : vector<16xf32>
        %swap3A_119 = arith.index_cast %add3A_107 : i32 to index
        %swap3A_120 = arith.constant 16 : index
        %swap3A_121 = tpu.vector_load %arg11[%swap3A_119, %swap3A_120] {strides = array<i32>} : memref<128x128xf32, #tpu.memory_space<vmem>>, vector<16xf32>,
        tpu.vector_store %arg11[%swap3A_119, %swap3A_120], %mul3A_118 {strides = array<i32>} : memref<128x128xf32, #tpu.memory_space<vmem>>, vector<16xf32>,
        %get3A_122 = arith.index_cast %add3A_107 : i32 to index
        %get3A_123 = arith.constant 32 : index
        %get3A_124 = tpu.vector_load %arg11[%get3A_122, %get3A_123] {strides = array<i32>} : memref<128x128xf32, #tpu.memory_space<vmem>>, vector<16xf32>,
        %mul3A_125 = arith.mulf %get3A_124, %broadcast_in_dim3A_103 : vector<16xf32>
        %swap3A_126 = arith.index_cast %add3A_107 : i32 to index
        %swap3A_127 = arith.constant 32 : index
        %swap3A_128 = tpu.vector_load %arg11[%swap3A_126, %swap3A_127] {strides = array<i32>} : memref<128x128xf32, #tpu.memory_space<vmem>>, vector<16xf32>,
        tpu.vector_store %arg11[%swap3A_126, %swap3A_127], %mul3A_125 {strides = array<i32>} : memref<128x128xf32, #tpu.memory_space<vmem>>, vector<16xf32>,
        %get3A_129 = arith.index_cast %add3A_107 : i32 to index
        %get3A_130 = arith.constant 48 : index
        %get3A_131 = tpu.vector_load %arg11[%get3A_129, %get3A_130] {strides = array<i32>} : memref<128x128xf32, #tpu.memory_space<vmem>>, vector<16xf32>,
        %mul3A_132 = arith.mulf %get3A_131, %broadcast_in_dim3A_103 : vector<16xf32>
        %swap3A_133 = arith.index_cast %add3A_107 : i32 to index
        %swap3A_134 = arith.constant 48 : index
        %swap3A_135 = tpu.vector_load %arg11[%swap3A_133, %swap3A_134] {strides = array<i32>} : memref<128x128xf32, #tpu.memory_space<vmem>>, vector<16xf32>,
        tpu.vector_store %arg11[%swap3A_133, %swap3A_134], %mul3A_132 {strides = array<i32>} : memref<128x128xf32, #tpu.memory_space<vmem>>, vector<16xf32>,
        %get3A_136 = arith.index_cast %add3A_107 : i32 to index
        %get3A_137 = arith.constant 64 : index
        %get3A_138 = tpu.vector_load %arg11[%get3A_136, %get3A_137] {strides = array<i32>} : memref<128x128xf32, #tpu.memory_space<vmem>>, vector<16xf32>,
        %mul3A_139 = arith.mulf %get3A_138, %broadcast_in_dim3A_103 : vector<16xf32>
        %swap3A_140 = arith.index_cast %add3A_107 : i32 to index
        %swap3A_141 = arith.constant 64 : index
        %swap3A_142 = tpu.vector_load %arg11[%swap3A_140, %swap3A_141] {strides = array<i32>} : memref<128x128xf32, #tpu.memory_space<vmem>>, vector<16xf32>,
        tpu.vector_store %arg11[%swap3A_140, %swap3A_141], %mul3A_139 {strides = array<i32>} : memref<128x128xf32, #tpu.memory_space<vmem>>, vector<16xf32>,
        %get3A_143 = arith.index_cast %add3A_107 : i32 to index
        %get3A_144 = arith.constant 80 : index
        %get3A_145 = tpu.vector_load %arg11[%get3A_143, %get3A_144] {strides = array<i32>} : memref<128x128xf32, #tpu.memory_space<vmem>>, vector<16xf32>,
        %mul3A_146 = arith.mulf %get3A_145, %broadcast_in_dim3A_103 : vector<16xf32>
        %swap3A_147 = arith.index_cast %add3A_107 : i32 to index
        %swap3A_148 = arith.constant 80 : index
        %swap3A_149 = tpu.vector_load %arg11[%swap3A_147, %swap3A_148] {strides = array<i32>} : memref<128x128xf32, #tpu.memory_space<vmem>>, vector<16xf32>,
        tpu.vector_store %arg11[%swap3A_147, %swap3A_148], %mul3A_146 {strides = array<i32>} : memref<128x128xf32, #tpu.memory_space<vmem>>, vector<16xf32>,
        %get3A_150 = arith.index_cast %add3A_107 : i32 to index
        %get3A_151 = arith.constant 96 : index
        %get3A_152 = tpu.vector_load %arg11[%get3A_150, %get3A_151] {strides = array<i32>} : memref<128x128xf32, #tpu.memory_space<vmem>>, vector<16xf32>,
        %mul3A_153 = arith.mulf %get3A_152, %broadcast_in_dim3A_103 : vector<16xf32>
        %swap3A_154 = arith.index_cast %add3A_107 : i32 to index
        %swap3A_155 = arith.constant 96 : index
        %swap3A_156 = tpu.vector_load %arg11[%swap3A_154, %swap3A_155] {strides = array<i32>} : memref<128x128xf32, #tpu.memory_space<vmem>>, vector<16xf32>,
        tpu.vector_store %arg11[%swap3A_154, %swap3A_155], %mul3A_153 {strides = array<i32>} : memref<128x128xf32, #tpu.memory_space<vmem>>, vector<16xf32>,
        %get3A_157 = arith.index_cast %add3A_107 : i32 to index
        %get3A_158 = arith.constant 112 : index
        %get3A_159 = tpu.vector_load %arg11[%get3A_157, %get3A_158] {strides = array<i32>} : memref<128x128xf32, #tpu.memory_space<vmem>>, vector<16xf32>,
        %mul3A_160 = arith.mulf %get3A_159, %broadcast_in_dim3A_103 : vector<16xf32>
        %swap3A_161 = arith.index_cast %add3A_107 : i32 to index
        %swap3A_162 = arith.constant 112 : index
        %swap3A_163 = tpu.vector_load %arg11[%swap3A_161, %swap3A_162] {strides = array<i32>} : memref<128x128xf32, #tpu.memory_space<vmem>>, vector<16xf32>,
        tpu.vector_store %arg11[%swap3A_161, %swap3A_162], %mul3A_160 {strides = array<i32>} : memref<128x128xf32, #tpu.memory_space<vmem>>, vector<16xf32>,
        %slice3A_164 = vector.extract_strided_slice %get3A_41 {offsets = [2], sizes = [1], strides = [1]} : vector<16xf32> to vector<1xf32>
        %squeeze3A_165 = vector.extract %slice3A_164[0] : f32 from vector<1xf32>
        %broadcast_in_dim3A_166 = vector.broadcast %squeeze3A_165 : f32 to vector<16xf32>
        %mul3A_167 = arith.constant 16 : i32
        %mul3A_168 = arith.muli %scan3A_36, %mul3A_167 : i32
        %add3A_169 = arith.constant 2 : i32
        %add3A_170 = arith.addi %mul3A_168, %add3A_169 : i32
        %get3A_171 = arith.index_cast %add3A_170 : i32 to index
        %get3A_172 = arith.constant 0 : index
        %get3A_173 = tpu.vector_load %arg11[%get3A_171, %get3A_172] {strides = array<i32>} : memref<128x128xf32, #tpu.memory_space<vmem>>, vector<16xf32>,
        %mul3A_174 = arith.mulf %get3A_173, %broadcast_in_dim3A_166 : vector<16xf32>
        %swap3A_175 = arith.index_cast %add3A_170 : i32 to index
        %swap3A_176 = arith.constant 0 : index
        %swap3A_177 = tpu.vector_load %arg11[%swap3A_175, %swap3A_176] {strides = array<i32>} : memref<128x128xf32, #tpu.memory_space<vmem>>, vector<16xf32>,
        tpu.vector_store %arg11[%swap3A_175, %swap3A_176], %mul3A_174 {strides = array<i32>} : memref<128x128xf32, #tpu.memory_space<vmem>>, vector<16xf32>,
        %get3A_178 = arith.index_cast %add3A_170 : i32 to index
        %get3A_179 = arith.constant 16 : index
        %get3A_180 = tpu.vector_load %arg11[%get3A_178, %get3A_179] {strides = array<i32>} : memref<128x128xf32, #tpu.memory_space<vmem>>, vector<16xf32>,
        %mul3A_181 = arith.mulf %get3A_180, %broadcast_in_dim3A_166 : vector<16xf32>
        %swap3A_182 = arith.index_cast %add3A_170 : i32 to index
        %swap3A_183 = arith.constant 16 : index
        %swap3A_184 = tpu.vector_load %arg11[%swap3A_182, %swap3A_183] {strides = array<i32>} : memref<128x128xf32, #tpu.memory_space<vmem>>, vector<16xf32>,
        tpu.vector_store %arg11[%swap3A_182, %swap3A_183], %mul3A_181 {strides = array<i32>} : memref<128x128xf32, #tpu.memory_space<vmem>>, vector<16xf32>,
        %get3A_185 = arith.index_cast %add3A_170 : i32 to index
        %get3A_186 = arith.constant 32 : index
        %get3A_187 = tpu.vector_load %arg11[%get3A_185, %get3A_186] {strides = array<i32>} : memref<128x128xf32, #tpu.memory_space<vmem>>, vector<16xf32>,
        %mul3A_188 = arith.mulf %get3A_187, %broadcast_in_dim3A_166 : vector<16xf32>
        %swap3A_189 = arith.index_cast %add3A_170 : i32 to index
        %swap3A_190 = arith.constant 32 : index
        %swap3A_191 = tpu.vector_load %arg11[%swap3A_189, %swap3A_190] {strides = array<i32>} : memref<128x128xf32, #tpu.memory_space<vmem>>, vector<16xf32>,
        tpu.vector_store %arg11[%swap3A_189, %swap3A_190], %mul3A_188 {strides = array<i32>} : memref<128x128xf32, #tpu.memory_space<vmem>>, vector<16xf32>,
        %get3A_192 = arith.index_cast %add3A_170 : i32 to index
        %get3A_193 = arith.constant 48 : index
        %get3A_194 = tpu.vector_load %arg11[%get3A_192, %get3A_193] {strides = array<i32>} : memref<128x128xf32, #tpu.memory_space<vmem>>, vector<16xf32>,
        %mul3A_195 = arith.mulf %get3A_194, %broadcast_in_dim3A_166 : vector<16xf32>
        %swap3A_196 = arith.index_cast %add3A_170 : i32 to index
        %swap3A_197 = arith.constant 48 : index
        %swap3A_198 = tpu.vector_load %arg11[%swap3A_196, %swap3A_197] {strides = array<i32>} : memref<128x128xf32, #tpu.memory_space<vmem>>, vector<16xf32>,
        tpu.vector_store %arg11[%swap3A_196, %swap3A_197], %mul3A_195 {strides = array<i32>} : memref<128x128xf32, #tpu.memory_space<vmem>>, vector<16xf32>,
        %get3A_199 = arith.index_cast %add3A_170 : i32 to index
        %get3A_200 = arith.constant 64 : index
        %get3A_201 = tpu.vector_load %arg11[%get3A_199, %get3A_200] {strides = array<i32>} : memref<128x128xf32, #tpu.memory_space<vmem>>, vector<16xf32>,
        %mul3A_202 = arith.mulf %get3A_201, %broadcast_in_dim3A_166 : vector<16xf32>
        %swap3A_203 = arith.index_cast %add3A_170 : i32 to index
        %swap3A_204 = arith.constant 64 : index
        %swap3A_205 = tpu.vector_load %arg11[%swap3A_203, %swap3A_204] {strides = array<i32>} : memref<128x128xf32, #tpu.memory_space<vmem>>, vector<16xf32>,
        tpu.vector_store %arg11[%swap3A_203, %swap3A_204], %mul3A_202 {strides = array<i32>} : memref<128x128xf32, #tpu.memory_space<vmem>>, vector<16xf32>,
        %get3A_206 = arith.index_cast %add3A_170 : i32 to index
        %get3A_207 = arith.constant 80 : index
        %get3A_208 = tpu.vector_load %arg11[%get3A_206, %get3A_207] {strides = array<i32>} : memref<128x128xf32, #tpu.memory_space<vmem>>, vector<16xf32>,
        %mul3A_209 = arith.mulf %get3A_208, %broadcast_in_dim3A_166 : vector<16xf32>
        %swap3A_210 = arith.index_cast %add3A_170 : i32 to index
        %swap3A_211 = arith.constant 80 : index
        %swap3A_212 = tpu.vector_load %arg11[%swap3A_210, %swap3A_211] {strides = array<i32>} : memref<128x128xf32, #tpu.memory_space<vmem>>, vector<16xf32>,
        tpu.vector_store %arg11[%swap3A_210, %swap3A_211], %mul3A_209 {strides = array<i32>} : memref<128x128xf32, #tpu.memory_space<vmem>>, vector<16xf32>,
        %get3A_213 = arith.index_cast %add3A_170 : i32 to index
        %get3A_214 = arith.constant 96 : index
        %get3A_215 = tpu.vector_load %arg11[%get3A_213, %get3A_214] {strides = array<i32>} : memref<128x128xf32, #tpu.memory_space<vmem>>, vector<16xf32>,
        %mul3A_216 = arith.mulf %get3A_215, %broadcast_in_dim3A_166 : vector<16xf32>
        %swap3A_217 = arith.index_cast %add3A_170 : i32 to index
        %swap3A_218 = arith.constant 96 : index
        %swap3A_219 = tpu.vector_load %arg11[%swap3A_217, %swap3A_218] {strides = array<i32>} : memref<128x128xf32, #tpu.memory_space<vmem>>, vector<16xf32>,
        tpu.vector_store %arg11[%swap3A_217, %swap3A_218], %mul3A_216 {strides = array<i32>} : memref<128x128xf32, #tpu.memory_space<vmem>>, vector<16xf32>,
        %get3A_220 = arith.index_cast %add3A_170 : i32 to index
        %get3A_221 = arith.constant 112 : index
        %get3A_222 = tpu.vector_load %arg11[%get3A_220, %get3A_221] {strides = array<i32>} : memref<128x128xf32, #tpu.memory_space<vmem>>, vector<16xf32>,
        %mul3A_223 = arith.mulf %get3A_222, %broadcast_in_dim3A_166 : vector<16xf32>
        %swap3A_224 = arith.index_cast %add3A_170 : i32 to index
        %swap3A_225 = arith.constant 112 : index
        %swap3A_226 = tpu.vector_load %arg11[%swap3A_224, %swap3A_225] {strides = array<i32>} : memref<128x128xf32, #tpu.memory_space<vmem>>, vector<16xf32>,
        tpu.vector_store %arg11[%swap3A_224, %swap3A_225], %mul3A_223 {strides = array<i32>} : memref<128x128xf32, #tpu.memory_space<vmem>>, vector<16xf32>,
        %slice3A_227 = vector.extract_strided_slice %get3A_41 {offsets = [3], sizes = [1], strides = [1]} : vector<16xf32> to vector<1xf32>
        %squeeze3A_228 = vector.extract %slice3A_227[0] : f32 from vector<1xf32>
        %broadcast_in_dim3A_229 = vector.broadcast %squeeze3A_228 : f32 to vector<16xf32>
        %mul3A_230 = arith.constant 16 : i32
        %mul3A_231 = arith.muli %scan3A_36, %mul3A_230 : i32
        %add3A_232 = arith.constant 3 : i32
        %add3A_233 = arith.addi %mul3A_231, %add3A_232 : i32
        %get3A_234 = arith.index_cast %add3A_233 : i32 to index
        %get3A_235 = arith.constant 0 : index
        %get3A_236 = tpu.vector_load %arg11[%get3A_234, %get3A_235] {strides = array<i32>} : memref<128x128xf32, #tpu.memory_space<vmem>>, vector<16xf32>,
        %mul3A_237 = arith.mulf %get3A_236, %broadcast_in_dim3A_229 : vector<16xf32>
        %swap3A_238 = arith.index_cast %add3A_233 : i32 to index
        %swap3A_239 = arith.constant 0 : index
        %swap3A_240 = tpu.vector_load %arg11[%swap3A_238, %swap3A_239] {strides = array<i32>} : memref<128x128xf32, #tpu.memory_space<vmem>>, vector<16xf32>,
        tpu.vector_store %arg11[%swap3A_238, %swap3A_239], %mul3A_237 {strides = array<i32>} : memref<128x128xf32, #tpu.memory_space<vmem>>, vector<16xf32>,
        %get3A_241 = arith.index_cast %add3A_233 : i32 to index
        %get3A_242 = arith.constant 16 : index
        %get3A_243 = tpu.vector_load %arg11[%get3A_241, %get3A_242] {strides = array<i32>} : memref<128x128xf32, #tpu.memory_space<vmem>>, vector<16xf32>,
        %mul3A_244 = arith.mulf %get3A_243, %broadcast_in_dim3A_229 : vector<16xf32>
        %swap3A_245 = arith.index_cast %add3A_233 : i32 to index
        %swap3A_246 = arith.constant 16 : index
        %swap3A_247 = tpu.vector_load %arg11[%swap3A_245, %swap3A_246] {strides = array<i32>} : memref<128x128xf32, #tpu.memory_space<vmem>>, vector<16xf32>,
        tpu.vector_store %arg11[%swap3A_245, %swap3A_246], %mul3A_244 {strides = array<i32>} : memref<128x128xf32, #tpu.memory_space<vmem>>, vector<16xf32>,
        %get3A_248 = arith.index_cast %add3A_233 : i32 to index
        %get3A_249 = arith.constant 32 : index
        %get3A_250 = tpu.vector_load %arg11[%get3A_248, %get3A_249] {strides = array<i32>} : memref<128x128xf32, #tpu.memory_space<vmem>>, vector<16xf32>,
        %mul3A_251 = arith.mulf %get3A_250, %broadcast_in_dim3A_229 : vector<16xf32>
        %swap3A_252 = arith.index_cast %add3A_233 : i32 to index
        %swap3A_253 = arith.constant 32 : index
        %swap3A_254 = tpu.vector_load %arg11[%swap3A_252, %swap3A_253] {strides = array<i32>} : memref<128x128xf32, #tpu.memory_space<vmem>>, vector<16xf32>,
        tpu.vector_store %arg11[%swap3A_252, %swap3A_253], %mul3A_251 {strides = array<i32>} : memref<128x128xf32, #tpu.memory_space<vmem>>, vector<16xf32>,
        %get3A_255 = arith.index_cast %add3A_233 : i32 to index
        %get3A_256 = arith.constant 48 : index
        %get3A_257 = tpu.vector_load %arg11[%get3A_255, %get3A_256] {strides = array<i32>} : memref<128x128xf32, #tpu.memory_space<vmem>>, vector<16xf32>,
        %mul3A_258 = arith.mulf %get3A_257, %broadcast_in_dim3A_229 : vector<16xf32>
        %swap3A_259 = arith.index_cast %add3A_233 : i32 to index
        %swap3A_260 = arith.constant 48 : index
        %swap3A_261 = tpu.vector_load %arg11[%swap3A_259, %swap3A_260] {strides = array<i32>} : memref<128x128xf32, #tpu.memory_space<vmem>>, vector<16xf32>,
        tpu.vector_store %arg11[%swap3A_259, %swap3A_260], %mul3A_258 {strides = array<i32>} : memref<128x128xf32, #tpu.memory_space<vmem>>, vector<16xf32>,
        %get3A_262 = arith.index_cast %add3A_233 : i32 to index
        %get3A_263 = arith.constant 64 : index
        %get3A_264 = tpu.vector_load %arg11[%get3A_262, %get3A_263] {strides = array<i32>} : memref<128x128xf32, #tpu.memory_space<vmem>>, vector<16xf32>,
        %mul3A_265 = arith.mulf %get3A_264, %broadcast_in_dim3A_229 : vector<16xf32>
        %swap3A_266 = arith.index_cast %add3A_233 : i32 to index
        %swap3A_267 = arith.constant 64 : index
        %swap3A_268 = tpu.vector_load %arg11[%swap3A_266, %swap3A_267] {strides = array<i32>} : memref<128x128xf32, #tpu.memory_space<vmem>>, vector<16xf32>,
        tpu.vector_store %arg11[%swap3A_266, %swap3A_267], %mul3A_265 {strides = array<i32>} : memref<128x128xf32, #tpu.memory_space<vmem>>, vector<16xf32>,
        %get3A_269 = arith.index_cast %add3A_233 : i32 to index
        %get3A_270 = arith.constant 80 : index
        %get3A_271 = tpu.vector_load %arg11[%get3A_269, %get3A_270] {strides = array<i32>} : memref<128x128xf32, #tpu.memory_space<vmem>>, vector<16xf32>,
        %mul3A_272 = arith.mulf %get3A_271, %broadcast_in_dim3A_229 : vector<16xf32>
        %swap3A_273 = arith.index_cast %add3A_233 : i32 to index
        %swap3A_274 = arith.constant 80 : index
        %swap3A_275 = tpu.vector_load %arg11[%swap3A_273, %swap3A_274] {strides = array<i32>} : memref<128x128xf32, #tpu.memory_space<vmem>>, vector<16xf32>,
        tpu.vector_store %arg11[%swap3A_273, %swap3A_274], %mul3A_272 {strides = array<i32>} : memref<128x128xf32, #tpu.memory_space<vmem>>, vector<16xf32>,
        %get3A_276 = arith.index_cast %add3A_233 : i32 to index
        %get3A_277 = arith.constant 96 : index
        %get3A_278 = tpu.vector_load %arg11[%get3A_276, %get3A_277] {strides = array<i32>} : memref<128x128xf32, #tpu.memory_space<vmem>>, vector<16xf32>,
        %mul3A_279 = arith.mulf %get3A_278, %broadcast_in_dim3A_229 : vector<16xf32>
        %swap3A_280 = arith.index_cast %add3A_233 : i32 to index
        %swap3A_281 = arith.constant 96 : index
        %swap3A_282 = tpu.vector_load %arg11[%swap3A_280, %swap3A_281] {strides = array<i32>} : memref<128x128xf32, #tpu.memory_space<vmem>>, vector<16xf32>,
        tpu.vector_store %arg11[%swap3A_280, %swap3A_281], %mul3A_279 {strides = array<i32>} : memref<128x128xf32, #tpu.memory_space<vmem>>, vector<16xf32>,
        %get3A_283 = arith.index_cast %add3A_233 : i32 to index
        %get3A_284 = arith.constant 112 : index
        %get3A_285 = tpu.vector_load %arg11[%get3A_283, %get3A_284] {strides = array<i32>} : memref<128x128xf32, #tpu.memory_space<vmem>>, vector<16xf32>,
        %mul3A_286 = arith.mulf %get3A_285, %broadcast_in_dim3A_229 : vector<16xf32>
        %swap3A_287 = arith.index_cast %add3A_233 : i32 to index
        %swap3A_288 = arith.constant 112 : index
        %swap3A_289 = tpu.vector_load %arg11[%swap3A_287, %swap3A_288] {strides = array<i32>} : memref<128x128xf32, #tpu.memory_space<vmem>>, vector<16xf32>,
        tpu.vector_store %arg11[%swap3A_287, %swap3A_288], %mul3A_286 {strides = array<i32>} : memref<128x128xf32, #tpu.memory_space<vmem>>, vector<16xf32>,
        %slice3A_290 = vector.extract_strided_slice %get3A_41 {offsets = [4], sizes = [1], strides = [1]} : vector<16xf32> to vector<1xf32>
        %squeeze3A_291 = vector.extract %slice3A_290[0] : f32 from vector<1xf32>
        %broadcast_in_dim3A_292 = vector.broadcast %squeeze3A_291 : f32 to vector<16xf32>
        %mul3A_293 = arith.constant 16 : i32
        %mul3A_294 = arith.muli %scan3A_36, %mul3A_293 : i32
        %add3A_295 = arith.constant 4 : i32
        %add3A_296 = arith.addi %mul3A_294, %add3A_295 : i32
        %get3A_297 = arith.index_cast %add3A_296 : i32 to index
        %get3A_298 = arith.constant 0 : index
        %get3A_299 = tpu.vector_load %arg11[%get3A_297, %get3A_298] {strides = array<i32>} : memref<128x128xf32, #tpu.memory_space<vmem>>, vector<16xf32>,
        %mul3A_300 = arith.mulf %get3A_299, %broadcast_in_dim3A_292 : vector<16xf32>
        %swap3A_301 = arith.index_cast %add3A_296 : i32 to index
        %swap3A_302 = arith.constant 0 : index
        %swap3A_303 = tpu.vector_load %arg11[%swap3A_301, %swap3A_302] {strides = array<i32>} : memref<128x128xf32, #tpu.memory_space<vmem>>, vector<16xf32>,
        tpu.vector_store %arg11[%swap3A_301, %swap3A_302], %mul3A_300 {strides = array<i32>} : memref<128x128xf32, #tpu.memory_space<vmem>>, vector<16xf32>,
        %get3A_304 = arith.index_cast %add3A_296 : i32 to index
        %get3A_305 = arith.constant 16 : index
        %get3A_306 = tpu.vector_load %arg11[%get3A_304, %get3A_305] {strides = array<i32>} : memref<128x128xf32, #tpu.memory_space<vmem>>, vector<16xf32>,
        %mul3A_307 = arith.mulf %get3A_306, %broadcast_in_dim3A_292 : vector<16xf32>
        %swap3A_308 = arith.index_cast %add3A_296 : i32 to index
        %swap3A_309 = arith.constant 16 : index
        %swap3A_310 = tpu.vector_load %arg11[%swap3A_308, %swap3A_309] {strides = array<i32>} : memref<128x128xf32, #tpu.memory_space<vmem>>, vector<16xf32>,
        tpu.vector_store %arg11[%swap3A_308, %swap3A_309], %mul3A_307 {strides = array<i32>} : memref<128x128xf32, #tpu.memory_space<vmem>>, vector<16xf32>,
        %get3A_311 = arith.index_cast %add3A_296 : i32 to index
        %get3A_312 = arith.constant 32 : index
        %get3A_313 = tpu.vector_load %arg11[%get3A_311, %get3A_312] {strides = array<i32>} : memref<128x128xf32, #tpu.memory_space<vmem>>, vector<16xf32>,
        %mul3A_314 = arith.mulf %get3A_313, %broadcast_in_dim3A_292 : vector<16xf32>
        %swap3A_315 = arith.index_cast %add3A_296 : i32 to index
        %swap3A_316 = arith.constant 32 : index
        %swap3A_317 = tpu.vector_load %arg11[%swap3A_315, %swap3A_316] {strides = array<i32>} : memref<128x128xf32, #tpu.memory_space<vmem>>, vector<16xf32>,
        tpu.vector_store %arg11[%swap3A_315, %swap3A_316], %mul3A_314 {strides = array<i32>} : memref<128x128xf32, #tpu.memory_space<vmem>>, vector<16xf32>,
        %get3A_318 = arith.index_cast %add3A_296 : i32 to index
        %get3A_319 = arith.constant 48 : index
        %get3A_320 = tpu.vector_load %arg11[%get3A_318, %get3A_319] {strides = array<i32>} : memref<128x128xf32, #tpu.memory_space<vmem>>, vector<16xf32>,
        %mul3A_321 = arith.mulf %get3A_320, %broadcast_in_dim3A_292 : vector<16xf32>
        %swap3A_322 = arith.index_cast %add3A_296 : i32 to index
        %swap3A_323 = arith.constant 48 : index
        %swap3A_324 = tpu.vector_load %arg11[%swap3A_322, %swap3A_323] {strides = array<i32>} : memref<128x128xf32, #tpu.memory_space<vmem>>, vector<16xf32>,
        tpu.vector_store %arg11[%swap3A_322, %swap3A_323], %mul3A_321 {strides = array<i32>} : memref<128x128xf32, #tpu.memory_space<vmem>>, vector<16xf32>,
        %get3A_325 = arith.index_cast %add3A_296 : i32 to index
        %get3A_326 = arith.constant 64 : index
        %get3A_327 = tpu.vector_load %arg11[%get3A_325, %get3A_326] {strides = array<i32>} : memref<128x128xf32, #tpu.memory_space<vmem>>, vector<16xf32>,
        %mul3A_328 = arith.mulf %get3A_327, %broadcast_in_dim3A_292 : vector<16xf32>
        %swap3A_329 = arith.index_cast %add3A_296 : i32 to index
        %swap3A_330 = arith.constant 64 : index
        %swap3A_331 = tpu.vector_load %arg11[%swap3A_329, %swap3A_330] {strides = array<i32>} : memref<128x128xf32, #tpu.memory_space<vmem>>, vector<16xf32>,
        tpu.vector_store %arg11[%swap3A_329, %swap3A_330], %mul3A_328 {strides = array<i32>} : memref<128x128xf32, #tpu.memory_space<vmem>>, vector<16xf32>,
        %get3A_332 = arith.index_cast %add3A_296 : i32 to index
        %get3A_333 = arith.constant 80 : index
        %get3A_334 = tpu.vector_load %arg11[%get3A_332, %get3A_333] {strides = array<i32>} : memref<128x128xf32, #tpu.memory_space<vmem>>, vector<16xf32>,
        %mul3A_335 = arith.mulf %get3A_334, %broadcast_in_dim3A_292 : vector<16xf32>
        %swap3A_336 = arith.index_cast %add3A_296 : i32 to index
        %swap3A_337 = arith.constant 80 : index
        %swap3A_338 = tpu.vector_load %arg11[%swap3A_336, %swap3A_337] {strides = array<i32>} : memref<128x128xf32, #tpu.memory_space<vmem>>, vector<16xf32>,
        tpu.vector_store %arg11[%swap3A_336, %swap3A_337], %mul3A_335 {strides = array<i32>} : memref<128x128xf32, #tpu.memory_space<vmem>>, vector<16xf32>,
        %get3A_339 = arith.index_cast %add3A_296 : i32 to index
        %get3A_340 = arith.constant 96 : index
        %get3A_341 = tpu.vector_load %arg11[%get3A_339, %get3A_340] {strides = array<i32>} : memref<128x128xf32, #tpu.memory_space<vmem>>, vector<16xf32>,
        %mul3A_342 = arith.mulf %get3A_341, %broadcast_in_dim3A_292 : vector<16xf32>
        %swap3A_343 = arith.index_cast %add3A_296 : i32 to index
        %swap3A_344 = arith.constant 96 : index
        %swap3A_345 = tpu.vector_load %arg11[%swap3A_343, %swap3A_344] {strides = array<i32>} : memref<128x128xf32, #tpu.memory_space<vmem>>, vector<16xf32>,
        tpu.vector_store %arg11[%swap3A_343, %swap3A_344], %mul3A_342 {strides = array<i32>} : memref<128x128xf32, #tpu.memory_space<vmem>>, vector<16xf32>,
        %get3A_346 = arith.index_cast %add3A_296 : i32 to index
        %get3A_347 = arith.constant 112 : index
        %get3A_348 = tpu.vector_load %arg11[%get3A_346, %get3A_347] {strides = array<i32>} : memref<128x128xf32, #tpu.memory_space<vmem>>, vector<16xf32>,
        %mul3A_349 = arith.mulf %get3A_348, %broadcast_in_dim3A_292 : vector<16xf32>
        %swap3A_350 = arith.index_cast %add3A_296 : i32 to index
        %swap3A_351 = arith.constant 112 : index
        %swap3A_352 = tpu.vector_load %arg11[%swap3A_350, %swap3A_351] {strides = array<i32>} : memref<128x128xf32, #tpu.memory_space<vmem>>, vector<16xf32>,
        tpu.vector_store %arg11[%swap3A_350, %swap3A_351], %mul3A_349 {strides = array<i32>} : memref<128x128xf32, #tpu.memory_space<vmem>>, vector<16xf32>,
        %slice3A_353 = vector.extract_strided_slice %get3A_41 {offsets = [5], sizes = [1], strides = [1]} : vector<16xf32> to vector<1xf32>
        %squeeze3A_354 = vector.extract %slice3A_353[0] : f32 from vector<1xf32>
        %broadcast_in_dim3A_355 = vector.broadcast %squeeze3A_354 : f32 to vector<16xf32>
        %mul3A_356 = arith.constant 16 : i32
        %mul3A_357 = arith.muli %scan3A_36, %mul3A_356 : i32
        %add3A_358 = arith.constant 5 : i32
        %add3A_359 = arith.addi %mul3A_357, %add3A_358 : i32
        %get3A_360 = arith.index_cast %add3A_359 : i32 to index
        %get3A_361 = arith.constant 0 : index
        %get3A_362 = tpu.vector_load %arg11[%get3A_360, %get3A_361] {strides = array<i32>} : memref<128x128xf32, #tpu.memory_space<vmem>>, vector<16xf32>,
        %mul3A_363 = arith.mulf %get3A_362, %broadcast_in_dim3A_355 : vector<16xf32>
        %swap3A_364 = arith.index_cast %add3A_359 : i32 to index
        %swap3A_365 = arith.constant 0 : index
        %swap3A_366 = tpu.vector_load %arg11[%swap3A_364, %swap3A_365] {strides = array<i32>} : memref<128x128xf32, #tpu.memory_space<vmem>>, vector<16xf32>,
        tpu.vector_store %arg11[%swap3A_364, %swap3A_365], %mul3A_363 {strides = array<i32>} : memref<128x128xf32, #tpu.memory_space<vmem>>, vector<16xf32>,
        %get3A_367 = arith.index_cast %add3A_359 : i32 to index
        %get3A_368 = arith.constant 16 : index
        %get3A_369 = tpu.vector_load %arg11[%get3A_367, %get3A_368] {strides = array<i32>} : memref<128x128xf32, #tpu.memory_space<vmem>>, vector<16xf32>,
        %mul3A_370 = arith.mulf %get3A_369, %broadcast_in_dim3A_355 : vector<16xf32>
        %swap3A_371 = arith.index_cast %add3A_359 : i32 to index
        %swap3A_372 = arith.constant 16 : index
        %swap3A_373 = tpu.vector_load %arg11[%swap3A_371, %swap3A_372] {strides = array<i32>} : memref<128x128xf32, #tpu.memory_space<vmem>>, vector<16xf32>,
        tpu.vector_store %arg11[%swap3A_371, %swap3A_372], %mul3A_370 {strides = array<i32>} : memref<128x128xf32, #tpu.memory_space<vmem>>, vector<16xf32>,
        %get3A_374 = arith.index_cast %add3A_359 : i32 to index
        %get3A_375 = arith.constant 32 : index
        %get3A_376 = tpu.vector_load %arg11[%get3A_374, %get3A_375] {strides = array<i32>} : memref<128x128xf32, #tpu.memory_space<vmem>>, vector<16xf32>,
        %mul3A_377 = arith.mulf %get3A_376, %broadcast_in_dim3A_355 : vector<16xf32>
        %swap3A_378 = arith.index_cast %add3A_359 : i32 to index
        %swap3A_379 = arith.constant 32 : index
        %swap3A_380 = tpu.vector_load %arg11[%swap3A_378, %swap3A_379] {strides = array<i32>} : memref<128x128xf32, #tpu.memory_space<vmem>>, vector<16xf32>,
        tpu.vector_store %arg11[%swap3A_378, %swap3A_379], %mul3A_377 {strides = array<i32>} : memref<128x128xf32, #tpu.memory_space<vmem>>, vector<16xf32>,
        %get3A_381 = arith.index_cast %add3A_359 : i32 to index
        %get3A_382 = arith.constant 48 : index
        %get3A_383 = tpu.vector_load %arg11[%get3A_381, %get3A_382] {strides = array<i32>} : memref<128x128xf32, #tpu.memory_space<vmem>>, vector<16xf32>,
        %mul3A_384 = arith.mulf %get3A_383, %broadcast_in_dim3A_355 : vector<16xf32>
        %swap3A_385 = arith.index_cast %add3A_359 : i32 to index
        %swap3A_386 = arith.constant 48 : index
        %swap3A_387 = tpu.vector_load %arg11[%swap3A_385, %swap3A_386] {strides = array<i32>} : memref<128x128xf32, #tpu.memory_space<vmem>>, vector<16xf32>,
        tpu.vector_store %arg11[%swap3A_385, %swap3A_386], %mul3A_384 {strides = array<i32>} : memref<128x128xf32, #tpu.memory_space<vmem>>, vector<16xf32>,
        %get3A_388 = arith.index_cast %add3A_359 : i32 to index
        %get3A_389 = arith.constant 64 : index
        %get3A_390 = tpu.vector_load %arg11[%get3A_388, %get3A_389] {strides = array<i32>} : memref<128x128xf32, #tpu.memory_space<vmem>>, vector<16xf32>,
        %mul3A_391 = arith.mulf %get3A_390, %broadcast_in_dim3A_355 : vector<16xf32>
        %swap3A_392 = arith.index_cast %add3A_359 : i32 to index
        %swap3A_393 = arith.constant 64 : index
        %swap3A_394 = tpu.vector_load %arg11[%swap3A_392, %swap3A_393] {strides = array<i32>} : memref<128x128xf32, #tpu.memory_space<vmem>>, vector<16xf32>,
        tpu.vector_store %arg11[%swap3A_392, %swap3A_393], %mul3A_391 {strides = array<i32>} : memref<128x128xf32, #tpu.memory_space<vmem>>, vector<16xf32>,
        %get3A_395 = arith.index_cast %add3A_359 : i32 to index
        %get3A_396 = arith.constant 80 : index
        %get3A_397 = tpu.vector_load %arg11[%get3A_395, %get3A_396] {strides = array<i32>} : memref<128x128xf32, #tpu.memory_space<vmem>>, vector<16xf32>,
        %mul3A_398 = arith.mulf %get3A_397, %broadcast_in_dim3A_355 : vector<16xf32>
        %swap3A_399 = arith.index_cast %add3A_359 : i32 to index
        %swap3A_400 = arith.constant 80 : index
        %swap3A_401 = tpu.vector_load %arg11[%swap3A_399, %swap3A_400] {strides = array<i32>} : memref<128x128xf32, #tpu.memory_space<vmem>>, vector<16xf32>,
        tpu.vector_store %arg11[%swap3A_399, %swap3A_400], %mul3A_398 {strides = array<i32>} : memref<128x128xf32, #tpu.memory_space<vmem>>, vector<16xf32>,
        %get3A_402 = arith.index_cast %add3A_359 : i32 to index
        %get3A_403 = arith.constant 96 : index
        %get3A_404 = tpu.vector_load %arg11[%get3A_402, %get3A_403] {strides = array<i32>} : memref<128x128xf32, #tpu.memory_space<vmem>>, vector<16xf32>,
        %mul3A_405 = arith.mulf %get3A_404, %broadcast_in_dim3A_355 : vector<16xf32>
        %swap3A_406 = arith.index_cast %add3A_359 : i32 to index
        %swap3A_407 = arith.constant 96 : index
        %swap3A_408 = tpu.vector_load %arg11[%swap3A_406, %swap3A_407] {strides = array<i32>} : memref<128x128xf32, #tpu.memory_space<vmem>>, vector<16xf32>,
        tpu.vector_store %arg11[%swap3A_406, %swap3A_407], %mul3A_405 {strides = array<i32>} : memref<128x128xf32, #tpu.memory_space<vmem>>, vector<16xf32>,
        %get3A_409 = arith.index_cast %add3A_359 : i32 to index
        %get3A_410 = arith.constant 112 : index
        %get3A_411 = tpu.vector_load %arg11[%get3A_409, %get3A_410] {strides = array<i32>} : memref<128x128xf32, #tpu.memory_space<vmem>>, vector<16xf32>,
        %mul3A_412 = arith.mulf %get3A_411, %broadcast_in_dim3A_355 : vector<16xf32>
        %swap3A_413 = arith.index_cast %add3A_359 : i32 to index
        %swap3A_414 = arith.constant 112 : index
        %swap3A_415 = tpu.vector_load %arg11[%swap3A_413, %swap3A_414] {strides = array<i32>} : memref<128x128xf32, #tpu.memory_space<vmem>>, vector<16xf32>,
        tpu.vector_store %arg11[%swap3A_413, %swap3A_414], %mul3A_412 {strides = array<i32>} : memref<128x128xf32, #tpu.memory_space<vmem>>, vector<16xf32>,
        %slice3A_416 = vector.extract_strided_slice %get3A_41 {offsets = [6], sizes = [1], strides = [1]} : vector<16xf32> to vector<1xf32>
        %squeeze3A_417 = vector.extract %slice3A_416[0] : f32 from vector<1xf32>
        %broadcast_in_dim3A_418 = vector.broadcast %squeeze3A_417 : f32 to vector<16xf32>
        %mul3A_419 = arith.constant 16 : i32
        %mul3A_420 = arith.muli %scan3A_36, %mul3A_419 : i32
        %add3A_421 = arith.constant 6 : i32
        %add3A_422 = arith.addi %mul3A_420, %add3A_421 : i32
        %get3A_423 = arith.index_cast %add3A_422 : i32 to index
        %get3A_424 = arith.constant 0 : index
        %get3A_425 = tpu.vector_load %arg11[%get3A_423, %get3A_424] {strides = array<i32>} : memref<128x128xf32, #tpu.memory_space<vmem>>, vector<16xf32>,
        %mul3A_426 = arith.mulf %get3A_425, %broadcast_in_dim3A_418 : vector<16xf32>
        %swap3A_427 = arith.index_cast %add3A_422 : i32 to index
        %swap3A_428 = arith.constant 0 : index
        %swap3A_429 = tpu.vector_load %arg11[%swap3A_427, %swap3A_428] {strides = array<i32>} : memref<128x128xf32, #tpu.memory_space<vmem>>, vector<16xf32>,
        tpu.vector_store %arg11[%swap3A_427, %swap3A_428], %mul3A_426 {strides = array<i32>} : memref<128x128xf32, #tpu.memory_space<vmem>>, vector<16xf32>,
        %get3A_430 = arith.index_cast %add3A_422 : i32 to index
        %get3A_431 = arith.constant 16 : index
        %get3A_432 = tpu.vector_load %arg11[%get3A_430, %get3A_431] {strides = array<i32>} : memref<128x128xf32, #tpu.memory_space<vmem>>, vector<16xf32>,
        %mul3A_433 = arith.mulf %get3A_432, %broadcast_in_dim3A_418 : vector<16xf32>
        %swap3A_434 = arith.index_cast %add3A_422 : i32 to index
        %swap3A_435 = arith.constant 16 : index
        %swap3A_436 = tpu.vector_load %arg11[%swap3A_434, %swap3A_435] {strides = array<i32>} : memref<128x128xf32, #tpu.memory_space<vmem>>, vector<16xf32>,
        tpu.vector_store %arg11[%swap3A_434, %swap3A_435], %mul3A_433 {strides = array<i32>} : memref<128x128xf32, #tpu.memory_space<vmem>>, vector<16xf32>,
        %get3A_437 = arith.index_cast %add3A_422 : i32 to index
        %get3A_438 = arith.constant 32 : index
        %get3A_439 = tpu.vector_load %arg11[%get3A_437, %get3A_438] {strides = array<i32>} : memref<128x128xf32, #tpu.memory_space<vmem>>, vector<16xf32>,
        %mul3A_440 = arith.mulf %get3A_439, %broadcast_in_dim3A_418 : vector<16xf32>
        %swap3A_441 = arith.index_cast %add3A_422 : i32 to index
        %swap3A_442 = arith.constant 32 : index
        %swap3A_443 = tpu.vector_load %arg11[%swap3A_441, %swap3A_442] {strides = array<i32>} : memref<128x128xf32, #tpu.memory_space<vmem>>, vector<16xf32>,
        tpu.vector_store %arg11[%swap3A_441, %swap3A_442], %mul3A_440 {strides = array<i32>} : memref<128x128xf32, #tpu.memory_space<vmem>>, vector<16xf32>,
        %get3A_444 = arith.index_cast %add3A_422 : i32 to index
        %get3A_445 = arith.constant 48 : index
        %get3A_446 = tpu.vector_load %arg11[%get3A_444, %get3A_445] {strides = array<i32>} : memref<128x128xf32, #tpu.memory_space<vmem>>, vector<16xf32>,
        %mul3A_447 = arith.mulf %get3A_446, %broadcast_in_dim3A_418 : vector<16xf32>
        %swap3A_448 = arith.index_cast %add3A_422 : i32 to index
        %swap3A_449 = arith.constant 48 : index
        %swap3A_450 = tpu.vector_load %arg11[%swap3A_448, %swap3A_449] {strides = array<i32>} : memref<128x128xf32, #tpu.memory_space<vmem>>, vector<16xf32>,
        tpu.vector_store %arg11[%swap3A_448, %swap3A_449], %mul3A_447 {strides = array<i32>} : memref<128x128xf32, #tpu.memory_space<vmem>>, vector<16xf32>,
        %get3A_451 = arith.index_cast %add3A_422 : i32 to index
        %get3A_452 = arith.constant 64 : index
        %get3A_453 = tpu.vector_load %arg11[%get3A_451, %get3A_452] {strides = array<i32>} : memref<128x128xf32, #tpu.memory_space<vmem>>, vector<16xf32>,
        %mul3A_454 = arith.mulf %get3A_453, %broadcast_in_dim3A_418 : vector<16xf32>
        %swap3A_455 = arith.index_cast %add3A_422 : i32 to index
        %swap3A_456 = arith.constant 64 : index
        %swap3A_457 = tpu.vector_load %arg11[%swap3A_455, %swap3A_456] {strides = array<i32>} : memref<128x128xf32, #tpu.memory_space<vmem>>, vector<16xf32>,
        tpu.vector_store %arg11[%swap3A_455, %swap3A_456], %mul3A_454 {strides = array<i32>} : memref<128x128xf32, #tpu.memory_space<vmem>>, vector<16xf32>,
        %get3A_458 = arith.index_cast %add3A_422 : i32 to index
        %get3A_459 = arith.constant 80 : index
        %get3A_460 = tpu.vector_load %arg11[%get3A_458, %get3A_459] {strides = array<i32>} : memref<128x128xf32, #tpu.memory_space<vmem>>, vector<16xf32>,
        %mul3A_461 = arith.mulf %get3A_460, %broadcast_in_dim3A_418 : vector<16xf32>
        %swap3A_462 = arith.index_cast %add3A_422 : i32 to index
        %swap3A_463 = arith.constant 80 : index
        %swap3A_464 = tpu.vector_load %arg11[%swap3A_462, %swap3A_463] {strides = array<i32>} : memref<128x128xf32, #tpu.memory_space<vmem>>, vector<16xf32>,
        tpu.vector_store %arg11[%swap3A_462, %swap3A_463], %mul3A_461 {strides = array<i32>} : memref<128x128xf32, #tpu.memory_space<vmem>>, vector<16xf32>,
        %get3A_465 = arith.index_cast %add3A_422 : i32 to index
        %get3A_466 = arith.constant 96 : index
        %get3A_467 = tpu.vector_load %arg11[%get3A_465, %get3A_466] {strides = array<i32>} : memref<128x128xf32, #tpu.memory_space<vmem>>, vector<16xf32>,
        %mul3A_468 = arith.mulf %get3A_467, %broadcast_in_dim3A_418 : vector<16xf32>
        %swap3A_469 = arith.index_cast %add3A_422 : i32 to index
        %swap3A_470 = arith.constant 96 : index
        %swap3A_471 = tpu.vector_load %arg11[%swap3A_469, %swap3A_470] {strides = array<i32>} : memref<128x128xf32, #tpu.memory_space<vmem>>, vector<16xf32>,
        tpu.vector_store %arg11[%swap3A_469, %swap3A_470], %mul3A_468 {strides = array<i32>} : memref<128x128xf32, #tpu.memory_space<vmem>>, vector<16xf32>,
        %get3A_472 = arith.index_cast %add3A_422 : i32 to index
        %get3A_473 = arith.constant 112 : index
        %get3A_474 = tpu.vector_load %arg11[%get3A_472, %get3A_473] {strides = array<i32>} : memref<128x128xf32, #tpu.memory_space<vmem>>, vector<16xf32>,
        %mul3A_475 = arith.mulf %get3A_474, %broadcast_in_dim3A_418 : vector<16xf32>
        %swap3A_476 = arith.index_cast %add3A_422 : i32 to index
        %swap3A_477 = arith.constant 112 : index
        %swap3A_478 = tpu.vector_load %arg11[%swap3A_476, %swap3A_477] {strides = array<i32>} : memref<128x128xf32, #tpu.memory_space<vmem>>, vector<16xf32>,
        tpu.vector_store %arg11[%swap3A_476, %swap3A_477], %mul3A_475 {strides = array<i32>} : memref<128x128xf32, #tpu.memory_space<vmem>>, vector<16xf32>,
        %slice3A_479 = vector.extract_strided_slice %get3A_41 {offsets = [7], sizes = [1], strides = [1]} : vector<16xf32> to vector<1xf32>
        %squeeze3A_480 = vector.extract %slice3A_479[0] : f32 from vector<1xf32>
        %broadcast_in_dim3A_481 = vector.broadcast %squeeze3A_480 : f32 to vector<16xf32>
        %mul3A_482 = arith.constant 16 : i32
        %mul3A_483 = arith.muli %scan3A_36, %mul3A_482 : i32
        %add3A_484 = arith.constant 7 : i32
        %add3A_485 = arith.addi %mul3A_483, %add3A_484 : i32
        %get3A_486 = arith.index_cast %add3A_485 : i32 to index
        %get3A_487 = arith.constant 0 : index
        %get3A_488 = tpu.vector_load %arg11[%get3A_486, %get3A_487] {strides = array<i32>} : memref<128x128xf32, #tpu.memory_space<vmem>>, vector<16xf32>,
        %mul3A_489 = arith.mulf %get3A_488, %broadcast_in_dim3A_481 : vector<16xf32>
        %swap3A_490 = arith.index_cast %add3A_485 : i32 to index
        %swap3A_491 = arith.constant 0 : index
        %swap3A_492 = tpu.vector_load %arg11[%swap3A_490, %swap3A_491] {strides = array<i32>} : memref<128x128xf32, #tpu.memory_space<vmem>>, vector<16xf32>,
        tpu.vector_store %arg11[%swap3A_490, %swap3A_491], %mul3A_489 {strides = array<i32>} : memref<128x128xf32, #tpu.memory_space<vmem>>, vector<16xf32>,
        %get3A_493 = arith.index_cast %add3A_485 : i32 to index
        %get3A_494 = arith.constant 16 : index
        %get3A_495 = tpu.vector_load %arg11[%get3A_493, %get3A_494] {strides = array<i32>} : memref<128x128xf32, #tpu.memory_space<vmem>>, vector<16xf32>,
        %mul3A_496 = arith.mulf %get3A_495, %broadcast_in_dim3A_481 : vector<16xf32>
        %swap3A_497 = arith.index_cast %add3A_485 : i32 to index
        %swap3A_498 = arith.constant 16 : index
        %swap3A_499 = tpu.vector_load %arg11[%swap3A_497, %swap3A_498] {strides = array<i32>} : memref<128x128xf32, #tpu.memory_space<vmem>>, vector<16xf32>,
        tpu.vector_store %arg11[%swap3A_497, %swap3A_498], %mul3A_496 {strides = array<i32>} : memref<128x128xf32, #tpu.memory_space<vmem>>, vector<16xf32>,
        %get3A_500 = arith.index_cast %add3A_485 : i32 to index
        %get3A_501 = arith.constant 32 : index
        %get3A_502 = tpu.vector_load %arg11[%get3A_500, %get3A_501] {strides = array<i32>} : memref<128x128xf32, #tpu.memory_space<vmem>>, vector<16xf32>,
        %mul3A_503 = arith.mulf %get3A_502, %broadcast_in_dim3A_481 : vector<16xf32>
        %swap3A_504 = arith.index_cast %add3A_485 : i32 to index
        %swap3A_505 = arith.constant 32 : index
        %swap3A_506 = tpu.vector_load %arg11[%swap3A_504, %swap3A_505] {strides = array<i32>} : memref<128x128xf32, #tpu.memory_space<vmem>>, vector<16xf32>,
        tpu.vector_store %arg11[%swap3A_504, %swap3A_505], %mul3A_503 {strides = array<i32>} : memref<128x128xf32, #tpu.memory_space<vmem>>, vector<16xf32>,
        %get3A_507 = arith.index_cast %add3A_485 : i32 to index
        %get3A_508 = arith.constant 48 : index
        %get3A_509 = tpu.vector_load %arg11[%get3A_507, %get3A_508] {strides = array<i32>} : memref<128x128xf32, #tpu.memory_space<vmem>>, vector<16xf32>,
        %mul3A_510 = arith.mulf %get3A_509, %broadcast_in_dim3A_481 : vector<16xf32>
        %swap3A_511 = arith.index_cast %add3A_485 : i32 to index
        %swap3A_512 = arith.constant 48 : index
        %swap3A_513 = tpu.vector_load %arg11[%swap3A_511, %swap3A_512] {strides = array<i32>} : memref<128x128xf32, #tpu.memory_space<vmem>>, vector<16xf32>,
        tpu.vector_store %arg11[%swap3A_511, %swap3A_512], %mul3A_510 {strides = array<i32>} : memref<128x128xf32, #tpu.memory_space<vmem>>, vector<16xf32>,
        %get3A_514 = arith.index_cast %add3A_485 : i32 to index
        %get3A_515 = arith.constant 64 : index
        %get3A_516 = tpu.vector_load %arg11[%get3A_514, %get3A_515] {strides = array<i32>} : memref<128x128xf32, #tpu.memory_space<vmem>>, vector<16xf32>,
        %mul3A_517 = arith.mulf %get3A_516, %broadcast_in_dim3A_481 : vector<16xf32>
        %swap3A_518 = arith.index_cast %add3A_485 : i32 to index
        %swap3A_519 = arith.constant 64 : index
        %swap3A_520 = tpu.vector_load %arg11[%swap3A_518, %swap3A_519] {strides = array<i32>} : memref<128x128xf32, #tpu.memory_space<vmem>>, vector<16xf32>,
        tpu.vector_store %arg11[%swap3A_518, %swap3A_519], %mul3A_517 {strides = array<i32>} : memref<128x128xf32, #tpu.memory_space<vmem>>, vector<16xf32>,
        %get3A_521 = arith.index_cast %add3A_485 : i32 to index
        %get3A_522 = arith.constant 80 : index
        %get3A_523 = tpu.vector_load %arg11[%get3A_521, %get3A_522] {strides = array<i32>} : memref<128x128xf32, #tpu.memory_space<vmem>>, vector<16xf32>,
        %mul3A_524 = arith.mulf %get3A_523, %broadcast_in_dim3A_481 : vector<16xf32>
        %swap3A_525 = arith.index_cast %add3A_485 : i32 to index
        %swap3A_526 = arith.constant 80 : index
        %swap3A_527 = tpu.vector_load %arg11[%swap3A_525, %swap3A_526] {strides = array<i32>} : memref<128x128xf32, #tpu.memory_space<vmem>>, vector<16xf32>,
        tpu.vector_store %arg11[%swap3A_525, %swap3A_526], %mul3A_524 {strides = array<i32>} : memref<128x128xf32, #tpu.memory_space<vmem>>, vector<16xf32>,
        %get3A_528 = arith.index_cast %add3A_485 : i32 to index
        %get3A_529 = arith.constant 96 : index
        %get3A_530 = tpu.vector_load %arg11[%get3A_528, %get3A_529] {strides = array<i32>} : memref<128x128xf32, #tpu.memory_space<vmem>>, vector<16xf32>,
        %mul3A_531 = arith.mulf %get3A_530, %broadcast_in_dim3A_481 : vector<16xf32>
        %swap3A_532 = arith.index_cast %add3A_485 : i32 to index
        %swap3A_533 = arith.constant 96 : index
        %swap3A_534 = tpu.vector_load %arg11[%swap3A_532, %swap3A_533] {strides = array<i32>} : memref<128x128xf32, #tpu.memory_space<vmem>>, vector<16xf32>,
        tpu.vector_store %arg11[%swap3A_532, %swap3A_533], %mul3A_531 {strides = array<i32>} : memref<128x128xf32, #tpu.memory_space<vmem>>, vector<16xf32>,
        %get3A_535 = arith.index_cast %add3A_485 : i32 to index
        %get3A_536 = arith.constant 112 : index
        %get3A_537 = tpu.vector_load %arg11[%get3A_535, %get3A_536] {strides = array<i32>} : memref<128x128xf32, #tpu.memory_space<vmem>>, vector<16xf32>,
        %mul3A_538 = arith.mulf %get3A_537, %broadcast_in_dim3A_481 : vector<16xf32>
        %swap3A_539 = arith.index_cast %add3A_485 : i32 to index
        %swap3A_540 = arith.constant 112 : index
        %swap3A_541 = tpu.vector_load %arg11[%swap3A_539, %swap3A_540] {strides = array<i32>} : memref<128x128xf32, #tpu.memory_space<vmem>>, vector<16xf32>,
        tpu.vector_store %arg11[%swap3A_539, %swap3A_540], %mul3A_538 {strides = array<i32>} : memref<128x128xf32, #tpu.memory_space<vmem>>, vector<16xf32>,
        %slice3A_542 = vector.extract_strided_slice %get3A_41 {offsets = [8], sizes = [1], strides = [1]} : vector<16xf32> to vector<1xf32>
        %squeeze3A_543 = vector.extract %slice3A_542[0] : f32 from vector<1xf32>
        %broadcast_in_dim3A_544 = vector.broadcast %squeeze3A_543 : f32 to vector<16xf32>
        %mul3A_545 = arith.constant 16 : i32
        %mul3A_546 = arith.muli %scan3A_36, %mul3A_545 : i32
        %add3A_547 = arith.constant 8 : i32
        %add3A_548 = arith.addi %mul3A_546, %add3A_547 : i32
        %get3A_549 = arith.index_cast %add3A_548 : i32 to index
        %get3A_550 = arith.constant 0 : index
        %get3A_551 = tpu.vector_load %arg11[%get3A_549, %get3A_550] {strides = array<i32>} : memref<128x128xf32, #tpu.memory_space<vmem>>, vector<16xf32>,
        %mul3A_552 = arith.mulf %get3A_551, %broadcast_in_dim3A_544 : vector<16xf32>
        %swap3A_553 = arith.index_cast %add3A_548 : i32 to index
        %swap3A_554 = arith.constant 0 : index
        %swap3A_555 = tpu.vector_load %arg11[%swap3A_553, %swap3A_554] {strides = array<i32>} : memref<128x128xf32, #tpu.memory_space<vmem>>, vector<16xf32>,
        tpu.vector_store %arg11[%swap3A_553, %swap3A_554], %mul3A_552 {strides = array<i32>} : memref<128x128xf32, #tpu.memory_space<vmem>>, vector<16xf32>,
        %get3A_556 = arith.index_cast %add3A_548 : i32 to index
        %get3A_557 = arith.constant 16 : index
        %get3A_558 = tpu.vector_load %arg11[%get3A_556, %get3A_557] {strides = array<i32>} : memref<128x128xf32, #tpu.memory_space<vmem>>, vector<16xf32>,
        %mul3A_559 = arith.mulf %get3A_558, %broadcast_in_dim3A_544 : vector<16xf32>
        %swap3A_560 = arith.index_cast %add3A_548 : i32 to index
        %swap3A_561 = arith.constant 16 : index
        %swap3A_562 = tpu.vector_load %arg11[%swap3A_560, %swap3A_561] {strides = array<i32>} : memref<128x128xf32, #tpu.memory_space<vmem>>, vector<16xf32>,
        tpu.vector_store %arg11[%swap3A_560, %swap3A_561], %mul3A_559 {strides = array<i32>} : memref<128x128xf32, #tpu.memory_space<vmem>>, vector<16xf32>,
        %get3A_563 = arith.index_cast %add3A_548 : i32 to index
        %get3A_564 = arith.constant 32 : index
        %get3A_565 = tpu.vector_load %arg11[%get3A_563, %get3A_564] {strides = array<i32>} : memref<128x128xf32, #tpu.memory_space<vmem>>, vector<16xf32>,
        %mul3A_566 = arith.mulf %get3A_565, %broadcast_in_dim3A_544 : vector<16xf32>
        %swap3A_567 = arith.index_cast %add3A_548 : i32 to index
        %swap3A_568 = arith.constant 32 : index
        %swap3A_569 = tpu.vector_load %arg11[%swap3A_567, %swap3A_568] {strides = array<i32>} : memref<128x128xf32, #tpu.memory_space<vmem>>, vector<16xf32>,
        tpu.vector_store %arg11[%swap3A_567, %swap3A_568], %mul3A_566 {strides = array<i32>} : memref<128x128xf32, #tpu.memory_space<vmem>>, vector<16xf32>,
        %get3A_570 = arith.index_cast %add3A_548 : i32 to index
        %get3A_571 = arith.constant 48 : index
        %get3A_572 = tpu.vector_load %arg11[%get3A_570, %get3A_571] {strides = array<i32>} : memref<128x128xf32, #tpu.memory_space<vmem>>, vector<16xf32>,
        %mul3A_573 = arith.mulf %get3A_572, %broadcast_in_dim3A_544 : vector<16xf32>
        %swap3A_574 = arith.index_cast %add3A_548 : i32 to index
        %swap3A_575 = arith.constant 48 : index
        %swap3A_576 = tpu.vector_load %arg11[%swap3A_574, %swap3A_575] {strides = array<i32>} : memref<128x128xf32, #tpu.memory_space<vmem>>, vector<16xf32>,
        tpu.vector_store %arg11[%swap3A_574, %swap3A_575], %mul3A_573 {strides = array<i32>} : memref<128x128xf32, #tpu.memory_space<vmem>>, vector<16xf32>,
        %get3A_577 = arith.index_cast %add3A_548 : i32 to index
        %get3A_578 = arith.constant 64 : index
        %get3A_579 = tpu.vector_load %arg11[%get3A_577, %get3A_578] {strides = array<i32>} : memref<128x128xf32, #tpu.memory_space<vmem>>, vector<16xf32>,
        %mul3A_580 = arith.mulf %get3A_579, %broadcast_in_dim3A_544 : vector<16xf32>
        %swap3A_581 = arith.index_cast %add3A_548 : i32 to index
        %swap3A_582 = arith.constant 64 : index
        %swap3A_583 = tpu.vector_load %arg11[%swap3A_581, %swap3A_582] {strides = array<i32>} : memref<128x128xf32, #tpu.memory_space<vmem>>, vector<16xf32>,
        tpu.vector_store %arg11[%swap3A_581, %swap3A_582], %mul3A_580 {strides = array<i32>} : memref<128x128xf32, #tpu.memory_space<vmem>>, vector<16xf32>,
        %get3A_584 = arith.index_cast %add3A_548 : i32 to index
        %get3A_585 = arith.constant 80 : index
        %get3A_586 = tpu.vector_load %arg11[%get3A_584, %get3A_585] {strides = array<i32>} : memref<128x128xf32, #tpu.memory_space<vmem>>, vector<16xf32>,
        %mul3A_587 = arith.mulf %get3A_586, %broadcast_in_dim3A_544 : vector<16xf32>
        %swap3A_588 = arith.index_cast %add3A_548 : i32 to index
        %swap3A_589 = arith.constant 80 : index
        %swap3A_590 = tpu.vector_load %arg11[%swap3A_588, %swap3A_589] {strides = array<i32>} : memref<128x128xf32, #tpu.memory_space<vmem>>, vector<16xf32>,
        tpu.vector_store %arg11[%swap3A_588, %swap3A_589], %mul3A_587 {strides = array<i32>} : memref<128x128xf32, #tpu.memory_space<vmem>>, vector<16xf32>,
        %get3A_591 = arith.index_cast %add3A_548 : i32 to index
        %get3A_592 = arith.constant 96 : index
        %get3A_593 = tpu.vector_load %arg11[%get3A_591, %get3A_592] {strides = array<i32>} : memref<128x128xf32, #tpu.memory_space<vmem>>, vector<16xf32>,
        %mul3A_594 = arith.mulf %get3A_593, %broadcast_in_dim3A_544 : vector<16xf32>
        %swap3A_595 = arith.index_cast %add3A_548 : i32 to index
        %swap3A_596 = arith.constant 96 : index
        %swap3A_597 = tpu.vector_load %arg11[%swap3A_595, %swap3A_596] {strides = array<i32>} : memref<128x128xf32, #tpu.memory_space<vmem>>, vector<16xf32>,
        tpu.vector_store %arg11[%swap3A_595, %swap3A_596], %mul3A_594 {strides = array<i32>} : memref<128x128xf32, #tpu.memory_space<vmem>>, vector<16xf32>,
        %get3A_598 = arith.index_cast %add3A_548 : i32 to index
        %get3A_599 = arith.constant 112 : index
        %get3A_600 = tpu.vector_load %arg11[%get3A_598, %get3A_599] {strides = array<i32>} : memref<128x128xf32, #tpu.memory_space<vmem>>, vector<16xf32>,
        %mul3A_601 = arith.mulf %get3A_600, %broadcast_in_dim3A_544 : vector<16xf32>
        %swap3A_602 = arith.index_cast %add3A_548 : i32 to index
        %swap3A_603 = arith.constant 112 : index
        %swap3A_604 = tpu.vector_load %arg11[%swap3A_602, %swap3A_603] {strides = array<i32>} : memref<128x128xf32, #tpu.memory_space<vmem>>, vector<16xf32>,
        tpu.vector_store %arg11[%swap3A_602, %swap3A_603], %mul3A_601 {strides = array<i32>} : memref<128x128xf32, #tpu.memory_space<vmem>>, vector<16xf32>,
        %slice3A_605 = vector.extract_strided_slice %get3A_41 {offsets = [9], sizes = [1], strides = [1]} : vector<16xf32> to vector<1xf32>
        %squeeze3A_606 = vector.extract %slice3A_605[0] : f32 from vector<1xf32>
        %broadcast_in_dim3A_607 = vector.broadcast %squeeze3A_606 : f32 to vector<16xf32>
        %mul3A_608 = arith.constant 16 : i32
        %mul3A_609 = arith.muli %scan3A_36, %mul3A_608 : i32
        %add3A_610 = arith.constant 9 : i32
        %add3A_611 = arith.addi %mul3A_609, %add3A_610 : i32
        %get3A_612 = arith.index_cast %add3A_611 : i32 to index
        %get3A_613 = arith.constant 0 : index
        %get3A_614 = tpu.vector_load %arg11[%get3A_612, %get3A_613] {strides = array<i32>} : memref<128x128xf32, #tpu.memory_space<vmem>>, vector<16xf32>,
        %mul3A_615 = arith.mulf %get3A_614, %broadcast_in_dim3A_607 : vector<16xf32>
        %swap3A_616 = arith.index_cast %add3A_611 : i32 to index
        %swap3A_617 = arith.constant 0 : index
        %swap3A_618 = tpu.vector_load %arg11[%swap3A_616, %swap3A_617] {strides = array<i32>} : memref<128x128xf32, #tpu.memory_space<vmem>>, vector<16xf32>,
        tpu.vector_store %arg11[%swap3A_616, %swap3A_617], %mul3A_615 {strides = array<i32>} : memref<128x128xf32, #tpu.memory_space<vmem>>, vector<16xf32>,
        %get3A_619 = arith.index_cast %add3A_611 : i32 to index
        %get3A_620 = arith.constant 16 : index
        %get3A_621 = tpu.vector_load %arg11[%get3A_619, %get3A_620] {strides = array<i32>} : memref<128x128xf32, #tpu.memory_space<vmem>>, vector<16xf32>,
        %mul3A_622 = arith.mulf %get3A_621, %broadcast_in_dim3A_607 : vector<16xf32>
        %swap3A_623 = arith.index_cast %add3A_611 : i32 to index
        %swap3A_624 = arith.constant 16 : index
        %swap3A_625 = tpu.vector_load %arg11[%swap3A_623, %swap3A_624] {strides = array<i32>} : memref<128x128xf32, #tpu.memory_space<vmem>>, vector<16xf32>,
        tpu.vector_store %arg11[%swap3A_623, %swap3A_624], %mul3A_622 {strides = array<i32>} : memref<128x128xf32, #tpu.memory_space<vmem>>, vector<16xf32>,
        %get3A_626 = arith.index_cast %add3A_611 : i32 to index
        %get3A_627 = arith.constant 32 : index
        %get3A_628 = tpu.vector_load %arg11[%get3A_626, %get3A_627] {strides = array<i32>} : memref<128x128xf32, #tpu.memory_space<vmem>>, vector<16xf32>,
        %mul3A_629 = arith.mulf %get3A_628, %broadcast_in_dim3A_607 : vector<16xf32>
        %swap3A_630 = arith.index_cast %add3A_611 : i32 to index
        %swap3A_631 = arith.constant 32 : index
        %swap3A_632 = tpu.vector_load %arg11[%swap3A_630, %swap3A_631] {strides = array<i32>} : memref<128x128xf32, #tpu.memory_space<vmem>>, vector<16xf32>,
        tpu.vector_store %arg11[%swap3A_630, %swap3A_631], %mul3A_629 {strides = array<i32>} : memref<128x128xf32, #tpu.memory_space<vmem>>, vector<16xf32>,
        %get3A_633 = arith.index_cast %add3A_611 : i32 to index
        %get3A_634 = arith.constant 48 : index
        %get3A_635 = tpu.vector_load %arg11[%get3A_633, %get3A_634] {strides = array<i32>} : memref<128x128xf32, #tpu.memory_space<vmem>>, vector<16xf32>,
        %mul3A_636 = arith.mulf %get3A_635, %broadcast_in_dim3A_607 : vector<16xf32>
        %swap3A_637 = arith.index_cast %add3A_611 : i32 to index
        %swap3A_638 = arith.constant 48 : index
        %swap3A_639 = tpu.vector_load %arg11[%swap3A_637, %swap3A_638] {strides = array<i32>} : memref<128x128xf32, #tpu.memory_space<vmem>>, vector<16xf32>,
        tpu.vector_store %arg11[%swap3A_637, %swap3A_638], %mul3A_636 {strides = array<i32>} : memref<128x128xf32, #tpu.memory_space<vmem>>, vector<16xf32>,
        %get3A_640 = arith.index_cast %add3A_611 : i32 to index
        %get3A_641 = arith.constant 64 : index
        %get3A_642 = tpu.vector_load %arg11[%get3A_640, %get3A_641] {strides = array<i32>} : memref<128x128xf32, #tpu.memory_space<vmem>>, vector<16xf32>,
        %mul3A_643 = arith.mulf %get3A_642, %broadcast_in_dim3A_607 : vector<16xf32>
        %swap3A_644 = arith.index_cast %add3A_611 : i32 to index
        %swap3A_645 = arith.constant 64 : index
        %swap3A_646 = tpu.vector_load %arg11[%swap3A_644, %swap3A_645] {strides = array<i32>} : memref<128x128xf32, #tpu.memory_space<vmem>>, vector<16xf32>,
        tpu.vector_store %arg11[%swap3A_644, %swap3A_645], %mul3A_643 {strides = array<i32>} : memref<128x128xf32, #tpu.memory_space<vmem>>, vector<16xf32>,
        %get3A_647 = arith.index_cast %add3A_611 : i32 to index
        %get3A_648 = arith.constant 80 : index
        %get3A_649 = tpu.vector_load %arg11[%get3A_647, %get3A_648] {strides = array<i32>} : memref<128x128xf32, #tpu.memory_space<vmem>>, vector<16xf32>,
        %mul3A_650 = arith.mulf %get3A_649, %broadcast_in_dim3A_607 : vector<16xf32>
        %swap3A_651 = arith.index_cast %add3A_611 : i32 to index
        %swap3A_652 = arith.constant 80 : index
        %swap3A_653 = tpu.vector_load %arg11[%swap3A_651, %swap3A_652] {strides = array<i32>} : memref<128x128xf32, #tpu.memory_space<vmem>>, vector<16xf32>,
        tpu.vector_store %arg11[%swap3A_651, %swap3A_652], %mul3A_650 {strides = array<i32>} : memref<128x128xf32, #tpu.memory_space<vmem>>, vector<16xf32>,
        %get3A_654 = arith.index_cast %add3A_611 : i32 to index
        %get3A_655 = arith.constant 96 : index
        %get3A_656 = tpu.vector_load %arg11[%get3A_654, %get3A_655] {strides = array<i32>} : memref<128x128xf32, #tpu.memory_space<vmem>>, vector<16xf32>,
        %mul3A_657 = arith.mulf %get3A_656, %broadcast_in_dim3A_607 : vector<16xf32>
        %swap3A_658 = arith.index_cast %add3A_611 : i32 to index
        %swap3A_659 = arith.constant 96 : index
        %swap3A_660 = tpu.vector_load %arg11[%swap3A_658, %swap3A_659] {strides = array<i32>} : memref<128x128xf32, #tpu.memory_space<vmem>>, vector<16xf32>,
        tpu.vector_store %arg11[%swap3A_658, %swap3A_659], %mul3A_657 {strides = array<i32>} : memref<128x128xf32, #tpu.memory_space<vmem>>, vector<16xf32>,
        %get3A_661 = arith.index_cast %add3A_611 : i32 to index
        %get3A_662 = arith.constant 112 : index
        %get3A_663 = tpu.vector_load %arg11[%get3A_661, %get3A_662] {strides = array<i32>} : memref<128x128xf32, #tpu.memory_space<vmem>>, vector<16xf32>,
        %mul3A_664 = arith.mulf %get3A_663, %broadcast_in_dim3A_607 : vector<16xf32>
        %swap3A_665 = arith.index_cast %add3A_611 : i32 to index
        %swap3A_666 = arith.constant 112 : index
        %swap3A_667 = tpu.vector_load %arg11[%swap3A_665, %swap3A_666] {strides = array<i32>} : memref<128x128xf32, #tpu.memory_space<vmem>>, vector<16xf32>,
        tpu.vector_store %arg11[%swap3A_665, %swap3A_666], %mul3A_664 {strides = array<i32>} : memref<128x128xf32, #tpu.memory_space<vmem>>, vector<16xf32>,
        %slice3A_668 = vector.extract_strided_slice %get3A_41 {offsets = [10], sizes = [1], strides = [1]} : vector<16xf32> to vector<1xf32>
        %squeeze3A_669 = vector.extract %slice3A_668[0] : f32 from vector<1xf32>
        %broadcast_in_dim3A_670 = vector.broadcast %squeeze3A_669 : f32 to vector<16xf32>
        %mul3A_671 = arith.constant 16 : i32
        %mul3A_672 = arith.muli %scan3A_36, %mul3A_671 : i32
        %add3A_673 = arith.constant 10 : i32
        %add3A_674 = arith.addi %mul3A_672, %add3A_673 : i32
        %get3A_675 = arith.index_cast %add3A_674 : i32 to index
        %get3A_676 = arith.constant 0 : index
        %get3A_677 = tpu.vector_load %arg11[%get3A_675, %get3A_676] {strides = array<i32>} : memref<128x128xf32, #tpu.memory_space<vmem>>, vector<16xf32>,
        %mul3A_678 = arith.mulf %get3A_677, %broadcast_in_dim3A_670 : vector<16xf32>
        %swap3A_679 = arith.index_cast %add3A_674 : i32 to index
        %swap3A_680 = arith.constant 0 : index
        %swap3A_681 = tpu.vector_load %arg11[%swap3A_679, %swap3A_680] {strides = array<i32>} : memref<128x128xf32, #tpu.memory_space<vmem>>, vector<16xf32>,
        tpu.vector_store %arg11[%swap3A_679, %swap3A_680], %mul3A_678 {strides = array<i32>} : memref<128x128xf32, #tpu.memory_space<vmem>>, vector<16xf32>,
        %get3A_682 = arith.index_cast %add3A_674 : i32 to index
        %get3A_683 = arith.constant 16 : index
        %get3A_684 = tpu.vector_load %arg11[%get3A_682, %get3A_683] {strides = array<i32>} : memref<128x128xf32, #tpu.memory_space<vmem>>, vector<16xf32>,
        %mul3A_685 = arith.mulf %get3A_684, %broadcast_in_dim3A_670 : vector<16xf32>
        %swap3A_686 = arith.index_cast %add3A_674 : i32 to index
        %swap3A_687 = arith.constant 16 : index
        %swap3A_688 = tpu.vector_load %arg11[%swap3A_686, %swap3A_687] {strides = array<i32>} : memref<128x128xf32, #tpu.memory_space<vmem>>, vector<16xf32>,
        tpu.vector_store %arg11[%swap3A_686, %swap3A_687], %mul3A_685 {strides = array<i32>} : memref<128x128xf32, #tpu.memory_space<vmem>>, vector<16xf32>,
        %get3A_689 = arith.index_cast %add3A_674 : i32 to index
        %get3A_690 = arith.constant 32 : index
        %get3A_691 = tpu.vector_load %arg11[%get3A_689, %get3A_690] {strides = array<i32>} : memref<128x128xf32, #tpu.memory_space<vmem>>, vector<16xf32>,
        %mul3A_692 = arith.mulf %get3A_691, %broadcast_in_dim3A_670 : vector<16xf32>
        %swap3A_693 = arith.index_cast %add3A_674 : i32 to index
        %swap3A_694 = arith.constant 32 : index
        %swap3A_695 = tpu.vector_load %arg11[%swap3A_693, %swap3A_694] {strides = array<i32>} : memref<128x128xf32, #tpu.memory_space<vmem>>, vector<16xf32>,
        tpu.vector_store %arg11[%swap3A_693, %swap3A_694], %mul3A_692 {strides = array<i32>} : memref<128x128xf32, #tpu.memory_space<vmem>>, vector<16xf32>,
        %get3A_696 = arith.index_cast %add3A_674 : i32 to index
        %get3A_697 = arith.constant 48 : index
        %get3A_698 = tpu.vector_load %arg11[%get3A_696, %get3A_697] {strides = array<i32>} : memref<128x128xf32, #tpu.memory_space<vmem>>, vector<16xf32>,
        %mul3A_699 = arith.mulf %get3A_698, %broadcast_in_dim3A_670 : vector<16xf32>
        %swap3A_700 = arith.index_cast %add3A_674 : i32 to index
        %swap3A_701 = arith.constant 48 : index
        %swap3A_702 = tpu.vector_load %arg11[%swap3A_700, %swap3A_701] {strides = array<i32>} : memref<128x128xf32, #tpu.memory_space<vmem>>, vector<16xf32>,
        tpu.vector_store %arg11[%swap3A_700, %swap3A_701], %mul3A_699 {strides = array<i32>} : memref<128x128xf32, #tpu.memory_space<vmem>>, vector<16xf32>,
        %get3A_703 = arith.index_cast %add3A_674 : i32 to index
        %get3A_704 = arith.constant 64 : index
        %get3A_705 = tpu.vector_load %arg11[%get3A_703, %get3A_704] {strides = array<i32>} : memref<128x128xf32, #tpu.memory_space<vmem>>, vector<16xf32>,
        %mul3A_706 = arith.mulf %get3A_705, %broadcast_in_dim3A_670 : vector<16xf32>
        %swap3A_707 = arith.index_cast %add3A_674 : i32 to index
        %swap3A_708 = arith.constant 64 : index
        %swap3A_709 = tpu.vector_load %arg11[%swap3A_707, %swap3A_708] {strides = array<i32>} : memref<128x128xf32, #tpu.memory_space<vmem>>, vector<16xf32>,
        tpu.vector_store %arg11[%swap3A_707, %swap3A_708], %mul3A_706 {strides = array<i32>} : memref<128x128xf32, #tpu.memory_space<vmem>>, vector<16xf32>,
        %get3A_710 = arith.index_cast %add3A_674 : i32 to index
        %get3A_711 = arith.constant 80 : index
        %get3A_712 = tpu.vector_load %arg11[%get3A_710, %get3A_711] {strides = array<i32>} : memref<128x128xf32, #tpu.memory_space<vmem>>, vector<16xf32>,
        %mul3A_713 = arith.mulf %get3A_712, %broadcast_in_dim3A_670 : vector<16xf32>
        %swap3A_714 = arith.index_cast %add3A_674 : i32 to index
        %swap3A_715 = arith.constant 80 : index
        %swap3A_716 = tpu.vector_load %arg11[%swap3A_714, %swap3A_715] {strides = array<i32>} : memref<128x128xf32, #tpu.memory_space<vmem>>, vector<16xf32>,
        tpu.vector_store %arg11[%swap3A_714, %swap3A_715], %mul3A_713 {strides = array<i32>} : memref<128x128xf32, #tpu.memory_space<vmem>>, vector<16xf32>,
        %get3A_717 = arith.index_cast %add3A_674 : i32 to index
        %get3A_718 = arith.constant 96 : index
        %get3A_719 = tpu.vector_load %arg11[%get3A_717, %get3A_718] {strides = array<i32>} : memref<128x128xf32, #tpu.memory_space<vmem>>, vector<16xf32>,
        %mul3A_720 = arith.mulf %get3A_719, %broadcast_in_dim3A_670 : vector<16xf32>
        %swap3A_721 = arith.index_cast %add3A_674 : i32 to index
        %swap3A_722 = arith.constant 96 : index
        %swap3A_723 = tpu.vector_load %arg11[%swap3A_721, %swap3A_722] {strides = array<i32>} : memref<128x128xf32, #tpu.memory_space<vmem>>, vector<16xf32>,
        tpu.vector_store %arg11[%swap3A_721, %swap3A_722], %mul3A_720 {strides = array<i32>} : memref<128x128xf32, #tpu.memory_space<vmem>>, vector<16xf32>,
        %get3A_724 = arith.index_cast %add3A_674 : i32 to index
        %get3A_725 = arith.constant 112 : index
        %get3A_726 = tpu.vector_load %arg11[%get3A_724, %get3A_725] {strides = array<i32>} : memref<128x128xf32, #tpu.memory_space<vmem>>, vector<16xf32>,
        %mul3A_727 = arith.mulf %get3A_726, %broadcast_in_dim3A_670 : vector<16xf32>
        %swap3A_728 = arith.index_cast %add3A_674 : i32 to index
        %swap3A_729 = arith.constant 112 : index
        %swap3A_730 = tpu.vector_load %arg11[%swap3A_728, %swap3A_729] {strides = array<i32>} : memref<128x128xf32, #tpu.memory_space<vmem>>, vector<16xf32>,
        tpu.vector_store %arg11[%swap3A_728, %swap3A_729], %mul3A_727 {strides = array<i32>} : memref<128x128xf32, #tpu.memory_space<vmem>>, vector<16xf32>,
        %slice3A_731 = vector.extract_strided_slice %get3A_41 {offsets = [11], sizes = [1], strides = [1]} : vector<16xf32> to vector<1xf32>
        %squeeze3A_732 = vector.extract %slice3A_731[0] : f32 from vector<1xf32>
        %broadcast_in_dim3A_733 = vector.broadcast %squeeze3A_732 : f32 to vector<16xf32>
        %mul3A_734 = arith.constant 16 : i32
        %mul3A_735 = arith.muli %scan3A_36, %mul3A_734 : i32
        %add3A_736 = arith.constant 11 : i32
        %add3A_737 = arith.addi %mul3A_735, %add3A_736 : i32
        %get3A_738 = arith.index_cast %add3A_737 : i32 to index
        %get3A_739 = arith.constant 0 : index
        %get3A_740 = tpu.vector_load %arg11[%get3A_738, %get3A_739] {strides = array<i32>} : memref<128x128xf32, #tpu.memory_space<vmem>>, vector<16xf32>,
        %mul3A_741 = arith.mulf %get3A_740, %broadcast_in_dim3A_733 : vector<16xf32>
        %swap3A_742 = arith.index_cast %add3A_737 : i32 to index
        %swap3A_743 = arith.constant 0 : index
        %swap3A_744 = tpu.vector_load %arg11[%swap3A_742, %swap3A_743] {strides = array<i32>} : memref<128x128xf32, #tpu.memory_space<vmem>>, vector<16xf32>,
        tpu.vector_store %arg11[%swap3A_742, %swap3A_743], %mul3A_741 {strides = array<i32>} : memref<128x128xf32, #tpu.memory_space<vmem>>, vector<16xf32>,
        %get3A_745 = arith.index_cast %add3A_737 : i32 to index
        %get3A_746 = arith.constant 16 : index
        %get3A_747 = tpu.vector_load %arg11[%get3A_745, %get3A_746] {strides = array<i32>} : memref<128x128xf32, #tpu.memory_space<vmem>>, vector<16xf32>,
        %mul3A_748 = arith.mulf %get3A_747, %broadcast_in_dim3A_733 : vector<16xf32>
        %swap3A_749 = arith.index_cast %add3A_737 : i32 to index
        %swap3A_750 = arith.constant 16 : index
        %swap3A_751 = tpu.vector_load %arg11[%swap3A_749, %swap3A_750] {strides = array<i32>} : memref<128x128xf32, #tpu.memory_space<vmem>>, vector<16xf32>,
        tpu.vector_store %arg11[%swap3A_749, %swap3A_750], %mul3A_748 {strides = array<i32>} : memref<128x128xf32, #tpu.memory_space<vmem>>, vector<16xf32>,
        %get3A_752 = arith.index_cast %add3A_737 : i32 to index
        %get3A_753 = arith.constant 32 : index
        %get3A_754 = tpu.vector_load %arg11[%get3A_752, %get3A_753] {strides = array<i32>} : memref<128x128xf32, #tpu.memory_space<vmem>>, vector<16xf32>,
        %mul3A_755 = arith.mulf %get3A_754, %broadcast_in_dim3A_733 : vector<16xf32>
        %swap3A_756 = arith.index_cast %add3A_737 : i32 to index
        %swap3A_757 = arith.constant 32 : index
        %swap3A_758 = tpu.vector_load %arg11[%swap3A_756, %swap3A_757] {strides = array<i32>} : memref<128x128xf32, #tpu.memory_space<vmem>>, vector<16xf32>,
        tpu.vector_store %arg11[%swap3A_756, %swap3A_757], %mul3A_755 {strides = array<i32>} : memref<128x128xf32, #tpu.memory_space<vmem>>, vector<16xf32>,
        %get3A_759 = arith.index_cast %add3A_737 : i32 to index
        %get3A_760 = arith.constant 48 : index
        %get3A_761 = tpu.vector_load %arg11[%get3A_759, %get3A_760] {strides = array<i32>} : memref<128x128xf32, #tpu.memory_space<vmem>>, vector<16xf32>,
        %mul3A_762 = arith.mulf %get3A_761, %broadcast_in_dim3A_733 : vector<16xf32>
        %swap3A_763 = arith.index_cast %add3A_737 : i32 to index
        %swap3A_764 = arith.constant 48 : index
        %swap3A_765 = tpu.vector_load %arg11[%swap3A_763, %swap3A_764] {strides = array<i32>} : memref<128x128xf32, #tpu.memory_space<vmem>>, vector<16xf32>,
        tpu.vector_store %arg11[%swap3A_763, %swap3A_764], %mul3A_762 {strides = array<i32>} : memref<128x128xf32, #tpu.memory_space<vmem>>, vector<16xf32>,
        %get3A_766 = arith.index_cast %add3A_737 : i32 to index
        %get3A_767 = arith.constant 64 : index
        %get3A_768 = tpu.vector_load %arg11[%get3A_766, %get3A_767] {strides = array<i32>} : memref<128x128xf32, #tpu.memory_space<vmem>>, vector<16xf32>,
        %mul3A_769 = arith.mulf %get3A_768, %broadcast_in_dim3A_733 : vector<16xf32>
        %swap3A_770 = arith.index_cast %add3A_737 : i32 to index
        %swap3A_771 = arith.constant 64 : index
        %swap3A_772 = tpu.vector_load %arg11[%swap3A_770, %swap3A_771] {strides = array<i32>} : memref<128x128xf32, #tpu.memory_space<vmem>>, vector<16xf32>,
        tpu.vector_store %arg11[%swap3A_770, %swap3A_771], %mul3A_769 {strides = array<i32>} : memref<128x128xf32, #tpu.memory_space<vmem>>, vector<16xf32>,
        %get3A_773 = arith.index_cast %add3A_737 : i32 to index
        %get3A_774 = arith.constant 80 : index
        %get3A_775 = tpu.vector_load %arg11[%get3A_773, %get3A_774] {strides = array<i32>} : memref<128x128xf32, #tpu.memory_space<vmem>>, vector<16xf32>,
        %mul3A_776 = arith.mulf %get3A_775, %broadcast_in_dim3A_733 : vector<16xf32>
        %swap3A_777 = arith.index_cast %add3A_737 : i32 to index
        %swap3A_778 = arith.constant 80 : index
        %swap3A_779 = tpu.vector_load %arg11[%swap3A_777, %swap3A_778] {strides = array<i32>} : memref<128x128xf32, #tpu.memory_space<vmem>>, vector<16xf32>,
        tpu.vector_store %arg11[%swap3A_777, %swap3A_778], %mul3A_776 {strides = array<i32>} : memref<128x128xf32, #tpu.memory_space<vmem>>, vector<16xf32>,
        %get3A_780 = arith.index_cast %add3A_737 : i32 to index
        %get3A_781 = arith.constant 96 : index
        %get3A_782 = tpu.vector_load %arg11[%get3A_780, %get3A_781] {strides = array<i32>} : memref<128x128xf32, #tpu.memory_space<vmem>>, vector<16xf32>,
        %mul3A_783 = arith.mulf %get3A_782, %broadcast_in_dim3A_733 : vector<16xf32>
        %swap3A_784 = arith.index_cast %add3A_737 : i32 to index
        %swap3A_785 = arith.constant 96 : index
        %swap3A_786 = tpu.vector_load %arg11[%swap3A_784, %swap3A_785] {strides = array<i32>} : memref<128x128xf32, #tpu.memory_space<vmem>>, vector<16xf32>,
        tpu.vector_store %arg11[%swap3A_784, %swap3A_785], %mul3A_783 {strides = array<i32>} : memref<128x128xf32, #tpu.memory_space<vmem>>, vector<16xf32>,
        %get3A_787 = arith.index_cast %add3A_737 : i32 to index
        %get3A_788 = arith.constant 112 : index
        %get3A_789 = tpu.vector_load %arg11[%get3A_787, %get3A_788] {strides = array<i32>} : memref<128x128xf32, #tpu.memory_space<vmem>>, vector<16xf32>,
        %mul3A_790 = arith.mulf %get3A_789, %broadcast_in_dim3A_733 : vector<16xf32>
        %swap3A_791 = arith.index_cast %add3A_737 : i32 to index
        %swap3A_792 = arith.constant 112 : index
        %swap3A_793 = tpu.vector_load %arg11[%swap3A_791, %swap3A_792] {strides = array<i32>} : memref<128x128xf32, #tpu.memory_space<vmem>>, vector<16xf32>,
        tpu.vector_store %arg11[%swap3A_791, %swap3A_792], %mul3A_790 {strides = array<i32>} : memref<128x128xf32, #tpu.memory_space<vmem>>, vector<16xf32>,
        %slice3A_794 = vector.extract_strided_slice %get3A_41 {offsets = [12], sizes = [1], strides = [1]} : vector<16xf32> to vector<1xf32>
        %squeeze3A_795 = vector.extract %slice3A_794[0] : f32 from vector<1xf32>
        %broadcast_in_dim3A_796 = vector.broadcast %squeeze3A_795 : f32 to vector<16xf32>
        %mul3A_797 = arith.constant 16 : i32
        %mul3A_798 = arith.muli %scan3A_36, %mul3A_797 : i32
        %add3A_799 = arith.constant 12 : i32
        %add3A_800 = arith.addi %mul3A_798, %add3A_799 : i32
        %get3A_801 = arith.index_cast %add3A_800 : i32 to index
        %get3A_802 = arith.constant 0 : index
        %get3A_803 = tpu.vector_load %arg11[%get3A_801, %get3A_802] {strides = array<i32>} : memref<128x128xf32, #tpu.memory_space<vmem>>, vector<16xf32>,
        %mul3A_804 = arith.mulf %get3A_803, %broadcast_in_dim3A_796 : vector<16xf32>
        %swap3A_805 = arith.index_cast %add3A_800 : i32 to index
        %swap3A_806 = arith.constant 0 : index
        %swap3A_807 = tpu.vector_load %arg11[%swap3A_805, %swap3A_806] {strides = array<i32>} : memref<128x128xf32, #tpu.memory_space<vmem>>, vector<16xf32>,
        tpu.vector_store %arg11[%swap3A_805, %swap3A_806], %mul3A_804 {strides = array<i32>} : memref<128x128xf32, #tpu.memory_space<vmem>>, vector<16xf32>,
        %get3A_808 = arith.index_cast %add3A_800 : i32 to index
        %get3A_809 = arith.constant 16 : index
        %get3A_810 = tpu.vector_load %arg11[%get3A_808, %get3A_809] {strides = array<i32>} : memref<128x128xf32, #tpu.memory_space<vmem>>, vector<16xf32>,
        %mul3A_811 = arith.mulf %get3A_810, %broadcast_in_dim3A_796 : vector<16xf32>
        %swap3A_812 = arith.index_cast %add3A_800 : i32 to index
        %swap3A_813 = arith.constant 16 : index
        %swap3A_814 = tpu.vector_load %arg11[%swap3A_812, %swap3A_813] {strides = array<i32>} : memref<128x128xf32, #tpu.memory_space<vmem>>, vector<16xf32>,
        tpu.vector_store %arg11[%swap3A_812, %swap3A_813], %mul3A_811 {strides = array<i32>} : memref<128x128xf32, #tpu.memory_space<vmem>>, vector<16xf32>,
        %get3A_815 = arith.index_cast %add3A_800 : i32 to index
        %get3A_816 = arith.constant 32 : index
        %get3A_817 = tpu.vector_load %arg11[%get3A_815, %get3A_816] {strides = array<i32>} : memref<128x128xf32, #tpu.memory_space<vmem>>, vector<16xf32>,
        %mul3A_818 = arith.mulf %get3A_817, %broadcast_in_dim3A_796 : vector<16xf32>
        %swap3A_819 = arith.index_cast %add3A_800 : i32 to index
        %swap3A_820 = arith.constant 32 : index
        %swap3A_821 = tpu.vector_load %arg11[%swap3A_819, %swap3A_820] {strides = array<i32>} : memref<128x128xf32, #tpu.memory_space<vmem>>, vector<16xf32>,
        tpu.vector_store %arg11[%swap3A_819, %swap3A_820], %mul3A_818 {strides = array<i32>} : memref<128x128xf32, #tpu.memory_space<vmem>>, vector<16xf32>,
        %get3A_822 = arith.index_cast %add3A_800 : i32 to index
        %get3A_823 = arith.constant 48 : index
        %get3A_824 = tpu.vector_load %arg11[%get3A_822, %get3A_823] {strides = array<i32>} : memref<128x128xf32, #tpu.memory_space<vmem>>, vector<16xf32>,
        %mul3A_825 = arith.mulf %get3A_824, %broadcast_in_dim3A_796 : vector<16xf32>
        %swap3A_826 = arith.index_cast %add3A_800 : i32 to index
        %swap3A_827 = arith.constant 48 : index
        %swap3A_828 = tpu.vector_load %arg11[%swap3A_826, %swap3A_827] {strides = array<i32>} : memref<128x128xf32, #tpu.memory_space<vmem>>, vector<16xf32>,
        tpu.vector_store %arg11[%swap3A_826, %swap3A_827], %mul3A_825 {strides = array<i32>} : memref<128x128xf32, #tpu.memory_space<vmem>>, vector<16xf32>,
        %get3A_829 = arith.index_cast %add3A_800 : i32 to index
        %get3A_830 = arith.constant 64 : index
        %get3A_831 = tpu.vector_load %arg11[%get3A_829, %get3A_830] {strides = array<i32>} : memref<128x128xf32, #tpu.memory_space<vmem>>, vector<16xf32>,
        %mul3A_832 = arith.mulf %get3A_831, %broadcast_in_dim3A_796 : vector<16xf32>
        %swap3A_833 = arith.index_cast %add3A_800 : i32 to index
        %swap3A_834 = arith.constant 64 : index
        %swap3A_835 = tpu.vector_load %arg11[%swap3A_833, %swap3A_834] {strides = array<i32>} : memref<128x128xf32, #tpu.memory_space<vmem>>, vector<16xf32>,
        tpu.vector_store %arg11[%swap3A_833, %swap3A_834], %mul3A_832 {strides = array<i32>} : memref<128x128xf32, #tpu.memory_space<vmem>>, vector<16xf32>,
        %get3A_836 = arith.index_cast %add3A_800 : i32 to index
        %get3A_837 = arith.constant 80 : index
        %get3A_838 = tpu.vector_load %arg11[%get3A_836, %get3A_837] {strides = array<i32>} : memref<128x128xf32, #tpu.memory_space<vmem>>, vector<16xf32>,
        %mul3A_839 = arith.mulf %get3A_838, %broadcast_in_dim3A_796 : vector<16xf32>
        %swap3A_840 = arith.index_cast %add3A_800 : i32 to index
        %swap3A_841 = arith.constant 80 : index
        %swap3A_842 = tpu.vector_load %arg11[%swap3A_840, %swap3A_841] {strides = array<i32>} : memref<128x128xf32, #tpu.memory_space<vmem>>, vector<16xf32>,
        tpu.vector_store %arg11[%swap3A_840, %swap3A_841], %mul3A_839 {strides = array<i32>} : memref<128x128xf32, #tpu.memory_space<vmem>>, vector<16xf32>,
        %get3A_843 = arith.index_cast %add3A_800 : i32 to index
        %get3A_844 = arith.constant 96 : index
        %get3A_845 = tpu.vector_load %arg11[%get3A_843, %get3A_844] {strides = array<i32>} : memref<128x128xf32, #tpu.memory_space<vmem>>, vector<16xf32>,
        %mul3A_846 = arith.mulf %get3A_845, %broadcast_in_dim3A_796 : vector<16xf32>
        %swap3A_847 = arith.index_cast %add3A_800 : i32 to index
        %swap3A_848 = arith.constant 96 : index
        %swap3A_849 = tpu.vector_load %arg11[%swap3A_847, %swap3A_848] {strides = array<i32>} : memref<128x128xf32, #tpu.memory_space<vmem>>, vector<16xf32>,
        tpu.vector_store %arg11[%swap3A_847, %swap3A_848], %mul3A_846 {strides = array<i32>} : memref<128x128xf32, #tpu.memory_space<vmem>>, vector<16xf32>,
        %get3A_850 = arith.index_cast %add3A_800 : i32 to index
        %get3A_851 = arith.constant 112 : index
        %get3A_852 = tpu.vector_load %arg11[%get3A_850, %get3A_851] {strides = array<i32>} : memref<128x128xf32, #tpu.memory_space<vmem>>, vector<16xf32>,
        %mul3A_853 = arith.mulf %get3A_852, %broadcast_in_dim3A_796 : vector<16xf32>
        %swap3A_854 = arith.index_cast %add3A_800 : i32 to index
        %swap3A_855 = arith.constant 112 : index
        %swap3A_856 = tpu.vector_load %arg11[%swap3A_854, %swap3A_855] {strides = array<i32>} : memref<128x128xf32, #tpu.memory_space<vmem>>, vector<16xf32>,
        tpu.vector_store %arg11[%swap3A_854, %swap3A_855], %mul3A_853 {strides = array<i32>} : memref<128x128xf32, #tpu.memory_space<vmem>>, vector<16xf32>,
        %slice3A_857 = vector.extract_strided_slice %get3A_41 {offsets = [13], sizes = [1], strides = [1]} : vector<16xf32> to vector<1xf32>
        %squeeze3A_858 = vector.extract %slice3A_857[0] : f32 from vector<1xf32>
        %broadcast_in_dim3A_859 = vector.broadcast %squeeze3A_858 : f32 to vector<16xf32>
        %mul3A_860 = arith.constant 16 : i32
        %mul3A_861 = arith.muli %scan3A_36, %mul3A_860 : i32
        %add3A_862 = arith.constant 13 : i32
        %add3A_863 = arith.addi %mul3A_861, %add3A_862 : i32
        %get3A_864 = arith.index_cast %add3A_863 : i32 to index
        %get3A_865 = arith.constant 0 : index
        %get3A_866 = tpu.vector_load %arg11[%get3A_864, %get3A_865] {strides = array<i32>} : memref<128x128xf32, #tpu.memory_space<vmem>>, vector<16xf32>,
        %mul3A_867 = arith.mulf %get3A_866, %broadcast_in_dim3A_859 : vector<16xf32>
        %swap3A_868 = arith.index_cast %add3A_863 : i32 to index
        %swap3A_869 = arith.constant 0 : index
        %swap3A_870 = tpu.vector_load %arg11[%swap3A_868, %swap3A_869] {strides = array<i32>} : memref<128x128xf32, #tpu.memory_space<vmem>>, vector<16xf32>,
        tpu.vector_store %arg11[%swap3A_868, %swap3A_869], %mul3A_867 {strides = array<i32>} : memref<128x128xf32, #tpu.memory_space<vmem>>, vector<16xf32>,
        %get3A_871 = arith.index_cast %add3A_863 : i32 to index
        %get3A_872 = arith.constant 16 : index
        %get3A_873 = tpu.vector_load %arg11[%get3A_871, %get3A_872] {strides = array<i32>} : memref<128x128xf32, #tpu.memory_space<vmem>>, vector<16xf32>,
        %mul3A_874 = arith.mulf %get3A_873, %broadcast_in_dim3A_859 : vector<16xf32>
        %swap3A_875 = arith.index_cast %add3A_863 : i32 to index
        %swap3A_876 = arith.constant 16 : index
        %swap3A_877 = tpu.vector_load %arg11[%swap3A_875, %swap3A_876] {strides = array<i32>} : memref<128x128xf32, #tpu.memory_space<vmem>>, vector<16xf32>,
        tpu.vector_store %arg11[%swap3A_875, %swap3A_876], %mul3A_874 {strides = array<i32>} : memref<128x128xf32, #tpu.memory_space<vmem>>, vector<16xf32>,
        %get3A_878 = arith.index_cast %add3A_863 : i32 to index
        %get3A_879 = arith.constant 32 : index
        %get3A_880 = tpu.vector_load %arg11[%get3A_878, %get3A_879] {strides = array<i32>} : memref<128x128xf32, #tpu.memory_space<vmem>>, vector<16xf32>,
        %mul3A_881 = arith.mulf %get3A_880, %broadcast_in_dim3A_859 : vector<16xf32>
        %swap3A_882 = arith.index_cast %add3A_863 : i32 to index
        %swap3A_883 = arith.constant 32 : index
        %swap3A_884 = tpu.vector_load %arg11[%swap3A_882, %swap3A_883] {strides = array<i32>} : memref<128x128xf32, #tpu.memory_space<vmem>>, vector<16xf32>,
        tpu.vector_store %arg11[%swap3A_882, %swap3A_883], %mul3A_881 {strides = array<i32>} : memref<128x128xf32, #tpu.memory_space<vmem>>, vector<16xf32>,
        %get3A_885 = arith.index_cast %add3A_863 : i32 to index
        %get3A_886 = arith.constant 48 : index
        %get3A_887 = tpu.vector_load %arg11[%get3A_885, %get3A_886] {strides = array<i32>} : memref<128x128xf32, #tpu.memory_space<vmem>>, vector<16xf32>,
        %mul3A_888 = arith.mulf %get3A_887, %broadcast_in_dim3A_859 : vector<16xf32>
        %swap3A_889 = arith.index_cast %add3A_863 : i32 to index
        %swap3A_890 = arith.constant 48 : index
        %swap3A_891 = tpu.vector_load %arg11[%swap3A_889, %swap3A_890] {strides = array<i32>} : memref<128x128xf32, #tpu.memory_space<vmem>>, vector<16xf32>,
        tpu.vector_store %arg11[%swap3A_889, %swap3A_890], %mul3A_888 {strides = array<i32>} : memref<128x128xf32, #tpu.memory_space<vmem>>, vector<16xf32>,
        %get3A_892 = arith.index_cast %add3A_863 : i32 to index
        %get3A_893 = arith.constant 64 : index
        %get3A_894 = tpu.vector_load %arg11[%get3A_892, %get3A_893] {strides = array<i32>} : memref<128x128xf32, #tpu.memory_space<vmem>>, vector<16xf32>,
        %mul3A_895 = arith.mulf %get3A_894, %broadcast_in_dim3A_859 : vector<16xf32>
        %swap3A_896 = arith.index_cast %add3A_863 : i32 to index
        %swap3A_897 = arith.constant 64 : index
        %swap3A_898 = tpu.vector_load %arg11[%swap3A_896, %swap3A_897] {strides = array<i32>} : memref<128x128xf32, #tpu.memory_space<vmem>>, vector<16xf32>,
        tpu.vector_store %arg11[%swap3A_896, %swap3A_897], %mul3A_895 {strides = array<i32>} : memref<128x128xf32, #tpu.memory_space<vmem>>, vector<16xf32>,
        %get3A_899 = arith.index_cast %add3A_863 : i32 to index
        %get3A_900 = arith.constant 80 : index
        %get3A_901 = tpu.vector_load %arg11[%get3A_899, %get3A_900] {strides = array<i32>} : memref<128x128xf32, #tpu.memory_space<vmem>>, vector<16xf32>,
        %mul3A_902 = arith.mulf %get3A_901, %broadcast_in_dim3A_859 : vector<16xf32>
        %swap3A_903 = arith.index_cast %add3A_863 : i32 to index
        %swap3A_904 = arith.constant 80 : index
        %swap3A_905 = tpu.vector_load %arg11[%swap3A_903, %swap3A_904] {strides = array<i32>} : memref<128x128xf32, #tpu.memory_space<vmem>>, vector<16xf32>,
        tpu.vector_store %arg11[%swap3A_903, %swap3A_904], %mul3A_902 {strides = array<i32>} : memref<128x128xf32, #tpu.memory_space<vmem>>, vector<16xf32>,
        %get3A_906 = arith.index_cast %add3A_863 : i32 to index
        %get3A_907 = arith.constant 96 : index
        %get3A_908 = tpu.vector_load %arg11[%get3A_906, %get3A_907] {strides = array<i32>} : memref<128x128xf32, #tpu.memory_space<vmem>>, vector<16xf32>,
        %mul3A_909 = arith.mulf %get3A_908, %broadcast_in_dim3A_859 : vector<16xf32>
        %swap3A_910 = arith.index_cast %add3A_863 : i32 to index
        %swap3A_911 = arith.constant 96 : index
        %swap3A_912 = tpu.vector_load %arg11[%swap3A_910, %swap3A_911] {strides = array<i32>} : memref<128x128xf32, #tpu.memory_space<vmem>>, vector<16xf32>,
        tpu.vector_store %arg11[%swap3A_910, %swap3A_911], %mul3A_909 {strides = array<i32>} : memref<128x128xf32, #tpu.memory_space<vmem>>, vector<16xf32>,
        %get3A_913 = arith.index_cast %add3A_863 : i32 to index
        %get3A_914 = arith.constant 112 : index
        %get3A_915 = tpu.vector_load %arg11[%get3A_913, %get3A_914] {strides = array<i32>} : memref<128x128xf32, #tpu.memory_space<vmem>>, vector<16xf32>,
        %mul3A_916 = arith.mulf %get3A_915, %broadcast_in_dim3A_859 : vector<16xf32>
        %swap3A_917 = arith.index_cast %add3A_863 : i32 to index
        %swap3A_918 = arith.constant 112 : index
        %swap3A_919 = tpu.vector_load %arg11[%swap3A_917, %swap3A_918] {strides = array<i32>} : memref<128x128xf32, #tpu.memory_space<vmem>>, vector<16xf32>,
        tpu.vector_store %arg11[%swap3A_917, %swap3A_918], %mul3A_916 {strides = array<i32>} : memref<128x128xf32, #tpu.memory_space<vmem>>, vector<16xf32>,
        %slice3A_920 = vector.extract_strided_slice %get3A_41 {offsets = [14], sizes = [1], strides = [1]} : vector<16xf32> to vector<1xf32>
        %squeeze3A_921 = vector.extract %slice3A_920[0] : f32 from vector<1xf32>
        %broadcast_in_dim3A_922 = vector.broadcast %squeeze3A_921 : f32 to vector<16xf32>
        %mul3A_923 = arith.constant 16 : i32
        %mul3A_924 = arith.muli %scan3A_36, %mul3A_923 : i32
        %add3A_925 = arith.constant 14 : i32
        %add3A_926 = arith.addi %mul3A_924, %add3A_925 : i32
        %get3A_927 = arith.index_cast %add3A_926 : i32 to index
        %get3A_928 = arith.constant 0 : index
        %get3A_929 = tpu.vector_load %arg11[%get3A_927, %get3A_928] {strides = array<i32>} : memref<128x128xf32, #tpu.memory_space<vmem>>, vector<16xf32>,
        %mul3A_930 = arith.mulf %get3A_929, %broadcast_in_dim3A_922 : vector<16xf32>
        %swap3A_931 = arith.index_cast %add3A_926 : i32 to index
        %swap3A_932 = arith.constant 0 : index
        %swap3A_933 = tpu.vector_load %arg11[%swap3A_931, %swap3A_932] {strides = array<i32>} : memref<128x128xf32, #tpu.memory_space<vmem>>, vector<16xf32>,
        tpu.vector_store %arg11[%swap3A_931, %swap3A_932], %mul3A_930 {strides = array<i32>} : memref<128x128xf32, #tpu.memory_space<vmem>>, vector<16xf32>,
        %get3A_934 = arith.index_cast %add3A_926 : i32 to index
        %get3A_935 = arith.constant 16 : index
        %get3A_936 = tpu.vector_load %arg11[%get3A_934, %get3A_935] {strides = array<i32>} : memref<128x128xf32, #tpu.memory_space<vmem>>, vector<16xf32>,
        %mul3A_937 = arith.mulf %get3A_936, %broadcast_in_dim3A_922 : vector<16xf32>
        %swap3A_938 = arith.index_cast %add3A_926 : i32 to index
        %swap3A_939 = arith.constant 16 : index
        %swap3A_940 = tpu.vector_load %arg11[%swap3A_938, %swap3A_939] {strides = array<i32>} : memref<128x128xf32, #tpu.memory_space<vmem>>, vector<16xf32>,
        tpu.vector_store %arg11[%swap3A_938, %swap3A_939], %mul3A_937 {strides = array<i32>} : memref<128x128xf32, #tpu.memory_space<vmem>>, vector<16xf32>,
        %get3A_941 = arith.index_cast %add3A_926 : i32 to index
        %get3A_942 = arith.constant 32 : index
        %get3A_943 = tpu.vector_load %arg11[%get3A_941, %get3A_942] {strides = array<i32>} : memref<128x128xf32, #tpu.memory_space<vmem>>, vector<16xf32>,
        %mul3A_944 = arith.mulf %get3A_943, %broadcast_in_dim3A_922 : vector<16xf32>
        %swap3A_945 = arith.index_cast %add3A_926 : i32 to index
        %swap3A_946 = arith.constant 32 : index
        %swap3A_947 = tpu.vector_load %arg11[%swap3A_945, %swap3A_946] {strides = array<i32>} : memref<128x128xf32, #tpu.memory_space<vmem>>, vector<16xf32>,
        tpu.vector_store %arg11[%swap3A_945, %swap3A_946], %mul3A_944 {strides = array<i32>} : memref<128x128xf32, #tpu.memory_space<vmem>>, vector<16xf32>,
        %get3A_948 = arith.index_cast %add3A_926 : i32 to index
        %get3A_949 = arith.constant 48 : index
        %get3A_950 = tpu.vector_load %arg11[%get3A_948, %get3A_949] {strides = array<i32>} : memref<128x128xf32, #tpu.memory_space<vmem>>, vector<16xf32>,
        %mul3A_951 = arith.mulf %get3A_950, %broadcast_in_dim3A_922 : vector<16xf32>
        %swap3A_952 = arith.index_cast %add3A_926 : i32 to index
        %swap3A_953 = arith.constant 48 : index
        %swap3A_954 = tpu.vector_load %arg11[%swap3A_952, %swap3A_953] {strides = array<i32>} : memref<128x128xf32, #tpu.memory_space<vmem>>, vector<16xf32>,
        tpu.vector_store %arg11[%swap3A_952, %swap3A_953], %mul3A_951 {strides = array<i32>} : memref<128x128xf32, #tpu.memory_space<vmem>>, vector<16xf32>,
        %get3A_955 = arith.index_cast %add3A_926 : i32 to index
        %get3A_956 = arith.constant 64 : index
        %get3A_957 = tpu.vector_load %arg11[%get3A_955, %get3A_956] {strides = array<i32>} : memref<128x128xf32, #tpu.memory_space<vmem>>, vector<16xf32>,
        %mul3A_958 = arith.mulf %get3A_957, %broadcast_in_dim3A_922 : vector<16xf32>
        %swap3A_959 = arith.index_cast %add3A_926 : i32 to index
        %swap3A_960 = arith.constant 64 : index
        %swap3A_961 = tpu.vector_load %arg11[%swap3A_959, %swap3A_960] {strides = array<i32>} : memref<128x128xf32, #tpu.memory_space<vmem>>, vector<16xf32>,
        tpu.vector_store %arg11[%swap3A_959, %swap3A_960], %mul3A_958 {strides = array<i32>} : memref<128x128xf32, #tpu.memory_space<vmem>>, vector<16xf32>,
        %get3A_962 = arith.index_cast %add3A_926 : i32 to index
        %get3A_963 = arith.constant 80 : index
        %get3A_964 = tpu.vector_load %arg11[%get3A_962, %get3A_963] {strides = array<i32>} : memref<128x128xf32, #tpu.memory_space<vmem>>, vector<16xf32>,
        %mul3A_965 = arith.mulf %get3A_964, %broadcast_in_dim3A_922 : vector<16xf32>
        %swap3A_966 = arith.index_cast %add3A_926 : i32 to index
        %swap3A_967 = arith.constant 80 : index
        %swap3A_968 = tpu.vector_load %arg11[%swap3A_966, %swap3A_967] {strides = array<i32>} : memref<128x128xf32, #tpu.memory_space<vmem>>, vector<16xf32>,
        tpu.vector_store %arg11[%swap3A_966, %swap3A_967], %mul3A_965 {strides = array<i32>} : memref<128x128xf32, #tpu.memory_space<vmem>>, vector<16xf32>,
        %get3A_969 = arith.index_cast %add3A_926 : i32 to index
        %get3A_970 = arith.constant 96 : index
        %get3A_971 = tpu.vector_load %arg11[%get3A_969, %get3A_970] {strides = array<i32>} : memref<128x128xf32, #tpu.memory_space<vmem>>, vector<16xf32>,
        %mul3A_972 = arith.mulf %get3A_971, %broadcast_in_dim3A_922 : vector<16xf32>
        %swap3A_973 = arith.index_cast %add3A_926 : i32 to index
        %swap3A_974 = arith.constant 96 : index
        %swap3A_975 = tpu.vector_load %arg11[%swap3A_973, %swap3A_974] {strides = array<i32>} : memref<128x128xf32, #tpu.memory_space<vmem>>, vector<16xf32>,
        tpu.vector_store %arg11[%swap3A_973, %swap3A_974], %mul3A_972 {strides = array<i32>} : memref<128x128xf32, #tpu.memory_space<vmem>>, vector<16xf32>,
        %get3A_976 = arith.index_cast %add3A_926 : i32 to index
        %get3A_977 = arith.constant 112 : index
        %get3A_978 = tpu.vector_load %arg11[%get3A_976, %get3A_977] {strides = array<i32>} : memref<128x128xf32, #tpu.memory_space<vmem>>, vector<16xf32>,
        %mul3A_979 = arith.mulf %get3A_978, %broadcast_in_dim3A_922 : vector<16xf32>
        %swap3A_980 = arith.index_cast %add3A_926 : i32 to index
        %swap3A_981 = arith.constant 112 : index
        %swap3A_982 = tpu.vector_load %arg11[%swap3A_980, %swap3A_981] {strides = array<i32>} : memref<128x128xf32, #tpu.memory_space<vmem>>, vector<16xf32>,
        tpu.vector_store %arg11[%swap3A_980, %swap3A_981], %mul3A_979 {strides = array<i32>} : memref<128x128xf32, #tpu.memory_space<vmem>>, vector<16xf32>,
        %slice3A_983 = vector.extract_strided_slice %get3A_41 {offsets = [15], sizes = [1], strides = [1]} : vector<16xf32> to vector<1xf32>
        %squeeze3A_984 = vector.extract %slice3A_983[0] : f32 from vector<1xf32>
        %broadcast_in_dim3A_985 = vector.broadcast %squeeze3A_984 : f32 to vector<16xf32>
        %mul3A_986 = arith.constant 16 : i32
        %mul3A_987 = arith.muli %scan3A_36, %mul3A_986 : i32
        %add3A_988 = arith.constant 15 : i32
        %add3A_989 = arith.addi %mul3A_987, %add3A_988 : i32
        %get3A_990 = arith.index_cast %add3A_989 : i32 to index
        %get3A_991 = arith.constant 0 : index
        %get3A_992 = tpu.vector_load %arg11[%get3A_990, %get3A_991] {strides = array<i32>} : memref<128x128xf32, #tpu.memory_space<vmem>>, vector<16xf32>,
        %mul3A_993 = arith.mulf %get3A_992, %broadcast_in_dim3A_985 : vector<16xf32>
        %swap3A_994 = arith.index_cast %add3A_989 : i32 to index
        %swap3A_995 = arith.constant 0 : index
        %swap3A_996 = tpu.vector_load %arg11[%swap3A_994, %swap3A_995] {strides = array<i32>} : memref<128x128xf32, #tpu.memory_space<vmem>>, vector<16xf32>,
        tpu.vector_store %arg11[%swap3A_994, %swap3A_995], %mul3A_993 {strides = array<i32>} : memref<128x128xf32, #tpu.memory_space<vmem>>, vector<16xf32>,
        %get3A_997 = arith.index_cast %add3A_989 : i32 to index
        %get3A_998 = arith.constant 16 : index
        %get3A_999 = tpu.vector_load %arg11[%get3A_997, %get3A_998] {strides = array<i32>} : memref<128x128xf32, #tpu.memory_space<vmem>>, vector<16xf32>,
        %mul3A_1000 = arith.mulf %get3A_999, %broadcast_in_dim3A_985 : vector<16xf32>
        %swap3A_1001 = arith.index_cast %add3A_989 : i32 to index
        %swap3A_1002 = arith.constant 16 : index
        %swap3A_1003 = tpu.vector_load %arg11[%swap3A_1001, %swap3A_1002] {strides = array<i32>} : memref<128x128xf32, #tpu.memory_space<vmem>>, vector<16xf32>,
        tpu.vector_store %arg11[%swap3A_1001, %swap3A_1002], %mul3A_1000 {strides = array<i32>} : memref<128x128xf32, #tpu.memory_space<vmem>>, vector<16xf32>,
        %get3A_1004 = arith.index_cast %add3A_989 : i32 to index
        %get3A_1005 = arith.constant 32 : index
        %get3A_1006 = tpu.vector_load %arg11[%get3A_1004, %get3A_1005] {strides = array<i32>} : memref<128x128xf32, #tpu.memory_space<vmem>>, vector<16xf32>,
        %mul3A_1007 = arith.mulf %get3A_1006, %broadcast_in_dim3A_985 : vector<16xf32>
        %swap3A_1008 = arith.index_cast %add3A_989 : i32 to index
        %swap3A_1009 = arith.constant 32 : index
        %swap3A_1010 = tpu.vector_load %arg11[%swap3A_1008, %swap3A_1009] {strides = array<i32>} : memref<128x128xf32, #tpu.memory_space<vmem>>, vector<16xf32>,
        tpu.vector_store %arg11[%swap3A_1008, %swap3A_1009], %mul3A_1007 {strides = array<i32>} : memref<128x128xf32, #tpu.memory_space<vmem>>, vector<16xf32>,
        %get3A_1011 = arith.index_cast %add3A_989 : i32 to index
        %get3A_1012 = arith.constant 48 : index
        %get3A_1013 = tpu.vector_load %arg11[%get3A_1011, %get3A_1012] {strides = array<i32>} : memref<128x128xf32, #tpu.memory_space<vmem>>, vector<16xf32>,
        %mul3A_1014 = arith.mulf %get3A_1013, %broadcast_in_dim3A_985 : vector<16xf32>
        %swap3A_1015 = arith.index_cast %add3A_989 : i32 to index
        %swap3A_1016 = arith.constant 48 : index
        %swap3A_1017 = tpu.vector_load %arg11[%swap3A_1015, %swap3A_1016] {strides = array<i32>} : memref<128x128xf32, #tpu.memory_space<vmem>>, vector<16xf32>,
        tpu.vector_store %arg11[%swap3A_1015, %swap3A_1016], %mul3A_1014 {strides = array<i32>} : memref<128x128xf32, #tpu.memory_space<vmem>>, vector<16xf32>,
        %get3A_1018 = arith.index_cast %add3A_989 : i32 to index
        %get3A_1019 = arith.constant 64 : index
        %get3A_1020 = tpu.vector_load %arg11[%get3A_1018, %get3A_1019] {strides = array<i32>} : memref<128x128xf32, #tpu.memory_space<vmem>>, vector<16xf32>,
        %mul3A_1021 = arith.mulf %get3A_1020, %broadcast_in_dim3A_985 : vector<16xf32>
        %swap3A_1022 = arith.index_cast %add3A_989 : i32 to index
        %swap3A_1023 = arith.constant 64 : index
        %swap3A_1024 = tpu.vector_load %arg11[%swap3A_1022, %swap3A_1023] {strides = array<i32>} : memref<128x128xf32, #tpu.memory_space<vmem>>, vector<16xf32>,
        tpu.vector_store %arg11[%swap3A_1022, %swap3A_1023], %mul3A_1021 {strides = array<i32>} : memref<128x128xf32, #tpu.memory_space<vmem>>, vector<16xf32>,
        %get3A_1025 = arith.index_cast %add3A_989 : i32 to index
        %get3A_1026 = arith.constant 80 : index
        %get3A_1027 = tpu.vector_load %arg11[%get3A_1025, %get3A_1026] {strides = array<i32>} : memref<128x128xf32, #tpu.memory_space<vmem>>, vector<16xf32>,
        %mul3A_1028 = arith.mulf %get3A_1027, %broadcast_in_dim3A_985 : vector<16xf32>
        %swap3A_1029 = arith.index_cast %add3A_989 : i32 to index
        %swap3A_1030 = arith.constant 80 : index
        %swap3A_1031 = tpu.vector_load %arg11[%swap3A_1029, %swap3A_1030] {strides = array<i32>} : memref<128x128xf32, #tpu.memory_space<vmem>>, vector<16xf32>,
        tpu.vector_store %arg11[%swap3A_1029, %swap3A_1030], %mul3A_1028 {strides = array<i32>} : memref<128x128xf32, #tpu.memory_space<vmem>>, vector<16xf32>,
        %get3A_1032 = arith.index_cast %add3A_989 : i32 to index
        %get3A_1033 = arith.constant 96 : index
        %get3A_1034 = tpu.vector_load %arg11[%get3A_1032, %get3A_1033] {strides = array<i32>} : memref<128x128xf32, #tpu.memory_space<vmem>>, vector<16xf32>,
        %mul3A_1035 = arith.mulf %get3A_1034, %broadcast_in_dim3A_985 : vector<16xf32>
        %swap3A_1036 = arith.index_cast %add3A_989 : i32 to index
        %swap3A_1037 = arith.constant 96 : index
        %swap3A_1038 = tpu.vector_load %arg11[%swap3A_1036, %swap3A_1037] {strides = array<i32>} : memref<128x128xf32, #tpu.memory_space<vmem>>, vector<16xf32>,
        tpu.vector_store %arg11[%swap3A_1036, %swap3A_1037], %mul3A_1035 {strides = array<i32>} : memref<128x128xf32, #tpu.memory_space<vmem>>, vector<16xf32>,
        %get3A_1039 = arith.index_cast %add3A_989 : i32 to index
        %get3A_1040 = arith.constant 112 : index
        %get3A_1041 = tpu.vector_load %arg11[%get3A_1039, %get3A_1040] {strides = array<i32>} : memref<128x128xf32, #tpu.memory_space<vmem>>, vector<16xf32>,
        %mul3A_1042 = arith.mulf %get3A_1041, %broadcast_in_dim3A_985 : vector<16xf32>
        %swap3A_1043 = arith.index_cast %add3A_989 : i32 to index
        %swap3A_1044 = arith.constant 112 : index
        %swap3A_1045 = tpu.vector_load %arg11[%swap3A_1043, %swap3A_1044] {strides = array<i32>} : memref<128x128xf32, #tpu.memory_space<vmem>>, vector<16xf32>,
        tpu.vector_store %arg11[%swap3A_1043, %swap3A_1044], %mul3A_1042 {strides = array<i32>} : memref<128x128xf32, #tpu.memory_space<vmem>>, vector<16xf32>,
        %scan3A_1046 = arith.constant 0 : i32
        scf.yield %scan3A_1046 : i32
      }
      %scan3A_34 = arith.constant 8 : i32
      "tpu.region"() ({
        %run_scoped3A = tpu.sem_alloc : memref<!tpu.dma_semaphore, #tpu.memory_space<semaphore_mem>>
        %dma_start3A_36 = arith.constant 0 : i32
        %dma_start3A_37 = tpu.memref_slice %arg9[%scan3A_16, %dma_start3A_36] : memref<79x128xi32, #tpu.memory_space<vmem>> -> memref<1x128xi32, #tpu.memory_space<vmem>>
        %dma_start3A_38 = tpu.memref_squeeze %dma_start3A_37 : memref<1x128xi32, #tpu.memory_space<vmem>> -> memref<128xi32, #tpu.memory_space<vmem>>
        %dma_start3A_39 = arith.constant 0 : i32
        %dma_start3A_40 = arith.constant 0 : i32
        %dma_start3A_41 = tpu.memref_slice %arg12[%dma_start3A_39, %dma_start3A_40] : memref<10240x128xf32, #tpu.memory_space<vmem_shared>> -> memref<10240x128xf32, #tpu.memory_space<vmem_shared>>
        tpu.enqueue_indirect_dma source(%arg11 : memref<128x128xf32, #tpu.memory_space<vmem>>) target(%dma_start3A_41 : memref<10240x128xf32, #tpu.memory_space<vmem_shared>>) offsets(%dma_start3A_38 : memref<128xi32, #tpu.memory_space<vmem>>) semaphore(%run_scoped3A : memref<!tpu.dma_semaphore, #tpu.memory_space<semaphore_mem>>) {add = true}
        %dma_wait3A_42 = arith.constant 0 : i32
        %dma_wait3A_43 = tpu.memref_slice %arg9[%scan3A_16, %dma_wait3A_42] : memref<79x128xi32, #tpu.memory_space<vmem>> -> memref<1x128xi32, #tpu.memory_space<vmem>>
        %dma_wait3A_44 = tpu.memref_squeeze %dma_wait3A_43 : memref<1x128xi32, #tpu.memory_space<vmem>> -> memref<128xi32, #tpu.memory_space<vmem>>
        %dma_wait3A_45 = arith.constant 0 : i32
        %dma_wait3A_46 = arith.constant 0 : i32
        %dma_wait3A_47 = tpu.memref_slice %arg12[%dma_wait3A_45, %dma_wait3A_46] : memref<10240x128xf32, #tpu.memory_space<vmem_shared>> -> memref<10240x128xf32, #tpu.memory_space<vmem_shared>>
        tpu.wait_indirect_dma semaphore(%run_scoped3A : memref<!tpu.dma_semaphore, #tpu.memory_space<semaphore_mem>>) src(%arg11 : memref<128x128xf32, #tpu.memory_space<vmem>>) dst(%dma_wait3A_47 : memref<10240x128xf32, #tpu.memory_space<vmem_shared>>)
        tpu.yield
      }) : () -> ()
      %scan3A_35 = arith.constant 0 : i32
      scf.yield %scan3A_35 : i32
    }
    %scan3A_10 = arith.constant 79 : i32
    %barrier3A_11 = arith.constant 0 : index
    tpu.barrier barrier_id(%barrier3A_11)
    %mul3A_12 = arith.constant 640 : i32
    %mul3A_13 = arith.muli %arg1, %mul3A_12 : i32
    %mul3A_14 = arith.constant 640 : i32
    %mul3A_15 = arith.muli %arg1, %mul3A_14 : i32
    "tpu.region"() ({
      %run_scoped3A = tpu.sem_alloc : memref<!tpu.dma_semaphore, #tpu.memory_space<semaphore_mem>>
      %dma_start3A = arith.constant 0 : i32
      %dma_start3A_16 = tpu.memref_slice %arg7[%arg0, %mul3A_15, %dma_start3A] : memref<2x10240x128xf32, #tpu.memory_space<hbm>> -> memref<1x640x128xf32, #tpu.memory_space<hbm>>
      %dma_start3A_17 = tpu.memref_squeeze %dma_start3A_16 : memref<1x640x128xf32, #tpu.memory_space<hbm>> -> memref<640x128xf32, #tpu.memory_space<hbm>>
      %dma_start3A_18 = arith.constant 0 : i32
      %dma_start3A_19 = tpu.memref_slice %arg12[%mul3A_13, %dma_start3A_18] : memref<10240x128xf32, #tpu.memory_space<vmem_shared>> -> memref<640x128xf32, #tpu.memory_space<vmem_shared>>
      tpu.enqueue_dma source(%dma_start3A_19 : memref<640x128xf32, #tpu.memory_space<vmem_shared>>) target(%dma_start3A_17 : memref<640x128xf32, #tpu.memory_space<hbm>>) target_semaphore(%run_scoped3A : memref<!tpu.dma_semaphore, #tpu.memory_space<semaphore_mem>>)
      %dma_wait3A = arith.constant 0 : i32
      %dma_wait3A_20 = tpu.memref_slice %arg7[%arg0, %mul3A_15, %dma_wait3A] : memref<2x10240x128xf32, #tpu.memory_space<hbm>> -> memref<1x640x128xf32, #tpu.memory_space<hbm>>
      %dma_wait3A_21 = tpu.memref_squeeze %dma_wait3A_20 : memref<1x640x128xf32, #tpu.memory_space<hbm>> -> memref<640x128xf32, #tpu.memory_space<hbm>>
      %dma_wait3A_22 = arith.constant 0 : i32
      %dma_wait3A_23 = tpu.memref_slice %arg12[%mul3A_13, %dma_wait3A_22] : memref<10240x128xf32, #tpu.memory_space<vmem_shared>> -> memref<640x128xf32, #tpu.memory_space<vmem_shared>>
      tpu.wait_dma2 semaphore(%run_scoped3A : memref<!tpu.dma_semaphore, #tpu.memory_space<semaphore_mem>>) src(%dma_wait3A_23 : memref<640x128xf32, #tpu.memory_space<vmem_shared>>) dst(%dma_wait3A_21 : memref<640x128xf32, #tpu.memory_space<hbm>>)
      tpu.yield
    }) : () -> ()
    return
  }
}

module attributes {stable_mosaic.version = 14 : i64} {
  func.func @_tc1_body(%arg0: i32, %arg1: memref<1024x512xf32, #tpu.memory_space<vmem>>, %arg2: memref<2x1024xf32, #tpu.memory_space<vmem>>, %arg3: memref<512x128xf32, #tpu.memory_space<vmem>>, %arg4: memref<1024x128xf32, #tpu.memory_space<vmem>>) attributes {dimension_semantics = [#tpu.dimension_semantics<arbitrary>], iteration_bounds = array<i64: 10>, scalar_prefetch = 0 : i64, scratch_operands = 0 : i64, tpu.core_type = #tpu.core_type<tc>, window_params = [{transform_indices = @transform_0, window_bounds = array<i64: 1024, 512>}, {transform_indices = @transform_1, window_bounds = array<i64: 2, 1024>}, {pipeline_mode = #tpu.pipeline_mode<synchronous>, transform_indices = @transform_2, window_bounds = array<i64: 512, 128>}, {transform_indices = @transform_3, window_bounds = array<i64: 1024, 128>}]} {
    %get3A = arith.constant 0 : index
    %get3A_0 = arith.constant 0 : index
    %get3A_1 = vector.load %arg2[%get3A, %get3A_0] : memref<2x1024xf32, #tpu.memory_space<vmem>>, vector<1x1024xf32>
    %get3A_2 = vector.shape_cast %get3A_1 : vector<1x1024xf32> to vector<1024xf32>
    %get3A_3 = arith.constant 1 : index
    %get3A_4 = arith.constant 0 : index
    %get3A_5 = vector.load %arg2[%get3A_3, %get3A_4] : memref<2x1024xf32, #tpu.memory_space<vmem>>, vector<1x1024xf32>
    %get3A_6 = vector.shape_cast %get3A_5 : vector<1x1024xf32> to vector<1024xf32>
    %add3A = arith.addf %get3A_2, %get3A_6 : vector<1024xf32>
    %add3A_7 = arith.constant 1.000000e+00 : f32
    %add3A_8 = vector.broadcast %add3A_7 : f32 to vector<1024xf32>
    %add3A_9 = arith.addf %add3A, %add3A_8 : vector<1024xf32>
    %rsqrt3A = math.rsqrt %add3A_9 : vector<1024xf32>
    %get3A_10 = arith.constant 0 : index
    %get3A_11 = arith.constant 0 : index
    %get3A_12 = vector.load %arg1[%get3A_10, %get3A_11] : memref<1024x512xf32, #tpu.memory_space<vmem>>, vector<1024x512xf32>
    %get3A_13 = arith.constant 0 : index
    %get3A_14 = arith.constant 0 : index
    %get3A_15 = vector.load %arg3[%get3A_13, %get3A_14] : memref<512x128xf32, #tpu.memory_space<vmem>>, vector<512x128xf32>
    %dot_general3A = arith.constant dense<0.000000e+00> : vector<1024x128xf32>
    %dot_general3A_16 = tpu.matmul %get3A_12, %get3A_15, %dot_general3A {dimension_numbers = #tpu.dot_dimension_numbers<[1], [0], [0], [1], [0, 0, 1, 1], [], []>, transpose_lhs_hint = false} : vector<1024x512xf32>, vector<512x128xf32>, vector<1024x128xf32> -> vector<1024x128xf32>
    %broadcast_in_dim3A = vector.shape_cast %rsqrt3A : vector<1024xf32> to vector<1024x1xf32>
    %mul3A = vector.broadcast %broadcast_in_dim3A : vector<1024x1xf32> to vector<1024x128xf32>
    %mul3A_17 = arith.mulf %dot_general3A_16, %mul3A : vector<1024x128xf32>
    %swap3A = arith.constant 0 : index
    %swap3A_18 = arith.constant 0 : index
    %swap3A_19 = vector.load %arg4[%swap3A, %swap3A_18] : memref<1024x128xf32, #tpu.memory_space<vmem>>, vector<1024x128xf32>
    tpu.vector_store %arg4[%swap3A, %swap3A_18], %mul3A_17 {strides = array<i32>} : memref<1024x128xf32, #tpu.memory_space<vmem>>, vector<1024x128xf32>,
    return
  }
  func.func @transform_0(%arg0: i32) -> (i32, i32) {
    %c0_i32 = arith.constant 0 : i32
    %c0_i32_0 = arith.constant 0 : i32
    return %arg0, %c0_i32 : i32, i32
  }
  func.func @transform_1(%arg0: i32) -> (i32, i32) {
    %c0_i32 = arith.constant 0 : i32
    %c0_i32_0 = arith.constant 0 : i32
    return %c0_i32, %arg0 : i32, i32
  }
  func.func @transform_2(%arg0: i32) -> (i32, i32) {
    %c0_i32 = arith.constant 0 : i32
    %c0_i32_0 = arith.constant 0 : i32
    %c0_i32_1 = arith.constant 0 : i32
    return %c0_i32, %c0_i32_0 : i32, i32
  }
  func.func @transform_3(%arg0: i32) -> (i32, i32) {
    %c0_i32 = arith.constant 0 : i32
    %c0_i32_0 = arith.constant 0 : i32
    return %arg0, %c0_i32 : i32, i32
  }
}

module attributes {stable_mosaic.version = 14 : i64} {
  func.func @_tc2_body(%arg0: i32, %arg1: memref<2x1024x128xf32, #tpu.memory_space<vmem>>, %arg2: memref<1024x128xf32, #tpu.memory_space<vmem>>, %arg3: memref<2x1024xf32, #tpu.memory_space<vmem>>, %arg4: memref<1x128xf32, #tpu.memory_space<vmem>>, %arg5: memref<128x128xf32, #tpu.memory_space<vmem>>, %arg6: memref<1024x128xf32, #tpu.memory_space<vmem>>) attributes {dimension_semantics = [#tpu.dimension_semantics<arbitrary>], iteration_bounds = array<i64: 10>, scalar_prefetch = 0 : i64, scratch_operands = 0 : i64, tpu.core_type = #tpu.core_type<tc>, window_params = [{transform_indices = @transform_0, window_bounds = array<i64: 2, 1024, 128>}, {transform_indices = @transform_1, window_bounds = array<i64: 1024, 128>}, {transform_indices = @transform_2, window_bounds = array<i64: 2, 1024>}, {pipeline_mode = #tpu.pipeline_mode<synchronous>, transform_indices = @transform_3, window_bounds = array<i64: 1, 128>}, {pipeline_mode = #tpu.pipeline_mode<synchronous>, transform_indices = @transform_4, window_bounds = array<i64: 128, 128>}, {transform_indices = @transform_5, window_bounds = array<i64: 1024, 128>}]} {
    %get3A = arith.constant 0 : index
    %get3A_0 = arith.constant 0 : index
    %get3A_1 = vector.load %arg3[%get3A, %get3A_0] : memref<2x1024xf32, #tpu.memory_space<vmem>>, vector<1x1024xf32>
    %get3A_2 = vector.shape_cast %get3A_1 : vector<1x1024xf32> to vector<1024xf32>
    %get3A_3 = arith.constant 1 : index
    %get3A_4 = arith.constant 0 : index
    %get3A_5 = vector.load %arg3[%get3A_3, %get3A_4] : memref<2x1024xf32, #tpu.memory_space<vmem>>, vector<1x1024xf32>
    %get3A_6 = vector.shape_cast %get3A_5 : vector<1x1024xf32> to vector<1024xf32>
    %add3A = arith.addf %get3A_2, %get3A_6 : vector<1024xf32>
    %add3A_7 = arith.constant 1.000000e+00 : f32
    %add3A_8 = vector.broadcast %add3A_7 : f32 to vector<1024xf32>
    %add3A_9 = arith.addf %add3A, %add3A_8 : vector<1024xf32>
    %rsqrt3A = math.rsqrt %add3A_9 : vector<1024xf32>
    %get3A_10 = arith.constant 0 : index
    %get3A_11 = arith.constant 0 : index
    %get3A_12 = arith.constant 0 : index
    %get3A_13 = vector.load %arg1[%get3A_10, %get3A_11, %get3A_12] : memref<2x1024x128xf32, #tpu.memory_space<vmem>>, vector<1x1024x128xf32>
    %get3A_14 = vector.shape_cast %get3A_13 : vector<1x1024x128xf32> to vector<1024x128xf32>
    %get3A_15 = arith.constant 1 : index
    %get3A_16 = arith.constant 0 : index
    %get3A_17 = arith.constant 0 : index
    %get3A_18 = vector.load %arg1[%get3A_15, %get3A_16, %get3A_17] : memref<2x1024x128xf32, #tpu.memory_space<vmem>>, vector<1x1024x128xf32>
    %get3A_19 = vector.shape_cast %get3A_18 : vector<1x1024x128xf32> to vector<1024x128xf32>
    %add3A_20 = arith.addf %get3A_14, %get3A_19 : vector<1024x128xf32>
    %get3A_21 = arith.constant 0 : index
    %get3A_22 = arith.constant 0 : index
    %get3A_23 = vector.load %arg2[%get3A_21, %get3A_22] : memref<1024x128xf32, #tpu.memory_space<vmem>>, vector<1024x128xf32>
    %add3A_24 = arith.addf %add3A_20, %get3A_23 : vector<1024x128xf32>
    %broadcast_in_dim3A = vector.shape_cast %rsqrt3A : vector<1024xf32> to vector<1024x1xf32>
    %mul3A = vector.broadcast %broadcast_in_dim3A : vector<1024x1xf32> to vector<1024x128xf32>
    %mul3A_25 = arith.mulf %add3A_24, %mul3A : vector<1024x128xf32>
    %get3A_26 = arith.constant 0 : index
    %get3A_27 = arith.constant 0 : index
    %get3A_28 = vector.load %arg4[%get3A_26, %get3A_27] : memref<1x128xf32, #tpu.memory_space<vmem>>, vector<1x128xf32>
    %add3A_29 = vector.broadcast %get3A_28 : vector<1x128xf32> to vector<1024x128xf32>
    %add3A_30 = arith.addf %mul3A_25, %add3A_29 : vector<1024x128xf32>
    %max3A = arith.constant 0.000000e+00 : f32
    %max3A_31 = vector.broadcast %max3A : f32 to vector<1024x128xf32>
    %max3A_32 = arith.maximumf %add3A_30, %max3A_31 : vector<1024x128xf32>
    %get3A_33 = arith.constant 0 : index
    %get3A_34 = arith.constant 0 : index
    %get3A_35 = vector.load %arg5[%get3A_33, %get3A_34] : memref<128x128xf32, #tpu.memory_space<vmem>>, vector<128x128xf32>
    %dot_general3A = arith.constant dense<0.000000e+00> : vector<1024x128xf32>
    %dot_general3A_36 = tpu.matmul %max3A_32, %get3A_35, %dot_general3A {dimension_numbers = #tpu.dot_dimension_numbers<[1], [0], [0], [1], [0, 0, 1, 1], [], []>, transpose_lhs_hint = false} : vector<1024x128xf32>, vector<128x128xf32>, vector<1024x128xf32> -> vector<1024x128xf32>
    %broadcast_in_dim3A_37 = vector.shape_cast %rsqrt3A : vector<1024xf32> to vector<1024x1xf32>
    %mul3A_38 = vector.broadcast %broadcast_in_dim3A_37 : vector<1024x1xf32> to vector<1024x128xf32>
    %mul3A_39 = arith.mulf %dot_general3A_36, %mul3A_38 : vector<1024x128xf32>
    %swap3A = arith.constant 0 : index
    %swap3A_40 = arith.constant 0 : index
    %swap3A_41 = vector.load %arg6[%swap3A, %swap3A_40] : memref<1024x128xf32, #tpu.memory_space<vmem>>, vector<1024x128xf32>
    tpu.vector_store %arg6[%swap3A, %swap3A_40], %mul3A_39 {strides = array<i32>} : memref<1024x128xf32, #tpu.memory_space<vmem>>, vector<1024x128xf32>,
    return
  }
  func.func @transform_0(%arg0: i32) -> (i32, i32, i32) {
    %c0_i32 = arith.constant 0 : i32
    %c0_i32_0 = arith.constant 0 : i32
    %c0_i32_1 = arith.constant 0 : i32
    return %c0_i32, %arg0, %c0_i32_0 : i32, i32, i32
  }
  func.func @transform_1(%arg0: i32) -> (i32, i32) {
    %c0_i32 = arith.constant 0 : i32
    %c0_i32_0 = arith.constant 0 : i32
    return %arg0, %c0_i32 : i32, i32
  }
  func.func @transform_2(%arg0: i32) -> (i32, i32) {
    %c0_i32 = arith.constant 0 : i32
    %c0_i32_0 = arith.constant 0 : i32
    return %c0_i32, %arg0 : i32, i32
  }
  func.func @transform_3(%arg0: i32) -> (i32, i32) {
    %c0_i32 = arith.constant 0 : i32
    %c0_i32_0 = arith.constant 0 : i32
    %c0_i32_1 = arith.constant 0 : i32
    return %c0_i32, %c0_i32_0 : i32, i32
  }
  func.func @transform_4(%arg0: i32) -> (i32, i32) {
    %c0_i32 = arith.constant 0 : i32
    %c0_i32_0 = arith.constant 0 : i32
    %c0_i32_1 = arith.constant 0 : i32
    return %c0_i32, %c0_i32_0 : i32, i32
  }
  func.func @transform_5(%arg0: i32) -> (i32, i32) {
    %c0_i32 = arith.constant 0 : i32
    %c0_i32_0 = arith.constant 0 : i32
    return %arg0, %c0_i32 : i32, i32
  }
}

module attributes {stable_mosaic.version = 14 : i64} {
  func.func @_tc3_body(%arg0: i32, %arg1: memref<2x1024x128xf32, #tpu.memory_space<vmem>>, %arg2: memref<1024x128xf32, #tpu.memory_space<vmem>>, %arg3: memref<2x1024xf32, #tpu.memory_space<vmem>>, %arg4: memref<1x128xf32, #tpu.memory_space<vmem>>, %arg5: memref<1024x128xf32, #tpu.memory_space<vmem>>) attributes {dimension_semantics = [#tpu.dimension_semantics<arbitrary>], iteration_bounds = array<i64: 10>, scalar_prefetch = 0 : i64, scratch_operands = 0 : i64, tpu.core_type = #tpu.core_type<tc>, window_params = [{transform_indices = @transform_0, window_bounds = array<i64: 2, 1024, 128>}, {transform_indices = @transform_1, window_bounds = array<i64: 1024, 128>}, {transform_indices = @transform_2, window_bounds = array<i64: 2, 1024>}, {pipeline_mode = #tpu.pipeline_mode<synchronous>, transform_indices = @transform_3, window_bounds = array<i64: 1, 128>}, {transform_indices = @transform_4, window_bounds = array<i64: 1024, 128>}]} {
    %get3A = arith.constant 0 : index
    %get3A_0 = arith.constant 0 : index
    %get3A_1 = vector.load %arg3[%get3A, %get3A_0] : memref<2x1024xf32, #tpu.memory_space<vmem>>, vector<1x1024xf32>
    %get3A_2 = vector.shape_cast %get3A_1 : vector<1x1024xf32> to vector<1024xf32>
    %get3A_3 = arith.constant 1 : index
    %get3A_4 = arith.constant 0 : index
    %get3A_5 = vector.load %arg3[%get3A_3, %get3A_4] : memref<2x1024xf32, #tpu.memory_space<vmem>>, vector<1x1024xf32>
    %get3A_6 = vector.shape_cast %get3A_5 : vector<1x1024xf32> to vector<1024xf32>
    %add3A = arith.addf %get3A_2, %get3A_6 : vector<1024xf32>
    %add3A_7 = arith.constant 1.000000e+00 : f32
    %add3A_8 = vector.broadcast %add3A_7 : f32 to vector<1024xf32>
    %add3A_9 = arith.addf %add3A, %add3A_8 : vector<1024xf32>
    %rsqrt3A = math.rsqrt %add3A_9 : vector<1024xf32>
    %get3A_10 = arith.constant 0 : index
    %get3A_11 = arith.constant 0 : index
    %get3A_12 = arith.constant 0 : index
    %get3A_13 = vector.load %arg1[%get3A_10, %get3A_11, %get3A_12] : memref<2x1024x128xf32, #tpu.memory_space<vmem>>, vector<1x1024x128xf32>
    %get3A_14 = vector.shape_cast %get3A_13 : vector<1x1024x128xf32> to vector<1024x128xf32>
    %get3A_15 = arith.constant 1 : index
    %get3A_16 = arith.constant 0 : index
    %get3A_17 = arith.constant 0 : index
    %get3A_18 = vector.load %arg1[%get3A_15, %get3A_16, %get3A_17] : memref<2x1024x128xf32, #tpu.memory_space<vmem>>, vector<1x1024x128xf32>
    %get3A_19 = vector.shape_cast %get3A_18 : vector<1x1024x128xf32> to vector<1024x128xf32>
    %add3A_20 = arith.addf %get3A_14, %get3A_19 : vector<1024x128xf32>
    %get3A_21 = arith.constant 0 : index
    %get3A_22 = arith.constant 0 : index
    %get3A_23 = vector.load %arg2[%get3A_21, %get3A_22] : memref<1024x128xf32, #tpu.memory_space<vmem>>, vector<1024x128xf32>
    %add3A_24 = arith.addf %add3A_20, %get3A_23 : vector<1024x128xf32>
    %broadcast_in_dim3A = vector.shape_cast %rsqrt3A : vector<1024xf32> to vector<1024x1xf32>
    %mul3A = vector.broadcast %broadcast_in_dim3A : vector<1024x1xf32> to vector<1024x128xf32>
    %mul3A_25 = arith.mulf %add3A_24, %mul3A : vector<1024x128xf32>
    %get3A_26 = arith.constant 0 : index
    %get3A_27 = arith.constant 0 : index
    %get3A_28 = vector.load %arg4[%get3A_26, %get3A_27] : memref<1x128xf32, #tpu.memory_space<vmem>>, vector<1x128xf32>
    %add3A_29 = vector.broadcast %get3A_28 : vector<1x128xf32> to vector<1024x128xf32>
    %add3A_30 = arith.addf %mul3A_25, %add3A_29 : vector<1024x128xf32>
    %swap3A = arith.constant 0 : index
    %swap3A_31 = arith.constant 0 : index
    %swap3A_32 = vector.load %arg5[%swap3A, %swap3A_31] : memref<1024x128xf32, #tpu.memory_space<vmem>>, vector<1024x128xf32>
    tpu.vector_store %arg5[%swap3A, %swap3A_31], %add3A_30 {strides = array<i32>} : memref<1024x128xf32, #tpu.memory_space<vmem>>, vector<1024x128xf32>,
    return
  }
  func.func @transform_0(%arg0: i32) -> (i32, i32, i32) {
    %c0_i32 = arith.constant 0 : i32
    %c0_i32_0 = arith.constant 0 : i32
    %c0_i32_1 = arith.constant 0 : i32
    return %c0_i32, %arg0, %c0_i32_0 : i32, i32, i32
  }
  func.func @transform_1(%arg0: i32) -> (i32, i32) {
    %c0_i32 = arith.constant 0 : i32
    %c0_i32_0 = arith.constant 0 : i32
    return %arg0, %c0_i32 : i32, i32
  }
  func.func @transform_2(%arg0: i32) -> (i32, i32) {
    %c0_i32 = arith.constant 0 : i32
    %c0_i32_0 = arith.constant 0 : i32
    return %c0_i32, %arg0 : i32, i32
  }
  func.func @transform_3(%arg0: i32) -> (i32, i32) {
    %c0_i32 = arith.constant 0 : i32
    %c0_i32_0 = arith.constant 0 : i32
    %c0_i32_1 = arith.constant 0 : i32
    return %c0_i32, %c0_i32_0 : i32, i32
  }
  func.func @transform_4(%arg0: i32) -> (i32, i32) {
    %c0_i32 = arith.constant 0 : i32
    %c0_i32_0 = arith.constant 0 : i32
    return %arg0, %c0_i32 : i32, i32
  }
}

</mosaic_0001>

<sc_bundles>
// kernel: kernel.11.cloned.1.call-start
scs
__scs_entry_jumppad:
0x0: {  	(pc) =	sbr.rel $0x88, $3  }
0x1: {  	(tag) =	ssettag $0x0;
	lr =	simm.s32 $0x1  }
0x2: {  	[smem:$0x3F98] =	sst lr;
	_ =	strace $0xD0000000  }
0x3: {  	_ = 	snop  }
0x4: {  	_ = 	snop  }
0x5: {  	_ = 	snop  }
0x6: {  	_ = 	snop  }
0x7: {  	_ = 	snop  }
__scs_overlays_trampoline_lowered:
0x8: {  	[smem:$0x3FA7] =	sst s0  }
0x9: {  	[smem:$0x3FA8] =	sst s1  }
0xa: {  	[smem:$0x3FA9] =	sst s2  }
0xb: {  	[smem:$0x3FAA] =	sst s3  }
0xc: {  	[smem:$0x3FAB] =	sst s4  }
0xd: {  	[smem:$0x3FAC] =	sst s5  }
0xe: {  	[smem:$0x3FAD] =	sst s6  }
0xf: {  	[smem:$0x3FAE] =	sst s7  }
0x10: {  	[smem:$0x3FAF] =	sst s8  }
0x11: {  	[smem:$0x3FB0] =	sst s9;
	s0 =	simm.s32 @!p0 $0x0  }
0x12: {  	s1 =	sld [smem:$0x3F96];
	s0 =	simm.s32 @p0 $0x1  }
0x13: {  	[smem:$0x3FB1] =	sst s0;
	s0 =	simm.s32 @!p1 $0x0  }
0x14: {  	s2 =	sld [smem:$0x3F95];
	s0 =	simm.s32 @p1 $0x1  }
0x15: {  	[smem:$0x3FB2] =	sst s0;
	s0 =	simm.s32 @!p2 $0x0  }
0x16: {  	s3 =	sld [smem:$0x3FDB];
	s0 =	simm.s32 @p2 $0x1  }
0x17: {  	s4 =	simm.s32 $0x1BF5;
	[smem:$0x3FB4] =	sst s0  }
0x18: {  	s0 =	sld [smem:$0x3F97];
	_ =	swait.ge [sflag:s4], $0x0  }
0x19: {  	s7 =	sld [smem:$0x3F98]  }
0x1a: {  	s8 =	sadd.s32 $0xFFFFE003, lr  }
0x1b: {  	s9 =	sadd.s32 $0xFFFFFEF7, lr;
	s5 =	simm.s32 $0xFFFFFFFF;
	p2 =	slt.u32 s8, $0xFFFFF086  }
0x1c: {  	p1 =	slt.u32 s9, $0xF7A;
	s5 =	simm.s32 @!p2 $0x0  }
0x1d: {  	s5 =	simm.s32 @p1 $0x1;
	p0 =	seq.s32 s7, s2  }
0x1e: {  	s7 =	smul.u32 @!p0 $0xF7A, s2;
	p2 =	seq.s32 @!p0 s5, $0x0  }
0x1f: {  	s9 =	smul.u32 $0xF7A, s1;
	s8 =	simm.s32 @!p0 $0x1BF5;
	p2 =	por !p2, p0  }
0x20: {  	[sflag:s8] =	ssyncset.s32 @!p0 $0xFFFFF086;
	s6 =	sadd.s32 @!p0 s3, s7;
	s7 =	simm.s32 @!p0 $0x108  }
0x21: {  	s3 =	sadd.s32 s3, s9;
	s6 =	sadd.s32 @!p0 $0x88, s6;
	s7 =	simm.s32 @p2 $0x1082  }
0x22: {  	[simem:s7], [sflag:s8] =	dma.local @!p0 [hbm:s6], $0xF7A  }
0x23: {  	s9 =	sor.u32 $0xD0000000, s2;
	s6 =	simm.s32 $0x108;
	_ =	swait.ge @!p0 [sflag:s8], $0x0  }
0x24: {  	s3 =	sadd.s32 $0x88, s3;
	s6 =	simm.s32 @!p1 $0x1082;
	[sflag:s4] =	ssyncset.s32 $0xFFFFF086  }
0x25: {  	[simem:s6], [sflag:s4] =	dma.local [hbm:s3], $0xF7A  }
0x26: {  	[smem:$0x3F98] =	sst s1;
	(tag) =	ssettag s2;
	_ =	strace s9  }
0x27: {  	s1 =	sld [smem:$0x3FA8]  }
0x28: {  	s2 =	sld [smem:$0x3FA9]  }
0x29: {  	s4 =	sld [smem:$0x3FAB]  }
0x2a: {  	p0 =	seq.s32 s5, $0x0;
	s5 =	sld [smem:$0x3FAC]  }
0x2b: {  	s6 =	sld [smem:$0x3FAD]  }
0x2c: {  	s7 =	sld [smem:$0x3FAE]  }
0x2d: {  	s3 =	simm.s32 $0x108;
	s8 =	sld [smem:$0x3FAF]  }
0x2e: {  	s3 =	simm.s32 @!p0 $0x1082;
	s9 =	sld [smem:$0x3FB0]  }
0x2f: {  	lr =	sadd.s32 s0, s3;
	s0 =	sld [smem:$0x3FA7]  }
0x30: {  	s3 =	sld [smem:$0x3FAA]  }
0x31: {  	[smem:$0x3FB3] =	sst s10  }
0x32: {  	s10 =	sld [smem:$0x3FB1];
	_ =	sdelay $0x3  }
0x33: {  	p0 =	seq.s32 s10, $0x1;
	s10 =	sld [smem:$0x3FB3];
	_ =	sdelay $0x3  }
0x34: {  	[smem:$0x3FB3] =	sst s10  }
0x35: {  	s10 =	sld [smem:$0x3FB2];
	_ =	sdelay $0x3  }
0x36: {  	p1 =	seq.s32 s10, $0x1;
	s10 =	sld [smem:$0x3FB3];
	_ =	sdelay $0x3  }
0x37: {  	[smem:$0x3FB3] =	sst s10  }
0x38: {  	s10 =	sld [smem:$0x3FB4]  }
0x39: {  	_ = 	snop;
	(pc) =	sbr.ind lr, $3  }
0x3a: {  	_ = 	snop  }
0x3b: {  	_ = 	snop  }
0x3c: {  	p2 =	seq.s32 s10, $0x1;
	s10 =	sld [smem:$0x3FB3]  }
0x3d: {  	_ =	shalt  }
0x3e: {  	_ =	shalt  }
0x3f: {  	_ =	shalt  }
0x40: {  	_ =	shalt  }
0x41: {  	_ =	shalt  }
0x42: {  	_ =	shalt  }
0x43: {  	_ =	shalt  }
0x44: {  	_ =	shalt  }
0x45: {  	_ =	shalt  }
0x46: {  	_ =	shalt  }
0x47: {  	_ =	shalt  }
0x48: {  	_ =	shalt  }
0x49: {  	_ =	shalt  }
0x4a: {  	_ =	shalt  }
0x4b: {  	_ =	shalt  }
0x4c: {  	_ =	shalt  }
0x4d: {  	_ =	shalt  }
0x4e: {  	_ =	shalt  }
0x4f: {  	_ =	shalt  }
0x50: {  	_ =	shalt  }
0x51: {  	_ =	shalt  }
0x52: {  	_ =	shalt  }
0x53: {  	_ =	shalt  }
0x54: {  	_ =	shalt  }
0x55: {  	_ =	shalt  }
0x56: {  	_ =	shalt  }
0x57: {  	_ =	shalt  }
0x58: {  	_ =	shalt  }
0x59: {  	_ =	shalt  }
0x5a: {  	_ =	shalt  }
0x5b: {  	_ =	shalt  }
0x5c: {  	_ =	shalt  }
0x5d: {  	_ =	shalt  }
0x5e: {  	_ =	shalt  }
0x5f: {  	_ =	shalt  }
0x60: {  	_ =	shalt  }
0x61: {  	_ =	shalt  }
0x62: {  	_ =	shalt  }
0x63: {  	_ =	shalt  }
0x64: {  	_ =	shalt  }
0x65: {  	_ =	shalt  }
0x66: {  	_ =	shalt  }
0x67: {  	_ =	shalt  }
0x68: {  	_ =	shalt  }
0x69: {  	_ =	shalt  }
0x6a: {  	_ =	shalt  }
0x6b: {  	_ =	shalt  }
0x6c: {  	_ =	shalt  }
0x6d: {  	_ =	shalt  }
0x6e: {  	_ =	shalt  }
0x6f: {  	_ =	shalt  }
0x70: {  	_ =	shalt  }
0x71: {  	_ =	shalt  }
0x72: {  	_ =	shalt  }
0x73: {  	_ =	shalt  }
0x74: {  	_ =	shalt  }
0x75: {  	_ =	shalt  }
0x76: {  	_ =	shalt  }
0x77: {  	_ =	shalt  }
0x78: {  	_ =	shalt  }
0x79: {  	_ =	shalt  }
0x7a: {  	_ =	shalt  }
0x7b: {  	_ =	shalt  }
0x7c: {  	_ =	shalt  }
0x7d: {  	_ =	shalt  }
0x7e: {  	_ =	shalt  }
0x7f: {  	_ =	shalt  }
0x80: {  	_ =	shalt  }
0x81: {  	_ =	shalt  }
0x82: {  	_ =	shalt  }
0x83: {  	_ =	shalt  }
0x84: {  	_ =	shalt  }
0x85: {  	_ =	shalt  }
0x86: {  	_ =	shalt  }
0x87: {  	_ =	shalt  }
.Lfunc_end0:
.L_simem_size_0:
called_computation.1_lowered:
.L_overlay_start_0:
0x88: {  	s2 =	sld [smem:$0x3FD9]  }
0x89: {  	s3 =	sld [smem:$0x3FFE];
	_ =	sdelay $0x1  }
0x8a: {  	s1 =	srdreg.scid  }
0x8b: {  	s0 =	sand.u32 $0x1, s1  }
0x8c: {  	s16 =	sshll.u32 s0, $0xA;
	s2 =	sadd.s32 s3, s2  }
0x8d: {  	s2 =	sadd.s32 s2, s16  }
0x8e: {  	[smem:$0x3FBF] =	sst s2  }
0x8f: {  	_ = 	snop  }
0x90: {  	(tm) =	ssettm $0x1  }
0x91: {  	s17 =	sld [smem:$0x3FFB];
	_ =	sdelay $0x3  }
0x92: {  	_ =	strace s17  }
0x93: {  	s2 =	sld [smem:$0x3FFC];
	_ =	sdelay $0x3  }
0x94: {  	_ =	strace s2  }
0x95: {  	s2 =	sld [smem:$0x3FFD];
	_ =	sdelay $0x3  }
0x96: {  	_ =	strace s2  }
0x97: {  	_ =	strace $0x8FFFFFFF  }
0x98: {  	s18 =	sld [smem:$0x3FDB];
	_ =	sdelay $0x1  }
0x99: {  	s19 =	simm.s32 $_scs_section_size  }
0x9a: {  	s4 =	simm.s32 $_size__tile_overlayer_lowered;
	s5 =	simm.s32 $_tile_overlayer_lowered  }
0x9b: {  	s22 =	simm.s32 $0x1BFF;
	s21 =	sshll.u32 s5, $0x1;
	s2 =	sadd.s32 s19, s18  }
0x9c: {  	s6 =	simm.s32 $0x0;
	s20 =	sshll.u32 s4, $0x1;
	s4 =	sadd.s32 s21, s2  }
0x9d: {  	[timem:s6], [sflag:s22] =	dma.local [hbm:s4], s20  }
0x9e: {  	_ =	swait.ge [sflag:s22], s20  }
0x9f: {  	s3 =	ssub.s32 $0x0, s20;
	[sflag:s22] =	ssyncset.done $0x0  }
0xa0: {  	[sflag:s22] =	ssyncadd.s32 s3;
	_ =	sdelay $0x1  }
0xa1: {  	s23 =	simm.s32 $0x1B8B  }
0xa2: {  	_ =	swait.ge [sflag:s23], $0x1  }
0xa3: {  	[sflag:s23] =	ssyncset.done $0x0  }
0xa4: {  	s25 =	simm.s32 $0x1B8E;
	s24 =	sld [smem:$0x3FFE];
	[sflag:s23] =	ssyncadd.s32 $0xFFFFFFFF  }
0xa5: {  	s26 =	simm.s32 $execute0_lowered;
	[smem:$0x3FD2] =	sst s25  }
0xa6: {  	s4 =	sshll.u32 s26, $0x1;
	_ =	strace $0x80000049;
	[dreg:$0x1] =	wrdreg $0xFFFFFFFF  }
0xa7: {  	s28 =	simm.s32 $_size_execute0_lowered;
	s2 =	sadd.s32 s2, s4;
	[dreg:$0x0] =	wrdreg $0x0  }
0xa8: {  	s4 =	sshll.u32 s28, $0x1;
	[dreg:$0x2] =	wrdreg s2  }
0xa9: {  	[dreg:$0x3] =	wrdreg s4  }
0xaa: {  	[dreg:$0x4] =	wrdreg $0xC0  }
0xab: {  	_ =	task [dreg:s6], $0x5FFFF  }
0xac: {  	[dreg:$0x1] =	wrdreg $0xFFFFFFFF  }
0xad: {  	[dreg:$0x0] =	wrdreg $0x60  }
0xae: {  	[dreg:$0x2] =	wrdreg s24  }
0xaf: {  	[dreg:$0x3] =	wrdreg $0xB8000  }
0xb0: {  	[dreg:$0x4] =	wrdreg $0x9  }
0xb1: {  	_ =	task.clear_ibuf [dreg:s6], $0x5FFFF;
	_ =	strace $0x90000049  }
0xb2: {  	s29 =	simm.s32 $0x9;
	_ =	strace $0x8000004B  }
0xb3: {  	_ =	swait.ge [sflag:s29], $0x1  }
0xb4: {  	[sflag:s29] =	ssyncadd.s32 $0xFFFFFFFF  }
0xb5: {  	_ =	strace $0x9000004B  }
0xb6: {  	_ =	sfence  }
0xb7: {  	s30 =	sld [smem:$0x0];
	_ =	sdelay $0x2  }
0xb8: {  	s31 =	sshll.u32 s1, $0xD;
	s1 =	sshrl.u32 s1, $0x2  }
0xb9: {  	s3 =	sand.u32 $0x4000, s31;
	s1 =	sadd.s32 s1, s30  }
0xba: {  	s0 =	sor.u32 s3, s0;
	s1 =	sshll.u32 s1, $0x11  }
0xbb: {  	s0 =	sor.u32 s1, s0  }
0xbc: {  	s0 =	sadd.s32 $0x8F2B, s0  }
0xbd: {  	[sflag:s0] =	ssyncadd.remote.s32 $0x1  }
0xbe: {  	_ =	sfence.sel $0xFFFF  }
0xbf: {  	[dreg:$0x0] =	wrdreg $0xFFFFFFFF;
	(pc) =	sbr.abs _section_cstart, $3  }
0xc0: {  	[dreg:$0x1] =	wrdreg $0xFFFFFFFF  }
0xc1: {  	_ =	task.clear_ibuf [dreg:s6], $0x2FFFF;
	_ =	strace $0x9FFFFFFF  }
0xc2: {  	(tm) =	ssettm $0x7FFFFFFF  }
0xc3: {  	_ =	shalt  }
tec
execute0_lowered:
.L_overlay_start_1:
0x0: {  	(tag) =	ssettag $0x1  }
0x1: {  	s1 =	srdreg.scid;
	s6 =	rddreg [dreg:$0x0]  }
0x2: {  	s0 =	stileid.u32;
	s2 =	rddreg [dreg:$0x1]  }
0x3: {  	s3 =	simm.s32 $0x0;
	s14 =	simm.s32 $0x2800;
	s15 =	simm.s32 $0x5000  }
0x4: {  	s16 =	simm.s32 $0x80;
	s17 =	simm.s32 $0x7800;
	s18 =	simm.s32 $0x1  }
0x5: {  	s19 =	simm.s32 $0x0;
	s5 =	sand.u32 $0x1, s1;
	s8 =	smul.u32 $0x14000, s0  }
0x6: {  	s25 =	sshll.u32 s0, $0x1;
	[smem:$0x7FF] =	sst s3;
	s28 =	smul.u32 $0x50000, s0  }
0x7: {  	s4 =	sadd.s32 $0x2200, s6;
	s1 =	sor.u32 s5, s25;
	s9 =	smul.u32 $0x140000, s5  }
0x8: {  	s31 =	sshll.u32 s0, $0x6;
	s5 =	ssub.s32 $0x2, s5;
	s7 =	smul.u32 $0x500, s1  }
0x9: {  	s1 =	rddreg [dreg:$0x2];
	_ =	strace $0x8000004A;
	s26 =	sshrl.u32 s8, $0x3  }
0xa: {  	s29 =	sshrl.u32 s5, $0x1;
	s30 =	sshrl.u32 s28, $0x2;
	s8 =	sadd.s32 s8, s9  }
0xb: {  	s12 =	ssub.s32 s5, s29;
	s13 =	sadd.s32 s30, s2;
	s8 =	sshrl.u32 s8, $0x3  }
0xc: {  	s10 =	sadd.s32 s7, s6;
	s7 =	sadd.s32 s26, s6;
	s11 =	sadd.s32 s8, s6  }
0xd: {  	s5 =	sadd.s32 $0x2A200, s7;
	s6 =	sor.u32 $0x1C02, s31;
	s7 =	sadd.s32 $0xBB200, s10  }
0xe: {  	s8 =	sadd.s32 $0xB1200, s10;
	s9 =	sadd.s32 $0xC5200, s10;
	s10 =	sadd.s32 $0x52200, s11  }
0xf: {  	s11 =	smax.u32 s12, $0x1;
	s12 =	sshrl.u32 s13, $0x3;
	s13 =	simm.s32 $0x2  }
.LBB2_1:
0x10: {  	[spmem:s12], [sflag:s6] =	dma.local [hbm:s5], $0x2800  }
0x11: {  	_ =	swait.ge [sflag:s13], $0x2800  }
0x12: {  	[sflag:s13] =	ssyncset.done $0x0  }
0x13: {  	[sflag:s13] =	ssyncadd.s32 $0xFFFFD800  }
0x14: {  	[tilespmem:s3], [sflag:$0x2] =	stream.linear.gather [hbm4b:s7+s3], $0x2780, $0x38;
	[tilespmem:$0x1F800] =	vst v63  }
0x15: {  	_ =	swait.ge [sflag:s13], $0x2780  }
0x16: {  	[sflag:s13] =	ssyncset.done $0x0  }
0x17: {  	[sflag:s13] =	ssyncadd.s32 $0xFFFFD880  }
0x18: {  	[tilespmem:s14], [sflag:$0x2] =	stream.linear.gather [hbm4b:s8+s3], $0x2780, $0x38;
	[tilespmem:$0x1F800] =	vst v63  }
0x19: {  	_ =	swait.ge [sflag:s13], $0x2780  }
0x1a: {  	[sflag:s13] =	ssyncset.done $0x0  }
0x1b: {  	[sflag:s13] =	ssyncadd.s32 $0xFFFFD880  }
0x1c: {  	[tilespmem:s15], [sflag:$0x2] =	stream.linear.gather [hbm4b:s9+s3], $0x2780, $0x38;
	[tilespmem:$0x1F800] =	vst v63  }
0x1d: {  	_ =	swait.ge [sflag:s13], $0x2780  }
0x1e: {  	[sflag:s13] =	ssyncset.done $0x0  }
0x1f: {  	[sflag:s13] =	ssyncadd.s32 $0xFFFFD880  }
0x20: {  	s20 =	simm.s32 $0x0;
	[bflag:$0x0] =	sbarrier.arrive $0xFFFF  }
.LBB2_2:
0x21: {  	s21 =	sshll.u32 s20, $0x7  }
0x22: {  	[tilespmem:s17], [sflag:$0x1] =	stream.indirect.gather [hbm4b:s4+s16], $0x80, s21, s16, $0xb8;
	[tilespmem:$0x1F800] =	vst v63  }
0x23: {  	s23 =	sadd.s32 $0x5000, s21  }
0x24: {  	_ =	swait.ge [sflag:s18], $0x4000;
	v0 =	vmov s23  }
0x25: {  	[sflag:s18] =	ssyncset.done $0x0  }
0x26: {  	s22 =	simm.s32 $0x0;
	[sflag:s18] =	ssyncadd.s32 $0xFFFFC000  }
.LBB2_3:
0x27: {  	s23 =	sshll.u32 s22, $0x4  }
0x28: {  	s23 =	sand.u32 $0x3FFFFFF0, s23  }
0x29: {  	s31 =	sshll.u32 s22, $0xB;
	v1 =	vld.idx.msk [tilespmem:v0+s23+$0x0 ss:$0x1], $0xffff  }
0x2a: {  	s23 =	sand.u32 $0x3FFFF800, s31  }
0x2b: {  	v2 =	vld [tilespmem:s23+$0x7800]  }
0x2c: {  	v3 =	vld [tilespmem:s23+$0x7810]  }
0x2d: {  	v4 =	vld [tilespmem:s23+$0x7820]  }
0x2e: {  	v6 =	vld [tilespmem:s23+$0x7830];
	v5 =	vbroadcast v1, $0x0  }
0x2f: {  	v7 =	vld [tilespmem:s23+$0x7840]  }
0x30: {  	v8 =	vld [tilespmem:s23+$0x7850];
	v2 =	vmul.f32 v5, v2  }
0x31: {  	v9 =	vld [tilespmem:s23+$0x7860];
	v3 =	vmul.f32 v3, v5  }
0x32: {  	v34 =	vld [tilespmem:s23+$0x7870];
	[tilespmem:s23+$0x7800] =	vst v2;
	v2 =	vmul.f32 v4, v5  }
0x33: {  	v35 =	vld [tilespmem:s23+$0x7880];
	[tilespmem:s23+$0x7810] =	vst v3;
	v3 =	vmul.f32 v6, v5  }
0x34: {  	v36 =	vld [tilespmem:s23+$0x7890];
	[tilespmem:s23+$0x7820] =	vst v2;
	v2 =	vmul.f32 v7, v5  }
0x35: {  	v37 =	vld [tilespmem:s23+$0x78A0];
	[tilespmem:s23+$0x7830] =	vst v3;
	v3 =	vmul.f32 v8, v5  }
0x36: {  	v10 =	vld [tilespmem:s23+$0x78B0];
	v38 =	vbroadcast v1, $0x1;
	[tilespmem:s23+$0x7840] =	vst v2;
	v2 =	vmul.f32 v9, v5  }
0x37: {  	v39 =	vld [tilespmem:s23+$0x78C0];
	[tilespmem:s23+$0x7850] =	vst v3;
	v3 =	vmul.f32 v34, v5  }
0x38: {  	v40 =	vld [tilespmem:s23+$0x78D0];
	[tilespmem:s23+$0x7860] =	vst v2;
	v2 =	vmul.f32 v35, v38  }
0x39: {  	v41 =	vld [tilespmem:s23+$0x78E0];
	[tilespmem:s23+$0x7870] =	vst v3;
	v3 =	vmul.f32 v36, v38  }
0x3a: {  	v42 =	vld [tilespmem:s23+$0x78F0];
	[tilespmem:s23+$0x7880] =	vst v2;
	v2 =	vmul.f32 v37, v38  }
0x3b: {  	v43 =	vld [tilespmem:s23+$0x7900];
	[tilespmem:s23+$0x7890] =	vst v3;
	v3 =	vmul.f32 v10, v38  }
0x3c: {  	v44 =	vld [tilespmem:s23+$0x7910];
	[tilespmem:s23+$0x78A0] =	vst v2;
	v2 =	vmul.f32 v39, v38  }
0x3d: {  	v45 =	vld [tilespmem:s23+$0x7920];
	[tilespmem:s23+$0x78B0] =	vst v3;
	v3 =	vmul.f32 v40, v38  }
0x3e: {  	v47 =	vld [tilespmem:s23+$0x7930];
	v46 =	vbroadcast v1, $0x2;
	[tilespmem:s23+$0x78C0] =	vst v2;
	v2 =	vmul.f32 v41, v38  }
0x3f: {  	v48 =	vld [tilespmem:s23+$0x7940];
	[tilespmem:s23+$0x78D0] =	vst v3;
	v3 =	vmul.f32 v42, v38  }
0x40: {  	v49 =	vld [tilespmem:s23+$0x7950];
	[tilespmem:s23+$0x78E0] =	vst v2;
	v2 =	vmul.f32 v43, v46  }
0x41: {  	v50 =	vld [tilespmem:s23+$0x7960];
	[tilespmem:s23+$0x78F0] =	vst v3;
	v3 =	vmul.f32 v44, v46  }
0x42: {  	v51 =	vld [tilespmem:s23+$0x7970];
	[tilespmem:s23+$0x7900] =	vst v2;
	v2 =	vmul.f32 v45, v46  }
0x43: {  	v52 =	vld [tilespmem:s23+$0x7980];
	[tilespmem:s23+$0x7910] =	vst v3;
	v3 =	vmul.f32 v47, v46  }
0x44: {  	v53 =	vld [tilespmem:s23+$0x7990];
	[tilespmem:s23+$0x7920] =	vst v2;
	v2 =	vmul.f32 v48, v46  }
0x45: {  	v54 =	vld [tilespmem:s23+$0x79A0];
	[tilespmem:s23+$0x7930] =	vst v3;
	v3 =	vmul.f32 v49, v46  }
0x46: {  	v56 =	vld [tilespmem:s23+$0x79B0];
	v55 =	vbroadcast v1, $0x3;
	[tilespmem:s23+$0x7940] =	vst v2;
	v2 =	vmul.f32 v50, v46  }
0x47: {  	v57 =	vld [tilespmem:s23+$0x79C0];
	[tilespmem:s23+$0x7950] =	vst v3;
	v3 =	vmul.f32 v51, v46  }
0x48: {  	v58 =	vld [tilespmem:s23+$0x79D0];
	[tilespmem:s23+$0x7960] =	vst v2;
	v2 =	vmul.f32 v52, v55  }
0x49: {  	v59 =	vld [tilespmem:s23+$0x79E0];
	[tilespmem:s23+$0x7970] =	vst v3;
	v3 =	vmul.f32 v53, v55  }
0x4a: {  	v60 =	vld [tilespmem:s23+$0x79F0];
	[tilespmem:s23+$0x7980] =	vst v2;
	v2 =	vmul.f32 v54, v55  }
0x4b: {  	v61 =	vld [tilespmem:s23+$0x7A00];
	[tilespmem:s23+$0x7990] =	vst v3;
	v3 =	vmul.f32 v56, v55  }
0x4c: {  	v62 =	vld [tilespmem:s23+$0x7A10];
	[tilespmem:s23+$0x79A0] =	vst v2;
	v2 =	vmul.f32 v57, v55  }
0x4d: {  	v63 =	vld [tilespmem:s23+$0x7A20];
	[tilespmem:s23+$0x79B0] =	vst v3;
	v3 =	vmul.f32 v58, v55  }
0x4e: {  	v13 =	vld [tilespmem:s23+$0x7A30];
	v12 =	vbroadcast v1, $0x4;
	[tilespmem:s23+$0x79C0] =	vst v2;
	v2 =	vmul.f32 v59, v55  }
0x4f: {  	v14 =	vld [tilespmem:s23+$0x7A40];
	[tilespmem:s23+$0x79D0] =	vst v3;
	v3 =	vmul.f32 v60, v55  }
0x50: {  	v15 =	vld [tilespmem:s23+$0x7A50];
	[tilespmem:s23+$0x79E0] =	vst v2;
	v2 =	vmul.f32 v61, v12  }
0x51: {  	v16 =	vld [tilespmem:s23+$0x7A60];
	[tilespmem:s23+$0x79F0] =	vst v3;
	v3 =	vmul.f32 v62, v12  }
0x52: {  	v17 =	vld [tilespmem:s23+$0x7A70];
	[tilespmem:s23+$0x7A00] =	vst v2;
	v2 =	vmul.f32 v63, v12  }
0x53: {  	v18 =	vld [tilespmem:s23+$0x7A80];
	[tilespmem:s23+$0x7A10] =	vst v3;
	v3 =	vmul.f32 v13, v12  }
0x54: {  	v19 =	vld [tilespmem:s23+$0x7A90];
	[tilespmem:s23+$0x7A20] =	vst v2;
	v2 =	vmul.f32 v14, v12  }
0x55: {  	v20 =	vld [tilespmem:s23+$0x7AA0];
	[tilespmem:s23+$0x7A30] =	vst v3;
	v3 =	vmul.f32 v15, v12  }
0x56: {  	v22 =	vld [tilespmem:s23+$0x7AB0];
	v21 =	vbroadcast v1, $0x5;
	[tilespmem:s23+$0x7A40] =	vst v2;
	v2 =	vmul.f32 v16, v12  }
0x57: {  	v23 =	vld [tilespmem:s23+$0x7AC0];
	[tilespmem:s23+$0x7A50] =	vst v3;
	v3 =	vmul.f32 v17, v12  }
0x58: {  	v24 =	vld [tilespmem:s23+$0x7AD0];
	[tilespmem:s23+$0x7A60] =	vst v2;
	v2 =	vmul.f32 v18, v21  }
0x59: {  	v25 =	vld [tilespmem:s23+$0x7AE0];
	[tilespmem:s23+$0x7A70] =	vst v3;
	v3 =	vmul.f32 v19, v21  }
0x5a: {  	v26 =	vld [tilespmem:s23+$0x7AF0];
	[tilespmem:s23+$0x7A80] =	vst v2;
	v2 =	vmul.f32 v20, v21  }
0x5b: {  	v27 =	vld [tilespmem:s23+$0x7B00];
	[tilespmem:s23+$0x7A90] =	vst v3;
	v3 =	vmul.f32 v22, v21  }
0x5c: {  	v28 =	vld [tilespmem:s23+$0x7B10];
	[tilespmem:s23+$0x7AA0] =	vst v2;
	v2 =	vmul.f32 v23, v21  }
0x5d: {  	v29 =	vld [tilespmem:s23+$0x7B20];
	[tilespmem:s23+$0x7AB0] =	vst v3;
	v3 =	vmul.f32 v24, v21  }
0x5e: {  	v31 =	vld [tilespmem:s23+$0x7B30];
	v30 =	vbroadcast v1, $0x6;
	[tilespmem:s23+$0x7AC0] =	vst v2;
	v2 =	vmul.f32 v25, v21  }
0x5f: {  	v32 =	vld [tilespmem:s23+$0x7B40];
	[tilespmem:s23+$0x7AD0] =	vst v3;
	v3 =	vmul.f32 v26, v21  }
0x60: {  	v33 =	vld [tilespmem:s23+$0x7B50];
	[tilespmem:s23+$0x7AE0] =	vst v2;
	v2 =	vmul.f32 v27, v30  }
0x61: {  	v34 =	vld [tilespmem:s23+$0x7B60];
	[tilespmem:s23+$0x7AF0] =	vst v3;
	v3 =	vmul.f32 v28, v30  }
0x62: {  	v35 =	vld [tilespmem:s23+$0x7B70];
	[tilespmem:s23+$0x7B00] =	vst v2;
	v2 =	vmul.f32 v29, v30  }
0x63: {  	v36 =	vld [tilespmem:s23+$0x7B80];
	[tilespmem:s23+$0x7B10] =	vst v3;
	v3 =	vmul.f32 v31, v30  }
0x64: {  	v37 =	vld [tilespmem:s23+$0x7B90];
	[tilespmem:s23+$0x7B20] =	vst v2;
	v2 =	vmul.f32 v32, v30  }
0x65: {  	v38 =	vld [tilespmem:s23+$0x7BA0];
	[tilespmem:s23+$0x7B30] =	vst v3;
	v3 =	vmul.f32 v33, v30  }
0x66: {  	v39 =	vbroadcast v1, $0x7;
	v40 =	vld [tilespmem:s23+$0x7BB0];
	[tilespmem:s23+$0x7B40] =	vst v2;
	v2 =	vmul.f32 v34, v30  }
0x67: {  	v41 =	vld [tilespmem:s23+$0x7BC0];
	[tilespmem:s23+$0x7B50] =	vst v3;
	v3 =	vmul.f32 v35, v30  }
0x68: {  	v42 =	vld [tilespmem:s23+$0x7BD0];
	[tilespmem:s23+$0x7B60] =	vst v2;
	v2 =	vmul.f32 v36, v39  }
0x69: {  	v43 =	vld [tilespmem:s23+$0x7BE0];
	[tilespmem:s23+$0x7B70] =	vst v3;
	v3 =	vmul.f32 v37, v39  }
0x6a: {  	v44 =	vld [tilespmem:s23+$0x7BF0];
	[tilespmem:s23+$0x7B80] =	vst v2;
	v2 =	vmul.f32 v38, v39  }
0x6b: {  	v45 =	vld [tilespmem:s23+$0x7C00];
	[tilespmem:s23+$0x7B90] =	vst v3;
	v3 =	vmul.f32 v40, v39  }
0x6c: {  	v46 =	vld [tilespmem:s23+$0x7C10];
	[tilespmem:s23+$0x7BA0] =	vst v2;
	v2 =	vmul.f32 v41, v39  }
0x6d: {  	v47 =	vld [tilespmem:s23+$0x7C20];
	[tilespmem:s23+$0x7BB0] =	vst v3;
	v3 =	vmul.f32 v42, v39  }
0x6e: {  	v48 =	vbroadcast v1, $0x8;
	v49 =	vld [tilespmem:s23+$0x7C30];
	[tilespmem:s23+$0x7BC0] =	vst v2;
	v2 =	vmul.f32 v43, v39  }
0x6f: {  	v50 =	vld [tilespmem:s23+$0x7C40];
	[tilespmem:s23+$0x7BD0] =	vst v3;
	v3 =	vmul.f32 v44, v39  }
0x70: {  	v51 =	vld [tilespmem:s23+$0x7C50];
	[tilespmem:s23+$0x7BE0] =	vst v2;
	v2 =	vmul.f32 v45, v48  }
0x71: {  	v52 =	vld [tilespmem:s23+$0x7C60];
	[tilespmem:s23+$0x7BF0] =	vst v3;
	v3 =	vmul.f32 v46, v48  }
0x72: {  	v53 =	vld [tilespmem:s23+$0x7C70];
	[tilespmem:s23+$0x7C00] =	vst v2;
	v2 =	vmul.f32 v47, v48  }
0x73: {  	v54 =	vld [tilespmem:s23+$0x7C80];
	[tilespmem:s23+$0x7C10] =	vst v3;
	v3 =	vmul.f32 v49, v48  }
0x74: {  	v55 =	vld [tilespmem:s23+$0x7C90];
	[tilespmem:s23+$0x7C20] =	vst v2;
	v2 =	vmul.f32 v50, v48  }
0x75: {  	v56 =	vld [tilespmem:s23+$0x7CA0];
	[tilespmem:s23+$0x7C30] =	vst v3;
	v3 =	vmul.f32 v51, v48  }
0x76: {  	v57 =	vbroadcast v1, $0x9;
	v58 =	vld [tilespmem:s23+$0x7CB0];
	[tilespmem:s23+$0x7C40] =	vst v2;
	v2 =	vmul.f32 v52, v48  }
0x77: {  	v59 =	vld [tilespmem:s23+$0x7CC0];
	[tilespmem:s23+$0x7C50] =	vst v3;
	v3 =	vmul.f32 v53, v48  }
0x78: {  	v60 =	vld [tilespmem:s23+$0x7CD0];
	[tilespmem:s23+$0x7C60] =	vst v2;
	v2 =	vmul.f32 v54, v57  }
0x79: {  	v61 =	vld [tilespmem:s23+$0x7CE0];
	[tilespmem:s23+$0x7C70] =	vst v3;
	v3 =	vmul.f32 v55, v57  }
0x7a: {  	v62 =	vld [tilespmem:s23+$0x7CF0];
	[tilespmem:s23+$0x7C80] =	vst v2;
	v2 =	vmul.f32 v56, v57  }
0x7b: {  	v63 =	vld [tilespmem:s23+$0x7D00];
	[tilespmem:s23+$0x7C90] =	vst v3;
	v3 =	vmul.f32 v58, v57  }
0x7c: {  	v12 =	vld [tilespmem:s23+$0x7D10];
	[tilespmem:s23+$0x7CA0] =	vst v2;
	v2 =	vmul.f32 v59, v57  }
0x7d: {  	v13 =	vld [tilespmem:s23+$0x7D20];
	[tilespmem:s23+$0x7CB0] =	vst v3;
	v3 =	vmul.f32 v60, v57  }
0x7e: {  	v14 =	vbroadcast v1, $0xA;
	v15 =	vld [tilespmem:s23+$0x7D30];
	[tilespmem:s23+$0x7CC0] =	vst v2;
	v2 =	vmul.f32 v61, v57  }
0x7f: {  	v16 =	vld [tilespmem:s23+$0x7D40];
	[tilespmem:s23+$0x7CD0] =	vst v3;
	v3 =	vmul.f32 v62, v57  }
0x80: {  	v17 =	vld [tilespmem:s23+$0x7D50];
	[tilespmem:s23+$0x7CE0] =	vst v2;
	v2 =	vmul.f32 v63, v14  }
0x81: {  	v18 =	vld [tilespmem:s23+$0x7D60];
	[tilespmem:s23+$0x7CF0] =	vst v3;
	v3 =	vmul.f32 v12, v14  }
0x82: {  	v19 =	vld [tilespmem:s23+$0x7D70];
	[tilespmem:s23+$0x7D00] =	vst v2;
	v2 =	vmul.f32 v13, v14  }
0x83: {  	v20 =	vld [tilespmem:s23+$0x7D80];
	[tilespmem:s23+$0x7D10] =	vst v3;
	v3 =	vmul.f32 v15, v14  }
0x84: {  	v21 =	vld [tilespmem:s23+$0x7D90];
	[tilespmem:s23+$0x7D20] =	vst v2;
	v2 =	vmul.f32 v16, v14  }
0x85: {  	v22 =	vld [tilespmem:s23+$0x7DA0];
	[tilespmem:s23+$0x7D30] =	vst v3;
	v3 =	vmul.f32 v17, v14  }
0x86: {  	v23 =	vbroadcast v1, $0xB;
	v24 =	vld [tilespmem:s23+$0x7DB0];
	[tilespmem:s23+$0x7D40] =	vst v2;
	v2 =	vmul.f32 v18, v14  }
0x87: {  	v25 =	vld [tilespmem:s23+$0x7DC0];
	[tilespmem:s23+$0x7D50] =	vst v3;
	v3 =	vmul.f32 v19, v14  }
0x88: {  	v26 =	vld [tilespmem:s23+$0x7DD0];
	[tilespmem:s23+$0x7D60] =	vst v2;
	v2 =	vmul.f32 v20, v23  }
0x89: {  	v27 =	vld [tilespmem:s23+$0x7DE0];
	[tilespmem:s23+$0x7D70] =	vst v3;
	v3 =	vmul.f32 v21, v23  }
0x8a: {  	v28 =	vld [tilespmem:s23+$0x7DF0];
	[tilespmem:s23+$0x7D80] =	vst v2;
	v2 =	vmul.f32 v22, v23  }
0x8b: {  	v29 =	vld [tilespmem:s23+$0x7E00];
	[tilespmem:s23+$0x7D90] =	vst v3;
	v3 =	vmul.f32 v24, v23  }
0x8c: {  	v30 =	vld [tilespmem:s23+$0x7E10];
	[tilespmem:s23+$0x7DA0] =	vst v2;
	v2 =	vmul.f32 v25, v23  }
0x8d: {  	v31 =	vld [tilespmem:s23+$0x7E20];
	[tilespmem:s23+$0x7DB0] =	vst v3;
	v3 =	vmul.f32 v26, v23  }
0x8e: {  	v32 =	vbroadcast v1, $0xC;
	v33 =	vld [tilespmem:s23+$0x7E30];
	[tilespmem:s23+$0x7DC0] =	vst v2;
	v2 =	vmul.f32 v27, v23  }
0x8f: {  	v34 =	vld [tilespmem:s23+$0x7E40];
	[tilespmem:s23+$0x7DD0] =	vst v3;
	v3 =	vmul.f32 v28, v23  }
0x90: {  	v35 =	vld [tilespmem:s23+$0x7E50];
	[tilespmem:s23+$0x7DE0] =	vst v2;
	v2 =	vmul.f32 v29, v32  }
0x91: {  	v36 =	vld [tilespmem:s23+$0x7E60];
	[tilespmem:s23+$0x7DF0] =	vst v3;
	v3 =	vmul.f32 v30, v32  }
0x92: {  	v37 =	vld [tilespmem:s23+$0x7E70];
	[tilespmem:s23+$0x7E00] =	vst v2;
	v2 =	vmul.f32 v31, v32  }
0x93: {  	v38 =	vld [tilespmem:s23+$0x7E80];
	[tilespmem:s23+$0x7E10] =	vst v3;
	v3 =	vmul.f32 v33, v32  }
0x94: {  	v39 =	vld [tilespmem:s23+$0x7E90];
	[tilespmem:s23+$0x7E20] =	vst v2;
	v2 =	vmul.f32 v34, v32  }
0x95: {  	v40 =	vld [tilespmem:s23+$0x7EA0];
	[tilespmem:s23+$0x7E30] =	vst v3;
	v3 =	vmul.f32 v35, v32  }
0x96: {  	v41 =	vbroadcast v1, $0xD;
	v42 =	vld [tilespmem:s23+$0x7EB0];
	[tilespmem:s23+$0x7E40] =	vst v2;
	v2 =	vmul.f32 v36, v32  }
0x97: {  	v43 =	vld [tilespmem:s23+$0x7EC0];
	[tilespmem:s23+$0x7E50] =	vst v3;
	v3 =	vmul.f32 v37, v32  }
0x98: {  	v44 =	vld [tilespmem:s23+$0x7ED0];
	[tilespmem:s23+$0x7E60] =	vst v2;
	v2 =	vmul.f32 v38, v41  }
0x99: {  	v45 =	vld [tilespmem:s23+$0x7EE0];
	[tilespmem:s23+$0x7E70] =	vst v3;
	v3 =	vmul.f32 v39, v41  }
0x9a: {  	v46 =	vld [tilespmem:s23+$0x7EF0];
	[tilespmem:s23+$0x7E80] =	vst v2;
	v2 =	vmul.f32 v40, v41  }
0x9b: {  	v47 =	vld [tilespmem:s23+$0x7F00];
	[tilespmem:s23+$0x7E90] =	vst v3;
	v3 =	vmul.f32 v42, v41  }
0x9c: {  	v48 =	vld [tilespmem:s23+$0x7F10];
	[tilespmem:s23+$0x7EA0] =	vst v2;
	v2 =	vmul.f32 v43, v41  }
0x9d: {  	v49 =	vld [tilespmem:s23+$0x7F20];
	[tilespmem:s23+$0x7EB0] =	vst v3;
	v3 =	vmul.f32 v44, v41  }
0x9e: {  	v50 =	vbroadcast v1, $0xE;
	v51 =	vld [tilespmem:s23+$0x7F30];
	[tilespmem:s23+$0x7EC0] =	vst v2;
	v2 =	vmul.f32 v45, v41  }
0x9f: {  	v52 =	vld [tilespmem:s23+$0x7F40];
	[tilespmem:s23+$0x7ED0] =	vst v3;
	v3 =	vmul.f32 v46, v41  }
0xa0: {  	v53 =	vld [tilespmem:s23+$0x7F50];
	[tilespmem:s23+$0x7EE0] =	vst v2;
	v2 =	vmul.f32 v47, v50  }
0xa1: {  	v54 =	vld [tilespmem:s23+$0x7F60];
	[tilespmem:s23+$0x7EF0] =	vst v3;
	v3 =	vmul.f32 v48, v50  }
0xa2: {  	v55 =	vld [tilespmem:s23+$0x7F70];
	[tilespmem:s23+$0x7F00] =	vst v2;
	v2 =	vmul.f32 v49, v50  }
0xa3: {  	v56 =	vld [tilespmem:s23+$0x7F80];
	[tilespmem:s23+$0x7F10] =	vst v3;
	v3 =	vmul.f32 v51, v50  }
0xa4: {  	v57 =	vld [tilespmem:s23+$0x7F90];
	[tilespmem:s23+$0x7F20] =	vst v2;
	v2 =	vmul.f32 v52, v50  }
0xa5: {  	v58 =	vld [tilespmem:s23+$0x7FA0];
	[tilespmem:s23+$0x7F30] =	vst v3;
	v3 =	vmul.f32 v53, v50  }
0xa6: {  	v1 =	vbroadcast v1, $0xF;
	v59 =	vld [tilespmem:s23+$0x7FB0];
	[tilespmem:s23+$0x7F40] =	vst v2;
	v2 =	vmul.f32 v54, v50  }
0xa7: {  	v60 =	vld [tilespmem:s23+$0x7FC0];
	[tilespmem:s23+$0x7F50] =	vst v3;
	v3 =	vmul.f32 v55, v50  }
0xa8: {  	v61 =	vld [tilespmem:s23+$0x7FD0];
	[tilespmem:s23+$0x7F60] =	vst v2;
	v2 =	vmul.f32 v56, v1  }
0xa9: {  	v62 =	vld [tilespmem:s23+$0x7FE0];
	[tilespmem:s23+$0x7F70] =	vst v3;
	v3 =	vmul.f32 v57, v1  }
0xaa: {  	v63 =	vld [tilespmem:s23+$0x7FF0];
	[tilespmem:s23+$0x7F80] =	vst v2;
	v2 =	vmul.f32 v58, v1  }
0xab: {  	[tilespmem:s23+$0x7F90] =	vst v3;
	v3 =	vmul.f32 v59, v1  }
0xac: {  	p0 =	sne.s32 s22, $0x7;
	[tilespmem:s23+$0x7FA0] =	vst v2;
	v2 =	vmul.f32 v60, v1  }
.Ltmp0:
0xad: {  	[tilespmem:s23+$0x7FB0] =	vst v3;
	v3 =	vmul.f32 v61, v1;
	(pc) =	sbr.rel @p0 .LBB2_3-.Ltmp0, $4  }
0xae: {  	[tilespmem:s23+$0x7FC0] =	vst v2;
	v2 =	vmul.f32 v62, v1  }
0xaf: {  	[tilespmem:s23+$0x7FD0] =	vst v3;
	v1 =	vmul.f32 v63, v1  }
0xb0: {  	[tilespmem:s23+$0x7FE0] =	vst v2  }
0xb1: {  	s22 =	sadd.s32 $0x1, s22;
	[tilespmem:s23+$0x7FF0] =	vst v1  }
0xb2: {  	s20 =	sadd.s32 $0x1, s20  }
0xb3: {  	p0 =	sne.s32 s20, $0x4F  }
.Ltmp1:
0xb4: {  	s21 =	sadd.s32 $0x2800, s21;
	(pc) =	sbr.rel @p0 .LBB2_2-.Ltmp1, $4  }
0xb5: {  	[spmem:s2] =	stream.indirect.scatter.add.f32 [tilespmem:s17], [sflag:$0x2], $0x80, s21, s16, $0xb8;
	[tilespmem:$0x1F800] =	vst v63  }
0xb6: {  	_ =	swait.ge [sflag:s13], $0x4000  }
0xb7: {  	[sflag:s13] =	ssyncset.done $0x0  }
0xb8: {  	[sflag:s13] =	ssyncadd.s32 $0xFFFFC000  }
0xb9: {  	s19 =	sadd.s32 $0x1, s19  }
0xba: {  	p0 =	sne.s32 s19, s11  }
.Ltmp2:
0xbb: {  	[bflag:$0x0] =	sbarrier.arrive $0xFFFF;
	(pc) =	sbr.rel @p0 .LBB2_1-.Ltmp2, $4  }
0xbc: {  	[hbm:s10], [sflag:s6] =	dma.local [spmem:s12], $0x2800  }
0xbd: {  	_ =	swait.ge [sflag:s13], $0x2800  }
0xbe: {  	[sflag:s13] =	ssyncset.done $0x0  }
0xbf: {  	[sflag:s13] =	ssyncadd.s32 $0xFFFFD800  }
0xc0: {  	_ =	sfence.sel $0x180000  }
0xc1: {  	[bflag:$0x0] =	sbarrier.arrive $0xFFFF  }
0xc2: {  	p0 =	sne.s32 s0, $0x0;
	_ =	strace $0x9000004A  }
0xc3: {  	s0 =	sadd.s32 @!p0 $0x100000, s1;
	[bflag:$0x2] =	sbarrier.arrive $0xFFFF  }
0xc4: {  	[sflag:s0] =	ssyncadd.tile.s32 @!p0 $0x1;
	_ =	shalt  }
.Lfunc_end2:
_tile_overlayer_lowered:
.L_overlay_start_2:
0xc5: {  	(tag) =	ssettag $0x2  }
0xc6: {  	s0 =	rddreg [dreg:$0x0];
	s2 =	stileid.u32  }
0xc7: {  	s1 =	rddreg [dreg:$0x1];
	p0 =	sne.s32 s2, $0x0  }
0xc8: {  	s3 =	rddreg [dreg:$0x2];
	[bflag:$0x3] =	sbarrier.arrive $0xFFFF;
	s2 =	simm.s32 @!p0 $0x1C02  }
0xc9: {  	[timem:s3], [sflag:s2] =	dma.local @!p0 [hbm:s0], s1  }
0xca: {  	s0 =	simm.s32 @!p0 $0x2  }
0xcb: {  	_ =	swait.ge @!p0 [sflag:s0], s1  }
0xcc: {  	s1 =	ssub.s32 @!p0 $0x0, s1;
	[sflag:s0] =	ssyncset.done @!p0 $0x0  }
0xcd: {  	[sflag:s0] =	ssyncadd.s32 @!p0 s1  }
0xce: {  	[bflag:$0x3] =	sbarrier.arrive $0xFFFF  }
0xcf: {  	_ =	shalt  }

// kernel: kernel.14.cloned.1.call-start
scs
__scs_entry_jumppad:
0x0: {  	(pc) =	sbr.rel $0x88, $3  }
0x1: {  	(tag) =	ssettag $0x0;
	lr =	simm.s32 $0x1  }
0x2: {  	[smem:$0x3F98] =	sst lr;
	_ =	strace $0xD0000000  }
0x3: {  	_ = 	snop  }
0x4: {  	_ = 	snop  }
0x5: {  	_ = 	snop  }
0x6: {  	_ = 	snop  }
0x7: {  	_ = 	snop  }
__scs_overlays_trampoline_lowered:
0x8: {  	[smem:$0x3FA7] =	sst s0  }
0x9: {  	[smem:$0x3FA8] =	sst s1  }
0xa: {  	[smem:$0x3FA9] =	sst s2  }
0xb: {  	[smem:$0x3FAA] =	sst s3  }
0xc: {  	[smem:$0x3FAB] =	sst s4  }
0xd: {  	[smem:$0x3FAC] =	sst s5  }
0xe: {  	[smem:$0x3FAD] =	sst s6  }
0xf: {  	[smem:$0x3FAE] =	sst s7  }
0x10: {  	[smem:$0x3FAF] =	sst s8  }
0x11: {  	[smem:$0x3FB0] =	sst s9;
	s0 =	simm.s32 @!p0 $0x0  }
0x12: {  	s1 =	sld [smem:$0x3F96];
	s0 =	simm.s32 @p0 $0x1  }
0x13: {  	[smem:$0x3FB1] =	sst s0;
	s0 =	simm.s32 @!p1 $0x0  }
0x14: {  	s2 =	sld [smem:$0x3F95];
	s0 =	simm.s32 @p1 $0x1  }
0x15: {  	[smem:$0x3FB2] =	sst s0;
	s0 =	simm.s32 @!p2 $0x0  }
0x16: {  	s3 =	sld [smem:$0x3FDB];
	s0 =	simm.s32 @p2 $0x1  }
0x17: {  	s4 =	simm.s32 $0x1BF5;
	[smem:$0x3FB4] =	sst s0  }
0x18: {  	s0 =	sld [smem:$0x3F97];
	_ =	swait.ge [sflag:s4], $0x0  }
0x19: {  	s7 =	sld [smem:$0x3F98]  }
0x1a: {  	s8 =	sadd.s32 $0xFFFFE003, lr  }
0x1b: {  	s9 =	sadd.s32 $0xFFFFFEF7, lr;
	s5 =	simm.s32 $0xFFFFFFFF;
	p2 =	slt.u32 s8, $0xFFFFF086  }
0x1c: {  	p1 =	slt.u32 s9, $0xF7A;
	s5 =	simm.s32 @!p2 $0x0  }
0x1d: {  	s5 =	simm.s32 @p1 $0x1;
	p0 =	seq.s32 s7, s2  }
0x1e: {  	s7 =	smul.u32 @!p0 $0xF7A, s2;
	p2 =	seq.s32 @!p0 s5, $0x0  }
0x1f: {  	s9 =	smul.u32 $0xF7A, s1;
	s8 =	simm.s32 @!p0 $0x1BF5;
	p2 =	por !p2, p0  }
0x20: {  	[sflag:s8] =	ssyncset.s32 @!p0 $0xFFFFF086;
	s6 =	sadd.s32 @!p0 s3, s7;
	s7 =	simm.s32 @!p0 $0x108  }
0x21: {  	s3 =	sadd.s32 s3, s9;
	s6 =	sadd.s32 @!p0 $0x88, s6;
	s7 =	simm.s32 @p2 $0x1082  }
0x22: {  	[simem:s7], [sflag:s8] =	dma.local @!p0 [hbm:s6], $0xF7A  }
0x23: {  	s9 =	sor.u32 $0xD0000000, s2;
	s6 =	simm.s32 $0x108;
	_ =	swait.ge @!p0 [sflag:s8], $0x0  }
0x24: {  	s3 =	sadd.s32 $0x88, s3;
	s6 =	simm.s32 @!p1 $0x1082;
	[sflag:s4] =	ssyncset.s32 $0xFFFFF086  }
0x25: {  	[simem:s6], [sflag:s4] =	dma.local [hbm:s3], $0xF7A  }
0x26: {  	[smem:$0x3F98] =	sst s1;
	(tag) =	ssettag s2;
	_ =	strace s9  }
0x27: {  	s1 =	sld [smem:$0x3FA8]  }
0x28: {  	s2 =	sld [smem:$0x3FA9]  }
0x29: {  	s4 =	sld [smem:$0x3FAB]  }
0x2a: {  	p0 =	seq.s32 s5, $0x0;
	s5 =	sld [smem:$0x3FAC]  }
0x2b: {  	s6 =	sld [smem:$0x3FAD]  }
0x2c: {  	s7 =	sld [smem:$0x3FAE]  }
0x2d: {  	s3 =	simm.s32 $0x108;
	s8 =	sld [smem:$0x3FAF]  }
0x2e: {  	s3 =	simm.s32 @!p0 $0x1082;
	s9 =	sld [smem:$0x3FB0]  }
0x2f: {  	lr =	sadd.s32 s0, s3;
	s0 =	sld [smem:$0x3FA7]  }
0x30: {  	s3 =	sld [smem:$0x3FAA]  }
0x31: {  	[smem:$0x3FB3] =	sst s10  }
0x32: {  	s10 =	sld [smem:$0x3FB1];
	_ =	sdelay $0x3  }
0x33: {  	p0 =	seq.s32 s10, $0x1;
	s10 =	sld [smem:$0x3FB3];
	_ =	sdelay $0x3  }
0x34: {  	[smem:$0x3FB3] =	sst s10  }
0x35: {  	s10 =	sld [smem:$0x3FB2];
	_ =	sdelay $0x3  }
0x36: {  	p1 =	seq.s32 s10, $0x1;
	s10 =	sld [smem:$0x3FB3];
	_ =	sdelay $0x3  }
0x37: {  	[smem:$0x3FB3] =	sst s10  }
0x38: {  	s10 =	sld [smem:$0x3FB4]  }
0x39: {  	_ = 	snop;
	(pc) =	sbr.ind lr, $3  }
0x3a: {  	_ = 	snop  }
0x3b: {  	_ = 	snop  }
0x3c: {  	p2 =	seq.s32 s10, $0x1;
	s10 =	sld [smem:$0x3FB3]  }
0x3d: {  	_ =	shalt  }
0x3e: {  	_ =	shalt  }
0x3f: {  	_ =	shalt  }
0x40: {  	_ =	shalt  }
0x41: {  	_ =	shalt  }
0x42: {  	_ =	shalt  }
0x43: {  	_ =	shalt  }
0x44: {  	_ =	shalt  }
0x45: {  	_ =	shalt  }
0x46: {  	_ =	shalt  }
0x47: {  	_ =	shalt  }
0x48: {  	_ =	shalt  }
0x49: {  	_ =	shalt  }
0x4a: {  	_ =	shalt  }
0x4b: {  	_ =	shalt  }
0x4c: {  	_ =	shalt  }
0x4d: {  	_ =	shalt  }
0x4e: {  	_ =	shalt  }
0x4f: {  	_ =	shalt  }
0x50: {  	_ =	shalt  }
0x51: {  	_ =	shalt  }
0x52: {  	_ =	shalt  }
0x53: {  	_ =	shalt  }
0x54: {  	_ =	shalt  }
0x55: {  	_ =	shalt  }
0x56: {  	_ =	shalt  }
0x57: {  	_ =	shalt  }
0x58: {  	_ =	shalt  }
0x59: {  	_ =	shalt  }
0x5a: {  	_ =	shalt  }
0x5b: {  	_ =	shalt  }
0x5c: {  	_ =	shalt  }
0x5d: {  	_ =	shalt  }
0x5e: {  	_ =	shalt  }
0x5f: {  	_ =	shalt  }
0x60: {  	_ =	shalt  }
0x61: {  	_ =	shalt  }
0x62: {  	_ =	shalt  }
0x63: {  	_ =	shalt  }
0x64: {  	_ =	shalt  }
0x65: {  	_ =	shalt  }
0x66: {  	_ =	shalt  }
0x67: {  	_ =	shalt  }
0x68: {  	_ =	shalt  }
0x69: {  	_ =	shalt  }
0x6a: {  	_ =	shalt  }
0x6b: {  	_ =	shalt  }
0x6c: {  	_ =	shalt  }
0x6d: {  	_ =	shalt  }
0x6e: {  	_ =	shalt  }
0x6f: {  	_ =	shalt  }
0x70: {  	_ =	shalt  }
0x71: {  	_ =	shalt  }
0x72: {  	_ =	shalt  }
0x73: {  	_ =	shalt  }
0x74: {  	_ =	shalt  }
0x75: {  	_ =	shalt  }
0x76: {  	_ =	shalt  }
0x77: {  	_ =	shalt  }
0x78: {  	_ =	shalt  }
0x79: {  	_ =	shalt  }
0x7a: {  	_ =	shalt  }
0x7b: {  	_ =	shalt  }
0x7c: {  	_ =	shalt  }
0x7d: {  	_ =	shalt  }
0x7e: {  	_ =	shalt  }
0x7f: {  	_ =	shalt  }
0x80: {  	_ =	shalt  }
0x81: {  	_ =	shalt  }
0x82: {  	_ =	shalt  }
0x83: {  	_ =	shalt  }
0x84: {  	_ =	shalt  }
0x85: {  	_ =	shalt  }
0x86: {  	_ =	shalt  }
0x87: {  	_ =	shalt  }
.Lfunc_end0:
.L_simem_size_0:
called_computation.2_lowered:
.L_overlay_start_0:
0x88: {  	s2 =	sld [smem:$0x3FD9]  }
0x89: {  	s3 =	sld [smem:$0x3FFE];
	_ =	sdelay $0x1  }
0x8a: {  	s1 =	srdreg.scid  }
0x8b: {  	s0 =	sand.u32 $0x1, s1  }
0x8c: {  	s16 =	sshll.u32 s0, $0xA;
	s2 =	sadd.s32 s3, s2  }
0x8d: {  	s2 =	sadd.s32 s2, s16  }
0x8e: {  	[smem:$0x3FBF] =	sst s2  }
0x8f: {  	_ = 	snop  }
0x90: {  	(tm) =	ssettm $0x1  }
0x91: {  	s17 =	sld [smem:$0x3FFB];
	_ =	sdelay $0x3  }
0x92: {  	_ =	strace s17  }
0x93: {  	s2 =	sld [smem:$0x3FFC];
	_ =	sdelay $0x3  }
0x94: {  	_ =	strace s2  }
0x95: {  	s2 =	sld [smem:$0x3FFD];
	_ =	sdelay $0x3  }
0x96: {  	_ =	strace s2  }
0x97: {  	_ =	strace $0x8FFFFFFF  }
0x98: {  	s18 =	sld [smem:$0x3FDB];
	_ =	sdelay $0x1  }
0x99: {  	s19 =	simm.s32 $_scs_section_size  }
0x9a: {  	s4 =	simm.s32 $_size__tile_overlayer_lowered;
	s5 =	simm.s32 $_tile_overlayer_lowered  }
0x9b: {  	s22 =	simm.s32 $0x1BFF;
	s21 =	sshll.u32 s5, $0x1;
	s2 =	sadd.s32 s19, s18  }
0x9c: {  	s6 =	simm.s32 $0x0;
	s20 =	sshll.u32 s4, $0x1;
	s4 =	sadd.s32 s21, s2  }
0x9d: {  	[timem:s6], [sflag:s22] =	dma.local [hbm:s4], s20  }
0x9e: {  	_ =	swait.ge [sflag:s22], s20  }
0x9f: {  	s3 =	ssub.s32 $0x0, s20;
	[sflag:s22] =	ssyncset.done $0x0  }
0xa0: {  	[sflag:s22] =	ssyncadd.s32 s3;
	_ =	sdelay $0x1  }
0xa1: {  	s23 =	simm.s32 $0x1B8B  }
0xa2: {  	_ =	swait.ge [sflag:s23], $0x1  }
0xa3: {  	[sflag:s23] =	ssyncset.done $0x0  }
0xa4: {  	s25 =	simm.s32 $0x1B8E;
	s24 =	sld [smem:$0x3FFE];
	[sflag:s23] =	ssyncadd.s32 $0xFFFFFFFF  }
0xa5: {  	s26 =	simm.s32 $execute0_lowered;
	[smem:$0x3FD2] =	sst s25  }
0xa6: {  	s4 =	sshll.u32 s26, $0x1;
	_ =	strace $0x8000004C;
	[dreg:$0x1] =	wrdreg $0xFFFFFFFF  }
0xa7: {  	s28 =	simm.s32 $_size_execute0_lowered;
	s2 =	sadd.s32 s2, s4;
	[dreg:$0x0] =	wrdreg $0x0  }
0xa8: {  	s4 =	sshll.u32 s28, $0x1;
	[dreg:$0x2] =	wrdreg s2  }
0xa9: {  	[dreg:$0x3] =	wrdreg s4  }
0xaa: {  	[dreg:$0x4] =	wrdreg $0xC0  }
0xab: {  	_ =	task [dreg:s6], $0x5FFFF  }
0xac: {  	[dreg:$0x1] =	wrdreg $0xFFFFFFFF  }
0xad: {  	[dreg:$0x0] =	wrdreg $0x60  }
0xae: {  	[dreg:$0x2] =	wrdreg s24  }
0xaf: {  	[dreg:$0x3] =	wrdreg $0xB8000  }
0xb0: {  	[dreg:$0x4] =	wrdreg $0x9  }
0xb1: {  	_ =	task.clear_ibuf [dreg:s6], $0x5FFFF;
	_ =	strace $0x9000004C  }
0xb2: {  	s29 =	simm.s32 $0x9;
	_ =	strace $0x8000004E  }
0xb3: {  	_ =	swait.ge [sflag:s29], $0x1  }
0xb4: {  	[sflag:s29] =	ssyncadd.s32 $0xFFFFFFFF  }
0xb5: {  	_ =	strace $0x9000004E  }
0xb6: {  	_ =	sfence  }
0xb7: {  	s30 =	sld [smem:$0x0];
	_ =	sdelay $0x2  }
0xb8: {  	s31 =	sshll.u32 s1, $0xD;
	s1 =	sshrl.u32 s1, $0x2  }
0xb9: {  	s3 =	sand.u32 $0x4000, s31;
	s1 =	sadd.s32 s1, s30  }
0xba: {  	s0 =	sor.u32 s3, s0;
	s1 =	sshll.u32 s1, $0x11  }
0xbb: {  	s0 =	sor.u32 s1, s0  }
0xbc: {  	s0 =	sadd.s32 $0x8F2B, s0  }
0xbd: {  	[sflag:s0] =	ssyncadd.remote.s32 $0x1  }
0xbe: {  	_ =	sfence.sel $0xFFFF  }
0xbf: {  	[dreg:$0x0] =	wrdreg $0xFFFFFFFF;
	(pc) =	sbr.abs _section_cstart, $3  }
0xc0: {  	[dreg:$0x1] =	wrdreg $0xFFFFFFFF  }
0xc1: {  	_ =	task.clear_ibuf [dreg:s6], $0x2FFFF;
	_ =	strace $0x9FFFFFFF  }
0xc2: {  	(tm) =	ssettm $0x7FFFFFFF  }
0xc3: {  	_ =	shalt  }
tec
execute0_lowered:
.L_overlay_start_1:
0x0: {  	(tag) =	ssettag $0x1  }
0x1: {  	s1 =	srdreg.scid;
	s6 =	rddreg [dreg:$0x0]  }
0x2: {  	s0 =	stileid.u32;
	s2 =	rddreg [dreg:$0x1]  }
0x3: {  	s3 =	simm.s32 $0x0;
	s14 =	simm.s32 $0x2800;
	s15 =	simm.s32 $0x5000  }
0x4: {  	s16 =	simm.s32 $0x80;
	s17 =	simm.s32 $0x7800;
	s18 =	simm.s32 $0x1  }
0x5: {  	s19 =	simm.s32 $0x0;
	s5 =	sand.u32 $0x1, s1;
	s8 =	smul.u32 $0x14000, s0  }
0x6: {  	s25 =	sshll.u32 s0, $0x1;
	[smem:$0x7FF] =	sst s3;
	s28 =	smul.u32 $0x50000, s0  }
0x7: {  	s4 =	sadd.s32 $0x2200, s6;
	s1 =	sor.u32 s5, s25;
	s9 =	smul.u32 $0x140000, s5  }
0x8: {  	s31 =	sshll.u32 s0, $0x6;
	s5 =	ssub.s32 $0x2, s5;
	s7 =	smul.u32 $0x500, s1  }
0x9: {  	s1 =	rddreg [dreg:$0x2];
	_ =	strace $0x8000004D;
	s26 =	sshrl.u32 s8, $0x3  }
0xa: {  	s29 =	sshrl.u32 s5, $0x1;
	s30 =	sshrl.u32 s28, $0x2;
	s8 =	sadd.s32 s8, s9  }
0xb: {  	s12 =	ssub.s32 s5, s29;
	s13 =	sadd.s32 s30, s2;
	s8 =	sshrl.u32 s8, $0x3  }
0xc: {  	s10 =	sadd.s32 s7, s6;
	s7 =	sadd.s32 s26, s6;
	s11 =	sadd.s32 s8, s6  }
0xd: {  	s5 =	sadd.s32 $0x2A200, s7;
	s6 =	sor.u32 $0x1C02, s31;
	s7 =	sadd.s32 $0xBB200, s10  }
0xe: {  	s8 =	sadd.s32 $0xB1200, s10;
	s9 =	sadd.s32 $0xC5200, s10;
	s10 =	sadd.s32 $0x52200, s11  }
0xf: {  	s11 =	smax.u32 s12, $0x1;
	s12 =	sshrl.u32 s13, $0x3;
	s13 =	simm.s32 $0x2  }
.LBB2_1:
0x10: {  	[spmem:s12], [sflag:s6] =	dma.local [hbm:s5], $0x2800  }
0x11: {  	_ =	swait.ge [sflag:s13], $0x2800  }
0x12: {  	[sflag:s13] =	ssyncset.done $0x0  }
0x13: {  	[sflag:s13] =	ssyncadd.s32 $0xFFFFD800  }
0x14: {  	[tilespmem:s3], [sflag:$0x2] =	stream.linear.gather [hbm4b:s7+s3], $0x2780, $0x38;
	[tilespmem:$0x1F800] =	vst v63  }
0x15: {  	_ =	swait.ge [sflag:s13], $0x2780  }
0x16: {  	[sflag:s13] =	ssyncset.done $0x0  }
0x17: {  	[sflag:s13] =	ssyncadd.s32 $0xFFFFD880  }
0x18: {  	[tilespmem:s14], [sflag:$0x2] =	stream.linear.gather [hbm4b:s8+s3], $0x2780, $0x38;
	[tilespmem:$0x1F800] =	vst v63  }
0x19: {  	_ =	swait.ge [sflag:s13], $0x2780  }
0x1a: {  	[sflag:s13] =	ssyncset.done $0x0  }
0x1b: {  	[sflag:s13] =	ssyncadd.s32 $0xFFFFD880  }
0x1c: {  	[tilespmem:s15], [sflag:$0x2] =	stream.linear.gather [hbm4b:s9+s3], $0x2780, $0x38;
	[tilespmem:$0x1F800] =	vst v63  }
0x1d: {  	_ =	swait.ge [sflag:s13], $0x2780  }
0x1e: {  	[sflag:s13] =	ssyncset.done $0x0  }
0x1f: {  	[sflag:s13] =	ssyncadd.s32 $0xFFFFD880  }
0x20: {  	s20 =	simm.s32 $0x0;
	[bflag:$0x0] =	sbarrier.arrive $0xFFFF  }
.LBB2_2:
0x21: {  	s21 =	sshll.u32 s20, $0x7  }
0x22: {  	[tilespmem:s17], [sflag:$0x1] =	stream.indirect.gather [hbm4b:s4+s16], $0x80, s21, s16, $0xb8;
	[tilespmem:$0x1F800] =	vst v63  }
0x23: {  	s23 =	sadd.s32 $0x5000, s21  }
0x24: {  	_ =	swait.ge [sflag:s18], $0x4000;
	v0 =	vmov s23  }
0x25: {  	[sflag:s18] =	ssyncset.done $0x0  }
0x26: {  	s22 =	simm.s32 $0x0;
	[sflag:s18] =	ssyncadd.s32 $0xFFFFC000  }
.LBB2_3:
0x27: {  	s23 =	sshll.u32 s22, $0x4  }
0x28: {  	s23 =	sand.u32 $0x3FFFFFF0, s23  }
0x29: {  	s31 =	sshll.u32 s22, $0xB;
	v1 =	vld.idx.msk [tilespmem:v0+s23+$0x0 ss:$0x1], $0xffff  }
0x2a: {  	s23 =	sand.u32 $0x3FFFF800, s31  }
0x2b: {  	v2 =	vld [tilespmem:s23+$0x7800]  }
0x2c: {  	v3 =	vld [tilespmem:s23+$0x7810]  }
0x2d: {  	v4 =	vld [tilespmem:s23+$0x7820]  }
0x2e: {  	v6 =	vld [tilespmem:s23+$0x7830];
	v5 =	vbroadcast v1, $0x0  }
0x2f: {  	v7 =	vld [tilespmem:s23+$0x7840]  }
0x30: {  	v8 =	vld [tilespmem:s23+$0x7850];
	v2 =	vmul.f32 v5, v2  }
0x31: {  	v9 =	vld [tilespmem:s23+$0x7860];
	v3 =	vmul.f32 v3, v5  }
0x32: {  	v34 =	vld [tilespmem:s23+$0x7870];
	[tilespmem:s23+$0x7800] =	vst v2;
	v2 =	vmul.f32 v4, v5  }
0x33: {  	v35 =	vld [tilespmem:s23+$0x7880];
	[tilespmem:s23+$0x7810] =	vst v3;
	v3 =	vmul.f32 v6, v5  }
0x34: {  	v36 =	vld [tilespmem:s23+$0x7890];
	[tilespmem:s23+$0x7820] =	vst v2;
	v2 =	vmul.f32 v7, v5  }
0x35: {  	v37 =	vld [tilespmem:s23+$0x78A0];
	[tilespmem:s23+$0x7830] =	vst v3;
	v3 =	vmul.f32 v8, v5  }
0x36: {  	v10 =	vld [tilespmem:s23+$0x78B0];
	v38 =	vbroadcast v1, $0x1;
	[tilespmem:s23+$0x7840] =	vst v2;
	v2 =	vmul.f32 v9, v5  }
0x37: {  	v39 =	vld [tilespmem:s23+$0x78C0];
	[tilespmem:s23+$0x7850] =	vst v3;
	v3 =	vmul.f32 v34, v5  }
0x38: {  	v40 =	vld [tilespmem:s23+$0x78D0];
	[tilespmem:s23+$0x7860] =	vst v2;
	v2 =	vmul.f32 v35, v38  }
0x39: {  	v41 =	vld [tilespmem:s23+$0x78E0];
	[tilespmem:s23+$0x7870] =	vst v3;
	v3 =	vmul.f32 v36, v38  }
0x3a: {  	v42 =	vld [tilespmem:s23+$0x78F0];
	[tilespmem:s23+$0x7880] =	vst v2;
	v2 =	vmul.f32 v37, v38  }
0x3b: {  	v43 =	vld [tilespmem:s23+$0x7900];
	[tilespmem:s23+$0x7890] =	vst v3;
	v3 =	vmul.f32 v10, v38  }
0x3c: {  	v44 =	vld [tilespmem:s23+$0x7910];
	[tilespmem:s23+$0x78A0] =	vst v2;
	v2 =	vmul.f32 v39, v38  }
0x3d: {  	v45 =	vld [tilespmem:s23+$0x7920];
	[tilespmem:s23+$0x78B0] =	vst v3;
	v3 =	vmul.f32 v40, v38  }
0x3e: {  	v47 =	vld [tilespmem:s23+$0x7930];
	v46 =	vbroadcast v1, $0x2;
	[tilespmem:s23+$0x78C0] =	vst v2;
	v2 =	vmul.f32 v41, v38  }
0x3f: {  	v48 =	vld [tilespmem:s23+$0x7940];
	[tilespmem:s23+$0x78D0] =	vst v3;
	v3 =	vmul.f32 v42, v38  }
0x40: {  	v49 =	vld [tilespmem:s23+$0x7950];
	[tilespmem:s23+$0x78E0] =	vst v2;
	v2 =	vmul.f32 v43, v46  }
0x41: {  	v50 =	vld [tilespmem:s23+$0x7960];
	[tilespmem:s23+$0x78F0] =	vst v3;
	v3 =	vmul.f32 v44, v46  }
0x42: {  	v51 =	vld [tilespmem:s23+$0x7970];
	[tilespmem:s23+$0x7900] =	vst v2;
	v2 =	vmul.f32 v45, v46  }
0x43: {  	v52 =	vld [tilespmem:s23+$0x7980];
	[tilespmem:s23+$0x7910] =	vst v3;
	v3 =	vmul.f32 v47, v46  }
0x44: {  	v53 =	vld [tilespmem:s23+$0x7990];
	[tilespmem:s23+$0x7920] =	vst v2;
	v2 =	vmul.f32 v48, v46  }
0x45: {  	v54 =	vld [tilespmem:s23+$0x79A0];
	[tilespmem:s23+$0x7930] =	vst v3;
	v3 =	vmul.f32 v49, v46  }
0x46: {  	v56 =	vld [tilespmem:s23+$0x79B0];
	v55 =	vbroadcast v1, $0x3;
	[tilespmem:s23+$0x7940] =	vst v2;
	v2 =	vmul.f32 v50, v46  }
0x47: {  	v57 =	vld [tilespmem:s23+$0x79C0];
	[tilespmem:s23+$0x7950] =	vst v3;
	v3 =	vmul.f32 v51, v46  }
0x48: {  	v58 =	vld [tilespmem:s23+$0x79D0];
	[tilespmem:s23+$0x7960] =	vst v2;
	v2 =	vmul.f32 v52, v55  }
0x49: {  	v59 =	vld [tilespmem:s23+$0x79E0];
	[tilespmem:s23+$0x7970] =	vst v3;
	v3 =	vmul.f32 v53, v55  }
0x4a: {  	v60 =	vld [tilespmem:s23+$0x79F0];
	[tilespmem:s23+$0x7980] =	vst v2;
	v2 =	vmul.f32 v54, v55  }
0x4b: {  	v61 =	vld [tilespmem:s23+$0x7A00];
	[tilespmem:s23+$0x7990] =	vst v3;
	v3 =	vmul.f32 v56, v55  }
0x4c: {  	v62 =	vld [tilespmem:s23+$0x7A10];
	[tilespmem:s23+$0x79A0] =	vst v2;
	v2 =	vmul.f32 v57, v55  }
0x4d: {  	v63 =	vld [tilespmem:s23+$0x7A20];
	[tilespmem:s23+$0x79B0] =	vst v3;
	v3 =	vmul.f32 v58, v55  }
0x4e: {  	v13 =	vld [tilespmem:s23+$0x7A30];
	v12 =	vbroadcast v1, $0x4;
	[tilespmem:s23+$0x79C0] =	vst v2;
	v2 =	vmul.f32 v59, v55  }
0x4f: {  	v14 =	vld [tilespmem:s23+$0x7A40];
	[tilespmem:s23+$0x79D0] =	vst v3;
	v3 =	vmul.f32 v60, v55  }
0x50: {  	v15 =	vld [tilespmem:s23+$0x7A50];
	[tilespmem:s23+$0x79E0] =	vst v2;
	v2 =	vmul.f32 v61, v12  }
0x51: {  	v16 =	vld [tilespmem:s23+$0x7A60];
	[tilespmem:s23+$0x79F0] =	vst v3;
	v3 =	vmul.f32 v62, v12  }
0x52: {  	v17 =	vld [tilespmem:s23+$0x7A70];
	[tilespmem:s23+$0x7A00] =	vst v2;
	v2 =	vmul.f32 v63, v12  }
0x53: {  	v18 =	vld [tilespmem:s23+$0x7A80];
	[tilespmem:s23+$0x7A10] =	vst v3;
	v3 =	vmul.f32 v13, v12  }
0x54: {  	v19 =	vld [tilespmem:s23+$0x7A90];
	[tilespmem:s23+$0x7A20] =	vst v2;
	v2 =	vmul.f32 v14, v12  }
0x55: {  	v20 =	vld [tilespmem:s23+$0x7AA0];
	[tilespmem:s23+$0x7A30] =	vst v3;
	v3 =	vmul.f32 v15, v12  }
0x56: {  	v22 =	vld [tilespmem:s23+$0x7AB0];
	v21 =	vbroadcast v1, $0x5;
	[tilespmem:s23+$0x7A40] =	vst v2;
	v2 =	vmul.f32 v16, v12  }
0x57: {  	v23 =	vld [tilespmem:s23+$0x7AC0];
	[tilespmem:s23+$0x7A50] =	vst v3;
	v3 =	vmul.f32 v17, v12  }
0x58: {  	v24 =	vld [tilespmem:s23+$0x7AD0];
	[tilespmem:s23+$0x7A60] =	vst v2;
	v2 =	vmul.f32 v18, v21  }
0x59: {  	v25 =	vld [tilespmem:s23+$0x7AE0];
	[tilespmem:s23+$0x7A70] =	vst v3;
	v3 =	vmul.f32 v19, v21  }
0x5a: {  	v26 =	vld [tilespmem:s23+$0x7AF0];
	[tilespmem:s23+$0x7A80] =	vst v2;
	v2 =	vmul.f32 v20, v21  }
0x5b: {  	v27 =	vld [tilespmem:s23+$0x7B00];
	[tilespmem:s23+$0x7A90] =	vst v3;
	v3 =	vmul.f32 v22, v21  }
0x5c: {  	v28 =	vld [tilespmem:s23+$0x7B10];
	[tilespmem:s23+$0x7AA0] =	vst v2;
	v2 =	vmul.f32 v23, v21  }
0x5d: {  	v29 =	vld [tilespmem:s23+$0x7B20];
	[tilespmem:s23+$0x7AB0] =	vst v3;
	v3 =	vmul.f32 v24, v21  }
0x5e: {  	v31 =	vld [tilespmem:s23+$0x7B30];
	v30 =	vbroadcast v1, $0x6;
	[tilespmem:s23+$0x7AC0] =	vst v2;
	v2 =	vmul.f32 v25, v21  }
0x5f: {  	v32 =	vld [tilespmem:s23+$0x7B40];
	[tilespmem:s23+$0x7AD0] =	vst v3;
	v3 =	vmul.f32 v26, v21  }
0x60: {  	v33 =	vld [tilespmem:s23+$0x7B50];
	[tilespmem:s23+$0x7AE0] =	vst v2;
	v2 =	vmul.f32 v27, v30  }
0x61: {  	v34 =	vld [tilespmem:s23+$0x7B60];
	[tilespmem:s23+$0x7AF0] =	vst v3;
	v3 =	vmul.f32 v28, v30  }
0x62: {  	v35 =	vld [tilespmem:s23+$0x7B70];
	[tilespmem:s23+$0x7B00] =	vst v2;
	v2 =	vmul.f32 v29, v30  }
0x63: {  	v36 =	vld [tilespmem:s23+$0x7B80];
	[tilespmem:s23+$0x7B10] =	vst v3;
	v3 =	vmul.f32 v31, v30  }
0x64: {  	v37 =	vld [tilespmem:s23+$0x7B90];
	[tilespmem:s23+$0x7B20] =	vst v2;
	v2 =	vmul.f32 v32, v30  }
0x65: {  	v38 =	vld [tilespmem:s23+$0x7BA0];
	[tilespmem:s23+$0x7B30] =	vst v3;
	v3 =	vmul.f32 v33, v30  }
0x66: {  	v39 =	vbroadcast v1, $0x7;
	v40 =	vld [tilespmem:s23+$0x7BB0];
	[tilespmem:s23+$0x7B40] =	vst v2;
	v2 =	vmul.f32 v34, v30  }
0x67: {  	v41 =	vld [tilespmem:s23+$0x7BC0];
	[tilespmem:s23+$0x7B50] =	vst v3;
	v3 =	vmul.f32 v35, v30  }
0x68: {  	v42 =	vld [tilespmem:s23+$0x7BD0];
	[tilespmem:s23+$0x7B60] =	vst v2;
	v2 =	vmul.f32 v36, v39  }
0x69: {  	v43 =	vld [tilespmem:s23+$0x7BE0];
	[tilespmem:s23+$0x7B70] =	vst v3;
	v3 =	vmul.f32 v37, v39  }
0x6a: {  	v44 =	vld [tilespmem:s23+$0x7BF0];
	[tilespmem:s23+$0x7B80] =	vst v2;
	v2 =	vmul.f32 v38, v39  }
0x6b: {  	v45 =	vld [tilespmem:s23+$0x7C00];
	[tilespmem:s23+$0x7B90] =	vst v3;
	v3 =	vmul.f32 v40, v39  }
0x6c: {  	v46 =	vld [tilespmem:s23+$0x7C10];
	[tilespmem:s23+$0x7BA0] =	vst v2;
	v2 =	vmul.f32 v41, v39  }
0x6d: {  	v47 =	vld [tilespmem:s23+$0x7C20];
	[tilespmem:s23+$0x7BB0] =	vst v3;
	v3 =	vmul.f32 v42, v39  }
0x6e: {  	v48 =	vbroadcast v1, $0x8;
	v49 =	vld [tilespmem:s23+$0x7C30];
	[tilespmem:s23+$0x7BC0] =	vst v2;
	v2 =	vmul.f32 v43, v39  }
0x6f: {  	v50 =	vld [tilespmem:s23+$0x7C40];
	[tilespmem:s23+$0x7BD0] =	vst v3;
	v3 =	vmul.f32 v44, v39  }
0x70: {  	v51 =	vld [tilespmem:s23+$0x7C50];
	[tilespmem:s23+$0x7BE0] =	vst v2;
	v2 =	vmul.f32 v45, v48  }
0x71: {  	v52 =	vld [tilespmem:s23+$0x7C60];
	[tilespmem:s23+$0x7BF0] =	vst v3;
	v3 =	vmul.f32 v46, v48  }
0x72: {  	v53 =	vld [tilespmem:s23+$0x7C70];
	[tilespmem:s23+$0x7C00] =	vst v2;
	v2 =	vmul.f32 v47, v48  }
0x73: {  	v54 =	vld [tilespmem:s23+$0x7C80];
	[tilespmem:s23+$0x7C10] =	vst v3;
	v3 =	vmul.f32 v49, v48  }
0x74: {  	v55 =	vld [tilespmem:s23+$0x7C90];
	[tilespmem:s23+$0x7C20] =	vst v2;
	v2 =	vmul.f32 v50, v48  }
0x75: {  	v56 =	vld [tilespmem:s23+$0x7CA0];
	[tilespmem:s23+$0x7C30] =	vst v3;
	v3 =	vmul.f32 v51, v48  }
0x76: {  	v57 =	vbroadcast v1, $0x9;
	v58 =	vld [tilespmem:s23+$0x7CB0];
	[tilespmem:s23+$0x7C40] =	vst v2;
	v2 =	vmul.f32 v52, v48  }
0x77: {  	v59 =	vld [tilespmem:s23+$0x7CC0];
	[tilespmem:s23+$0x7C50] =	vst v3;
	v3 =	vmul.f32 v53, v48  }
0x78: {  	v60 =	vld [tilespmem:s23+$0x7CD0];
	[tilespmem:s23+$0x7C60] =	vst v2;
	v2 =	vmul.f32 v54, v57  }
0x79: {  	v61 =	vld [tilespmem:s23+$0x7CE0];
	[tilespmem:s23+$0x7C70] =	vst v3;
	v3 =	vmul.f32 v55, v57  }
0x7a: {  	v62 =	vld [tilespmem:s23+$0x7CF0];
	[tilespmem:s23+$0x7C80] =	vst v2;
	v2 =	vmul.f32 v56, v57  }
0x7b: {  	v63 =	vld [tilespmem:s23+$0x7D00];
	[tilespmem:s23+$0x7C90] =	vst v3;
	v3 =	vmul.f32 v58, v57  }
0x7c: {  	v12 =	vld [tilespmem:s23+$0x7D10];
	[tilespmem:s23+$0x7CA0] =	vst v2;
	v2 =	vmul.f32 v59, v57  }
0x7d: {  	v13 =	vld [tilespmem:s23+$0x7D20];
	[tilespmem:s23+$0x7CB0] =	vst v3;
	v3 =	vmul.f32 v60, v57  }
0x7e: {  	v14 =	vbroadcast v1, $0xA;
	v15 =	vld [tilespmem:s23+$0x7D30];
	[tilespmem:s23+$0x7CC0] =	vst v2;
	v2 =	vmul.f32 v61, v57  }
0x7f: {  	v16 =	vld [tilespmem:s23+$0x7D40];
	[tilespmem:s23+$0x7CD0] =	vst v3;
	v3 =	vmul.f32 v62, v57  }
0x80: {  	v17 =	vld [tilespmem:s23+$0x7D50];
	[tilespmem:s23+$0x7CE0] =	vst v2;
	v2 =	vmul.f32 v63, v14  }
0x81: {  	v18 =	vld [tilespmem:s23+$0x7D60];
	[tilespmem:s23+$0x7CF0] =	vst v3;
	v3 =	vmul.f32 v12, v14  }
0x82: {  	v19 =	vld [tilespmem:s23+$0x7D70];
	[tilespmem:s23+$0x7D00] =	vst v2;
	v2 =	vmul.f32 v13, v14  }
0x83: {  	v20 =	vld [tilespmem:s23+$0x7D80];
	[tilespmem:s23+$0x7D10] =	vst v3;
	v3 =	vmul.f32 v15, v14  }
0x84: {  	v21 =	vld [tilespmem:s23+$0x7D90];
	[tilespmem:s23+$0x7D20] =	vst v2;
	v2 =	vmul.f32 v16, v14  }
0x85: {  	v22 =	vld [tilespmem:s23+$0x7DA0];
	[tilespmem:s23+$0x7D30] =	vst v3;
	v3 =	vmul.f32 v17, v14  }
0x86: {  	v23 =	vbroadcast v1, $0xB;
	v24 =	vld [tilespmem:s23+$0x7DB0];
	[tilespmem:s23+$0x7D40] =	vst v2;
	v2 =	vmul.f32 v18, v14  }
0x87: {  	v25 =	vld [tilespmem:s23+$0x7DC0];
	[tilespmem:s23+$0x7D50] =	vst v3;
	v3 =	vmul.f32 v19, v14  }
0x88: {  	v26 =	vld [tilespmem:s23+$0x7DD0];
	[tilespmem:s23+$0x7D60] =	vst v2;
	v2 =	vmul.f32 v20, v23  }
0x89: {  	v27 =	vld [tilespmem:s23+$0x7DE0];
	[tilespmem:s23+$0x7D70] =	vst v3;
	v3 =	vmul.f32 v21, v23  }
0x8a: {  	v28 =	vld [tilespmem:s23+$0x7DF0];
	[tilespmem:s23+$0x7D80] =	vst v2;
	v2 =	vmul.f32 v22, v23  }
0x8b: {  	v29 =	vld [tilespmem:s23+$0x7E00];
	[tilespmem:s23+$0x7D90] =	vst v3;
	v3 =	vmul.f32 v24, v23  }
0x8c: {  	v30 =	vld [tilespmem:s23+$0x7E10];
	[tilespmem:s23+$0x7DA0] =	vst v2;
	v2 =	vmul.f32 v25, v23  }
0x8d: {  	v31 =	vld [tilespmem:s23+$0x7E20];
	[tilespmem:s23+$0x7DB0] =	vst v3;
	v3 =	vmul.f32 v26, v23  }
0x8e: {  	v32 =	vbroadcast v1, $0xC;
	v33 =	vld [tilespmem:s23+$0x7E30];
	[tilespmem:s23+$0x7DC0] =	vst v2;
	v2 =	vmul.f32 v27, v23  }
0x8f: {  	v34 =	vld [tilespmem:s23+$0x7E40];
	[tilespmem:s23+$0x7DD0] =	vst v3;
	v3 =	vmul.f32 v28, v23  }
0x90: {  	v35 =	vld [tilespmem:s23+$0x7E50];
	[tilespmem:s23+$0x7DE0] =	vst v2;
	v2 =	vmul.f32 v29, v32  }
0x91: {  	v36 =	vld [tilespmem:s23+$0x7E60];
	[tilespmem:s23+$0x7DF0] =	vst v3;
	v3 =	vmul.f32 v30, v32  }
0x92: {  	v37 =	vld [tilespmem:s23+$0x7E70];
	[tilespmem:s23+$0x7E00] =	vst v2;
	v2 =	vmul.f32 v31, v32  }
0x93: {  	v38 =	vld [tilespmem:s23+$0x7E80];
	[tilespmem:s23+$0x7E10] =	vst v3;
	v3 =	vmul.f32 v33, v32  }
0x94: {  	v39 =	vld [tilespmem:s23+$0x7E90];
	[tilespmem:s23+$0x7E20] =	vst v2;
	v2 =	vmul.f32 v34, v32  }
0x95: {  	v40 =	vld [tilespmem:s23+$0x7EA0];
	[tilespmem:s23+$0x7E30] =	vst v3;
	v3 =	vmul.f32 v35, v32  }
0x96: {  	v41 =	vbroadcast v1, $0xD;
	v42 =	vld [tilespmem:s23+$0x7EB0];
	[tilespmem:s23+$0x7E40] =	vst v2;
	v2 =	vmul.f32 v36, v32  }
0x97: {  	v43 =	vld [tilespmem:s23+$0x7EC0];
	[tilespmem:s23+$0x7E50] =	vst v3;
	v3 =	vmul.f32 v37, v32  }
0x98: {  	v44 =	vld [tilespmem:s23+$0x7ED0];
	[tilespmem:s23+$0x7E60] =	vst v2;
	v2 =	vmul.f32 v38, v41  }
0x99: {  	v45 =	vld [tilespmem:s23+$0x7EE0];
	[tilespmem:s23+$0x7E70] =	vst v3;
	v3 =	vmul.f32 v39, v41  }
0x9a: {  	v46 =	vld [tilespmem:s23+$0x7EF0];
	[tilespmem:s23+$0x7E80] =	vst v2;
	v2 =	vmul.f32 v40, v41  }
0x9b: {  	v47 =	vld [tilespmem:s23+$0x7F00];
	[tilespmem:s23+$0x7E90] =	vst v3;
	v3 =	vmul.f32 v42, v41  }
0x9c: {  	v48 =	vld [tilespmem:s23+$0x7F10];
	[tilespmem:s23+$0x7EA0] =	vst v2;
	v2 =	vmul.f32 v43, v41  }
0x9d: {  	v49 =	vld [tilespmem:s23+$0x7F20];
	[tilespmem:s23+$0x7EB0] =	vst v3;
	v3 =	vmul.f32 v44, v41  }
0x9e: {  	v50 =	vbroadcast v1, $0xE;
	v51 =	vld [tilespmem:s23+$0x7F30];
	[tilespmem:s23+$0x7EC0] =	vst v2;
	v2 =	vmul.f32 v45, v41  }
0x9f: {  	v52 =	vld [tilespmem:s23+$0x7F40];
	[tilespmem:s23+$0x7ED0] =	vst v3;
	v3 =	vmul.f32 v46, v41  }
0xa0: {  	v53 =	vld [tilespmem:s23+$0x7F50];
	[tilespmem:s23+$0x7EE0] =	vst v2;
	v2 =	vmul.f32 v47, v50  }
0xa1: {  	v54 =	vld [tilespmem:s23+$0x7F60];
	[tilespmem:s23+$0x7EF0] =	vst v3;
	v3 =	vmul.f32 v48, v50  }
0xa2: {  	v55 =	vld [tilespmem:s23+$0x7F70];
	[tilespmem:s23+$0x7F00] =	vst v2;
	v2 =	vmul.f32 v49, v50  }
0xa3: {  	v56 =	vld [tilespmem:s23+$0x7F80];
	[tilespmem:s23+$0x7F10] =	vst v3;
	v3 =	vmul.f32 v51, v50  }
0xa4: {  	v57 =	vld [tilespmem:s23+$0x7F90];
	[tilespmem:s23+$0x7F20] =	vst v2;
	v2 =	vmul.f32 v52, v50  }
0xa5: {  	v58 =	vld [tilespmem:s23+$0x7FA0];
	[tilespmem:s23+$0x7F30] =	vst v3;
	v3 =	vmul.f32 v53, v50  }
0xa6: {  	v1 =	vbroadcast v1, $0xF;
	v59 =	vld [tilespmem:s23+$0x7FB0];
	[tilespmem:s23+$0x7F40] =	vst v2;
	v2 =	vmul.f32 v54, v50  }
0xa7: {  	v60 =	vld [tilespmem:s23+$0x7FC0];
	[tilespmem:s23+$0x7F50] =	vst v3;
	v3 =	vmul.f32 v55, v50  }
0xa8: {  	v61 =	vld [tilespmem:s23+$0x7FD0];
	[tilespmem:s23+$0x7F60] =	vst v2;
	v2 =	vmul.f32 v56, v1  }
0xa9: {  	v62 =	vld [tilespmem:s23+$0x7FE0];
	[tilespmem:s23+$0x7F70] =	vst v3;
	v3 =	vmul.f32 v57, v1  }
0xaa: {  	v63 =	vld [tilespmem:s23+$0x7FF0];
	[tilespmem:s23+$0x7F80] =	vst v2;
	v2 =	vmul.f32 v58, v1  }
0xab: {  	[tilespmem:s23+$0x7F90] =	vst v3;
	v3 =	vmul.f32 v59, v1  }
0xac: {  	p0 =	sne.s32 s22, $0x7;
	[tilespmem:s23+$0x7FA0] =	vst v2;
	v2 =	vmul.f32 v60, v1  }
.Ltmp0:
0xad: {  	[tilespmem:s23+$0x7FB0] =	vst v3;
	v3 =	vmul.f32 v61, v1;
	(pc) =	sbr.rel @p0 .LBB2_3-.Ltmp0, $4  }
0xae: {  	[tilespmem:s23+$0x7FC0] =	vst v2;
	v2 =	vmul.f32 v62, v1  }
0xaf: {  	[tilespmem:s23+$0x7FD0] =	vst v3;
	v1 =	vmul.f32 v63, v1  }
0xb0: {  	[tilespmem:s23+$0x7FE0] =	vst v2  }
0xb1: {  	s22 =	sadd.s32 $0x1, s22;
	[tilespmem:s23+$0x7FF0] =	vst v1  }
0xb2: {  	s20 =	sadd.s32 $0x1, s20  }
0xb3: {  	p0 =	sne.s32 s20, $0x4F  }
.Ltmp1:
0xb4: {  	s21 =	sadd.s32 $0x2800, s21;
	(pc) =	sbr.rel @p0 .LBB2_2-.Ltmp1, $4  }
0xb5: {  	[spmem:s2] =	stream.indirect.scatter.add.f32 [tilespmem:s17], [sflag:$0x2], $0x80, s21, s16, $0xb8;
	[tilespmem:$0x1F800] =	vst v63  }
0xb6: {  	_ =	swait.ge [sflag:s13], $0x4000  }
0xb7: {  	[sflag:s13] =	ssyncset.done $0x0  }
0xb8: {  	[sflag:s13] =	ssyncadd.s32 $0xFFFFC000  }
0xb9: {  	s19 =	sadd.s32 $0x1, s19  }
0xba: {  	p0 =	sne.s32 s19, s11  }
.Ltmp2:
0xbb: {  	[bflag:$0x0] =	sbarrier.arrive $0xFFFF;
	(pc) =	sbr.rel @p0 .LBB2_1-.Ltmp2, $4  }
0xbc: {  	[hbm:s10], [sflag:s6] =	dma.local [spmem:s12], $0x2800  }
0xbd: {  	_ =	swait.ge [sflag:s13], $0x2800  }
0xbe: {  	[sflag:s13] =	ssyncset.done $0x0  }
0xbf: {  	[sflag:s13] =	ssyncadd.s32 $0xFFFFD800  }
0xc0: {  	_ =	sfence.sel $0x180000  }
0xc1: {  	[bflag:$0x0] =	sbarrier.arrive $0xFFFF  }
0xc2: {  	p0 =	sne.s32 s0, $0x0;
	_ =	strace $0x9000004D  }
0xc3: {  	s0 =	sadd.s32 @!p0 $0x100000, s1;
	[bflag:$0x2] =	sbarrier.arrive $0xFFFF  }
0xc4: {  	[sflag:s0] =	ssyncadd.tile.s32 @!p0 $0x1;
	_ =	shalt  }
.Lfunc_end2:
_tile_overlayer_lowered:
.L_overlay_start_2:
0xc5: {  	(tag) =	ssettag $0x2  }
0xc6: {  	s0 =	rddreg [dreg:$0x0];
	s2 =	stileid.u32  }
0xc7: {  	s1 =	rddreg [dreg:$0x1];
	p0 =	sne.s32 s2, $0x0  }
0xc8: {  	s3 =	rddreg [dreg:$0x2];
	[bflag:$0x3] =	sbarrier.arrive $0xFFFF;
	s2 =	simm.s32 @!p0 $0x1C02  }
0xc9: {  	[timem:s3], [sflag:s2] =	dma.local @!p0 [hbm:s0], s1  }
0xca: {  	s0 =	simm.s32 @!p0 $0x2  }
0xcb: {  	_ =	swait.ge @!p0 [sflag:s0], s1  }
0xcc: {  	s1 =	ssub.s32 @!p0 $0x0, s1;
	[sflag:s0] =	ssyncset.done @!p0 $0x0  }
0xcd: {  	[sflag:s0] =	ssyncadd.s32 @!p0 s1  }
0xce: {  	[bflag:$0x3] =	sbarrier.arrive $0xFFFF  }
0xcf: {  	_ =	shalt  }

// kernel: kernel.8.cloned.1.call-start
scs
__scs_entry_jumppad:
0x0: {  	(pc) =	sbr.rel $0x88, $3  }
0x1: {  	(tag) =	ssettag $0x0;
	lr =	simm.s32 $0x1  }
0x2: {  	[smem:$0x3F98] =	sst lr;
	_ =	strace $0xD0000000  }
0x3: {  	_ = 	snop  }
0x4: {  	_ = 	snop  }
0x5: {  	_ = 	snop  }
0x6: {  	_ = 	snop  }
0x7: {  	_ = 	snop  }
__scs_overlays_trampoline_lowered:
0x8: {  	[smem:$0x3FA7] =	sst s0  }
0x9: {  	[smem:$0x3FA8] =	sst s1  }
0xa: {  	[smem:$0x3FA9] =	sst s2  }
0xb: {  	[smem:$0x3FAA] =	sst s3  }
0xc: {  	[smem:$0x3FAB] =	sst s4  }
0xd: {  	[smem:$0x3FAC] =	sst s5  }
0xe: {  	[smem:$0x3FAD] =	sst s6  }
0xf: {  	[smem:$0x3FAE] =	sst s7  }
0x10: {  	[smem:$0x3FAF] =	sst s8  }
0x11: {  	[smem:$0x3FB0] =	sst s9;
	s0 =	simm.s32 @!p0 $0x0  }
0x12: {  	s1 =	sld [smem:$0x3F96];
	s0 =	simm.s32 @p0 $0x1  }
0x13: {  	[smem:$0x3FB1] =	sst s0;
	s0 =	simm.s32 @!p1 $0x0  }
0x14: {  	s2 =	sld [smem:$0x3F95];
	s0 =	simm.s32 @p1 $0x1  }
0x15: {  	[smem:$0x3FB2] =	sst s0;
	s0 =	simm.s32 @!p2 $0x0  }
0x16: {  	s3 =	sld [smem:$0x3FDB];
	s0 =	simm.s32 @p2 $0x1  }
0x17: {  	s4 =	simm.s32 $0x1BF5;
	[smem:$0x3FB4] =	sst s0  }
0x18: {  	s0 =	sld [smem:$0x3F97];
	_ =	swait.ge [sflag:s4], $0x0  }
0x19: {  	s7 =	sld [smem:$0x3F98]  }
0x1a: {  	s8 =	sadd.s32 $0xFFFFE003, lr  }
0x1b: {  	s9 =	sadd.s32 $0xFFFFFEF7, lr;
	s5 =	simm.s32 $0xFFFFFFFF;
	p2 =	slt.u32 s8, $0xFFFFF086  }
0x1c: {  	p1 =	slt.u32 s9, $0xF7A;
	s5 =	simm.s32 @!p2 $0x0  }
0x1d: {  	s5 =	simm.s32 @p1 $0x1;
	p0 =	seq.s32 s7, s2  }
0x1e: {  	s7 =	smul.u32 @!p0 $0xF7A, s2;
	p2 =	seq.s32 @!p0 s5, $0x0  }
0x1f: {  	s9 =	smul.u32 $0xF7A, s1;
	s8 =	simm.s32 @!p0 $0x1BF5;
	p2 =	por !p2, p0  }
0x20: {  	[sflag:s8] =	ssyncset.s32 @!p0 $0xFFFFF086;
	s6 =	sadd.s32 @!p0 s3, s7;
	s7 =	simm.s32 @!p0 $0x108  }
0x21: {  	s3 =	sadd.s32 s3, s9;
	s6 =	sadd.s32 @!p0 $0x88, s6;
	s7 =	simm.s32 @p2 $0x1082  }
0x22: {  	[simem:s7], [sflag:s8] =	dma.local @!p0 [hbm:s6], $0xF7A  }
0x23: {  	s9 =	sor.u32 $0xD0000000, s2;
	s6 =	simm.s32 $0x108;
	_ =	swait.ge @!p0 [sflag:s8], $0x0  }
0x24: {  	s3 =	sadd.s32 $0x88, s3;
	s6 =	simm.s32 @!p1 $0x1082;
	[sflag:s4] =	ssyncset.s32 $0xFFFFF086  }
0x25: {  	[simem:s6], [sflag:s4] =	dma.local [hbm:s3], $0xF7A  }
0x26: {  	[smem:$0x3F98] =	sst s1;
	(tag) =	ssettag s2;
	_ =	strace s9  }
0x27: {  	s1 =	sld [smem:$0x3FA8]  }
0x28: {  	s2 =	sld [smem:$0x3FA9]  }
0x29: {  	s4 =	sld [smem:$0x3FAB]  }
0x2a: {  	p0 =	seq.s32 s5, $0x0;
	s5 =	sld [smem:$0x3FAC]  }
0x2b: {  	s6 =	sld [smem:$0x3FAD]  }
0x2c: {  	s7 =	sld [smem:$0x3FAE]  }
0x2d: {  	s3 =	simm.s32 $0x108;
	s8 =	sld [smem:$0x3FAF]  }
0x2e: {  	s3 =	simm.s32 @!p0 $0x1082;
	s9 =	sld [smem:$0x3FB0]  }
0x2f: {  	lr =	sadd.s32 s0, s3;
	s0 =	sld [smem:$0x3FA7]  }
0x30: {  	s3 =	sld [smem:$0x3FAA]  }
0x31: {  	[smem:$0x3FB3] =	sst s10  }
0x32: {  	s10 =	sld [smem:$0x3FB1];
	_ =	sdelay $0x3  }
0x33: {  	p0 =	seq.s32 s10, $0x1;
	s10 =	sld [smem:$0x3FB3];
	_ =	sdelay $0x3  }
0x34: {  	[smem:$0x3FB3] =	sst s10  }
0x35: {  	s10 =	sld [smem:$0x3FB2];
	_ =	sdelay $0x3  }
0x36: {  	p1 =	seq.s32 s10, $0x1;
	s10 =	sld [smem:$0x3FB3];
	_ =	sdelay $0x3  }
0x37: {  	[smem:$0x3FB3] =	sst s10  }
0x38: {  	s10 =	sld [smem:$0x3FB4]  }
0x39: {  	_ = 	snop;
	(pc) =	sbr.ind lr, $3  }
0x3a: {  	_ = 	snop  }
0x3b: {  	_ = 	snop  }
0x3c: {  	p2 =	seq.s32 s10, $0x1;
	s10 =	sld [smem:$0x3FB3]  }
0x3d: {  	_ =	shalt  }
0x3e: {  	_ =	shalt  }
0x3f: {  	_ =	shalt  }
0x40: {  	_ =	shalt  }
0x41: {  	_ =	shalt  }
0x42: {  	_ =	shalt  }
0x43: {  	_ =	shalt  }
0x44: {  	_ =	shalt  }
0x45: {  	_ =	shalt  }
0x46: {  	_ =	shalt  }
0x47: {  	_ =	shalt  }
0x48: {  	_ =	shalt  }
0x49: {  	_ =	shalt  }
0x4a: {  	_ =	shalt  }
0x4b: {  	_ =	shalt  }
0x4c: {  	_ =	shalt  }
0x4d: {  	_ =	shalt  }
0x4e: {  	_ =	shalt  }
0x4f: {  	_ =	shalt  }
0x50: {  	_ =	shalt  }
0x51: {  	_ =	shalt  }
0x52: {  	_ =	shalt  }
0x53: {  	_ =	shalt  }
0x54: {  	_ =	shalt  }
0x55: {  	_ =	shalt  }
0x56: {  	_ =	shalt  }
0x57: {  	_ =	shalt  }
0x58: {  	_ =	shalt  }
0x59: {  	_ =	shalt  }
0x5a: {  	_ =	shalt  }
0x5b: {  	_ =	shalt  }
0x5c: {  	_ =	shalt  }
0x5d: {  	_ =	shalt  }
0x5e: {  	_ =	shalt  }
0x5f: {  	_ =	shalt  }
0x60: {  	_ =	shalt  }
0x61: {  	_ =	shalt  }
0x62: {  	_ =	shalt  }
0x63: {  	_ =	shalt  }
0x64: {  	_ =	shalt  }
0x65: {  	_ =	shalt  }
0x66: {  	_ =	shalt  }
0x67: {  	_ =	shalt  }
0x68: {  	_ =	shalt  }
0x69: {  	_ =	shalt  }
0x6a: {  	_ =	shalt  }
0x6b: {  	_ =	shalt  }
0x6c: {  	_ =	shalt  }
0x6d: {  	_ =	shalt  }
0x6e: {  	_ =	shalt  }
0x6f: {  	_ =	shalt  }
0x70: {  	_ =	shalt  }
0x71: {  	_ =	shalt  }
0x72: {  	_ =	shalt  }
0x73: {  	_ =	shalt  }
0x74: {  	_ =	shalt  }
0x75: {  	_ =	shalt  }
0x76: {  	_ =	shalt  }
0x77: {  	_ =	shalt  }
0x78: {  	_ =	shalt  }
0x79: {  	_ =	shalt  }
0x7a: {  	_ =	shalt  }
0x7b: {  	_ =	shalt  }
0x7c: {  	_ =	shalt  }
0x7d: {  	_ =	shalt  }
0x7e: {  	_ =	shalt  }
0x7f: {  	_ =	shalt  }
0x80: {  	_ =	shalt  }
0x81: {  	_ =	shalt  }
0x82: {  	_ =	shalt  }
0x83: {  	_ =	shalt  }
0x84: {  	_ =	shalt  }
0x85: {  	_ =	shalt  }
0x86: {  	_ =	shalt  }
0x87: {  	_ =	shalt  }
.Lfunc_end0:
.L_simem_size_0:
called_computation_lowered:
.L_overlay_start_0:
0x88: {  	s2 =	sld [smem:$0x3FD9]  }
0x89: {  	s3 =	sld [smem:$0x3FFE];
	_ =	sdelay $0x1  }
0x8a: {  	s1 =	srdreg.scid  }
0x8b: {  	s0 =	sand.u32 $0x1, s1  }
0x8c: {  	s17 =	sshll.u32 s0, $0xA;
	s2 =	sadd.s32 s3, s2  }
0x8d: {  	s2 =	sadd.s32 s2, s17  }
0x8e: {  	[smem:$0x3FBF] =	sst s2  }
0x8f: {  	_ = 	snop  }
0x90: {  	s2 =	sld [smem:$0x3FC9]  }
0x91: {  	s18 =	sld [smem:$0x3FC5]  }
0x92: {  	s4 =	sld [smem:$0x3FD0];
	(tm) =	ssettm $0x1  }
0x93: {  	s5 =	sld [smem:$0x3FFB];
	_ =	sdelay $0x3  }
0x94: {  	_ =	strace s5  }
0x95: {  	s5 =	sld [smem:$0x3FFC];
	_ =	sdelay $0x3  }
0x96: {  	_ =	strace s5  }
0x97: {  	s5 =	sld [smem:$0x3FFD];
	_ =	sdelay $0x3  }
0x98: {  	_ =	strace s5  }
0x99: {  	_ =	strace $0x8FFFFFFF  }
0x9a: {  	s19 =	sld [smem:$0x3FDB];
	_ =	sdelay $0x1  }
0x9b: {  	s6 =	simm.s32 $_scs_section_size  }
0x9c: {  	s7 =	simm.s32 $_size__tile_overlayer_lowered;
	s8 =	simm.s32 $_tile_overlayer_lowered  }
0x9d: {  	s22 =	simm.s32 $0x1BFF;
	s21 =	sshll.u32 s8, $0x1;
	s5 =	sadd.s32 s6, s19  }
0x9e: {  	s9 =	simm.s32 $0x0;
	s20 =	sshll.u32 s7, $0x1;
	s7 =	sadd.s32 s21, s5  }
0x9f: {  	[timem:s9], [sflag:s22] =	dma.local [hbm:s7], s20  }
0xa0: {  	_ =	swait.ge [sflag:s22], s20  }
0xa1: {  	s6 =	ssub.s32 $0x0, s20;
	[sflag:s22] =	ssyncset.done $0x0  }
0xa2: {  	[sflag:s22] =	ssyncadd.s32 s6;
	_ =	sdelay $0x1  }
0xa3: {  	s23 =	simm.s32 $0x1B8B  }
0xa4: {  	_ =	swait.ge [sflag:s23], $0x1  }
0xa5: {  	[sflag:s23] =	ssyncset.done $0x0  }
0xa6: {  	s25 =	simm.s32 $0x1B8E;
	s24 =	sld [smem:$0x3FFE];
	[sflag:s23] =	ssyncadd.s32 $0xFFFFFFFF  }
0xa7: {  	s26 =	simm.s32 $execute0_lowered;
	[smem:$0x3FD2] =	sst s25  }
0xa8: {  	s7 =	sshll.u32 s26, $0x1;
	_ =	strace $0x80000046;
	[dreg:$0x1] =	wrdreg $0xFFFFFFFF  }
0xa9: {  	s28 =	simm.s32 $_size_execute0_lowered;
	s5 =	sadd.s32 s5, s7;
	[dreg:$0x0] =	wrdreg $0x0  }
0xaa: {  	s7 =	sshll.u32 s28, $0x1;
	[dreg:$0x2] =	wrdreg s5  }
0xab: {  	[dreg:$0x3] =	wrdreg s7  }
0xac: {  	[dreg:$0x4] =	wrdreg $0xC0  }
0xad: {  	_ =	task [dreg:s9], $0x5FFFF  }
0xae: {  	[dreg:$0x1] =	wrdreg $0xFFFFFFFF  }
0xaf: {  	[dreg:$0x0] =	wrdreg $0x60  }
0xb0: {  	[dreg:$0x2] =	wrdreg s2  }
0xb1: {  	[dreg:$0x3] =	wrdreg s24  }
0xb2: {  	[dreg:$0x4] =	wrdreg s4  }
0xb3: {  	[dreg:$0x5] =	wrdreg s18  }
0xb4: {  	[dreg:$0x6] =	wrdreg $0x117800  }
0xb5: {  	[dreg:$0x7] =	wrdreg $0x9  }
0xb6: {  	_ =	task.clear_ibuf [dreg:s9], $0x8FFFF;
	_ =	strace $0x90000046  }
0xb7: {  	s29 =	simm.s32 $0x9;
	_ =	strace $0x80000048  }
0xb8: {  	_ =	swait.ge [sflag:s29], $0x1  }
0xb9: {  	[sflag:s29] =	ssyncadd.s32 $0xFFFFFFFF  }
0xba: {  	_ =	strace $0x90000048  }
0xbb: {  	_ =	sfence  }
0xbc: {  	s30 =	sld [smem:$0x0];
	_ =	sdelay $0x2  }
0xbd: {  	s31 =	sshll.u32 s1, $0xD;
	s1 =	sshrl.u32 s1, $0x2  }
0xbe: {  	s3 =	sand.u32 $0x4000, s31;
	s1 =	sadd.s32 s1, s30  }
0xbf: {  	s0 =	sor.u32 s3, s0;
	s1 =	sshll.u32 s1, $0x11  }
0xc0: {  	s0 =	sor.u32 s1, s0  }
0xc1: {  	s0 =	sadd.s32 $0x8F2B, s0  }
0xc2: {  	[sflag:s0] =	ssyncadd.remote.s32 $0x1  }
0xc3: {  	_ =	sfence.sel $0xFFFF  }
0xc4: {  	[dreg:$0x0] =	wrdreg $0xFFFFFFFF;
	(pc) =	sbr.abs _section_cstart, $3  }
0xc5: {  	[dreg:$0x1] =	wrdreg $0xFFFFFFFF  }
0xc6: {  	_ =	task.clear_ibuf [dreg:s9], $0x2FFFF;
	_ =	strace $0x9FFFFFFF  }
0xc7: {  	(tm) =	ssettm $0x7FFFFFFF  }
tec
execute0_lowered:
.L_overlay_start_1:
0x0: {  	(tag) =	ssettag $0x1  }
0x1: {  	s0 =	rddreg [dreg:$0x1]  }
0x2: {  	s1 =	rddreg [dreg:$0x2]  }
0x3: {  	s3 =	rddreg [dreg:$0x3];
	s2 =	srdreg.scid  }
0x4: {  	s14 =	stileid.u32;
	s4 =	rddreg [dreg:$0x4]  }
0x5: {  	s5 =	simm.s32 $0x0;
	s29 =	simm.s32 $0x70;
	s30 =	simm.s32 $0x80  }
0x6: {  	s28 =	simm.s32 $0x2;
	s2 =	sand.u32 $0x1, s2;
	s9 =	smul.u32 $0x280, s14  }
0x7: {  	s6 =	sshll.u32 s14, $0x1;
	[smem:$0x7FF] =	sst s5;
	s23 =	smul.u32 $0x500, s14  }
0x8: {  	s25 =	sshll.u32 s14, $0x6;
	s6 =	sor.u32 s2, s6;
	_ =	strace $0x80000047  }
0x9: {  	s13 =	sshll.u32 s2, $0x7;
	s2 =	ssub.s32 $0x2, s2;
	s7 =	smul.u32 $0x600, s6  }
0xa: {  	s8 =	sshll.u32 s6, $0x8;
	s12 =	sshrl.u32 s9, $0x3;
	s6 =	smul.u32 $0x5000, s6  }
0xb: {  	s24 =	sshrl.u32 s2, $0x1;
	s9 =	sadd.s32 s9, s4;
	s10 =	sadd.s32 s8, s0  }
0xc: {  	s12 =	sadd.s32 s12, s0;
	s8 =	sor.u32 s13, s23;
	s2 =	ssub.s32 s2, s24  }
0xd: {  	[dreg:$0x6] =	wrdreg s9;
	s24 =	simm.s32 $0x4;
	s11 =	sadd.s32 s7, s0  }
0xe: {  	s6 =	sadd.s32 s6, s0;
	s8 =	sshrl.u32 s8, $0x3;
	s26 =	sadd.s32 $0x10200, s12  }
0xf: {  	s31 =	sadd.s32 $0x2200, s10;
	s10 =	sadd.s32 s1, s7;
	s13 =	smax.u32 s2, $0x1  }
0x10: {  	s2 =	simm.s32 $0x3780;
	s1 =	simm.s32 $0x3;
	[dreg:$0x7] =	wrdreg s26  }
0x11: {  	s0 =	sadd.s32 s8, s0;
	s8 =	sor.u32 $0x1C04, s25;
	[dreg:$0x8] =	wrdreg s31  }
0x12: {  	s11 =	sadd.s32 $0x4200, s11;
	s14 =	sadd.s32 $0x10800, s6;
	s15 =	sadd.s32 $0x11000, s6  }
0x13: {  	s16 =	sadd.s32 $0x11800, s6;
	s17 =	sadd.s32 $0x12000, s6;
	s18 =	sadd.s32 $0x12800, s6  }
0x14: {  	s19 =	sadd.s32 $0x13000, s6;
	s20 =	sadd.s32 $0x13800, s6;
	s21 =	sadd.s32 $0x14000, s6  }
0x15: {  	s22 =	sadd.s32 $0x14800, s6;
	s23 =	sadd.s32 $0x15000, s6;
	s25 =	simm.s32 $0x1  }
0x16: {  	s26 =	simm.s32 $0x0;
	s12 =	sadd.s32 $0xB0800, s0;
	s0 =	simm.s32 $0x7780  }
.LBB2_1:
0x17: {  	s6 =	rddreg [dreg:$0x6]  }
0x18: {  	s9 =	rddreg [dreg:$0x7];
	s31 =	sshrl.u32 s6, $0x3  }
0x19: {  	[spmem:s31], [sflag:s8] =	dma.local [hbm:s9], $0x50  }
0x1a: {  	_ =	swait.ge [sflag:s24], $0x50  }
0x1b: {  	[sflag:s24] =	ssyncset.done $0x0  }
0x1c: {  	[sflag:s24] =	ssyncadd.s32 $0xFFFFFFB0  }
0x1d: {  	s7 =	rddreg [dreg:$0x0]  }
0x1e: {  	[tilespmem:s5], [sflag:$0x4] =	stream.linear.gather [hbm4b:s7+s5], $0x2780, $0x38;
	[tilespmem:$0x11A00] =	vst v63  }
0x1f: {  	_ =	swait.ge [sflag:s24], $0x2780  }
0x20: {  	[sflag:s24] =	ssyncset.done $0x0  }
0x21: {  	s7 =	simm.s32 $0x2780;
	s9 =	rddreg [dreg:$0x8];
	[sflag:s24] =	ssyncadd.s32 $0xFFFFD880  }
0x22: {  	[tilespmem:s7], [sflag:$0x4] =	stream.linear.gather [hbm4b:s9+s5], $0x500, $0x38;
	[tilespmem:$0x11A00] =	vst v63  }
0x23: {  	_ =	swait.ge [sflag:s24], $0x500  }
0x24: {  	[sflag:s24] =	ssyncset.done $0x0  }
0x25: {  	s7 =	simm.s32 $0xB780;
	[sflag:s24] =	ssyncadd.s32 $0xFFFFFB00  }
0x26: {  	[tilespmem:s7], [sflag:$0x4] =	stream.linear.gather [hbm4b:s10+s5], $0x3000, $0x38;
	[tilespmem:$0x11A00] =	vst v63  }
0x27: {  	_ =	swait.ge [sflag:s24], $0x3000  }
0x28: {  	[sflag:s24] =	ssyncset.done $0x0  }
0x29: {  	s9 =	simm.s32 $0xE780;
	[sflag:s24] =	ssyncadd.s32 $0xFFFFD000  }
0x2a: {  	[tilespmem:s9], [sflag:$0x4] =	stream.linear.gather [hbm4b:s11+s5], $0x3000, $0x38;
	[tilespmem:$0x11A00] =	vst v63  }
0x2b: {  	_ =	swait.ge [sflag:s24], $0x3000  }
0x2c: {  	[sflag:s24] =	ssyncset.done $0x0  }
0x2d: {  	s6 =	simm.s32 $0x200;
	[sflag:s24] =	ssyncadd.s32 $0xFFFFD000  }
0x2e: {  	s7 =	simm.s32 $0xE780;
	s9 =	simm.s32 $0xB780;
	[bflag:$0x0] =	sbarrier.arrive $0xFFFF  }
.LBB2_2:
0x2f: {  	[spmem:s4] =	stream.indirect.scatter.add.f32 [tilespmem:s7], [sflag:$0x3], $0x1, s9, s29, $0xb8;
	[tilespmem:$0x11A00] =	vst v63  }
0x30: {  	s7 =	smov.u32 s6;
	p0 =	sne.s32 s6, $0xBE00  }
.Ltmp0:
0x31: {  	s6 =	sadd.s32 $0x200, s6;
	(pc) =	sbr.rel @p0 .LBB2_2-.Ltmp0, $3  }
0x32: {  	_ =	sdelay $0x1  }
0x33: {  	s9 =	sshra.s32 s7, $0x2  }
0x34: {  	s7 =	sadd.s32 $0xE780, s9;
	s9 =	sadd.s32 $0xB780, s9  }
0x35: {  	[spmem:s4] =	stream.indirect.scatter.add.f32 [tilespmem:s7], [sflag:$0x3], $0x1, s9, s29, $0xb8;
	[tilespmem:$0x11A00] =	vst v63  }
0x36: {  	v0 =	vld [tilespmem:$0x2780];
	_ =	sdelay $0x5  }
0x37: {  	v1 =	vld [tilespmem:$0x2790];
	_ =	sdelay $0x1  }
0x38: {  	v0 =	vld.idx.msk [tilespmem:v0+s5+$0x0], $0xffff;
	_ =	sdelay $0x3  }
0x39: {  	v2 =	vld [tilespmem:$0x27A0]  }
0x3a: {  	[tilespmem:$0x2F80] =	vst v0  }
0x3b: {  	v0 =	vld.idx.msk [tilespmem:v1+s5+$0x0], $0xffff;
	_ =	sdelay $0x3  }
0x3c: {  	v47 =	vld [tilespmem:$0x27B0]  }
0x3d: {  	[tilespmem:$0x2F90] =	vst v0  }
0x3e: {  	v0 =	vld.idx.msk [tilespmem:v2+s5+$0x0], $0xffff;
	_ =	sdelay $0x3  }
0x3f: {  	v48 =	vld [tilespmem:$0x27C0]  }
0x40: {  	[tilespmem:$0x2FA0] =	vst v0  }
0x41: {  	v0 =	vld.idx.msk [tilespmem:v47+s5+$0x0], $0xffff;
	_ =	sdelay $0x3  }
0x42: {  	v49 =	vld [tilespmem:$0x27D0]  }
0x43: {  	[tilespmem:$0x2FB0] =	vst v0  }
0x44: {  	v0 =	vld.idx.msk [tilespmem:v48+s5+$0x0], $0xffff;
	_ =	sdelay $0x3  }
0x45: {  	v50 =	vld [tilespmem:$0x27E0]  }
0x46: {  	[tilespmem:$0x2FC0] =	vst v0  }
0x47: {  	v0 =	vld.idx.msk [tilespmem:v49+s5+$0x0], $0xffff;
	_ =	sdelay $0x3  }
0x48: {  	v51 =	vld [tilespmem:$0x27F0]  }
0x49: {  	[tilespmem:$0x2FD0] =	vst v0  }
0x4a: {  	v0 =	vld.idx.msk [tilespmem:v50+s5+$0x0], $0xffff;
	_ =	sdelay $0x3  }
0x4b: {  	v52 =	vld [tilespmem:$0x2800]  }
0x4c: {  	[tilespmem:$0x2FE0] =	vst v0  }
0x4d: {  	v0 =	vld.idx.msk [tilespmem:v51+s5+$0x0], $0xffff;
	_ =	sdelay $0x3  }
0x4e: {  	v53 =	vld [tilespmem:$0x2810]  }
0x4f: {  	[tilespmem:$0x2FF0] =	vst v0  }
0x50: {  	v0 =	vld.idx.msk [tilespmem:v52+s5+$0x0], $0xffff;
	_ =	sdelay $0x3  }
0x51: {  	v54 =	vld [tilespmem:$0x2820]  }
0x52: {  	[tilespmem:$0x3000] =	vst v0  }
0x53: {  	v0 =	vld.idx.msk [tilespmem:v53+s5+$0x0], $0xffff;
	_ =	sdelay $0x3  }
0x54: {  	v55 =	vld [tilespmem:$0x2830]  }
0x55: {  	[tilespmem:$0x3010] =	vst v0  }
0x56: {  	v0 =	vld.idx.msk [tilespmem:v54+s5+$0x0], $0xffff;
	_ =	sdelay $0x3  }
0x57: {  	v56 =	vld [tilespmem:$0x2840]  }
0x58: {  	[tilespmem:$0x3020] =	vst v0  }
0x59: {  	v0 =	vld.idx.msk [tilespmem:v55+s5+$0x0], $0xffff;
	_ =	sdelay $0x3  }
0x5a: {  	v57 =	vld [tilespmem:$0x2850]  }
0x5b: {  	[tilespmem:$0x3030] =	vst v0  }
0x5c: {  	v0 =	vld.idx.msk [tilespmem:v56+s5+$0x0], $0xffff;
	_ =	sdelay $0x3  }
0x5d: {  	v58 =	vld [tilespmem:$0x2860]  }
0x5e: {  	[tilespmem:$0x3040] =	vst v0  }
0x5f: {  	v0 =	vld.idx.msk [tilespmem:v57+s5+$0x0], $0xffff;
	_ =	sdelay $0x3  }
0x60: {  	v59 =	vld [tilespmem:$0x2870]  }
0x61: {  	[tilespmem:$0x3050] =	vst v0  }
0x62: {  	v0 =	vld.idx.msk [tilespmem:v58+s5+$0x0], $0xffff;
	_ =	sdelay $0x3  }
0x63: {  	v60 =	vld [tilespmem:$0x2880]  }
0x64: {  	[tilespmem:$0x3060] =	vst v0  }
0x65: {  	v0 =	vld.idx.msk [tilespmem:v59+s5+$0x0], $0xffff;
	_ =	sdelay $0x3  }
0x66: {  	v61 =	vld [tilespmem:$0x2890]  }
0x67: {  	[tilespmem:$0x3070] =	vst v0  }
0x68: {  	v0 =	vld.idx.msk [tilespmem:v60+s5+$0x0], $0xffff;
	_ =	sdelay $0x3  }
0x69: {  	v62 =	vld [tilespmem:$0x28A0]  }
0x6a: {  	[tilespmem:$0x3080] =	vst v0  }
0x6b: {  	v0 =	vld.idx.msk [tilespmem:v61+s5+$0x0], $0xffff;
	_ =	sdelay $0x3  }
0x6c: {  	v63 =	vld [tilespmem:$0x28B0]  }
0x6d: {  	[tilespmem:$0x3090] =	vst v0  }
0x6e: {  	v0 =	vld.idx.msk [tilespmem:v62+s5+$0x0], $0xffff;
	_ =	sdelay $0x3  }
0x6f: {  	v4 =	vld [tilespmem:$0x28C0]  }
0x70: {  	[tilespmem:$0x30A0] =	vst v0  }
0x71: {  	v0 =	vld.idx.msk [tilespmem:v63+s5+$0x0], $0xffff;
	_ =	sdelay $0x3  }
0x72: {  	v5 =	vld [tilespmem:$0x28D0]  }
0x73: {  	[tilespmem:$0x30B0] =	vst v0  }
0x74: {  	v0 =	vld.idx.msk [tilespmem:v4+s5+$0x0], $0xffff;
	_ =	sdelay $0x3  }
0x75: {  	v6 =	vld [tilespmem:$0x28E0]  }
0x76: {  	[tilespmem:$0x30C0] =	vst v0  }
0x77: {  	v0 =	vld.idx.msk [tilespmem:v5+s5+$0x0], $0xffff;
	_ =	sdelay $0x3  }
0x78: {  	v7 =	vld [tilespmem:$0x28F0]  }
0x79: {  	[tilespmem:$0x30D0] =	vst v0  }
0x7a: {  	v0 =	vld.idx.msk [tilespmem:v6+s5+$0x0], $0xffff;
	_ =	sdelay $0x3  }
0x7b: {  	v8 =	vld [tilespmem:$0x2900]  }
0x7c: {  	[tilespmem:$0x30E0] =	vst v0  }
0x7d: {  	v0 =	vld.idx.msk [tilespmem:v7+s5+$0x0], $0xffff;
	_ =	sdelay $0x3  }
0x7e: {  	v9 =	vld [tilespmem:$0x2910]  }
0x7f: {  	[tilespmem:$0x30F0] =	vst v0  }
0x80: {  	v0 =	vld.idx.msk [tilespmem:v8+s5+$0x0], $0xffff;
	_ =	sdelay $0x3  }
0x81: {  	v10 =	vld [tilespmem:$0x2920]  }
0x82: {  	[tilespmem:$0x3100] =	vst v0  }
0x83: {  	v0 =	vld.idx.msk [tilespmem:v9+s5+$0x0], $0xffff;
	_ =	sdelay $0x3  }
0x84: {  	v11 =	vld [tilespmem:$0x2930]  }
0x85: {  	[tilespmem:$0x3110] =	vst v0  }
0x86: {  	v0 =	vld.idx.msk [tilespmem:v10+s5+$0x0], $0xffff;
	_ =	sdelay $0x3  }
0x87: {  	v12 =	vld [tilespmem:$0x2940]  }
0x88: {  	[tilespmem:$0x3120] =	vst v0  }
0x89: {  	v0 =	vld.idx.msk [tilespmem:v11+s5+$0x0], $0xffff;
	_ =	sdelay $0x3  }
0x8a: {  	v13 =	vld [tilespmem:$0x2950]  }
0x8b: {  	[tilespmem:$0x3130] =	vst v0  }
0x8c: {  	v0 =	vld.idx.msk [tilespmem:v12+s5+$0x0], $0xffff;
	_ =	sdelay $0x3  }
0x8d: {  	v14 =	vld [tilespmem:$0x2960]  }
0x8e: {  	[tilespmem:$0x3140] =	vst v0  }
0x8f: {  	v0 =	vld.idx.msk [tilespmem:v13+s5+$0x0], $0xffff;
	_ =	sdelay $0x3  }
0x90: {  	v15 =	vld [tilespmem:$0x2970]  }
0x91: {  	[tilespmem:$0x3150] =	vst v0  }
0x92: {  	v0 =	vld.idx.msk [tilespmem:v14+s5+$0x0], $0xffff;
	_ =	sdelay $0x3  }
0x93: {  	v16 =	vld [tilespmem:$0x2980]  }
0x94: {  	[tilespmem:$0x3160] =	vst v0  }
0x95: {  	v0 =	vld.idx.msk [tilespmem:v15+s5+$0x0], $0xffff;
	_ =	sdelay $0x3  }
0x96: {  	v17 =	vld [tilespmem:$0x2990]  }
0x97: {  	[tilespmem:$0x3170] =	vst v0  }
0x98: {  	v0 =	vld.idx.msk [tilespmem:v16+s5+$0x0], $0xffff;
	_ =	sdelay $0x3  }
0x99: {  	v18 =	vld [tilespmem:$0x29A0]  }
0x9a: {  	[tilespmem:$0x3180] =	vst v0  }
0x9b: {  	v0 =	vld.idx.msk [tilespmem:v17+s5+$0x0], $0xffff;
	_ =	sdelay $0x3  }
0x9c: {  	v19 =	vld [tilespmem:$0x29B0]  }
0x9d: {  	[tilespmem:$0x3190] =	vst v0  }
0x9e: {  	v0 =	vld.idx.msk [tilespmem:v18+s5+$0x0], $0xffff;
	_ =	sdelay $0x3  }
0x9f: {  	v20 =	vld [tilespmem:$0x29C0]  }
0xa0: {  	[tilespmem:$0x31A0] =	vst v0  }
0xa1: {  	v0 =	vld.idx.msk [tilespmem:v19+s5+$0x0], $0xffff;
	_ =	sdelay $0x3  }
0xa2: {  	v21 =	vld [tilespmem:$0x29D0]  }
0xa3: {  	[tilespmem:$0x31B0] =	vst v0  }
0xa4: {  	v0 =	vld.idx.msk [tilespmem:v20+s5+$0x0], $0xffff;
	_ =	sdelay $0x3  }
0xa5: {  	v22 =	vld [tilespmem:$0x29E0]  }
0xa6: {  	[tilespmem:$0x31C0] =	vst v0  }
0xa7: {  	v0 =	vld.idx.msk [tilespmem:v21+s5+$0x0], $0xffff;
	_ =	sdelay $0x3  }
0xa8: {  	v23 =	vld [tilespmem:$0x29F0]  }
0xa9: {  	[tilespmem:$0x31D0] =	vst v0  }
0xaa: {  	v0 =	vld.idx.msk [tilespmem:v22+s5+$0x0], $0xffff;
	_ =	sdelay $0x3  }
0xab: {  	v24 =	vld [tilespmem:$0x2A00]  }
0xac: {  	[tilespmem:$0x31E0] =	vst v0  }
0xad: {  	v0 =	vld.idx.msk [tilespmem:v23+s5+$0x0], $0xffff;
	_ =	sdelay $0x3  }
0xae: {  	v25 =	vld [tilespmem:$0x2A10]  }
0xaf: {  	[tilespmem:$0x31F0] =	vst v0  }
0xb0: {  	v0 =	vld.idx.msk [tilespmem:v24+s5+$0x0], $0xffff;
	_ =	sdelay $0x3  }
0xb1: {  	v26 =	vld [tilespmem:$0x2A20]  }
0xb2: {  	[tilespmem:$0x3200] =	vst v0  }
0xb3: {  	v0 =	vld.idx.msk [tilespmem:v25+s5+$0x0], $0xffff;
	_ =	sdelay $0x3  }
0xb4: {  	v27 =	vld [tilespmem:$0x2A30]  }
0xb5: {  	[tilespmem:$0x3210] =	vst v0  }
0xb6: {  	v0 =	vld.idx.msk [tilespmem:v26+s5+$0x0], $0xffff;
	_ =	sdelay $0x3  }
0xb7: {  	v28 =	vld [tilespmem:$0x2A40]  }
0xb8: {  	[tilespmem:$0x3220] =	vst v0  }
0xb9: {  	v0 =	vld.idx.msk [tilespmem:v27+s5+$0x0], $0xffff;
	_ =	sdelay $0x3  }
0xba: {  	v29 =	vld [tilespmem:$0x2A50]  }
0xbb: {  	[tilespmem:$0x3230] =	vst v0  }
0xbc: {  	v0 =	vld.idx.msk [tilespmem:v28+s5+$0x0], $0xffff;
	_ =	sdelay $0x3  }
0xbd: {  	v30 =	vld [tilespmem:$0x2A60]  }
0xbe: {  	[tilespmem:$0x3240] =	vst v0  }
0xbf: {  	v0 =	vld.idx.msk [tilespmem:v29+s5+$0x0], $0xffff;
	_ =	sdelay $0x3  }
0xc0: {  	v31 =	vld [tilespmem:$0x2A70]  }
0xc1: {  	[tilespmem:$0x3250] =	vst v0  }
0xc2: {  	v0 =	vld.idx.msk [tilespmem:v30+s5+$0x0], $0xffff;
	_ =	sdelay $0x3  }
0xc3: {  	v32 =	vld [tilespmem:$0x2A80]  }
0xc4: {  	[tilespmem:$0x3260] =	vst v0  }
0xc5: {  	v0 =	vld.idx.msk [tilespmem:v31+s5+$0x0], $0xffff;
	_ =	sdelay $0x3  }
0xc6: {  	v33 =	vld [tilespmem:$0x2A90]  }
0xc7: {  	[tilespmem:$0x3270] =	vst v0  }
0xc8: {  	v0 =	vld.idx.msk [tilespmem:v32+s5+$0x0], $0xffff;
	_ =	sdelay $0x3  }
0xc9: {  	v34 =	vld [tilespmem:$0x2AA0]  }
0xca: {  	[tilespmem:$0x3280] =	vst v0  }
0xcb: {  	v0 =	vld.idx.msk [tilespmem:v33+s5+$0x0], $0xffff;
	_ =	sdelay $0x3  }
0xcc: {  	v35 =	vld [tilespmem:$0x2AB0]  }
0xcd: {  	[tilespmem:$0x3290] =	vst v0  }
0xce: {  	v0 =	vld.idx.msk [tilespmem:v34+s5+$0x0], $0xffff;
	_ =	sdelay $0x3  }
0xcf: {  	v36 =	vld [tilespmem:$0x2AC0]  }
0xd0: {  	[tilespmem:$0x32A0] =	vst v0  }
0xd1: {  	v0 =	vld.idx.msk [tilespmem:v35+s5+$0x0], $0xffff;
	_ =	sdelay $0x3  }
0xd2: {  	v37 =	vld [tilespmem:$0x2AD0]  }
0xd3: {  	[tilespmem:$0x32B0] =	vst v0  }
0xd4: {  	v0 =	vld.idx.msk [tilespmem:v36+s5+$0x0], $0xffff;
	_ =	sdelay $0x3  }
0xd5: {  	v38 =	vld [tilespmem:$0x2AE0]  }
0xd6: {  	[tilespmem:$0x32C0] =	vst v0  }
0xd7: {  	v0 =	vld.idx.msk [tilespmem:v37+s5+$0x0], $0xffff;
	_ =	sdelay $0x3  }
0xd8: {  	v39 =	vld [tilespmem:$0x2AF0]  }
0xd9: {  	[tilespmem:$0x32D0] =	vst v0  }
0xda: {  	v0 =	vld.idx.msk [tilespmem:v38+s5+$0x0], $0xffff;
	_ =	sdelay $0x3  }
0xdb: {  	v40 =	vld [tilespmem:$0x2B00]  }
0xdc: {  	[tilespmem:$0x32E0] =	vst v0  }
0xdd: {  	v0 =	vld.idx.msk [tilespmem:v39+s5+$0x0], $0xffff;
	_ =	sdelay $0x3  }
0xde: {  	v41 =	vld [tilespmem:$0x2B10]  }
0xdf: {  	[tilespmem:$0x32F0] =	vst v0  }
0xe0: {  	v0 =	vld.idx.msk [tilespmem:v40+s5+$0x0], $0xffff;
	_ =	sdelay $0x3  }
0xe1: {  	v42 =	vld [tilespmem:$0x2B20]  }
0xe2: {  	[tilespmem:$0x3300] =	vst v0  }
0xe3: {  	v0 =	vld.idx.msk [tilespmem:v41+s5+$0x0], $0xffff;
	_ =	sdelay $0x3  }
0xe4: {  	v43 =	vld [tilespmem:$0x2B30]  }
0xe5: {  	[tilespmem:$0x3310] =	vst v0  }
0xe6: {  	v0 =	vld.idx.msk [tilespmem:v42+s5+$0x0], $0xffff;
	_ =	sdelay $0x3  }
0xe7: {  	v44 =	vld [tilespmem:$0x2B40]  }
0xe8: {  	[tilespmem:$0x3320] =	vst v0  }
0xe9: {  	v0 =	vld.idx.msk [tilespmem:v43+s5+$0x0], $0xffff;
	_ =	sdelay $0x3  }
0xea: {  	v45 =	vld [tilespmem:$0x2B50]  }
0xeb: {  	[tilespmem:$0x3330] =	vst v0  }
0xec: {  	v0 =	vld.idx.msk [tilespmem:v44+s5+$0x0], $0xffff;
	_ =	sdelay $0x3  }
0xed: {  	v46 =	vld [tilespmem:$0x2B60]  }
0xee: {  	[tilespmem:$0x3340] =	vst v0  }
0xef: {  	v0 =	vld.idx.msk [tilespmem:v45+s5+$0x0], $0xffff;
	_ =	sdelay $0x3  }
0xf0: {  	v47 =	vld [tilespmem:$0x2B70]  }
0xf1: {  	[tilespmem:$0x3350] =	vst v0  }
0xf2: {  	v0 =	vld.idx.msk [tilespmem:v46+s5+$0x0], $0xffff;
	_ =	sdelay $0x3  }
0xf3: {  	v48 =	vld [tilespmem:$0x2B80]  }
0xf4: {  	[tilespmem:$0x3360] =	vst v0  }
0xf5: {  	v0 =	vld.idx.msk [tilespmem:v47+s5+$0x0], $0xffff;
	_ =	sdelay $0x3  }
0xf6: {  	v49 =	vld [tilespmem:$0x2B90]  }
0xf7: {  	[tilespmem:$0x3370] =	vst v0  }
0xf8: {  	v0 =	vld.idx.msk [tilespmem:v48+s5+$0x0], $0xffff;
	_ =	sdelay $0x3  }
0xf9: {  	v50 =	vld [tilespmem:$0x2BA0]  }
0xfa: {  	[tilespmem:$0x3380] =	vst v0  }
0xfb: {  	v0 =	vld.idx.msk [tilespmem:v49+s5+$0x0], $0xffff;
	_ =	sdelay $0x3  }
0xfc: {  	v51 =	vld [tilespmem:$0x2BB0]  }
0xfd: {  	[tilespmem:$0x3390] =	vst v0  }
0xfe: {  	v0 =	vld.idx.msk [tilespmem:v50+s5+$0x0], $0xffff;
	_ =	sdelay $0x3  }
0xff: {  	v52 =	vld [tilespmem:$0x2BC0]  }
0x100: {  	[tilespmem:$0x33A0] =	vst v0  }
0x101: {  	v0 =	vld.idx.msk [tilespmem:v51+s5+$0x0], $0xffff;
	_ =	sdelay $0x3  }
0x102: {  	v53 =	vld [tilespmem:$0x2BD0]  }
0x103: {  	[tilespmem:$0x33B0] =	vst v0  }
0x104: {  	v0 =	vld.idx.msk [tilespmem:v52+s5+$0x0], $0xffff;
	_ =	sdelay $0x3  }
0x105: {  	v54 =	vld [tilespmem:$0x2BE0]  }
0x106: {  	[tilespmem:$0x33C0] =	vst v0  }
0x107: {  	v0 =	vld.idx.msk [tilespmem:v53+s5+$0x0], $0xffff;
	_ =	sdelay $0x3  }
0x108: {  	v55 =	vld [tilespmem:$0x2BF0]  }
0x109: {  	[tilespmem:$0x33D0] =	vst v0  }
0x10a: {  	v0 =	vld.idx.msk [tilespmem:v54+s5+$0x0], $0xffff;
	_ =	sdelay $0x3  }
0x10b: {  	v56 =	vld [tilespmem:$0x2C00]  }
0x10c: {  	[tilespmem:$0x33E0] =	vst v0  }
0x10d: {  	v0 =	vld.idx.msk [tilespmem:v55+s5+$0x0], $0xffff;
	_ =	sdelay $0x3  }
0x10e: {  	v57 =	vld [tilespmem:$0x2C10]  }
0x10f: {  	[tilespmem:$0x33F0] =	vst v0  }
0x110: {  	v0 =	vld.idx.msk [tilespmem:v56+s5+$0x0], $0xffff;
	_ =	sdelay $0x3  }
0x111: {  	v58 =	vld [tilespmem:$0x2C20]  }
0x112: {  	[tilespmem:$0x3400] =	vst v0  }
0x113: {  	v0 =	vld.idx.msk [tilespmem:v57+s5+$0x0], $0xffff;
	_ =	sdelay $0x3  }
0x114: {  	v59 =	vld [tilespmem:$0x2C30]  }
0x115: {  	[tilespmem:$0x3410] =	vst v0  }
0x116: {  	v0 =	vld.idx.msk [tilespmem:v58+s5+$0x0], $0xffff;
	_ =	sdelay $0x3  }
0x117: {  	v60 =	vld [tilespmem:$0x2C40]  }
0x118: {  	[tilespmem:$0x3420] =	vst v0  }
0x119: {  	v0 =	vld.idx.msk [tilespmem:v59+s5+$0x0], $0xffff;
	_ =	sdelay $0x3  }
0x11a: {  	v61 =	vld [tilespmem:$0x2C50]  }
0x11b: {  	[tilespmem:$0x3430] =	vst v0  }
0x11c: {  	v0 =	vld.idx.msk [tilespmem:v60+s5+$0x0], $0xffff;
	_ =	sdelay $0x3  }
0x11d: {  	v62 =	vld [tilespmem:$0x2C60]  }
0x11e: {  	[tilespmem:$0x3440] =	vst v0  }
0x11f: {  	v0 =	vld.idx.msk [tilespmem:v61+s5+$0x0], $0xffff;
	_ =	sdelay $0x3  }
0x120: {  	v63 =	vld [tilespmem:$0x2C70]  }
0x121: {  	[tilespmem:$0x3450] =	vst v0  }
0x122: {  	v0 =	vld.idx.msk [tilespmem:v62+s5+$0x0], $0xffff;
	_ =	sdelay $0x4  }
0x123: {  	[tilespmem:$0x3460] =	vst v0  }
0x124: {  	v0 =	vld.idx.msk [tilespmem:v63+s5+$0x0], $0xffff;
	_ =	sdelay $0x4  }
0x125: {  	s6 =	simm.s32 $0x2F80;
	[tilespmem:$0x3470] =	vst v0  }
0x126: {  	[tilespmem:s2], [sflag:$0x1] =	stream.indirect.gather [hbm4b:s3+s30], $0x80, s6, s30, $0xb8;
	[tilespmem:$0x11A00] =	vst v63  }
0x127: {  	s9 =	simm.s32 $0x3000  }
0x128: {  	[tilespmem:s0], [sflag:$0x2] =	stream.indirect.gather [hbm4b:s3+s30], $0x80, s9, s30, $0xb8;
	[tilespmem:$0x11A00] =	vst v63  }
0x129: {  	_ =	swait.ge [sflag:s25], $0x4000  }
0x12a: {  	[sflag:s25] =	ssyncset.done $0x0  }
0x12b: {  	[sflag:s25] =	ssyncadd.s32 $0xFFFFC000  }
0x12c: {  	[hbm4b:s14+s5] =	stream.linear.scatter [tilespmem:s2], [sflag:$0x4], $0x4000, $0x38;
	[tilespmem:$0x11A00] =	vst v63  }
0x12d: {  	_ =	swait.ge [sflag:s24], $0x4000  }
0x12e: {  	[sflag:s24] =	ssyncset.done $0x0  }
0x12f: {  	s7 =	simm.s32 $0x3080;
	[sflag:s24] =	ssyncadd.s32 $0xFFFFC000  }
0x130: {  	[tilespmem:s2], [sflag:$0x1] =	stream.indirect.gather [hbm4b:s3+s30], $0x80, s7, s30, $0xb8;
	[tilespmem:$0x11A00] =	vst v63  }
0x131: {  	_ =	swait.ge [sflag:s28], $0x4000  }
0x132: {  	[sflag:s28] =	ssyncset.done $0x0  }
0x133: {  	[sflag:s28] =	ssyncadd.s32 $0xFFFFC000  }
0x134: {  	[hbm4b:s15+s5] =	stream.linear.scatter [tilespmem:s0], [sflag:$0x4], $0x4000, $0x38;
	[tilespmem:$0x11A00] =	vst v63  }
0x135: {  	_ =	swait.ge [sflag:s24], $0x4000  }
0x136: {  	[sflag:s24] =	ssyncset.done $0x0  }
0x137: {  	s9 =	simm.s32 $0x3100;
	[sflag:s24] =	ssyncadd.s32 $0xFFFFC000  }
0x138: {  	[tilespmem:s0], [sflag:$0x2] =	stream.indirect.gather [hbm4b:s3+s30], $0x80, s9, s30, $0xb8;
	[tilespmem:$0x11A00] =	vst v63  }
0x139: {  	_ =	swait.ge [sflag:s25], $0x4000  }
0x13a: {  	[sflag:s25] =	ssyncset.done $0x0  }
0x13b: {  	[sflag:s25] =	ssyncadd.s32 $0xFFFFC000  }
0x13c: {  	[hbm4b:s16+s5] =	stream.linear.scatter [tilespmem:s2], [sflag:$0x4], $0x4000, $0x38;
	[tilespmem:$0x11A00] =	vst v63  }
0x13d: {  	_ =	swait.ge [sflag:s24], $0x4000  }
0x13e: {  	[sflag:s24] =	ssyncset.done $0x0  }
0x13f: {  	s7 =	simm.s32 $0x3180;
	[sflag:s24] =	ssyncadd.s32 $0xFFFFC000  }
0x140: {  	[tilespmem:s2], [sflag:$0x1] =	stream.indirect.gather [hbm4b:s3+s30], $0x80, s7, s30, $0xb8;
	[tilespmem:$0x11A00] =	vst v63  }
0x141: {  	_ =	swait.ge [sflag:s28], $0x4000  }
0x142: {  	[sflag:s28] =	ssyncset.done $0x0  }
0x143: {  	[sflag:s28] =	ssyncadd.s32 $0xFFFFC000  }
0x144: {  	[hbm4b:s17+s5] =	stream.linear.scatter [tilespmem:s0], [sflag:$0x4], $0x4000, $0x38;
	[tilespmem:$0x11A00] =	vst v63  }
0x145: {  	_ =	swait.ge [sflag:s24], $0x4000  }
0x146: {  	[sflag:s24] =	ssyncset.done $0x0  }
0x147: {  	s9 =	simm.s32 $0x3200;
	[sflag:s24] =	ssyncadd.s32 $0xFFFFC000  }
0x148: {  	[tilespmem:s0], [sflag:$0x2] =	stream.indirect.gather [hbm4b:s3+s30], $0x80, s9, s30, $0xb8;
	[tilespmem:$0x11A00] =	vst v63  }
0x149: {  	_ =	swait.ge [sflag:s25], $0x4000  }
0x14a: {  	[sflag:s25] =	ssyncset.done $0x0  }
0x14b: {  	[sflag:s25] =	ssyncadd.s32 $0xFFFFC000  }
0x14c: {  	[hbm4b:s18+s5] =	stream.linear.scatter [tilespmem:s2], [sflag:$0x4], $0x4000, $0x38;
	[tilespmem:$0x11A00] =	vst v63  }
0x14d: {  	_ =	swait.ge [sflag:s24], $0x4000  }
0x14e: {  	[sflag:s24] =	ssyncset.done $0x0  }
0x14f: {  	s7 =	simm.s32 $0x3280;
	[sflag:s24] =	ssyncadd.s32 $0xFFFFC000  }
0x150: {  	[tilespmem:s2], [sflag:$0x1] =	stream.indirect.gather [hbm4b:s3+s30], $0x80, s7, s30, $0xb8;
	[tilespmem:$0x11A00] =	vst v63  }
0x151: {  	_ =	swait.ge [sflag:s28], $0x4000  }
0x152: {  	[sflag:s28] =	ssyncset.done $0x0  }
0x153: {  	[sflag:s28] =	ssyncadd.s32 $0xFFFFC000  }
0x154: {  	[hbm4b:s19+s5] =	stream.linear.scatter [tilespmem:s0], [sflag:$0x4], $0x4000, $0x38;
	[tilespmem:$0x11A00] =	vst v63  }
0x155: {  	_ =	swait.ge [sflag:s24], $0x4000  }
0x156: {  	[sflag:s24] =	ssyncset.done $0x0  }
0x157: {  	s9 =	simm.s32 $0x3300;
	[sflag:s24] =	ssyncadd.s32 $0xFFFFC000  }
0x158: {  	[tilespmem:s0], [sflag:$0x2] =	stream.indirect.gather [hbm4b:s3+s30], $0x80, s9, s30, $0xb8;
	[tilespmem:$0x11A00] =	vst v63  }
0x159: {  	_ =	swait.ge [sflag:s25], $0x4000  }
0x15a: {  	[sflag:s25] =	ssyncset.done $0x0  }
0x15b: {  	[sflag:s25] =	ssyncadd.s32 $0xFFFFC000  }
0x15c: {  	[hbm4b:s20+s5] =	stream.linear.scatter [tilespmem:s2], [sflag:$0x4], $0x4000, $0x38;
	[tilespmem:$0x11A00] =	vst v63  }
0x15d: {  	_ =	swait.ge [sflag:s24], $0x4000  }
0x15e: {  	[sflag:s24] =	ssyncset.done $0x0  }
0x15f: {  	s7 =	simm.s32 $0x3380;
	[sflag:s24] =	ssyncadd.s32 $0xFFFFC000  }
0x160: {  	[tilespmem:s2], [sflag:$0x1] =	stream.indirect.gather [hbm4b:s3+s30], $0x80, s7, s30, $0xb8;
	[tilespmem:$0x11A00] =	vst v63  }
0x161: {  	_ =	swait.ge [sflag:s28], $0x4000  }
0x162: {  	[sflag:s28] =	ssyncset.done $0x0  }
0x163: {  	[sflag:s28] =	ssyncadd.s32 $0xFFFFC000  }
0x164: {  	[hbm4b:s21+s5] =	stream.linear.scatter [tilespmem:s0], [sflag:$0x4], $0x4000, $0x38;
	[tilespmem:$0x11A00] =	vst v63  }
0x165: {  	_ =	swait.ge [sflag:s24], $0x4000  }
0x166: {  	[sflag:s24] =	ssyncset.done $0x0  }
0x167: {  	s9 =	simm.s32 $0x3400;
	[sflag:s24] =	ssyncadd.s32 $0xFFFFC000  }
0x168: {  	[tilespmem:s0], [sflag:$0x2] =	stream.indirect.gather [hbm4b:s3+s30], $0x80, s9, s30, $0xb8;
	[tilespmem:$0x11A00] =	vst v63  }
0x169: {  	_ =	swait.ge [sflag:s25], $0x4000  }
0x16a: {  	[sflag:s25] =	ssyncset.done $0x0  }
0x16b: {  	[sflag:s25] =	ssyncadd.s32 $0xFFFFC000  }
0x16c: {  	[hbm4b:s22+s5] =	stream.linear.scatter [tilespmem:s2], [sflag:$0x4], $0x4000, $0x38;
	[tilespmem:$0x11A00] =	vst v63  }
0x16d: {  	_ =	swait.ge [sflag:s24], $0x4000  }
0x16e: {  	[sflag:s24] =	ssyncset.done $0x0  }
0x16f: {  	[sflag:s24] =	ssyncadd.s32 $0xFFFFC000  }
0x170: {  	_ =	swait.ge [sflag:s28], $0x4000  }
0x171: {  	[sflag:s28] =	ssyncset.done $0x0  }
0x172: {  	[sflag:s28] =	ssyncadd.s32 $0xFFFFC000  }
0x173: {  	[hbm4b:s23+s5] =	stream.linear.scatter [tilespmem:s0], [sflag:$0x4], $0x4000, $0x38;
	[tilespmem:$0x11A00] =	vst v63  }
0x174: {  	_ =	swait.ge [sflag:s24], $0x4000  }
0x175: {  	[sflag:s24] =	ssyncset.done $0x0  }
0x176: {  	[sflag:s24] =	ssyncadd.s32 $0xFFFFC000  }
0x177: {  	_ =	swait.ge [sflag:s1], $0x70  }
0x178: {  	s6 =	simm.s32 $0x5F;
	[sflag:s1] =	ssyncset.done $0x0  }
.LBB2_4:
0x179: {  	p0 =	sne.s32 s6, $0x1;
	s6 =	sadd.s32 $0xFFFFFFFF, s6;
	[sflag:s1] =	ssyncadd.s32 $0xFFFFFF90  }
.Ltmp1:
0x17a: {  	(pc) =	sbr.rel @p0 .LBB2_4-.Ltmp1, $3  }
0x17b: {  	_ =	sdelay $0x1  }
0x17c: {  	_ =	swait.ge [sflag:s1], $0x70  }
0x17d: {  	[sflag:s1] =	ssyncset.done $0x0  }
0x17e: {  	s26 =	sadd.s32 $0x1, s26  }
0x17f: {  	[sflag:s1] =	ssyncadd.s32 $0xFFFFFF90;
	s6 =	simm.s32 $0x20;
	p0 =	sne.s32 s26, s13  }
.Ltmp2:
0x180: {  	s7 =	simm.s32 $0x10;
	[bflag:$0x0] =	sbarrier.arrive $0xFFFF;
	(pc) =	sbr.rel @p0 .LBB2_1-.Ltmp2, $4  }
0x181: {  	[hbm:s12@s6], [sflag:s8] =	dma.strided [spmem:s31@s7], $0x50, s25, $0x10   }
0x182: {  	_ =	swait.ge [sflag:s24], $0x50  }
0x183: {  	[sflag:s24] =	ssyncset.done $0x0  }
0x184: {  	[sflag:s24] =	ssyncadd.s32 $0xFFFFFFB0  }
0x185: {  	_ =	sfence.sel $0x180000  }
0x186: {  	[bflag:$0x0] =	sbarrier.arrive $0xFFFF  }
0x187: {  	_ =	strace $0x90000047  }
0x188: {  	s0 =	stileid.u32;
	[bflag:$0x2] =	sbarrier.arrive $0xFFFF  }
0x189: {  	p0 =	sne.s32 s0, $0x0;
	s0 =	rddreg [dreg:$0x5]  }
0x18a: {  	s0 =	sadd.s32 @!p0 $0x100000, s0  }
0x18b: {  	[sflag:s0] =	ssyncadd.tile.s32 @!p0 $0x1;
	_ =	shalt  }
.Lfunc_end2:
_tile_overlayer_lowered:
.L_overlay_start_2:
0x18c: {  	(tag) =	ssettag $0x2  }
0x18d: {  	s0 =	rddreg [dreg:$0x0];
	s2 =	stileid.u32  }
0x18e: {  	s1 =	rddreg [dreg:$0x1];
	p0 =	sne.s32 s2, $0x0  }
0x18f: {  	s3 =	rddreg [dreg:$0x2];
	[bflag:$0x3] =	sbarrier.arrive $0xFFFF;
	s2 =	simm.s32 @!p0 $0x1C04  }
0x190: {  	[timem:s3], [sflag:s2] =	dma.local @!p0 [hbm:s0], s1  }
0x191: {  	s0 =	simm.s32 @!p0 $0x4  }
0x192: {  	_ =	swait.ge @!p0 [sflag:s0], s1  }
0x193: {  	s1 =	ssub.s32 @!p0 $0x0, s1;
	[sflag:s0] =	ssyncset.done @!p0 $0x0  }
0x194: {  	[sflag:s0] =	ssyncadd.s32 @!p0 s1  }
0x195: {  	[bflag:$0x3] =	sbarrier.arrive $0xFFFF  }
0x196: {  	_ =	shalt  }

</sc_bundles>
